<compile_context>
chip_gen: v7x
topology: tpu7x:2x2x1
jax: 0.10.2.dev20260603
libtpu: 0.0.44.dev20260713+nightly
codegen_flags: <defaults>
</compile_context>

<pallas_src>
import functools

import jax
import jax.numpy as jnp
from jax import lax
from jax.experimental import pallas as pl
from jax.experimental.pallas import tpu as pltpu, tpu_sc as plsc

NUM_STREAMS = 8
B = 128
L = 32768
LANES = 16
NBUF = 3

_info = plsc.get_sparse_core_info()
NC, NS = _info.num_cores, _info.num_subcores
NW = NC * NS
ROWS_PER_WORKER = B // NW

_STRIDES = [(s + 1) * 10 for s in range(NUM_STREAMS)]
_COUNTS = [(L + st - 1) // st for st in _STRIDES]
_CHUNKS = [(c + LANES - 1) // LANES for c in _COUNTS]


def _positions(c, stream_idx):
    iota = lax.iota(jnp.int32, LANES)
    nums = jnp.minimum(c * LANES + iota, _COUNTS[stream_idx] - 1)
    return nums * _STRIDES[stream_idx]


def _fix(buf, save, add_v, stream_idx):

    def body(c, carry):
        pos = _positions(c, stream_idx)
        g = plsc.load_gather(buf, [pos])
        save[pl.ds(c * LANES, LANES)] = g
        y = g + add_v
        y = jnp.where(y >= 4096.0, y - 4096.0, y)
        plsc.store_scatter(buf, [pos], y)
        return carry

    lax.fori_loop(0, _CHUNKS[stream_idx], body, 0)


def _revert(buf, save, stream_idx):

    def body(c, carry):
        pos = _positions(c, stream_idx)
        plsc.store_scatter(buf, [pos], save[pl.ds(c * LANES, LANES)])
        return carry

    lax.fori_loop(0, _CHUNKS[stream_idx], body, 0)


def _make_sc_kernel():
    mesh = plsc.VectorSubcoreMesh(core_axis_name="c", subcore_axis_name="s")

    scratch = [
        pltpu.VMEM((L,), jnp.float32),
        pltpu.VMEM((L,), jnp.float32),
        pltpu.VMEM((L,), jnp.float32),
        pltpu.VMEM((NUM_STREAMS * LANES,), jnp.float32),
    ]
    for _ in range(2):
        for s in range(1, NUM_STREAMS):
            scratch.append(pltpu.VMEM((_CHUNKS[s] * LANES,), jnp.float32))
    scratch.extend([pltpu.SemaphoreType.DMA] * (2 * NBUF))

    @functools.partial(
        pl.kernel,
        mesh=mesh,
        compiler_params=pltpu.CompilerParams(
            needs_layout_passes=False, use_tc_tiling_on_sc=False),
        out_type=jax.ShapeDtypeStruct((NUM_STREAMS * B, L), jnp.float32),
        scratch_types=scratch,
    )
    def sc_kernel(base_hbm, adds_hbm, out_hbm, buf0, buf1, buf2, adds_v,
                  *rest):
        bufs = (buf0, buf1, buf2)
        saves = [rest[7 * lane:7 * lane + 7] for lane in range(2)]
        sems = rest[14:]
        sem_in = sems[:NBUF]
        sem_out = sems[NBUF:]

        wid = lax.axis_index("c") * NS + lax.axis_index("s")
        row0 = wid * ROWS_PER_WORKER

        pltpu.sync_copy(adds_hbm, adds_v)

        ind = [None] * ROWS_PER_WORKER
        outd = {}

        def start_in(r):
            ind[r] = pltpu.async_copy(
                base_hbm.at[row0 + r], bufs[r % NBUF], sem_in[r % NBUF])

        def step(r, s):
            if s == 0:
                ind[r].wait()
            else:
                outd[(r, s - 1)].wait()
                if s - 1 >= 1:
                    _revert(bufs[r % NBUF], saves[r % 2][s - 2], s - 1)
                _fix(bufs[r % NBUF], saves[r % 2][s - 1],
                     adds_v[pl.ds(s * LANES, LANES)], s)
            outd[(r, s)] = pltpu.async_copy(
                bufs[r % NBUF], out_hbm.at[s * B + row0 + r],
                sem_out[r % NBUF])

        start_in(0)
        start_in(1)
        start_in(2)
        for s in range(NUM_STREAMS):
            step(0, s)
            step(1, s)
        outd[(0, NUM_STREAMS - 1)].wait()
        start_in(3)
        for s in range(NUM_STREAMS):
            step(2, s)
            step(3, s)
        outd[(1, NUM_STREAMS - 1)].wait()
        outd[(2, NUM_STREAMS - 1)].wait()
        outd[(3, NUM_STREAMS - 1)].wait()

    return sc_kernel


_sc_kernel = _make_sc_kernel()


def kernel(base_inputs, current_step):
    active = (jnp.asarray(current_step) > 0).astype(jnp.float32)
    adds = (jnp.arange(NUM_STREAMS, dtype=jnp.float32)[:, None] * active
            * jnp.ones((1, LANES), jnp.float32)).reshape(-1)
    return _sc_kernel(base_inputs, adds)

# --- scband reference (transcript-rebuilt; emitter-appended) ---
"""Pipeline reference for scband-batched-stream-transforms-8693013807668 (READ-ONLY COPY).

The authoritative reference and input builder live on the scoring server;
editing this copy changes nothing except your own understanding.
"""

import jax, jax.numpy as jnp
import numpy as np

NUM_STREAMS = 8


def setup_inputs(seed: int = 0) -> dict:
    key = jax.random.key(seed)
    k1, _ = jax.random.split(key)
    # token-like values in [0, 4096); float so the same code path is differentiable
    base_inputs = jax.random.uniform(k1, (128, 32768), dtype=jnp.float32) * 4096.0
    return {"base_inputs": base_inputs, "current_step": 5}


def reference(base_inputs, current_step):
    # Faithful translation of BatchedStreamTransforms.apply_transforms
    B, L = base_inputs.shape
    stream_inputs = []
    for stream_idx in range(NUM_STREAMS):
        if stream_idx == 0:
            stream_input = base_inputs
        else:
            stream_input = base_inputs
            vary_indices = np.arange(0, L, (stream_idx + 1) * 10) % L
            if len(vary_indices) > 0:
                gathered = stream_input[:, vary_indices]
                updated = jnp.mod(gathered + stream_idx, 4096.0)
                candidate = stream_input.at[:, vary_indices].set(updated)
                stream_input = jnp.where(current_step > 0, candidate, stream_input)
        stream_inputs.append(stream_input)
    batched_inputs = jnp.concatenate(stream_inputs, axis=0)
    return batched_inputs

if __name__ == "__main__":
    import jax
    _d = setup_inputs()
    print(jax.jit(kernel)(*tuple(_d.values())))

</pallas_src>

<mosaic_0001>
#map = affine_map<(d0, d1) -> (0, 0)>
#map1 = affine_map<(d0, d1) -> (0)>
module attributes {stable_mosaic.version = 14 : i64} {
  func.func @sc_kernel(%arg0: i32, %arg1: i32, %arg2: memref<128x32768xf32, #tpu.memory_space<hbm>>, %arg3: memref<128xf32, #tpu.memory_space<hbm>>, %arg4: memref<1024x32768xf32, #tpu.memory_space<hbm>>, %arg5: memref<32768xf32, #tpu.memory_space<vmem>>, %arg6: memref<32768xf32, #tpu.memory_space<vmem>>, %arg7: memref<32768xf32, #tpu.memory_space<vmem>>, %arg8: memref<128xf32, #tpu.memory_space<vmem>>, %arg9: memref<1648xf32, #tpu.memory_space<vmem>>, %arg10: memref<1104xf32, #tpu.memory_space<vmem>>, %arg11: memref<832xf32, #tpu.memory_space<vmem>>, %arg12: memref<656xf32, #tpu.memory_space<vmem>>, %arg13: memref<560xf32, #tpu.memory_space<vmem>>, %arg14: memref<480xf32, #tpu.memory_space<vmem>>, %arg15: memref<416xf32, #tpu.memory_space<vmem>>, %arg16: memref<1648xf32, #tpu.memory_space<vmem>>, %arg17: memref<1104xf32, #tpu.memory_space<vmem>>, %arg18: memref<832xf32, #tpu.memory_space<vmem>>, %arg19: memref<656xf32, #tpu.memory_space<vmem>>, %arg20: memref<560xf32, #tpu.memory_space<vmem>>, %arg21: memref<480xf32, #tpu.memory_space<vmem>>, %arg22: memref<416xf32, #tpu.memory_space<vmem>>, %arg23: memref<!tpu.dma_semaphore, #tpu.memory_space<semaphore_mem>>, %arg24: memref<!tpu.dma_semaphore, #tpu.memory_space<semaphore_mem>>, %arg25: memref<!tpu.dma_semaphore, #tpu.memory_space<semaphore_mem>>, %arg26: memref<!tpu.dma_semaphore, #tpu.memory_space<semaphore_mem>>, %arg27: memref<!tpu.dma_semaphore, #tpu.memory_space<semaphore_mem>>, %arg28: memref<!tpu.dma_semaphore, #tpu.memory_space<semaphore_mem>>) attributes {dimension_semantics = [#tpu.dimension_semantics<core_parallel>, #tpu.dimension_semantics<subcore_parallel>], iteration_bounds = array<i64: 2, 16>, scalar_prefetch = 0 : i64, scratch_operands = 24 : i64, tpu.core_type = #tpu.core_type<sc_vector_subcore>, window_params = [{transform_indices = #map}, {transform_indices = #map1}, {transform_indices = #map}]} {
    %mul3A = arith.constant 16 : i32
    %mul3A_0 = arith.muli %arg0, %mul3A : i32
    %add3A = arith.addi %mul3A_0, %arg1 : i32
    %mul3A_1 = arith.constant 4 : i32
    %mul3A_2 = arith.muli %add3A, %mul3A_1 : i32
    "tpu.region"() ({
      %run_scoped3A = tpu.sem_alloc : memref<!tpu.dma_semaphore, #tpu.memory_space<semaphore_mem>>
      tpu.enqueue_dma source(%arg3 : memref<128xf32, #tpu.memory_space<hbm>>) target(%arg8 : memref<128xf32, #tpu.memory_space<vmem>>) target_semaphore(%run_scoped3A : memref<!tpu.dma_semaphore, #tpu.memory_space<semaphore_mem>>)
      tpu.wait_dma2 semaphore(%run_scoped3A : memref<!tpu.dma_semaphore, #tpu.memory_space<semaphore_mem>>) src(%arg3 : memref<128xf32, #tpu.memory_space<hbm>>) dst(%arg8 : memref<128xf32, #tpu.memory_space<vmem>>)
      tpu.yield
    }) : () -> ()
    %add3A_3 = arith.constant 0 : i32
    %add3A_4 = arith.addi %mul3A_2, %add3A_3 : i32
    %dma_start3A = arith.constant 0 : i32
    %dma_start3A_5 = tpu.memref_slice %arg2[%add3A_4, %dma_start3A] : memref<128x32768xf32, #tpu.memory_space<hbm>> -> memref<1x32768xf32, #tpu.memory_space<hbm>>
    %dma_start3A_6 = tpu.memref_squeeze %dma_start3A_5 : memref<1x32768xf32, #tpu.memory_space<hbm>> -> memref<32768xf32, #tpu.memory_space<hbm>>
    %dma_start3A_7 = arith.constant 0 : i32
    %dma_start3A_8 = tpu.memref_slice %arg2[%add3A_4, %dma_start3A_7] : memref<128x32768xf32, #tpu.memory_space<hbm>> -> memref<1x32768xf32, #tpu.memory_space<hbm>>
    %dma_start3A_9 = tpu.memref_squeeze %dma_start3A_8 : memref<1x32768xf32, #tpu.memory_space<hbm>> -> memref<32768xf32, #tpu.memory_space<hbm>>
    tpu.enqueue_dma source(%dma_start3A_9 : memref<32768xf32, #tpu.memory_space<hbm>>) target(%arg5 : memref<32768xf32, #tpu.memory_space<vmem>>) target_semaphore(%arg23 : memref<!tpu.dma_semaphore, #tpu.memory_space<semaphore_mem>>)
    %add3A_10 = arith.constant 1 : i32
    %add3A_11 = arith.addi %mul3A_2, %add3A_10 : i32
    %dma_start3A_12 = arith.constant 0 : i32
    %dma_start3A_13 = tpu.memref_slice %arg2[%add3A_11, %dma_start3A_12] : memref<128x32768xf32, #tpu.memory_space<hbm>> -> memref<1x32768xf32, #tpu.memory_space<hbm>>
    %dma_start3A_14 = tpu.memref_squeeze %dma_start3A_13 : memref<1x32768xf32, #tpu.memory_space<hbm>> -> memref<32768xf32, #tpu.memory_space<hbm>>
    %dma_start3A_15 = arith.constant 0 : i32
    %dma_start3A_16 = tpu.memref_slice %arg2[%add3A_11, %dma_start3A_15] : memref<128x32768xf32, #tpu.memory_space<hbm>> -> memref<1x32768xf32, #tpu.memory_space<hbm>>
    %dma_start3A_17 = tpu.memref_squeeze %dma_start3A_16 : memref<1x32768xf32, #tpu.memory_space<hbm>> -> memref<32768xf32, #tpu.memory_space<hbm>>
    tpu.enqueue_dma source(%dma_start3A_17 : memref<32768xf32, #tpu.memory_space<hbm>>) target(%arg6 : memref<32768xf32, #tpu.memory_space<vmem>>) target_semaphore(%arg24 : memref<!tpu.dma_semaphore, #tpu.memory_space<semaphore_mem>>)
    %add3A_18 = arith.constant 2 : i32
    %add3A_19 = arith.addi %mul3A_2, %add3A_18 : i32
    %dma_start3A_20 = arith.constant 0 : i32
    %dma_start3A_21 = tpu.memref_slice %arg2[%add3A_19, %dma_start3A_20] : memref<128x32768xf32, #tpu.memory_space<hbm>> -> memref<1x32768xf32, #tpu.memory_space<hbm>>
    %dma_start3A_22 = tpu.memref_squeeze %dma_start3A_21 : memref<1x32768xf32, #tpu.memory_space<hbm>> -> memref<32768xf32, #tpu.memory_space<hbm>>
    %dma_start3A_23 = arith.constant 0 : i32
    %dma_start3A_24 = tpu.memref_slice %arg2[%add3A_19, %dma_start3A_23] : memref<128x32768xf32, #tpu.memory_space<hbm>> -> memref<1x32768xf32, #tpu.memory_space<hbm>>
    %dma_start3A_25 = tpu.memref_squeeze %dma_start3A_24 : memref<1x32768xf32, #tpu.memory_space<hbm>> -> memref<32768xf32, #tpu.memory_space<hbm>>
    tpu.enqueue_dma source(%dma_start3A_25 : memref<32768xf32, #tpu.memory_space<hbm>>) target(%arg7 : memref<32768xf32, #tpu.memory_space<vmem>>) target_semaphore(%arg25 : memref<!tpu.dma_semaphore, #tpu.memory_space<semaphore_mem>>)
    %dma_wait3A = arith.constant 0 : i32
    %dma_wait3A_26 = tpu.memref_slice %arg2[%add3A_4, %dma_wait3A] : memref<128x32768xf32, #tpu.memory_space<hbm>> -> memref<1x32768xf32, #tpu.memory_space<hbm>>
    %dma_wait3A_27 = tpu.memref_squeeze %dma_wait3A_26 : memref<1x32768xf32, #tpu.memory_space<hbm>> -> memref<32768xf32, #tpu.memory_space<hbm>>
    %dma_wait3A_28 = arith.constant 0 : i32
    %dma_wait3A_29 = tpu.memref_slice %arg2[%add3A_4, %dma_wait3A_28] : memref<128x32768xf32, #tpu.memory_space<hbm>> -> memref<1x32768xf32, #tpu.memory_space<hbm>>
    %dma_wait3A_30 = tpu.memref_squeeze %dma_wait3A_29 : memref<1x32768xf32, #tpu.memory_space<hbm>> -> memref<32768xf32, #tpu.memory_space<hbm>>
    tpu.wait_dma2 semaphore(%arg23 : memref<!tpu.dma_semaphore, #tpu.memory_space<semaphore_mem>>) src(%dma_wait3A_30 : memref<32768xf32, #tpu.memory_space<hbm>>) dst(%arg5 : memref<32768xf32, #tpu.memory_space<vmem>>)
    %add3A_31 = arith.constant 0 : i32
    %add3A_32 = arith.addi %add3A_31, %mul3A_2 : i32
    %add3A_33 = arith.constant 0 : i32
    %add3A_34 = arith.addi %add3A_32, %add3A_33 : i32
    %dma_start3A_35 = arith.constant 0 : i32
    %dma_start3A_36 = tpu.memref_slice %arg4[%add3A_34, %dma_start3A_35] : memref<1024x32768xf32, #tpu.memory_space<hbm>> -> memref<1x32768xf32, #tpu.memory_space<hbm>>
    %dma_start3A_37 = tpu.memref_squeeze %dma_start3A_36 : memref<1x32768xf32, #tpu.memory_space<hbm>> -> memref<32768xf32, #tpu.memory_space<hbm>>
    %dma_start3A_38 = arith.constant 0 : i32
    %dma_start3A_39 = tpu.memref_slice %arg4[%add3A_34, %dma_start3A_38] : memref<1024x32768xf32, #tpu.memory_space<hbm>> -> memref<1x32768xf32, #tpu.memory_space<hbm>>
    %dma_start3A_40 = tpu.memref_squeeze %dma_start3A_39 : memref<1x32768xf32, #tpu.memory_space<hbm>> -> memref<32768xf32, #tpu.memory_space<hbm>>
    tpu.enqueue_dma source(%arg5 : memref<32768xf32, #tpu.memory_space<vmem>>) target(%dma_start3A_40 : memref<32768xf32, #tpu.memory_space<hbm>>) target_semaphore(%arg26 : memref<!tpu.dma_semaphore, #tpu.memory_space<semaphore_mem>>)
    %dma_wait3A_41 = arith.constant 0 : i32
    %dma_wait3A_42 = tpu.memref_slice %arg2[%add3A_11, %dma_wait3A_41] : memref<128x32768xf32, #tpu.memory_space<hbm>> -> memref<1x32768xf32, #tpu.memory_space<hbm>>
    %dma_wait3A_43 = tpu.memref_squeeze %dma_wait3A_42 : memref<1x32768xf32, #tpu.memory_space<hbm>> -> memref<32768xf32, #tpu.memory_space<hbm>>
    %dma_wait3A_44 = arith.constant 0 : i32
    %dma_wait3A_45 = tpu.memref_slice %arg2[%add3A_11, %dma_wait3A_44] : memref<128x32768xf32, #tpu.memory_space<hbm>> -> memref<1x32768xf32, #tpu.memory_space<hbm>>
    %dma_wait3A_46 = tpu.memref_squeeze %dma_wait3A_45 : memref<1x32768xf32, #tpu.memory_space<hbm>> -> memref<32768xf32, #tpu.memory_space<hbm>>
    tpu.wait_dma2 semaphore(%arg24 : memref<!tpu.dma_semaphore, #tpu.memory_space<semaphore_mem>>) src(%dma_wait3A_46 : memref<32768xf32, #tpu.memory_space<hbm>>) dst(%arg6 : memref<32768xf32, #tpu.memory_space<vmem>>)
    %add3A_47 = arith.constant 0 : i32
    %add3A_48 = arith.addi %add3A_47, %mul3A_2 : i32
    %add3A_49 = arith.constant 1 : i32
    %add3A_50 = arith.addi %add3A_48, %add3A_49 : i32
    %dma_start3A_51 = arith.constant 0 : i32
    %dma_start3A_52 = tpu.memref_slice %arg4[%add3A_50, %dma_start3A_51] : memref<1024x32768xf32, #tpu.memory_space<hbm>> -> memref<1x32768xf32, #tpu.memory_space<hbm>>
    %dma_start3A_53 = tpu.memref_squeeze %dma_start3A_52 : memref<1x32768xf32, #tpu.memory_space<hbm>> -> memref<32768xf32, #tpu.memory_space<hbm>>
    %dma_start3A_54 = arith.constant 0 : i32
    %dma_start3A_55 = tpu.memref_slice %arg4[%add3A_50, %dma_start3A_54] : memref<1024x32768xf32, #tpu.memory_space<hbm>> -> memref<1x32768xf32, #tpu.memory_space<hbm>>
    %dma_start3A_56 = tpu.memref_squeeze %dma_start3A_55 : memref<1x32768xf32, #tpu.memory_space<hbm>> -> memref<32768xf32, #tpu.memory_space<hbm>>
    tpu.enqueue_dma source(%arg6 : memref<32768xf32, #tpu.memory_space<vmem>>) target(%dma_start3A_56 : memref<32768xf32, #tpu.memory_space<hbm>>) target_semaphore(%arg27 : memref<!tpu.dma_semaphore, #tpu.memory_space<semaphore_mem>>)
    %dma_wait3A_57 = arith.constant 0 : i32
    %dma_wait3A_58 = tpu.memref_slice %arg4[%add3A_34, %dma_wait3A_57] : memref<1024x32768xf32, #tpu.memory_space<hbm>> -> memref<1x32768xf32, #tpu.memory_space<hbm>>
    %dma_wait3A_59 = tpu.memref_squeeze %dma_wait3A_58 : memref<1x32768xf32, #tpu.memory_space<hbm>> -> memref<32768xf32, #tpu.memory_space<hbm>>
    %dma_wait3A_60 = arith.constant 0 : i32
    %dma_wait3A_61 = tpu.memref_slice %arg4[%add3A_34, %dma_wait3A_60] : memref<1024x32768xf32, #tpu.memory_space<hbm>> -> memref<1x32768xf32, #tpu.memory_space<hbm>>
    %dma_wait3A_62 = tpu.memref_squeeze %dma_wait3A_61 : memref<1x32768xf32, #tpu.memory_space<hbm>> -> memref<32768xf32, #tpu.memory_space<hbm>>
    tpu.wait_dma2 semaphore(%arg26 : memref<!tpu.dma_semaphore, #tpu.memory_space<semaphore_mem>>) src(%arg5 : memref<32768xf32, #tpu.memory_space<vmem>>) dst(%dma_wait3A_62 : memref<32768xf32, #tpu.memory_space<hbm>>)
    %get3A = arith.constant 16 : index
    %get3A_63 = tpu.vector_load %arg8[%get3A] {strides = array<i32>} : memref<128xf32, #tpu.memory_space<vmem>>, vector<16xf32>,
    %scan3A = arith.constant 0 : i32
    %scan3A_64 = arith.constant 0 : i32
    %scan3A_65 = arith.constant 103 : i32
    %scan3A_66 = arith.addi %scan3A_64, %scan3A_65 : i32
    %scan3A_67 = arith.constant 1 : i32
    scf.for %scan3A_935 = %scan3A_64 to %scan3A_66 step %scan3A_67  : i32 {
      %iota3A = tpu.iota {dimensions = array<i32: 0>} : vector<16xi32>
      %mul3A_936 = arith.constant 16 : i32
      %mul3A_937 = arith.muli %scan3A_935, %mul3A_936 : i32
      %add3A_938 = vector.broadcast %mul3A_937 : i32 to vector<16xi32>
      %add3A_939 = arith.addi %add3A_938, %iota3A : vector<16xi32>
      %min3A = arith.constant 1638 : i32
      %min3A_940 = vector.broadcast %min3A : i32 to vector<16xi32>
      %min3A_941 = arith.minsi %add3A_939, %min3A_940 : vector<16xi32>
      %mul3A_942 = arith.constant 20 : i32
      %mul3A_943 = vector.broadcast %mul3A_942 : i32 to vector<16xi32>
      %mul3A_944 = arith.muli %min3A_941, %mul3A_943 : vector<16xi32>
      %gather3A = tpu.vector_load_idx %arg5[%mul3A_944] : memref<32768xf32, #tpu.memory_space<vmem>>[vector<16xi32>], vector<16xf32>,
      %mul3A_945 = arith.constant 16 : i32
      %mul3A_946 = arith.muli %scan3A_935, %mul3A_945 : i32
      %swap3A = arith.index_cast %mul3A_946 : i32 to index
      %swap3A_947 = tpu.vector_load %arg9[%swap3A] {strides = array<i32>} : memref<1648xf32, #tpu.memory_space<vmem>>, vector<16xf32>,
      tpu.vector_store %arg9[%swap3A], %gather3A {strides = array<i32>} : memref<1648xf32, #tpu.memory_space<vmem>>, vector<16xf32>,
      %add3A_948 = arith.addf %gather3A, %get3A_63 : vector<16xf32>
      %ge3A = arith.constant 4.096000e+03 : f32
      %ge3A_949 = vector.broadcast %ge3A : f32 to vector<16xf32>
      %ge3A_950 = arith.cmpf oge, %add3A_948, %ge3A_949 : vector<16xf32>
      %sub3A = arith.constant 4.096000e+03 : f32
      %sub3A_951 = vector.broadcast %sub3A : f32 to vector<16xf32>
      %sub3A_952 = arith.subf %add3A_948, %sub3A_951 : vector<16xf32>
      %select_n3A = arith.select %ge3A_950, %sub3A_952, %add3A_948 : vector<16xi1>, vector<16xf32>
      tpu.vector_store_idx %arg5[%mul3A_944], %select_n3A : memref<32768xf32, #tpu.memory_space<vmem>>[vector<16xi32>], vector<16xf32>,
    }
    %scan3A_68 = arith.constant 103 : i32
    %add3A_69 = arith.constant 128 : i32
    %add3A_70 = arith.addi %add3A_69, %mul3A_2 : i32
    %add3A_71 = arith.constant 0 : i32
    %add3A_72 = arith.addi %add3A_70, %add3A_71 : i32
    %dma_start3A_73 = arith.constant 0 : i32
    %dma_start3A_74 = tpu.memref_slice %arg4[%add3A_72, %dma_start3A_73] : memref<1024x32768xf32, #tpu.memory_space<hbm>> -> memref<1x32768xf32, #tpu.memory_space<hbm>>
    %dma_start3A_75 = tpu.memref_squeeze %dma_start3A_74 : memref<1x32768xf32, #tpu.memory_space<hbm>> -> memref<32768xf32, #tpu.memory_space<hbm>>
    %dma_start3A_76 = arith.constant 0 : i32
    %dma_start3A_77 = tpu.memref_slice %arg4[%add3A_72, %dma_start3A_76] : memref<1024x32768xf32, #tpu.memory_space<hbm>> -> memref<1x32768xf32, #tpu.memory_space<hbm>>
    %dma_start3A_78 = tpu.memref_squeeze %dma_start3A_77 : memref<1x32768xf32, #tpu.memory_space<hbm>> -> memref<32768xf32, #tpu.memory_space<hbm>>
    tpu.enqueue_dma source(%arg5 : memref<32768xf32, #tpu.memory_space<vmem>>) target(%dma_start3A_78 : memref<32768xf32, #tpu.memory_space<hbm>>) target_semaphore(%arg26 : memref<!tpu.dma_semaphore, #tpu.memory_space<semaphore_mem>>)
    %dma_wait3A_79 = arith.constant 0 : i32
    %dma_wait3A_80 = tpu.memref_slice %arg4[%add3A_50, %dma_wait3A_79] : memref<1024x32768xf32, #tpu.memory_space<hbm>> -> memref<1x32768xf32, #tpu.memory_space<hbm>>
    %dma_wait3A_81 = tpu.memref_squeeze %dma_wait3A_80 : memref<1x32768xf32, #tpu.memory_space<hbm>> -> memref<32768xf32, #tpu.memory_space<hbm>>
    %dma_wait3A_82 = arith.constant 0 : i32
    %dma_wait3A_83 = tpu.memref_slice %arg4[%add3A_50, %dma_wait3A_82] : memref<1024x32768xf32, #tpu.memory_space<hbm>> -> memref<1x32768xf32, #tpu.memory_space<hbm>>
    %dma_wait3A_84 = tpu.memref_squeeze %dma_wait3A_83 : memref<1x32768xf32, #tpu.memory_space<hbm>> -> memref<32768xf32, #tpu.memory_space<hbm>>
    tpu.wait_dma2 semaphore(%arg27 : memref<!tpu.dma_semaphore, #tpu.memory_space<semaphore_mem>>) src(%arg6 : memref<32768xf32, #tpu.memory_space<vmem>>) dst(%dma_wait3A_84 : memref<32768xf32, #tpu.memory_space<hbm>>)
    %get3A_85 = arith.constant 16 : index
    %get3A_86 = tpu.vector_load %arg8[%get3A_85] {strides = array<i32>} : memref<128xf32, #tpu.memory_space<vmem>>, vector<16xf32>,
    %scan3A_87 = arith.constant 0 : i32
    %scan3A_88 = arith.constant 0 : i32
    %scan3A_89 = arith.constant 103 : i32
    %scan3A_90 = arith.addi %scan3A_88, %scan3A_89 : i32
    %scan3A_91 = arith.constant 1 : i32
    scf.for %scan3A_935 = %scan3A_88 to %scan3A_90 step %scan3A_91  : i32 {
      %iota3A = tpu.iota {dimensions = array<i32: 0>} : vector<16xi32>
      %mul3A_936 = arith.constant 16 : i32
      %mul3A_937 = arith.muli %scan3A_935, %mul3A_936 : i32
      %add3A_938 = vector.broadcast %mul3A_937 : i32 to vector<16xi32>
      %add3A_939 = arith.addi %add3A_938, %iota3A : vector<16xi32>
      %min3A = arith.constant 1638 : i32
      %min3A_940 = vector.broadcast %min3A : i32 to vector<16xi32>
      %min3A_941 = arith.minsi %add3A_939, %min3A_940 : vector<16xi32>
      %mul3A_942 = arith.constant 20 : i32
      %mul3A_943 = vector.broadcast %mul3A_942 : i32 to vector<16xi32>
      %mul3A_944 = arith.muli %min3A_941, %mul3A_943 : vector<16xi32>
      %gather3A = tpu.vector_load_idx %arg6[%mul3A_944] : memref<32768xf32, #tpu.memory_space<vmem>>[vector<16xi32>], vector<16xf32>,
      %mul3A_945 = arith.constant 16 : i32
      %mul3A_946 = arith.muli %scan3A_935, %mul3A_945 : i32
      %swap3A = arith.index_cast %mul3A_946 : i32 to index
      %swap3A_947 = tpu.vector_load %arg16[%swap3A] {strides = array<i32>} : memref<1648xf32, #tpu.memory_space<vmem>>, vector<16xf32>,
      tpu.vector_store %arg16[%swap3A], %gather3A {strides = array<i32>} : memref<1648xf32, #tpu.memory_space<vmem>>, vector<16xf32>,
      %add3A_948 = arith.addf %gather3A, %get3A_86 : vector<16xf32>
      %ge3A = arith.constant 4.096000e+03 : f32
      %ge3A_949 = vector.broadcast %ge3A : f32 to vector<16xf32>
      %ge3A_950 = arith.cmpf oge, %add3A_948, %ge3A_949 : vector<16xf32>
      %sub3A = arith.constant 4.096000e+03 : f32
      %sub3A_951 = vector.broadcast %sub3A : f32 to vector<16xf32>
      %sub3A_952 = arith.subf %add3A_948, %sub3A_951 : vector<16xf32>
      %select_n3A = arith.select %ge3A_950, %sub3A_952, %add3A_948 : vector<16xi1>, vector<16xf32>
      tpu.vector_store_idx %arg6[%mul3A_944], %select_n3A : memref<32768xf32, #tpu.memory_space<vmem>>[vector<16xi32>], vector<16xf32>,
    }
    %scan3A_92 = arith.constant 103 : i32
    %add3A_93 = arith.constant 128 : i32
    %add3A_94 = arith.addi %add3A_93, %mul3A_2 : i32
    %add3A_95 = arith.constant 1 : i32
    %add3A_96 = arith.addi %add3A_94, %add3A_95 : i32
    %dma_start3A_97 = arith.constant 0 : i32
    %dma_start3A_98 = tpu.memref_slice %arg4[%add3A_96, %dma_start3A_97] : memref<1024x32768xf32, #tpu.memory_space<hbm>> -> memref<1x32768xf32, #tpu.memory_space<hbm>>
    %dma_start3A_99 = tpu.memref_squeeze %dma_start3A_98 : memref<1x32768xf32, #tpu.memory_space<hbm>> -> memref<32768xf32, #tpu.memory_space<hbm>>
    %dma_start3A_100 = arith.constant 0 : i32
    %dma_start3A_101 = tpu.memref_slice %arg4[%add3A_96, %dma_start3A_100] : memref<1024x32768xf32, #tpu.memory_space<hbm>> -> memref<1x32768xf32, #tpu.memory_space<hbm>>
    %dma_start3A_102 = tpu.memref_squeeze %dma_start3A_101 : memref<1x32768xf32, #tpu.memory_space<hbm>> -> memref<32768xf32, #tpu.memory_space<hbm>>
    tpu.enqueue_dma source(%arg6 : memref<32768xf32, #tpu.memory_space<vmem>>) target(%dma_start3A_102 : memref<32768xf32, #tpu.memory_space<hbm>>) target_semaphore(%arg27 : memref<!tpu.dma_semaphore, #tpu.memory_space<semaphore_mem>>)
    %dma_wait3A_103 = arith.constant 0 : i32
    %dma_wait3A_104 = tpu.memref_slice %arg4[%add3A_72, %dma_wait3A_103] : memref<1024x32768xf32, #tpu.memory_space<hbm>> -> memref<1x32768xf32, #tpu.memory_space<hbm>>
    %dma_wait3A_105 = tpu.memref_squeeze %dma_wait3A_104 : memref<1x32768xf32, #tpu.memory_space<hbm>> -> memref<32768xf32, #tpu.memory_space<hbm>>
    %dma_wait3A_106 = arith.constant 0 : i32
    %dma_wait3A_107 = tpu.memref_slice %arg4[%add3A_72, %dma_wait3A_106] : memref<1024x32768xf32, #tpu.memory_space<hbm>> -> memref<1x32768xf32, #tpu.memory_space<hbm>>
    %dma_wait3A_108 = tpu.memref_squeeze %dma_wait3A_107 : memref<1x32768xf32, #tpu.memory_space<hbm>> -> memref<32768xf32, #tpu.memory_space<hbm>>
    tpu.wait_dma2 semaphore(%arg26 : memref<!tpu.dma_semaphore, #tpu.memory_space<semaphore_mem>>) src(%arg5 : memref<32768xf32, #tpu.memory_space<vmem>>) dst(%dma_wait3A_108 : memref<32768xf32, #tpu.memory_space<hbm>>)
    %scan3A_109 = arith.constant 0 : i32
    %scan3A_110 = arith.constant 0 : i32
    %scan3A_111 = arith.constant 103 : i32
    %scan3A_112 = arith.addi %scan3A_110, %scan3A_111 : i32
    %scan3A_113 = arith.constant 1 : i32
    scf.for %scan3A_935 = %scan3A_110 to %scan3A_112 step %scan3A_113  : i32 {
      %iota3A = tpu.iota {dimensions = array<i32: 0>} : vector<16xi32>
      %mul3A_936 = arith.constant 16 : i32
      %mul3A_937 = arith.muli %scan3A_935, %mul3A_936 : i32
      %add3A_938 = vector.broadcast %mul3A_937 : i32 to vector<16xi32>
      %add3A_939 = arith.addi %add3A_938, %iota3A : vector<16xi32>
      %min3A = arith.constant 1638 : i32
      %min3A_940 = vector.broadcast %min3A : i32 to vector<16xi32>
      %min3A_941 = arith.minsi %add3A_939, %min3A_940 : vector<16xi32>
      %mul3A_942 = arith.constant 20 : i32
      %mul3A_943 = vector.broadcast %mul3A_942 : i32 to vector<16xi32>
      %mul3A_944 = arith.muli %min3A_941, %mul3A_943 : vector<16xi32>
      %mul3A_945 = arith.constant 16 : i32
      %mul3A_946 = arith.muli %scan3A_935, %mul3A_945 : i32
      %get3A_947 = arith.index_cast %mul3A_946 : i32 to index
      %get3A_948 = tpu.vector_load %arg9[%get3A_947] {strides = array<i32>} : memref<1648xf32, #tpu.memory_space<vmem>>, vector<16xf32>,
      tpu.vector_store_idx %arg5[%mul3A_944], %get3A_948 : memref<32768xf32, #tpu.memory_space<vmem>>[vector<16xi32>], vector<16xf32>,
    }
    %scan3A_114 = arith.constant 103 : i32
    %get3A_115 = arith.constant 32 : index
    %get3A_116 = tpu.vector_load %arg8[%get3A_115] {strides = array<i32>} : memref<128xf32, #tpu.memory_space<vmem>>, vector<16xf32>,
    %scan3A_117 = arith.constant 0 : i32
    %scan3A_118 = arith.constant 0 : i32
    %scan3A_119 = arith.constant 69 : i32
    %scan3A_120 = arith.addi %scan3A_118, %scan3A_119 : i32
    %scan3A_121 = arith.constant 1 : i32
    scf.for %scan3A_935 = %scan3A_118 to %scan3A_120 step %scan3A_121  : i32 {
      %iota3A = tpu.iota {dimensions = array<i32: 0>} : vector<16xi32>
      %mul3A_936 = arith.constant 16 : i32
      %mul3A_937 = arith.muli %scan3A_935, %mul3A_936 : i32
      %add3A_938 = vector.broadcast %mul3A_937 : i32 to vector<16xi32>
      %add3A_939 = arith.addi %add3A_938, %iota3A : vector<16xi32>
      %min3A = arith.constant 1092 : i32
      %min3A_940 = vector.broadcast %min3A : i32 to vector<16xi32>
      %min3A_941 = arith.minsi %add3A_939, %min3A_940 : vector<16xi32>
      %mul3A_942 = arith.constant 30 : i32
      %mul3A_943 = vector.broadcast %mul3A_942 : i32 to vector<16xi32>
      %mul3A_944 = arith.muli %min3A_941, %mul3A_943 : vector<16xi32>
      %gather3A = tpu.vector_load_idx %arg5[%mul3A_944] : memref<32768xf32, #tpu.memory_space<vmem>>[vector<16xi32>], vector<16xf32>,
      %mul3A_945 = arith.constant 16 : i32
      %mul3A_946 = arith.muli %scan3A_935, %mul3A_945 : i32
      %swap3A = arith.index_cast %mul3A_946 : i32 to index
      %swap3A_947 = tpu.vector_load %arg10[%swap3A] {strides = array<i32>} : memref<1104xf32, #tpu.memory_space<vmem>>, vector<16xf32>,
      tpu.vector_store %arg10[%swap3A], %gather3A {strides = array<i32>} : memref<1104xf32, #tpu.memory_space<vmem>>, vector<16xf32>,
      %add3A_948 = arith.addf %gather3A, %get3A_116 : vector<16xf32>
      %ge3A = arith.constant 4.096000e+03 : f32
      %ge3A_949 = vector.broadcast %ge3A : f32 to vector<16xf32>
      %ge3A_950 = arith.cmpf oge, %add3A_948, %ge3A_949 : vector<16xf32>
      %sub3A = arith.constant 4.096000e+03 : f32
      %sub3A_951 = vector.broadcast %sub3A : f32 to vector<16xf32>
      %sub3A_952 = arith.subf %add3A_948, %sub3A_951 : vector<16xf32>
      %select_n3A = arith.select %ge3A_950, %sub3A_952, %add3A_948 : vector<16xi1>, vector<16xf32>
      tpu.vector_store_idx %arg5[%mul3A_944], %select_n3A : memref<32768xf32, #tpu.memory_space<vmem>>[vector<16xi32>], vector<16xf32>,
    }
    %scan3A_122 = arith.constant 69 : i32
    %add3A_123 = arith.constant 256 : i32
    %add3A_124 = arith.addi %add3A_123, %mul3A_2 : i32
    %add3A_125 = arith.constant 0 : i32
    %add3A_126 = arith.addi %add3A_124, %add3A_125 : i32
    %dma_start3A_127 = arith.constant 0 : i32
    %dma_start3A_128 = tpu.memref_slice %arg4[%add3A_126, %dma_start3A_127] : memref<1024x32768xf32, #tpu.memory_space<hbm>> -> memref<1x32768xf32, #tpu.memory_space<hbm>>
    %dma_start3A_129 = tpu.memref_squeeze %dma_start3A_128 : memref<1x32768xf32, #tpu.memory_space<hbm>> -> memref<32768xf32, #tpu.memory_space<hbm>>
    %dma_start3A_130 = arith.constant 0 : i32
    %dma_start3A_131 = tpu.memref_slice %arg4[%add3A_126, %dma_start3A_130] : memref<1024x32768xf32, #tpu.memory_space<hbm>> -> memref<1x32768xf32, #tpu.memory_space<hbm>>
    %dma_start3A_132 = tpu.memref_squeeze %dma_start3A_131 : memref<1x32768xf32, #tpu.memory_space<hbm>> -> memref<32768xf32, #tpu.memory_space<hbm>>
    tpu.enqueue_dma source(%arg5 : memref<32768xf32, #tpu.memory_space<vmem>>) target(%dma_start3A_132 : memref<32768xf32, #tpu.memory_space<hbm>>) target_semaphore(%arg26 : memref<!tpu.dma_semaphore, #tpu.memory_space<semaphore_mem>>)
    %dma_wait3A_133 = arith.constant 0 : i32
    %dma_wait3A_134 = tpu.memref_slice %arg4[%add3A_96, %dma_wait3A_133] : memref<1024x32768xf32, #tpu.memory_space<hbm>> -> memref<1x32768xf32, #tpu.memory_space<hbm>>
    %dma_wait3A_135 = tpu.memref_squeeze %dma_wait3A_134 : memref<1x32768xf32, #tpu.memory_space<hbm>> -> memref<32768xf32, #tpu.memory_space<hbm>>
    %dma_wait3A_136 = arith.constant 0 : i32
    %dma_wait3A_137 = tpu.memref_slice %arg4[%add3A_96, %dma_wait3A_136] : memref<1024x32768xf32, #tpu.memory_space<hbm>> -> memref<1x32768xf32, #tpu.memory_space<hbm>>
    %dma_wait3A_138 = tpu.memref_squeeze %dma_wait3A_137 : memref<1x32768xf32, #tpu.memory_space<hbm>> -> memref<32768xf32, #tpu.memory_space<hbm>>
    tpu.wait_dma2 semaphore(%arg27 : memref<!tpu.dma_semaphore, #tpu.memory_space<semaphore_mem>>) src(%arg6 : memref<32768xf32, #tpu.memory_space<vmem>>) dst(%dma_wait3A_138 : memref<32768xf32, #tpu.memory_space<hbm>>)
    %scan3A_139 = arith.constant 0 : i32
    %scan3A_140 = arith.constant 0 : i32
    %scan3A_141 = arith.constant 103 : i32
    %scan3A_142 = arith.addi %scan3A_140, %scan3A_141 : i32
    %scan3A_143 = arith.constant 1 : i32
    scf.for %scan3A_935 = %scan3A_140 to %scan3A_142 step %scan3A_143  : i32 {
      %iota3A = tpu.iota {dimensions = array<i32: 0>} : vector<16xi32>
      %mul3A_936 = arith.constant 16 : i32
      %mul3A_937 = arith.muli %scan3A_935, %mul3A_936 : i32
      %add3A_938 = vector.broadcast %mul3A_937 : i32 to vector<16xi32>
      %add3A_939 = arith.addi %add3A_938, %iota3A : vector<16xi32>
      %min3A = arith.constant 1638 : i32
      %min3A_940 = vector.broadcast %min3A : i32 to vector<16xi32>
      %min3A_941 = arith.minsi %add3A_939, %min3A_940 : vector<16xi32>
      %mul3A_942 = arith.constant 20 : i32
      %mul3A_943 = vector.broadcast %mul3A_942 : i32 to vector<16xi32>
      %mul3A_944 = arith.muli %min3A_941, %mul3A_943 : vector<16xi32>
      %mul3A_945 = arith.constant 16 : i32
      %mul3A_946 = arith.muli %scan3A_935, %mul3A_945 : i32
      %get3A_947 = arith.index_cast %mul3A_946 : i32 to index
      %get3A_948 = tpu.vector_load %arg16[%get3A_947] {strides = array<i32>} : memref<1648xf32, #tpu.memory_space<vmem>>, vector<16xf32>,
      tpu.vector_store_idx %arg6[%mul3A_944], %get3A_948 : memref<32768xf32, #tpu.memory_space<vmem>>[vector<16xi32>], vector<16xf32>,
    }
    %scan3A_144 = arith.constant 103 : i32
    %get3A_145 = arith.constant 32 : index
    %get3A_146 = tpu.vector_load %arg8[%get3A_145] {strides = array<i32>} : memref<128xf32, #tpu.memory_space<vmem>>, vector<16xf32>,
    %scan3A_147 = arith.constant 0 : i32
    %scan3A_148 = arith.constant 0 : i32
    %scan3A_149 = arith.constant 69 : i32
    %scan3A_150 = arith.addi %scan3A_148, %scan3A_149 : i32
    %scan3A_151 = arith.constant 1 : i32
    scf.for %scan3A_935 = %scan3A_148 to %scan3A_150 step %scan3A_151  : i32 {
      %iota3A = tpu.iota {dimensions = array<i32: 0>} : vector<16xi32>
      %mul3A_936 = arith.constant 16 : i32
      %mul3A_937 = arith.muli %scan3A_935, %mul3A_936 : i32
      %add3A_938 = vector.broadcast %mul3A_937 : i32 to vector<16xi32>
      %add3A_939 = arith.addi %add3A_938, %iota3A : vector<16xi32>
      %min3A = arith.constant 1092 : i32
      %min3A_940 = vector.broadcast %min3A : i32 to vector<16xi32>
      %min3A_941 = arith.minsi %add3A_939, %min3A_940 : vector<16xi32>
      %mul3A_942 = arith.constant 30 : i32
      %mul3A_943 = vector.broadcast %mul3A_942 : i32 to vector<16xi32>
      %mul3A_944 = arith.muli %min3A_941, %mul3A_943 : vector<16xi32>
      %gather3A = tpu.vector_load_idx %arg6[%mul3A_944] : memref<32768xf32, #tpu.memory_space<vmem>>[vector<16xi32>], vector<16xf32>,
      %mul3A_945 = arith.constant 16 : i32
      %mul3A_946 = arith.muli %scan3A_935, %mul3A_945 : i32
      %swap3A = arith.index_cast %mul3A_946 : i32 to index
      %swap3A_947 = tpu.vector_load %arg17[%swap3A] {strides = array<i32>} : memref<1104xf32, #tpu.memory_space<vmem>>, vector<16xf32>,
      tpu.vector_store %arg17[%swap3A], %gather3A {strides = array<i32>} : memref<1104xf32, #tpu.memory_space<vmem>>, vector<16xf32>,
      %add3A_948 = arith.addf %gather3A, %get3A_146 : vector<16xf32>
      %ge3A = arith.constant 4.096000e+03 : f32
      %ge3A_949 = vector.broadcast %ge3A : f32 to vector<16xf32>
      %ge3A_950 = arith.cmpf oge, %add3A_948, %ge3A_949 : vector<16xf32>
      %sub3A = arith.constant 4.096000e+03 : f32
      %sub3A_951 = vector.broadcast %sub3A : f32 to vector<16xf32>
      %sub3A_952 = arith.subf %add3A_948, %sub3A_951 : vector<16xf32>
      %select_n3A = arith.select %ge3A_950, %sub3A_952, %add3A_948 : vector<16xi1>, vector<16xf32>
      tpu.vector_store_idx %arg6[%mul3A_944], %select_n3A : memref<32768xf32, #tpu.memory_space<vmem>>[vector<16xi32>], vector<16xf32>,
    }
    %scan3A_152 = arith.constant 69 : i32
    %add3A_153 = arith.constant 256 : i32
    %add3A_154 = arith.addi %add3A_153, %mul3A_2 : i32
    %add3A_155 = arith.constant 1 : i32
    %add3A_156 = arith.addi %add3A_154, %add3A_155 : i32
    %dma_start3A_157 = arith.constant 0 : i32
    %dma_start3A_158 = tpu.memref_slice %arg4[%add3A_156, %dma_start3A_157] : memref<1024x32768xf32, #tpu.memory_space<hbm>> -> memref<1x32768xf32, #tpu.memory_space<hbm>>
    %dma_start3A_159 = tpu.memref_squeeze %dma_start3A_158 : memref<1x32768xf32, #tpu.memory_space<hbm>> -> memref<32768xf32, #tpu.memory_space<hbm>>
    %dma_start3A_160 = arith.constant 0 : i32
    %dma_start3A_161 = tpu.memref_slice %arg4[%add3A_156, %dma_start3A_160] : memref<1024x32768xf32, #tpu.memory_space<hbm>> -> memref<1x32768xf32, #tpu.memory_space<hbm>>
    %dma_start3A_162 = tpu.memref_squeeze %dma_start3A_161 : memref<1x32768xf32, #tpu.memory_space<hbm>> -> memref<32768xf32, #tpu.memory_space<hbm>>
    tpu.enqueue_dma source(%arg6 : memref<32768xf32, #tpu.memory_space<vmem>>) target(%dma_start3A_162 : memref<32768xf32, #tpu.memory_space<hbm>>) target_semaphore(%arg27 : memref<!tpu.dma_semaphore, #tpu.memory_space<semaphore_mem>>)
    %dma_wait3A_163 = arith.constant 0 : i32
    %dma_wait3A_164 = tpu.memref_slice %arg4[%add3A_126, %dma_wait3A_163] : memref<1024x32768xf32, #tpu.memory_space<hbm>> -> memref<1x32768xf32, #tpu.memory_space<hbm>>
    %dma_wait3A_165 = tpu.memref_squeeze %dma_wait3A_164 : memref<1x32768xf32, #tpu.memory_space<hbm>> -> memref<32768xf32, #tpu.memory_space<hbm>>
    %dma_wait3A_166 = arith.constant 0 : i32
    %dma_wait3A_167 = tpu.memref_slice %arg4[%add3A_126, %dma_wait3A_166] : memref<1024x32768xf32, #tpu.memory_space<hbm>> -> memref<1x32768xf32, #tpu.memory_space<hbm>>
    %dma_wait3A_168 = tpu.memref_squeeze %dma_wait3A_167 : memref<1x32768xf32, #tpu.memory_space<hbm>> -> memref<32768xf32, #tpu.memory_space<hbm>>
    tpu.wait_dma2 semaphore(%arg26 : memref<!tpu.dma_semaphore, #tpu.memory_space<semaphore_mem>>) src(%arg5 : memref<32768xf32, #tpu.memory_space<vmem>>) dst(%dma_wait3A_168 : memref<32768xf32, #tpu.memory_space<hbm>>)
    %scan3A_169 = arith.constant 0 : i32
    %scan3A_170 = arith.constant 0 : i32
    %scan3A_171 = arith.constant 69 : i32
    %scan3A_172 = arith.addi %scan3A_170, %scan3A_171 : i32
    %scan3A_173 = arith.constant 1 : i32
    scf.for %scan3A_935 = %scan3A_170 to %scan3A_172 step %scan3A_173  : i32 {
      %iota3A = tpu.iota {dimensions = array<i32: 0>} : vector<16xi32>
      %mul3A_936 = arith.constant 16 : i32
      %mul3A_937 = arith.muli %scan3A_935, %mul3A_936 : i32
      %add3A_938 = vector.broadcast %mul3A_937 : i32 to vector<16xi32>
      %add3A_939 = arith.addi %add3A_938, %iota3A : vector<16xi32>
      %min3A = arith.constant 1092 : i32
      %min3A_940 = vector.broadcast %min3A : i32 to vector<16xi32>
      %min3A_941 = arith.minsi %add3A_939, %min3A_940 : vector<16xi32>
      %mul3A_942 = arith.constant 30 : i32
      %mul3A_943 = vector.broadcast %mul3A_942 : i32 to vector<16xi32>
      %mul3A_944 = arith.muli %min3A_941, %mul3A_943 : vector<16xi32>
      %mul3A_945 = arith.constant 16 : i32
      %mul3A_946 = arith.muli %scan3A_935, %mul3A_945 : i32
      %get3A_947 = arith.index_cast %mul3A_946 : i32 to index
      %get3A_948 = tpu.vector_load %arg10[%get3A_947] {strides = array<i32>} : memref<1104xf32, #tpu.memory_space<vmem>>, vector<16xf32>,
      tpu.vector_store_idx %arg5[%mul3A_944], %get3A_948 : memref<32768xf32, #tpu.memory_space<vmem>>[vector<16xi32>], vector<16xf32>,
    }
    %scan3A_174 = arith.constant 69 : i32
    %get3A_175 = arith.constant 48 : index
    %get3A_176 = tpu.vector_load %arg8[%get3A_175] {strides = array<i32>} : memref<128xf32, #tpu.memory_space<vmem>>, vector<16xf32>,
    %scan3A_177 = arith.constant 0 : i32
    %scan3A_178 = arith.constant 0 : i32
    %scan3A_179 = arith.constant 52 : i32
    %scan3A_180 = arith.addi %scan3A_178, %scan3A_179 : i32
    %scan3A_181 = arith.constant 1 : i32
    scf.for %scan3A_935 = %scan3A_178 to %scan3A_180 step %scan3A_181  : i32 {
      %iota3A = tpu.iota {dimensions = array<i32: 0>} : vector<16xi32>
      %mul3A_936 = arith.constant 16 : i32
      %mul3A_937 = arith.muli %scan3A_935, %mul3A_936 : i32
      %add3A_938 = vector.broadcast %mul3A_937 : i32 to vector<16xi32>
      %add3A_939 = arith.addi %add3A_938, %iota3A : vector<16xi32>
      %min3A = arith.constant 819 : i32
      %min3A_940 = vector.broadcast %min3A : i32 to vector<16xi32>
      %min3A_941 = arith.minsi %add3A_939, %min3A_940 : vector<16xi32>
      %mul3A_942 = arith.constant 40 : i32
      %mul3A_943 = vector.broadcast %mul3A_942 : i32 to vector<16xi32>
      %mul3A_944 = arith.muli %min3A_941, %mul3A_943 : vector<16xi32>
      %gather3A = tpu.vector_load_idx %arg5[%mul3A_944] : memref<32768xf32, #tpu.memory_space<vmem>>[vector<16xi32>], vector<16xf32>,
      %mul3A_945 = arith.constant 16 : i32
      %mul3A_946 = arith.muli %scan3A_935, %mul3A_945 : i32
      %swap3A = arith.index_cast %mul3A_946 : i32 to index
      %swap3A_947 = tpu.vector_load %arg11[%swap3A] {strides = array<i32>} : memref<832xf32, #tpu.memory_space<vmem>>, vector<16xf32>,
      tpu.vector_store %arg11[%swap3A], %gather3A {strides = array<i32>} : memref<832xf32, #tpu.memory_space<vmem>>, vector<16xf32>,
      %add3A_948 = arith.addf %gather3A, %get3A_176 : vector<16xf32>
      %ge3A = arith.constant 4.096000e+03 : f32
      %ge3A_949 = vector.broadcast %ge3A : f32 to vector<16xf32>
      %ge3A_950 = arith.cmpf oge, %add3A_948, %ge3A_949 : vector<16xf32>
      %sub3A = arith.constant 4.096000e+03 : f32
      %sub3A_951 = vector.broadcast %sub3A : f32 to vector<16xf32>
      %sub3A_952 = arith.subf %add3A_948, %sub3A_951 : vector<16xf32>
      %select_n3A = arith.select %ge3A_950, %sub3A_952, %add3A_948 : vector<16xi1>, vector<16xf32>
      tpu.vector_store_idx %arg5[%mul3A_944], %select_n3A : memref<32768xf32, #tpu.memory_space<vmem>>[vector<16xi32>], vector<16xf32>,
    }
    %scan3A_182 = arith.constant 52 : i32
    %add3A_183 = arith.constant 384 : i32
    %add3A_184 = arith.addi %add3A_183, %mul3A_2 : i32
    %add3A_185 = arith.constant 0 : i32
    %add3A_186 = arith.addi %add3A_184, %add3A_185 : i32
    %dma_start3A_187 = arith.constant 0 : i32
    %dma_start3A_188 = tpu.memref_slice %arg4[%add3A_186, %dma_start3A_187] : memref<1024x32768xf32, #tpu.memory_space<hbm>> -> memref<1x32768xf32, #tpu.memory_space<hbm>>
    %dma_start3A_189 = tpu.memref_squeeze %dma_start3A_188 : memref<1x32768xf32, #tpu.memory_space<hbm>> -> memref<32768xf32, #tpu.memory_space<hbm>>
    %dma_start3A_190 = arith.constant 0 : i32
    %dma_start3A_191 = tpu.memref_slice %arg4[%add3A_186, %dma_start3A_190] : memref<1024x32768xf32, #tpu.memory_space<hbm>> -> memref<1x32768xf32, #tpu.memory_space<hbm>>
    %dma_start3A_192 = tpu.memref_squeeze %dma_start3A_191 : memref<1x32768xf32, #tpu.memory_space<hbm>> -> memref<32768xf32, #tpu.memory_space<hbm>>
    tpu.enqueue_dma source(%arg5 : memref<32768xf32, #tpu.memory_space<vmem>>) target(%dma_start3A_192 : memref<32768xf32, #tpu.memory_space<hbm>>) target_semaphore(%arg26 : memref<!tpu.dma_semaphore, #tpu.memory_space<semaphore_mem>>)
    %dma_wait3A_193 = arith.constant 0 : i32
    %dma_wait3A_194 = tpu.memref_slice %arg4[%add3A_156, %dma_wait3A_193] : memref<1024x32768xf32, #tpu.memory_space<hbm>> -> memref<1x32768xf32, #tpu.memory_space<hbm>>
    %dma_wait3A_195 = tpu.memref_squeeze %dma_wait3A_194 : memref<1x32768xf32, #tpu.memory_space<hbm>> -> memref<32768xf32, #tpu.memory_space<hbm>>
    %dma_wait3A_196 = arith.constant 0 : i32
    %dma_wait3A_197 = tpu.memref_slice %arg4[%add3A_156, %dma_wait3A_196] : memref<1024x32768xf32, #tpu.memory_space<hbm>> -> memref<1x32768xf32, #tpu.memory_space<hbm>>
    %dma_wait3A_198 = tpu.memref_squeeze %dma_wait3A_197 : memref<1x32768xf32, #tpu.memory_space<hbm>> -> memref<32768xf32, #tpu.memory_space<hbm>>
    tpu.wait_dma2 semaphore(%arg27 : memref<!tpu.dma_semaphore, #tpu.memory_space<semaphore_mem>>) src(%arg6 : memref<32768xf32, #tpu.memory_space<vmem>>) dst(%dma_wait3A_198 : memref<32768xf32, #tpu.memory_space<hbm>>)
    %scan3A_199 = arith.constant 0 : i32
    %scan3A_200 = arith.constant 0 : i32
    %scan3A_201 = arith.constant 69 : i32
    %scan3A_202 = arith.addi %scan3A_200, %scan3A_201 : i32
    %scan3A_203 = arith.constant 1 : i32
    scf.for %scan3A_935 = %scan3A_200 to %scan3A_202 step %scan3A_203  : i32 {
      %iota3A = tpu.iota {dimensions = array<i32: 0>} : vector<16xi32>
      %mul3A_936 = arith.constant 16 : i32
      %mul3A_937 = arith.muli %scan3A_935, %mul3A_936 : i32
      %add3A_938 = vector.broadcast %mul3A_937 : i32 to vector<16xi32>
      %add3A_939 = arith.addi %add3A_938, %iota3A : vector<16xi32>
      %min3A = arith.constant 1092 : i32
      %min3A_940 = vector.broadcast %min3A : i32 to vector<16xi32>
      %min3A_941 = arith.minsi %add3A_939, %min3A_940 : vector<16xi32>
      %mul3A_942 = arith.constant 30 : i32
      %mul3A_943 = vector.broadcast %mul3A_942 : i32 to vector<16xi32>
      %mul3A_944 = arith.muli %min3A_941, %mul3A_943 : vector<16xi32>
      %mul3A_945 = arith.constant 16 : i32
      %mul3A_946 = arith.muli %scan3A_935, %mul3A_945 : i32
      %get3A_947 = arith.index_cast %mul3A_946 : i32 to index
      %get3A_948 = tpu.vector_load %arg17[%get3A_947] {strides = array<i32>} : memref<1104xf32, #tpu.memory_space<vmem>>, vector<16xf32>,
      tpu.vector_store_idx %arg6[%mul3A_944], %get3A_948 : memref<32768xf32, #tpu.memory_space<vmem>>[vector<16xi32>], vector<16xf32>,
    }
    %scan3A_204 = arith.constant 69 : i32
    %get3A_205 = arith.constant 48 : index
    %get3A_206 = tpu.vector_load %arg8[%get3A_205] {strides = array<i32>} : memref<128xf32, #tpu.memory_space<vmem>>, vector<16xf32>,
    %scan3A_207 = arith.constant 0 : i32
    %scan3A_208 = arith.constant 0 : i32
    %scan3A_209 = arith.constant 52 : i32
    %scan3A_210 = arith.addi %scan3A_208, %scan3A_209 : i32
    %scan3A_211 = arith.constant 1 : i32
    scf.for %scan3A_935 = %scan3A_208 to %scan3A_210 step %scan3A_211  : i32 {
      %iota3A = tpu.iota {dimensions = array<i32: 0>} : vector<16xi32>
      %mul3A_936 = arith.constant 16 : i32
      %mul3A_937 = arith.muli %scan3A_935, %mul3A_936 : i32
      %add3A_938 = vector.broadcast %mul3A_937 : i32 to vector<16xi32>
      %add3A_939 = arith.addi %add3A_938, %iota3A : vector<16xi32>
      %min3A = arith.constant 819 : i32
      %min3A_940 = vector.broadcast %min3A : i32 to vector<16xi32>
      %min3A_941 = arith.minsi %add3A_939, %min3A_940 : vector<16xi32>
      %mul3A_942 = arith.constant 40 : i32
      %mul3A_943 = vector.broadcast %mul3A_942 : i32 to vector<16xi32>
      %mul3A_944 = arith.muli %min3A_941, %mul3A_943 : vector<16xi32>
      %gather3A = tpu.vector_load_idx %arg6[%mul3A_944] : memref<32768xf32, #tpu.memory_space<vmem>>[vector<16xi32>], vector<16xf32>,
      %mul3A_945 = arith.constant 16 : i32
      %mul3A_946 = arith.muli %scan3A_935, %mul3A_945 : i32
      %swap3A = arith.index_cast %mul3A_946 : i32 to index
      %swap3A_947 = tpu.vector_load %arg18[%swap3A] {strides = array<i32>} : memref<832xf32, #tpu.memory_space<vmem>>, vector<16xf32>,
      tpu.vector_store %arg18[%swap3A], %gather3A {strides = array<i32>} : memref<832xf32, #tpu.memory_space<vmem>>, vector<16xf32>,
      %add3A_948 = arith.addf %gather3A, %get3A_206 : vector<16xf32>
      %ge3A = arith.constant 4.096000e+03 : f32
      %ge3A_949 = vector.broadcast %ge3A : f32 to vector<16xf32>
      %ge3A_950 = arith.cmpf oge, %add3A_948, %ge3A_949 : vector<16xf32>
      %sub3A = arith.constant 4.096000e+03 : f32
      %sub3A_951 = vector.broadcast %sub3A : f32 to vector<16xf32>
      %sub3A_952 = arith.subf %add3A_948, %sub3A_951 : vector<16xf32>
      %select_n3A = arith.select %ge3A_950, %sub3A_952, %add3A_948 : vector<16xi1>, vector<16xf32>
      tpu.vector_store_idx %arg6[%mul3A_944], %select_n3A : memref<32768xf32, #tpu.memory_space<vmem>>[vector<16xi32>], vector<16xf32>,
    }
    %scan3A_212 = arith.constant 52 : i32
    %add3A_213 = arith.constant 384 : i32
    %add3A_214 = arith.addi %add3A_213, %mul3A_2 : i32
    %add3A_215 = arith.constant 1 : i32
    %add3A_216 = arith.addi %add3A_214, %add3A_215 : i32
    %dma_start3A_217 = arith.constant 0 : i32
    %dma_start3A_218 = tpu.memref_slice %arg4[%add3A_216, %dma_start3A_217] : memref<1024x32768xf32, #tpu.memory_space<hbm>> -> memref<1x32768xf32, #tpu.memory_space<hbm>>
    %dma_start3A_219 = tpu.memref_squeeze %dma_start3A_218 : memref<1x32768xf32, #tpu.memory_space<hbm>> -> memref<32768xf32, #tpu.memory_space<hbm>>
    %dma_start3A_220 = arith.constant 0 : i32
    %dma_start3A_221 = tpu.memref_slice %arg4[%add3A_216, %dma_start3A_220] : memref<1024x32768xf32, #tpu.memory_space<hbm>> -> memref<1x32768xf32, #tpu.memory_space<hbm>>
    %dma_start3A_222 = tpu.memref_squeeze %dma_start3A_221 : memref<1x32768xf32, #tpu.memory_space<hbm>> -> memref<32768xf32, #tpu.memory_space<hbm>>
    tpu.enqueue_dma source(%arg6 : memref<32768xf32, #tpu.memory_space<vmem>>) target(%dma_start3A_222 : memref<32768xf32, #tpu.memory_space<hbm>>) target_semaphore(%arg27 : memref<!tpu.dma_semaphore, #tpu.memory_space<semaphore_mem>>)
    %dma_wait3A_223 = arith.constant 0 : i32
    %dma_wait3A_224 = tpu.memref_slice %arg4[%add3A_186, %dma_wait3A_223] : memref<1024x32768xf32, #tpu.memory_space<hbm>> -> memref<1x32768xf32, #tpu.memory_space<hbm>>
    %dma_wait3A_225 = tpu.memref_squeeze %dma_wait3A_224 : memref<1x32768xf32, #tpu.memory_space<hbm>> -> memref<32768xf32, #tpu.memory_space<hbm>>
    %dma_wait3A_226 = arith.constant 0 : i32
    %dma_wait3A_227 = tpu.memref_slice %arg4[%add3A_186, %dma_wait3A_226] : memref<1024x32768xf32, #tpu.memory_space<hbm>> -> memref<1x32768xf32, #tpu.memory_space<hbm>>
    %dma_wait3A_228 = tpu.memref_squeeze %dma_wait3A_227 : memref<1x32768xf32, #tpu.memory_space<hbm>> -> memref<32768xf32, #tpu.memory_space<hbm>>
    tpu.wait_dma2 semaphore(%arg26 : memref<!tpu.dma_semaphore, #tpu.memory_space<semaphore_mem>>) src(%arg5 : memref<32768xf32, #tpu.memory_space<vmem>>) dst(%dma_wait3A_228 : memref<32768xf32, #tpu.memory_space<hbm>>)
    %scan3A_229 = arith.constant 0 : i32
    %scan3A_230 = arith.constant 0 : i32
    %scan3A_231 = arith.constant 52 : i32
    %scan3A_232 = arith.addi %scan3A_230, %scan3A_231 : i32
    %scan3A_233 = arith.constant 1 : i32
    scf.for %scan3A_935 = %scan3A_230 to %scan3A_232 step %scan3A_233  : i32 {
      %iota3A = tpu.iota {dimensions = array<i32: 0>} : vector<16xi32>
      %mul3A_936 = arith.constant 16 : i32
      %mul3A_937 = arith.muli %scan3A_935, %mul3A_936 : i32
      %add3A_938 = vector.broadcast %mul3A_937 : i32 to vector<16xi32>
      %add3A_939 = arith.addi %add3A_938, %iota3A : vector<16xi32>
      %min3A = arith.constant 819 : i32
      %min3A_940 = vector.broadcast %min3A : i32 to vector<16xi32>
      %min3A_941 = arith.minsi %add3A_939, %min3A_940 : vector<16xi32>
      %mul3A_942 = arith.constant 40 : i32
      %mul3A_943 = vector.broadcast %mul3A_942 : i32 to vector<16xi32>
      %mul3A_944 = arith.muli %min3A_941, %mul3A_943 : vector<16xi32>
      %mul3A_945 = arith.constant 16 : i32
      %mul3A_946 = arith.muli %scan3A_935, %mul3A_945 : i32
      %get3A_947 = arith.index_cast %mul3A_946 : i32 to index
      %get3A_948 = tpu.vector_load %arg11[%get3A_947] {strides = array<i32>} : memref<832xf32, #tpu.memory_space<vmem>>, vector<16xf32>,
      tpu.vector_store_idx %arg5[%mul3A_944], %get3A_948 : memref<32768xf32, #tpu.memory_space<vmem>>[vector<16xi32>], vector<16xf32>,
    }
    %scan3A_234 = arith.constant 52 : i32
    %get3A_235 = arith.constant 64 : index
    %get3A_236 = tpu.vector_load %arg8[%get3A_235] {strides = array<i32>} : memref<128xf32, #tpu.memory_space<vmem>>, vector<16xf32>,
    %scan3A_237 = arith.constant 0 : i32
    %scan3A_238 = arith.constant 0 : i32
    %scan3A_239 = arith.constant 41 : i32
    %scan3A_240 = arith.addi %scan3A_238, %scan3A_239 : i32
    %scan3A_241 = arith.constant 1 : i32
    scf.for %scan3A_935 = %scan3A_238 to %scan3A_240 step %scan3A_241  : i32 {
      %iota3A = tpu.iota {dimensions = array<i32: 0>} : vector<16xi32>
      %mul3A_936 = arith.constant 16 : i32
      %mul3A_937 = arith.muli %scan3A_935, %mul3A_936 : i32
      %add3A_938 = vector.broadcast %mul3A_937 : i32 to vector<16xi32>
      %add3A_939 = arith.addi %add3A_938, %iota3A : vector<16xi32>
      %min3A = arith.constant 655 : i32
      %min3A_940 = vector.broadcast %min3A : i32 to vector<16xi32>
      %min3A_941 = arith.minsi %add3A_939, %min3A_940 : vector<16xi32>
      %mul3A_942 = arith.constant 50 : i32
      %mul3A_943 = vector.broadcast %mul3A_942 : i32 to vector<16xi32>
      %mul3A_944 = arith.muli %min3A_941, %mul3A_943 : vector<16xi32>
      %gather3A = tpu.vector_load_idx %arg5[%mul3A_944] : memref<32768xf32, #tpu.memory_space<vmem>>[vector<16xi32>], vector<16xf32>,
      %mul3A_945 = arith.constant 16 : i32
      %mul3A_946 = arith.muli %scan3A_935, %mul3A_945 : i32
      %swap3A = arith.index_cast %mul3A_946 : i32 to index
      %swap3A_947 = tpu.vector_load %arg12[%swap3A] {strides = array<i32>} : memref<656xf32, #tpu.memory_space<vmem>>, vector<16xf32>,
      tpu.vector_store %arg12[%swap3A], %gather3A {strides = array<i32>} : memref<656xf32, #tpu.memory_space<vmem>>, vector<16xf32>,
      %add3A_948 = arith.addf %gather3A, %get3A_236 : vector<16xf32>
      %ge3A = arith.constant 4.096000e+03 : f32
      %ge3A_949 = vector.broadcast %ge3A : f32 to vector<16xf32>
      %ge3A_950 = arith.cmpf oge, %add3A_948, %ge3A_949 : vector<16xf32>
      %sub3A = arith.constant 4.096000e+03 : f32
      %sub3A_951 = vector.broadcast %sub3A : f32 to vector<16xf32>
      %sub3A_952 = arith.subf %add3A_948, %sub3A_951 : vector<16xf32>
      %select_n3A = arith.select %ge3A_950, %sub3A_952, %add3A_948 : vector<16xi1>, vector<16xf32>
      tpu.vector_store_idx %arg5[%mul3A_944], %select_n3A : memref<32768xf32, #tpu.memory_space<vmem>>[vector<16xi32>], vector<16xf32>,
    }
    %scan3A_242 = arith.constant 41 : i32
    %add3A_243 = arith.constant 512 : i32
    %add3A_244 = arith.addi %add3A_243, %mul3A_2 : i32
    %add3A_245 = arith.constant 0 : i32
    %add3A_246 = arith.addi %add3A_244, %add3A_245 : i32
    %dma_start3A_247 = arith.constant 0 : i32
    %dma_start3A_248 = tpu.memref_slice %arg4[%add3A_246, %dma_start3A_247] : memref<1024x32768xf32, #tpu.memory_space<hbm>> -> memref<1x32768xf32, #tpu.memory_space<hbm>>
    %dma_start3A_249 = tpu.memref_squeeze %dma_start3A_248 : memref<1x32768xf32, #tpu.memory_space<hbm>> -> memref<32768xf32, #tpu.memory_space<hbm>>
    %dma_start3A_250 = arith.constant 0 : i32
    %dma_start3A_251 = tpu.memref_slice %arg4[%add3A_246, %dma_start3A_250] : memref<1024x32768xf32, #tpu.memory_space<hbm>> -> memref<1x32768xf32, #tpu.memory_space<hbm>>
    %dma_start3A_252 = tpu.memref_squeeze %dma_start3A_251 : memref<1x32768xf32, #tpu.memory_space<hbm>> -> memref<32768xf32, #tpu.memory_space<hbm>>
    tpu.enqueue_dma source(%arg5 : memref<32768xf32, #tpu.memory_space<vmem>>) target(%dma_start3A_252 : memref<32768xf32, #tpu.memory_space<hbm>>) target_semaphore(%arg26 : memref<!tpu.dma_semaphore, #tpu.memory_space<semaphore_mem>>)
    %dma_wait3A_253 = arith.constant 0 : i32
    %dma_wait3A_254 = tpu.memref_slice %arg4[%add3A_216, %dma_wait3A_253] : memref<1024x32768xf32, #tpu.memory_space<hbm>> -> memref<1x32768xf32, #tpu.memory_space<hbm>>
    %dma_wait3A_255 = tpu.memref_squeeze %dma_wait3A_254 : memref<1x32768xf32, #tpu.memory_space<hbm>> -> memref<32768xf32, #tpu.memory_space<hbm>>
    %dma_wait3A_256 = arith.constant 0 : i32
    %dma_wait3A_257 = tpu.memref_slice %arg4[%add3A_216, %dma_wait3A_256] : memref<1024x32768xf32, #tpu.memory_space<hbm>> -> memref<1x32768xf32, #tpu.memory_space<hbm>>
    %dma_wait3A_258 = tpu.memref_squeeze %dma_wait3A_257 : memref<1x32768xf32, #tpu.memory_space<hbm>> -> memref<32768xf32, #tpu.memory_space<hbm>>
    tpu.wait_dma2 semaphore(%arg27 : memref<!tpu.dma_semaphore, #tpu.memory_space<semaphore_mem>>) src(%arg6 : memref<32768xf32, #tpu.memory_space<vmem>>) dst(%dma_wait3A_258 : memref<32768xf32, #tpu.memory_space<hbm>>)
    %scan3A_259 = arith.constant 0 : i32
    %scan3A_260 = arith.constant 0 : i32
    %scan3A_261 = arith.constant 52 : i32
    %scan3A_262 = arith.addi %scan3A_260, %scan3A_261 : i32
    %scan3A_263 = arith.constant 1 : i32
    scf.for %scan3A_935 = %scan3A_260 to %scan3A_262 step %scan3A_263  : i32 {
      %iota3A = tpu.iota {dimensions = array<i32: 0>} : vector<16xi32>
      %mul3A_936 = arith.constant 16 : i32
      %mul3A_937 = arith.muli %scan3A_935, %mul3A_936 : i32
      %add3A_938 = vector.broadcast %mul3A_937 : i32 to vector<16xi32>
      %add3A_939 = arith.addi %add3A_938, %iota3A : vector<16xi32>
      %min3A = arith.constant 819 : i32
      %min3A_940 = vector.broadcast %min3A : i32 to vector<16xi32>
      %min3A_941 = arith.minsi %add3A_939, %min3A_940 : vector<16xi32>
      %mul3A_942 = arith.constant 40 : i32
      %mul3A_943 = vector.broadcast %mul3A_942 : i32 to vector<16xi32>
      %mul3A_944 = arith.muli %min3A_941, %mul3A_943 : vector<16xi32>
      %mul3A_945 = arith.constant 16 : i32
      %mul3A_946 = arith.muli %scan3A_935, %mul3A_945 : i32
      %get3A_947 = arith.index_cast %mul3A_946 : i32 to index
      %get3A_948 = tpu.vector_load %arg18[%get3A_947] {strides = array<i32>} : memref<832xf32, #tpu.memory_space<vmem>>, vector<16xf32>,
      tpu.vector_store_idx %arg6[%mul3A_944], %get3A_948 : memref<32768xf32, #tpu.memory_space<vmem>>[vector<16xi32>], vector<16xf32>,
    }
    %scan3A_264 = arith.constant 52 : i32
    %get3A_265 = arith.constant 64 : index
    %get3A_266 = tpu.vector_load %arg8[%get3A_265] {strides = array<i32>} : memref<128xf32, #tpu.memory_space<vmem>>, vector<16xf32>,
    %scan3A_267 = arith.constant 0 : i32
    %scan3A_268 = arith.constant 0 : i32
    %scan3A_269 = arith.constant 41 : i32
    %scan3A_270 = arith.addi %scan3A_268, %scan3A_269 : i32
    %scan3A_271 = arith.constant 1 : i32
    scf.for %scan3A_935 = %scan3A_268 to %scan3A_270 step %scan3A_271  : i32 {
      %iota3A = tpu.iota {dimensions = array<i32: 0>} : vector<16xi32>
      %mul3A_936 = arith.constant 16 : i32
      %mul3A_937 = arith.muli %scan3A_935, %mul3A_936 : i32
      %add3A_938 = vector.broadcast %mul3A_937 : i32 to vector<16xi32>
      %add3A_939 = arith.addi %add3A_938, %iota3A : vector<16xi32>
      %min3A = arith.constant 655 : i32
      %min3A_940 = vector.broadcast %min3A : i32 to vector<16xi32>
      %min3A_941 = arith.minsi %add3A_939, %min3A_940 : vector<16xi32>
      %mul3A_942 = arith.constant 50 : i32
      %mul3A_943 = vector.broadcast %mul3A_942 : i32 to vector<16xi32>
      %mul3A_944 = arith.muli %min3A_941, %mul3A_943 : vector<16xi32>
      %gather3A = tpu.vector_load_idx %arg6[%mul3A_944] : memref<32768xf32, #tpu.memory_space<vmem>>[vector<16xi32>], vector<16xf32>,
      %mul3A_945 = arith.constant 16 : i32
      %mul3A_946 = arith.muli %scan3A_935, %mul3A_945 : i32
      %swap3A = arith.index_cast %mul3A_946 : i32 to index
      %swap3A_947 = tpu.vector_load %arg19[%swap3A] {strides = array<i32>} : memref<656xf32, #tpu.memory_space<vmem>>, vector<16xf32>,
      tpu.vector_store %arg19[%swap3A], %gather3A {strides = array<i32>} : memref<656xf32, #tpu.memory_space<vmem>>, vector<16xf32>,
      %add3A_948 = arith.addf %gather3A, %get3A_266 : vector<16xf32>
      %ge3A = arith.constant 4.096000e+03 : f32
      %ge3A_949 = vector.broadcast %ge3A : f32 to vector<16xf32>
      %ge3A_950 = arith.cmpf oge, %add3A_948, %ge3A_949 : vector<16xf32>
      %sub3A = arith.constant 4.096000e+03 : f32
      %sub3A_951 = vector.broadcast %sub3A : f32 to vector<16xf32>
      %sub3A_952 = arith.subf %add3A_948, %sub3A_951 : vector<16xf32>
      %select_n3A = arith.select %ge3A_950, %sub3A_952, %add3A_948 : vector<16xi1>, vector<16xf32>
      tpu.vector_store_idx %arg6[%mul3A_944], %select_n3A : memref<32768xf32, #tpu.memory_space<vmem>>[vector<16xi32>], vector<16xf32>,
    }
    %scan3A_272 = arith.constant 41 : i32
    %add3A_273 = arith.constant 512 : i32
    %add3A_274 = arith.addi %add3A_273, %mul3A_2 : i32
    %add3A_275 = arith.constant 1 : i32
    %add3A_276 = arith.addi %add3A_274, %add3A_275 : i32
    %dma_start3A_277 = arith.constant 0 : i32
    %dma_start3A_278 = tpu.memref_slice %arg4[%add3A_276, %dma_start3A_277] : memref<1024x32768xf32, #tpu.memory_space<hbm>> -> memref<1x32768xf32, #tpu.memory_space<hbm>>
    %dma_start3A_279 = tpu.memref_squeeze %dma_start3A_278 : memref<1x32768xf32, #tpu.memory_space<hbm>> -> memref<32768xf32, #tpu.memory_space<hbm>>
    %dma_start3A_280 = arith.constant 0 : i32
    %dma_start3A_281 = tpu.memref_slice %arg4[%add3A_276, %dma_start3A_280] : memref<1024x32768xf32, #tpu.memory_space<hbm>> -> memref<1x32768xf32, #tpu.memory_space<hbm>>
    %dma_start3A_282 = tpu.memref_squeeze %dma_start3A_281 : memref<1x32768xf32, #tpu.memory_space<hbm>> -> memref<32768xf32, #tpu.memory_space<hbm>>
    tpu.enqueue_dma source(%arg6 : memref<32768xf32, #tpu.memory_space<vmem>>) target(%dma_start3A_282 : memref<32768xf32, #tpu.memory_space<hbm>>) target_semaphore(%arg27 : memref<!tpu.dma_semaphore, #tpu.memory_space<semaphore_mem>>)
    %dma_wait3A_283 = arith.constant 0 : i32
    %dma_wait3A_284 = tpu.memref_slice %arg4[%add3A_246, %dma_wait3A_283] : memref<1024x32768xf32, #tpu.memory_space<hbm>> -> memref<1x32768xf32, #tpu.memory_space<hbm>>
    %dma_wait3A_285 = tpu.memref_squeeze %dma_wait3A_284 : memref<1x32768xf32, #tpu.memory_space<hbm>> -> memref<32768xf32, #tpu.memory_space<hbm>>
    %dma_wait3A_286 = arith.constant 0 : i32
    %dma_wait3A_287 = tpu.memref_slice %arg4[%add3A_246, %dma_wait3A_286] : memref<1024x32768xf32, #tpu.memory_space<hbm>> -> memref<1x32768xf32, #tpu.memory_space<hbm>>
    %dma_wait3A_288 = tpu.memref_squeeze %dma_wait3A_287 : memref<1x32768xf32, #tpu.memory_space<hbm>> -> memref<32768xf32, #tpu.memory_space<hbm>>
    tpu.wait_dma2 semaphore(%arg26 : memref<!tpu.dma_semaphore, #tpu.memory_space<semaphore_mem>>) src(%arg5 : memref<32768xf32, #tpu.memory_space<vmem>>) dst(%dma_wait3A_288 : memref<32768xf32, #tpu.memory_space<hbm>>)
    %scan3A_289 = arith.constant 0 : i32
    %scan3A_290 = arith.constant 0 : i32
    %scan3A_291 = arith.constant 41 : i32
    %scan3A_292 = arith.addi %scan3A_290, %scan3A_291 : i32
    %scan3A_293 = arith.constant 1 : i32
    scf.for %scan3A_935 = %scan3A_290 to %scan3A_292 step %scan3A_293  : i32 {
      %iota3A = tpu.iota {dimensions = array<i32: 0>} : vector<16xi32>
      %mul3A_936 = arith.constant 16 : i32
      %mul3A_937 = arith.muli %scan3A_935, %mul3A_936 : i32
      %add3A_938 = vector.broadcast %mul3A_937 : i32 to vector<16xi32>
      %add3A_939 = arith.addi %add3A_938, %iota3A : vector<16xi32>
      %min3A = arith.constant 655 : i32
      %min3A_940 = vector.broadcast %min3A : i32 to vector<16xi32>
      %min3A_941 = arith.minsi %add3A_939, %min3A_940 : vector<16xi32>
      %mul3A_942 = arith.constant 50 : i32
      %mul3A_943 = vector.broadcast %mul3A_942 : i32 to vector<16xi32>
      %mul3A_944 = arith.muli %min3A_941, %mul3A_943 : vector<16xi32>
      %mul3A_945 = arith.constant 16 : i32
      %mul3A_946 = arith.muli %scan3A_935, %mul3A_945 : i32
      %get3A_947 = arith.index_cast %mul3A_946 : i32 to index
      %get3A_948 = tpu.vector_load %arg12[%get3A_947] {strides = array<i32>} : memref<656xf32, #tpu.memory_space<vmem>>, vector<16xf32>,
      tpu.vector_store_idx %arg5[%mul3A_944], %get3A_948 : memref<32768xf32, #tpu.memory_space<vmem>>[vector<16xi32>], vector<16xf32>,
    }
    %scan3A_294 = arith.constant 41 : i32
    %get3A_295 = arith.constant 80 : index
    %get3A_296 = tpu.vector_load %arg8[%get3A_295] {strides = array<i32>} : memref<128xf32, #tpu.memory_space<vmem>>, vector<16xf32>,
    %scan3A_297 = arith.constant 0 : i32
    %scan3A_298 = arith.constant 0 : i32
    %scan3A_299 = arith.constant 35 : i32
    %scan3A_300 = arith.addi %scan3A_298, %scan3A_299 : i32
    %scan3A_301 = arith.constant 1 : i32
    scf.for %scan3A_935 = %scan3A_298 to %scan3A_300 step %scan3A_301  : i32 {
      %iota3A = tpu.iota {dimensions = array<i32: 0>} : vector<16xi32>
      %mul3A_936 = arith.constant 16 : i32
      %mul3A_937 = arith.muli %scan3A_935, %mul3A_936 : i32
      %add3A_938 = vector.broadcast %mul3A_937 : i32 to vector<16xi32>
      %add3A_939 = arith.addi %add3A_938, %iota3A : vector<16xi32>
      %min3A = arith.constant 546 : i32
      %min3A_940 = vector.broadcast %min3A : i32 to vector<16xi32>
      %min3A_941 = arith.minsi %add3A_939, %min3A_940 : vector<16xi32>
      %mul3A_942 = arith.constant 60 : i32
      %mul3A_943 = vector.broadcast %mul3A_942 : i32 to vector<16xi32>
      %mul3A_944 = arith.muli %min3A_941, %mul3A_943 : vector<16xi32>
      %gather3A = tpu.vector_load_idx %arg5[%mul3A_944] : memref<32768xf32, #tpu.memory_space<vmem>>[vector<16xi32>], vector<16xf32>,
      %mul3A_945 = arith.constant 16 : i32
      %mul3A_946 = arith.muli %scan3A_935, %mul3A_945 : i32
      %swap3A = arith.index_cast %mul3A_946 : i32 to index
      %swap3A_947 = tpu.vector_load %arg13[%swap3A] {strides = array<i32>} : memref<560xf32, #tpu.memory_space<vmem>>, vector<16xf32>,
      tpu.vector_store %arg13[%swap3A], %gather3A {strides = array<i32>} : memref<560xf32, #tpu.memory_space<vmem>>, vector<16xf32>,
      %add3A_948 = arith.addf %gather3A, %get3A_296 : vector<16xf32>
      %ge3A = arith.constant 4.096000e+03 : f32
      %ge3A_949 = vector.broadcast %ge3A : f32 to vector<16xf32>
      %ge3A_950 = arith.cmpf oge, %add3A_948, %ge3A_949 : vector<16xf32>
      %sub3A = arith.constant 4.096000e+03 : f32
      %sub3A_951 = vector.broadcast %sub3A : f32 to vector<16xf32>
      %sub3A_952 = arith.subf %add3A_948, %sub3A_951 : vector<16xf32>
      %select_n3A = arith.select %ge3A_950, %sub3A_952, %add3A_948 : vector<16xi1>, vector<16xf32>
      tpu.vector_store_idx %arg5[%mul3A_944], %select_n3A : memref<32768xf32, #tpu.memory_space<vmem>>[vector<16xi32>], vector<16xf32>,
    }
    %scan3A_302 = arith.constant 35 : i32
    %add3A_303 = arith.constant 640 : i32
    %add3A_304 = arith.addi %add3A_303, %mul3A_2 : i32
    %add3A_305 = arith.constant 0 : i32
    %add3A_306 = arith.addi %add3A_304, %add3A_305 : i32
    %dma_start3A_307 = arith.constant 0 : i32
    %dma_start3A_308 = tpu.memref_slice %arg4[%add3A_306, %dma_start3A_307] : memref<1024x32768xf32, #tpu.memory_space<hbm>> -> memref<1x32768xf32, #tpu.memory_space<hbm>>
    %dma_start3A_309 = tpu.memref_squeeze %dma_start3A_308 : memref<1x32768xf32, #tpu.memory_space<hbm>> -> memref<32768xf32, #tpu.memory_space<hbm>>
    %dma_start3A_310 = arith.constant 0 : i32
    %dma_start3A_311 = tpu.memref_slice %arg4[%add3A_306, %dma_start3A_310] : memref<1024x32768xf32, #tpu.memory_space<hbm>> -> memref<1x32768xf32, #tpu.memory_space<hbm>>
    %dma_start3A_312 = tpu.memref_squeeze %dma_start3A_311 : memref<1x32768xf32, #tpu.memory_space<hbm>> -> memref<32768xf32, #tpu.memory_space<hbm>>
    tpu.enqueue_dma source(%arg5 : memref<32768xf32, #tpu.memory_space<vmem>>) target(%dma_start3A_312 : memref<32768xf32, #tpu.memory_space<hbm>>) target_semaphore(%arg26 : memref<!tpu.dma_semaphore, #tpu.memory_space<semaphore_mem>>)
    %dma_wait3A_313 = arith.constant 0 : i32
    %dma_wait3A_314 = tpu.memref_slice %arg4[%add3A_276, %dma_wait3A_313] : memref<1024x32768xf32, #tpu.memory_space<hbm>> -> memref<1x32768xf32, #tpu.memory_space<hbm>>
    %dma_wait3A_315 = tpu.memref_squeeze %dma_wait3A_314 : memref<1x32768xf32, #tpu.memory_space<hbm>> -> memref<32768xf32, #tpu.memory_space<hbm>>
    %dma_wait3A_316 = arith.constant 0 : i32
    %dma_wait3A_317 = tpu.memref_slice %arg4[%add3A_276, %dma_wait3A_316] : memref<1024x32768xf32, #tpu.memory_space<hbm>> -> memref<1x32768xf32, #tpu.memory_space<hbm>>
    %dma_wait3A_318 = tpu.memref_squeeze %dma_wait3A_317 : memref<1x32768xf32, #tpu.memory_space<hbm>> -> memref<32768xf32, #tpu.memory_space<hbm>>
    tpu.wait_dma2 semaphore(%arg27 : memref<!tpu.dma_semaphore, #tpu.memory_space<semaphore_mem>>) src(%arg6 : memref<32768xf32, #tpu.memory_space<vmem>>) dst(%dma_wait3A_318 : memref<32768xf32, #tpu.memory_space<hbm>>)
    %scan3A_319 = arith.constant 0 : i32
    %scan3A_320 = arith.constant 0 : i32
    %scan3A_321 = arith.constant 41 : i32
    %scan3A_322 = arith.addi %scan3A_320, %scan3A_321 : i32
    %scan3A_323 = arith.constant 1 : i32
    scf.for %scan3A_935 = %scan3A_320 to %scan3A_322 step %scan3A_323  : i32 {
      %iota3A = tpu.iota {dimensions = array<i32: 0>} : vector<16xi32>
      %mul3A_936 = arith.constant 16 : i32
      %mul3A_937 = arith.muli %scan3A_935, %mul3A_936 : i32
      %add3A_938 = vector.broadcast %mul3A_937 : i32 to vector<16xi32>
      %add3A_939 = arith.addi %add3A_938, %iota3A : vector<16xi32>
      %min3A = arith.constant 655 : i32
      %min3A_940 = vector.broadcast %min3A : i32 to vector<16xi32>
      %min3A_941 = arith.minsi %add3A_939, %min3A_940 : vector<16xi32>
      %mul3A_942 = arith.constant 50 : i32
      %mul3A_943 = vector.broadcast %mul3A_942 : i32 to vector<16xi32>
      %mul3A_944 = arith.muli %min3A_941, %mul3A_943 : vector<16xi32>
      %mul3A_945 = arith.constant 16 : i32
      %mul3A_946 = arith.muli %scan3A_935, %mul3A_945 : i32
      %get3A_947 = arith.index_cast %mul3A_946 : i32 to index
      %get3A_948 = tpu.vector_load %arg19[%get3A_947] {strides = array<i32>} : memref<656xf32, #tpu.memory_space<vmem>>, vector<16xf32>,
      tpu.vector_store_idx %arg6[%mul3A_944], %get3A_948 : memref<32768xf32, #tpu.memory_space<vmem>>[vector<16xi32>], vector<16xf32>,
    }
    %scan3A_324 = arith.constant 41 : i32
    %get3A_325 = arith.constant 80 : index
    %get3A_326 = tpu.vector_load %arg8[%get3A_325] {strides = array<i32>} : memref<128xf32, #tpu.memory_space<vmem>>, vector<16xf32>,
    %scan3A_327 = arith.constant 0 : i32
    %scan3A_328 = arith.constant 0 : i32
    %scan3A_329 = arith.constant 35 : i32
    %scan3A_330 = arith.addi %scan3A_328, %scan3A_329 : i32
    %scan3A_331 = arith.constant 1 : i32
    scf.for %scan3A_935 = %scan3A_328 to %scan3A_330 step %scan3A_331  : i32 {
      %iota3A = tpu.iota {dimensions = array<i32: 0>} : vector<16xi32>
      %mul3A_936 = arith.constant 16 : i32
      %mul3A_937 = arith.muli %scan3A_935, %mul3A_936 : i32
      %add3A_938 = vector.broadcast %mul3A_937 : i32 to vector<16xi32>
      %add3A_939 = arith.addi %add3A_938, %iota3A : vector<16xi32>
      %min3A = arith.constant 546 : i32
      %min3A_940 = vector.broadcast %min3A : i32 to vector<16xi32>
      %min3A_941 = arith.minsi %add3A_939, %min3A_940 : vector<16xi32>
      %mul3A_942 = arith.constant 60 : i32
      %mul3A_943 = vector.broadcast %mul3A_942 : i32 to vector<16xi32>
      %mul3A_944 = arith.muli %min3A_941, %mul3A_943 : vector<16xi32>
      %gather3A = tpu.vector_load_idx %arg6[%mul3A_944] : memref<32768xf32, #tpu.memory_space<vmem>>[vector<16xi32>], vector<16xf32>,
      %mul3A_945 = arith.constant 16 : i32
      %mul3A_946 = arith.muli %scan3A_935, %mul3A_945 : i32
      %swap3A = arith.index_cast %mul3A_946 : i32 to index
      %swap3A_947 = tpu.vector_load %arg20[%swap3A] {strides = array<i32>} : memref<560xf32, #tpu.memory_space<vmem>>, vector<16xf32>,
      tpu.vector_store %arg20[%swap3A], %gather3A {strides = array<i32>} : memref<560xf32, #tpu.memory_space<vmem>>, vector<16xf32>,
      %add3A_948 = arith.addf %gather3A, %get3A_326 : vector<16xf32>
      %ge3A = arith.constant 4.096000e+03 : f32
      %ge3A_949 = vector.broadcast %ge3A : f32 to vector<16xf32>
      %ge3A_950 = arith.cmpf oge, %add3A_948, %ge3A_949 : vector<16xf32>
      %sub3A = arith.constant 4.096000e+03 : f32
      %sub3A_951 = vector.broadcast %sub3A : f32 to vector<16xf32>
      %sub3A_952 = arith.subf %add3A_948, %sub3A_951 : vector<16xf32>
      %select_n3A = arith.select %ge3A_950, %sub3A_952, %add3A_948 : vector<16xi1>, vector<16xf32>
      tpu.vector_store_idx %arg6[%mul3A_944], %select_n3A : memref<32768xf32, #tpu.memory_space<vmem>>[vector<16xi32>], vector<16xf32>,
    }
    %scan3A_332 = arith.constant 35 : i32
    %add3A_333 = arith.constant 640 : i32
    %add3A_334 = arith.addi %add3A_333, %mul3A_2 : i32
    %add3A_335 = arith.constant 1 : i32
    %add3A_336 = arith.addi %add3A_334, %add3A_335 : i32
    %dma_start3A_337 = arith.constant 0 : i32
    %dma_start3A_338 = tpu.memref_slice %arg4[%add3A_336, %dma_start3A_337] : memref<1024x32768xf32, #tpu.memory_space<hbm>> -> memref<1x32768xf32, #tpu.memory_space<hbm>>
    %dma_start3A_339 = tpu.memref_squeeze %dma_start3A_338 : memref<1x32768xf32, #tpu.memory_space<hbm>> -> memref<32768xf32, #tpu.memory_space<hbm>>
    %dma_start3A_340 = arith.constant 0 : i32
    %dma_start3A_341 = tpu.memref_slice %arg4[%add3A_336, %dma_start3A_340] : memref<1024x32768xf32, #tpu.memory_space<hbm>> -> memref<1x32768xf32, #tpu.memory_space<hbm>>
    %dma_start3A_342 = tpu.memref_squeeze %dma_start3A_341 : memref<1x32768xf32, #tpu.memory_space<hbm>> -> memref<32768xf32, #tpu.memory_space<hbm>>
    tpu.enqueue_dma source(%arg6 : memref<32768xf32, #tpu.memory_space<vmem>>) target(%dma_start3A_342 : memref<32768xf32, #tpu.memory_space<hbm>>) target_semaphore(%arg27 : memref<!tpu.dma_semaphore, #tpu.memory_space<semaphore_mem>>)
    %dma_wait3A_343 = arith.constant 0 : i32
    %dma_wait3A_344 = tpu.memref_slice %arg4[%add3A_306, %dma_wait3A_343] : memref<1024x32768xf32, #tpu.memory_space<hbm>> -> memref<1x32768xf32, #tpu.memory_space<hbm>>
    %dma_wait3A_345 = tpu.memref_squeeze %dma_wait3A_344 : memref<1x32768xf32, #tpu.memory_space<hbm>> -> memref<32768xf32, #tpu.memory_space<hbm>>
    %dma_wait3A_346 = arith.constant 0 : i32
    %dma_wait3A_347 = tpu.memref_slice %arg4[%add3A_306, %dma_wait3A_346] : memref<1024x32768xf32, #tpu.memory_space<hbm>> -> memref<1x32768xf32, #tpu.memory_space<hbm>>
    %dma_wait3A_348 = tpu.memref_squeeze %dma_wait3A_347 : memref<1x32768xf32, #tpu.memory_space<hbm>> -> memref<32768xf32, #tpu.memory_space<hbm>>
    tpu.wait_dma2 semaphore(%arg26 : memref<!tpu.dma_semaphore, #tpu.memory_space<semaphore_mem>>) src(%arg5 : memref<32768xf32, #tpu.memory_space<vmem>>) dst(%dma_wait3A_348 : memref<32768xf32, #tpu.memory_space<hbm>>)
    %scan3A_349 = arith.constant 0 : i32
    %scan3A_350 = arith.constant 0 : i32
    %scan3A_351 = arith.constant 35 : i32
    %scan3A_352 = arith.addi %scan3A_350, %scan3A_351 : i32
    %scan3A_353 = arith.constant 1 : i32
    scf.for %scan3A_935 = %scan3A_350 to %scan3A_352 step %scan3A_353  : i32 {
      %iota3A = tpu.iota {dimensions = array<i32: 0>} : vector<16xi32>
      %mul3A_936 = arith.constant 16 : i32
      %mul3A_937 = arith.muli %scan3A_935, %mul3A_936 : i32
      %add3A_938 = vector.broadcast %mul3A_937 : i32 to vector<16xi32>
      %add3A_939 = arith.addi %add3A_938, %iota3A : vector<16xi32>
      %min3A = arith.constant 546 : i32
      %min3A_940 = vector.broadcast %min3A : i32 to vector<16xi32>
      %min3A_941 = arith.minsi %add3A_939, %min3A_940 : vector<16xi32>
      %mul3A_942 = arith.constant 60 : i32
      %mul3A_943 = vector.broadcast %mul3A_942 : i32 to vector<16xi32>
      %mul3A_944 = arith.muli %min3A_941, %mul3A_943 : vector<16xi32>
      %mul3A_945 = arith.constant 16 : i32
      %mul3A_946 = arith.muli %scan3A_935, %mul3A_945 : i32
      %get3A_947 = arith.index_cast %mul3A_946 : i32 to index
      %get3A_948 = tpu.vector_load %arg13[%get3A_947] {strides = array<i32>} : memref<560xf32, #tpu.memory_space<vmem>>, vector<16xf32>,
      tpu.vector_store_idx %arg5[%mul3A_944], %get3A_948 : memref<32768xf32, #tpu.memory_space<vmem>>[vector<16xi32>], vector<16xf32>,
    }
    %scan3A_354 = arith.constant 35 : i32
    %get3A_355 = arith.constant 96 : index
    %get3A_356 = tpu.vector_load %arg8[%get3A_355] {strides = array<i32>} : memref<128xf32, #tpu.memory_space<vmem>>, vector<16xf32>,
    %scan3A_357 = arith.constant 0 : i32
    %scan3A_358 = arith.constant 0 : i32
    %scan3A_359 = arith.constant 30 : i32
    %scan3A_360 = arith.addi %scan3A_358, %scan3A_359 : i32
    %scan3A_361 = arith.constant 1 : i32
    scf.for %scan3A_935 = %scan3A_358 to %scan3A_360 step %scan3A_361  : i32 {
      %iota3A = tpu.iota {dimensions = array<i32: 0>} : vector<16xi32>
      %mul3A_936 = arith.constant 16 : i32
      %mul3A_937 = arith.muli %scan3A_935, %mul3A_936 : i32
      %add3A_938 = vector.broadcast %mul3A_937 : i32 to vector<16xi32>
      %add3A_939 = arith.addi %add3A_938, %iota3A : vector<16xi32>
      %min3A = arith.constant 468 : i32
      %min3A_940 = vector.broadcast %min3A : i32 to vector<16xi32>
      %min3A_941 = arith.minsi %add3A_939, %min3A_940 : vector<16xi32>
      %mul3A_942 = arith.constant 70 : i32
      %mul3A_943 = vector.broadcast %mul3A_942 : i32 to vector<16xi32>
      %mul3A_944 = arith.muli %min3A_941, %mul3A_943 : vector<16xi32>
      %gather3A = tpu.vector_load_idx %arg5[%mul3A_944] : memref<32768xf32, #tpu.memory_space<vmem>>[vector<16xi32>], vector<16xf32>,
      %mul3A_945 = arith.constant 16 : i32
      %mul3A_946 = arith.muli %scan3A_935, %mul3A_945 : i32
      %swap3A = arith.index_cast %mul3A_946 : i32 to index
      %swap3A_947 = tpu.vector_load %arg14[%swap3A] {strides = array<i32>} : memref<480xf32, #tpu.memory_space<vmem>>, vector<16xf32>,
      tpu.vector_store %arg14[%swap3A], %gather3A {strides = array<i32>} : memref<480xf32, #tpu.memory_space<vmem>>, vector<16xf32>,
      %add3A_948 = arith.addf %gather3A, %get3A_356 : vector<16xf32>
      %ge3A = arith.constant 4.096000e+03 : f32
      %ge3A_949 = vector.broadcast %ge3A : f32 to vector<16xf32>
      %ge3A_950 = arith.cmpf oge, %add3A_948, %ge3A_949 : vector<16xf32>
      %sub3A = arith.constant 4.096000e+03 : f32
      %sub3A_951 = vector.broadcast %sub3A : f32 to vector<16xf32>
      %sub3A_952 = arith.subf %add3A_948, %sub3A_951 : vector<16xf32>
      %select_n3A = arith.select %ge3A_950, %sub3A_952, %add3A_948 : vector<16xi1>, vector<16xf32>
      tpu.vector_store_idx %arg5[%mul3A_944], %select_n3A : memref<32768xf32, #tpu.memory_space<vmem>>[vector<16xi32>], vector<16xf32>,
    }
    %scan3A_362 = arith.constant 30 : i32
    %add3A_363 = arith.constant 768 : i32
    %add3A_364 = arith.addi %add3A_363, %mul3A_2 : i32
    %add3A_365 = arith.constant 0 : i32
    %add3A_366 = arith.addi %add3A_364, %add3A_365 : i32
    %dma_start3A_367 = arith.constant 0 : i32
    %dma_start3A_368 = tpu.memref_slice %arg4[%add3A_366, %dma_start3A_367] : memref<1024x32768xf32, #tpu.memory_space<hbm>> -> memref<1x32768xf32, #tpu.memory_space<hbm>>
    %dma_start3A_369 = tpu.memref_squeeze %dma_start3A_368 : memref<1x32768xf32, #tpu.memory_space<hbm>> -> memref<32768xf32, #tpu.memory_space<hbm>>
    %dma_start3A_370 = arith.constant 0 : i32
    %dma_start3A_371 = tpu.memref_slice %arg4[%add3A_366, %dma_start3A_370] : memref<1024x32768xf32, #tpu.memory_space<hbm>> -> memref<1x32768xf32, #tpu.memory_space<hbm>>
    %dma_start3A_372 = tpu.memref_squeeze %dma_start3A_371 : memref<1x32768xf32, #tpu.memory_space<hbm>> -> memref<32768xf32, #tpu.memory_space<hbm>>
    tpu.enqueue_dma source(%arg5 : memref<32768xf32, #tpu.memory_space<vmem>>) target(%dma_start3A_372 : memref<32768xf32, #tpu.memory_space<hbm>>) target_semaphore(%arg26 : memref<!tpu.dma_semaphore, #tpu.memory_space<semaphore_mem>>)
    %dma_wait3A_373 = arith.constant 0 : i32
    %dma_wait3A_374 = tpu.memref_slice %arg4[%add3A_336, %dma_wait3A_373] : memref<1024x32768xf32, #tpu.memory_space<hbm>> -> memref<1x32768xf32, #tpu.memory_space<hbm>>
    %dma_wait3A_375 = tpu.memref_squeeze %dma_wait3A_374 : memref<1x32768xf32, #tpu.memory_space<hbm>> -> memref<32768xf32, #tpu.memory_space<hbm>>
    %dma_wait3A_376 = arith.constant 0 : i32
    %dma_wait3A_377 = tpu.memref_slice %arg4[%add3A_336, %dma_wait3A_376] : memref<1024x32768xf32, #tpu.memory_space<hbm>> -> memref<1x32768xf32, #tpu.memory_space<hbm>>
    %dma_wait3A_378 = tpu.memref_squeeze %dma_wait3A_377 : memref<1x32768xf32, #tpu.memory_space<hbm>> -> memref<32768xf32, #tpu.memory_space<hbm>>
    tpu.wait_dma2 semaphore(%arg27 : memref<!tpu.dma_semaphore, #tpu.memory_space<semaphore_mem>>) src(%arg6 : memref<32768xf32, #tpu.memory_space<vmem>>) dst(%dma_wait3A_378 : memref<32768xf32, #tpu.memory_space<hbm>>)
    %scan3A_379 = arith.constant 0 : i32
    %scan3A_380 = arith.constant 0 : i32
    %scan3A_381 = arith.constant 35 : i32
    %scan3A_382 = arith.addi %scan3A_380, %scan3A_381 : i32
    %scan3A_383 = arith.constant 1 : i32
    scf.for %scan3A_935 = %scan3A_380 to %scan3A_382 step %scan3A_383  : i32 {
      %iota3A = tpu.iota {dimensions = array<i32: 0>} : vector<16xi32>
      %mul3A_936 = arith.constant 16 : i32
      %mul3A_937 = arith.muli %scan3A_935, %mul3A_936 : i32
      %add3A_938 = vector.broadcast %mul3A_937 : i32 to vector<16xi32>
      %add3A_939 = arith.addi %add3A_938, %iota3A : vector<16xi32>
      %min3A = arith.constant 546 : i32
      %min3A_940 = vector.broadcast %min3A : i32 to vector<16xi32>
      %min3A_941 = arith.minsi %add3A_939, %min3A_940 : vector<16xi32>
      %mul3A_942 = arith.constant 60 : i32
      %mul3A_943 = vector.broadcast %mul3A_942 : i32 to vector<16xi32>
      %mul3A_944 = arith.muli %min3A_941, %mul3A_943 : vector<16xi32>
      %mul3A_945 = arith.constant 16 : i32
      %mul3A_946 = arith.muli %scan3A_935, %mul3A_945 : i32
      %get3A_947 = arith.index_cast %mul3A_946 : i32 to index
      %get3A_948 = tpu.vector_load %arg20[%get3A_947] {strides = array<i32>} : memref<560xf32, #tpu.memory_space<vmem>>, vector<16xf32>,
      tpu.vector_store_idx %arg6[%mul3A_944], %get3A_948 : memref<32768xf32, #tpu.memory_space<vmem>>[vector<16xi32>], vector<16xf32>,
    }
    %scan3A_384 = arith.constant 35 : i32
    %get3A_385 = arith.constant 96 : index
    %get3A_386 = tpu.vector_load %arg8[%get3A_385] {strides = array<i32>} : memref<128xf32, #tpu.memory_space<vmem>>, vector<16xf32>,
    %scan3A_387 = arith.constant 0 : i32
    %scan3A_388 = arith.constant 0 : i32
    %scan3A_389 = arith.constant 30 : i32
    %scan3A_390 = arith.addi %scan3A_388, %scan3A_389 : i32
    %scan3A_391 = arith.constant 1 : i32
    scf.for %scan3A_935 = %scan3A_388 to %scan3A_390 step %scan3A_391  : i32 {
      %iota3A = tpu.iota {dimensions = array<i32: 0>} : vector<16xi32>
      %mul3A_936 = arith.constant 16 : i32
      %mul3A_937 = arith.muli %scan3A_935, %mul3A_936 : i32
      %add3A_938 = vector.broadcast %mul3A_937 : i32 to vector<16xi32>
      %add3A_939 = arith.addi %add3A_938, %iota3A : vector<16xi32>
      %min3A = arith.constant 468 : i32
      %min3A_940 = vector.broadcast %min3A : i32 to vector<16xi32>
      %min3A_941 = arith.minsi %add3A_939, %min3A_940 : vector<16xi32>
      %mul3A_942 = arith.constant 70 : i32
      %mul3A_943 = vector.broadcast %mul3A_942 : i32 to vector<16xi32>
      %mul3A_944 = arith.muli %min3A_941, %mul3A_943 : vector<16xi32>
      %gather3A = tpu.vector_load_idx %arg6[%mul3A_944] : memref<32768xf32, #tpu.memory_space<vmem>>[vector<16xi32>], vector<16xf32>,
      %mul3A_945 = arith.constant 16 : i32
      %mul3A_946 = arith.muli %scan3A_935, %mul3A_945 : i32
      %swap3A = arith.index_cast %mul3A_946 : i32 to index
      %swap3A_947 = tpu.vector_load %arg21[%swap3A] {strides = array<i32>} : memref<480xf32, #tpu.memory_space<vmem>>, vector<16xf32>,
      tpu.vector_store %arg21[%swap3A], %gather3A {strides = array<i32>} : memref<480xf32, #tpu.memory_space<vmem>>, vector<16xf32>,
      %add3A_948 = arith.addf %gather3A, %get3A_386 : vector<16xf32>
      %ge3A = arith.constant 4.096000e+03 : f32
      %ge3A_949 = vector.broadcast %ge3A : f32 to vector<16xf32>
      %ge3A_950 = arith.cmpf oge, %add3A_948, %ge3A_949 : vector<16xf32>
      %sub3A = arith.constant 4.096000e+03 : f32
      %sub3A_951 = vector.broadcast %sub3A : f32 to vector<16xf32>
      %sub3A_952 = arith.subf %add3A_948, %sub3A_951 : vector<16xf32>
      %select_n3A = arith.select %ge3A_950, %sub3A_952, %add3A_948 : vector<16xi1>, vector<16xf32>
      tpu.vector_store_idx %arg6[%mul3A_944], %select_n3A : memref<32768xf32, #tpu.memory_space<vmem>>[vector<16xi32>], vector<16xf32>,
    }
    %scan3A_392 = arith.constant 30 : i32
    %add3A_393 = arith.constant 768 : i32
    %add3A_394 = arith.addi %add3A_393, %mul3A_2 : i32
    %add3A_395 = arith.constant 1 : i32
    %add3A_396 = arith.addi %add3A_394, %add3A_395 : i32
    %dma_start3A_397 = arith.constant 0 : i32
    %dma_start3A_398 = tpu.memref_slice %arg4[%add3A_396, %dma_start3A_397] : memref<1024x32768xf32, #tpu.memory_space<hbm>> -> memref<1x32768xf32, #tpu.memory_space<hbm>>
    %dma_start3A_399 = tpu.memref_squeeze %dma_start3A_398 : memref<1x32768xf32, #tpu.memory_space<hbm>> -> memref<32768xf32, #tpu.memory_space<hbm>>
    %dma_start3A_400 = arith.constant 0 : i32
    %dma_start3A_401 = tpu.memref_slice %arg4[%add3A_396, %dma_start3A_400] : memref<1024x32768xf32, #tpu.memory_space<hbm>> -> memref<1x32768xf32, #tpu.memory_space<hbm>>
    %dma_start3A_402 = tpu.memref_squeeze %dma_start3A_401 : memref<1x32768xf32, #tpu.memory_space<hbm>> -> memref<32768xf32, #tpu.memory_space<hbm>>
    tpu.enqueue_dma source(%arg6 : memref<32768xf32, #tpu.memory_space<vmem>>) target(%dma_start3A_402 : memref<32768xf32, #tpu.memory_space<hbm>>) target_semaphore(%arg27 : memref<!tpu.dma_semaphore, #tpu.memory_space<semaphore_mem>>)
    %dma_wait3A_403 = arith.constant 0 : i32
    %dma_wait3A_404 = tpu.memref_slice %arg4[%add3A_366, %dma_wait3A_403] : memref<1024x32768xf32, #tpu.memory_space<hbm>> -> memref<1x32768xf32, #tpu.memory_space<hbm>>
    %dma_wait3A_405 = tpu.memref_squeeze %dma_wait3A_404 : memref<1x32768xf32, #tpu.memory_space<hbm>> -> memref<32768xf32, #tpu.memory_space<hbm>>
    %dma_wait3A_406 = arith.constant 0 : i32
    %dma_wait3A_407 = tpu.memref_slice %arg4[%add3A_366, %dma_wait3A_406] : memref<1024x32768xf32, #tpu.memory_space<hbm>> -> memref<1x32768xf32, #tpu.memory_space<hbm>>
    %dma_wait3A_408 = tpu.memref_squeeze %dma_wait3A_407 : memref<1x32768xf32, #tpu.memory_space<hbm>> -> memref<32768xf32, #tpu.memory_space<hbm>>
    tpu.wait_dma2 semaphore(%arg26 : memref<!tpu.dma_semaphore, #tpu.memory_space<semaphore_mem>>) src(%arg5 : memref<32768xf32, #tpu.memory_space<vmem>>) dst(%dma_wait3A_408 : memref<32768xf32, #tpu.memory_space<hbm>>)
    %scan3A_409 = arith.constant 0 : i32
    %scan3A_410 = arith.constant 0 : i32
    %scan3A_411 = arith.constant 30 : i32
    %scan3A_412 = arith.addi %scan3A_410, %scan3A_411 : i32
    %scan3A_413 = arith.constant 1 : i32
    scf.for %scan3A_935 = %scan3A_410 to %scan3A_412 step %scan3A_413  : i32 {
      %iota3A = tpu.iota {dimensions = array<i32: 0>} : vector<16xi32>
      %mul3A_936 = arith.constant 16 : i32
      %mul3A_937 = arith.muli %scan3A_935, %mul3A_936 : i32
      %add3A_938 = vector.broadcast %mul3A_937 : i32 to vector<16xi32>
      %add3A_939 = arith.addi %add3A_938, %iota3A : vector<16xi32>
      %min3A = arith.constant 468 : i32
      %min3A_940 = vector.broadcast %min3A : i32 to vector<16xi32>
      %min3A_941 = arith.minsi %add3A_939, %min3A_940 : vector<16xi32>
      %mul3A_942 = arith.constant 70 : i32
      %mul3A_943 = vector.broadcast %mul3A_942 : i32 to vector<16xi32>
      %mul3A_944 = arith.muli %min3A_941, %mul3A_943 : vector<16xi32>
      %mul3A_945 = arith.constant 16 : i32
      %mul3A_946 = arith.muli %scan3A_935, %mul3A_945 : i32
      %get3A_947 = arith.index_cast %mul3A_946 : i32 to index
      %get3A_948 = tpu.vector_load %arg14[%get3A_947] {strides = array<i32>} : memref<480xf32, #tpu.memory_space<vmem>>, vector<16xf32>,
      tpu.vector_store_idx %arg5[%mul3A_944], %get3A_948 : memref<32768xf32, #tpu.memory_space<vmem>>[vector<16xi32>], vector<16xf32>,
    }
    %scan3A_414 = arith.constant 30 : i32
    %get3A_415 = arith.constant 112 : index
    %get3A_416 = tpu.vector_load %arg8[%get3A_415] {strides = array<i32>} : memref<128xf32, #tpu.memory_space<vmem>>, vector<16xf32>,
    %scan3A_417 = arith.constant 0 : i32
    %scan3A_418 = arith.constant 0 : i32
    %scan3A_419 = arith.constant 26 : i32
    %scan3A_420 = arith.addi %scan3A_418, %scan3A_419 : i32
    %scan3A_421 = arith.constant 1 : i32
    scf.for %scan3A_935 = %scan3A_418 to %scan3A_420 step %scan3A_421  : i32 {
      %iota3A = tpu.iota {dimensions = array<i32: 0>} : vector<16xi32>
      %mul3A_936 = arith.constant 16 : i32
      %mul3A_937 = arith.muli %scan3A_935, %mul3A_936 : i32
      %add3A_938 = vector.broadcast %mul3A_937 : i32 to vector<16xi32>
      %add3A_939 = arith.addi %add3A_938, %iota3A : vector<16xi32>
      %min3A = arith.constant 409 : i32
      %min3A_940 = vector.broadcast %min3A : i32 to vector<16xi32>
      %min3A_941 = arith.minsi %add3A_939, %min3A_940 : vector<16xi32>
      %mul3A_942 = arith.constant 80 : i32
      %mul3A_943 = vector.broadcast %mul3A_942 : i32 to vector<16xi32>
      %mul3A_944 = arith.muli %min3A_941, %mul3A_943 : vector<16xi32>
      %gather3A = tpu.vector_load_idx %arg5[%mul3A_944] : memref<32768xf32, #tpu.memory_space<vmem>>[vector<16xi32>], vector<16xf32>,
      %mul3A_945 = arith.constant 16 : i32
      %mul3A_946 = arith.muli %scan3A_935, %mul3A_945 : i32
      %swap3A = arith.index_cast %mul3A_946 : i32 to index
      %swap3A_947 = tpu.vector_load %arg15[%swap3A] {strides = array<i32>} : memref<416xf32, #tpu.memory_space<vmem>>, vector<16xf32>,
      tpu.vector_store %arg15[%swap3A], %gather3A {strides = array<i32>} : memref<416xf32, #tpu.memory_space<vmem>>, vector<16xf32>,
      %add3A_948 = arith.addf %gather3A, %get3A_416 : vector<16xf32>
      %ge3A = arith.constant 4.096000e+03 : f32
      %ge3A_949 = vector.broadcast %ge3A : f32 to vector<16xf32>
      %ge3A_950 = arith.cmpf oge, %add3A_948, %ge3A_949 : vector<16xf32>
      %sub3A = arith.constant 4.096000e+03 : f32
      %sub3A_951 = vector.broadcast %sub3A : f32 to vector<16xf32>
      %sub3A_952 = arith.subf %add3A_948, %sub3A_951 : vector<16xf32>
      %select_n3A = arith.select %ge3A_950, %sub3A_952, %add3A_948 : vector<16xi1>, vector<16xf32>
      tpu.vector_store_idx %arg5[%mul3A_944], %select_n3A : memref<32768xf32, #tpu.memory_space<vmem>>[vector<16xi32>], vector<16xf32>,
    }
    %scan3A_422 = arith.constant 26 : i32
    %add3A_423 = arith.constant 896 : i32
    %add3A_424 = arith.addi %add3A_423, %mul3A_2 : i32
    %add3A_425 = arith.constant 0 : i32
    %add3A_426 = arith.addi %add3A_424, %add3A_425 : i32
    %dma_start3A_427 = arith.constant 0 : i32
    %dma_start3A_428 = tpu.memref_slice %arg4[%add3A_426, %dma_start3A_427] : memref<1024x32768xf32, #tpu.memory_space<hbm>> -> memref<1x32768xf32, #tpu.memory_space<hbm>>
    %dma_start3A_429 = tpu.memref_squeeze %dma_start3A_428 : memref<1x32768xf32, #tpu.memory_space<hbm>> -> memref<32768xf32, #tpu.memory_space<hbm>>
    %dma_start3A_430 = arith.constant 0 : i32
    %dma_start3A_431 = tpu.memref_slice %arg4[%add3A_426, %dma_start3A_430] : memref<1024x32768xf32, #tpu.memory_space<hbm>> -> memref<1x32768xf32, #tpu.memory_space<hbm>>
    %dma_start3A_432 = tpu.memref_squeeze %dma_start3A_431 : memref<1x32768xf32, #tpu.memory_space<hbm>> -> memref<32768xf32, #tpu.memory_space<hbm>>
    tpu.enqueue_dma source(%arg5 : memref<32768xf32, #tpu.memory_space<vmem>>) target(%dma_start3A_432 : memref<32768xf32, #tpu.memory_space<hbm>>) target_semaphore(%arg26 : memref<!tpu.dma_semaphore, #tpu.memory_space<semaphore_mem>>)
    %dma_wait3A_433 = arith.constant 0 : i32
    %dma_wait3A_434 = tpu.memref_slice %arg4[%add3A_396, %dma_wait3A_433] : memref<1024x32768xf32, #tpu.memory_space<hbm>> -> memref<1x32768xf32, #tpu.memory_space<hbm>>
    %dma_wait3A_435 = tpu.memref_squeeze %dma_wait3A_434 : memref<1x32768xf32, #tpu.memory_space<hbm>> -> memref<32768xf32, #tpu.memory_space<hbm>>
    %dma_wait3A_436 = arith.constant 0 : i32
    %dma_wait3A_437 = tpu.memref_slice %arg4[%add3A_396, %dma_wait3A_436] : memref<1024x32768xf32, #tpu.memory_space<hbm>> -> memref<1x32768xf32, #tpu.memory_space<hbm>>
    %dma_wait3A_438 = tpu.memref_squeeze %dma_wait3A_437 : memref<1x32768xf32, #tpu.memory_space<hbm>> -> memref<32768xf32, #tpu.memory_space<hbm>>
    tpu.wait_dma2 semaphore(%arg27 : memref<!tpu.dma_semaphore, #tpu.memory_space<semaphore_mem>>) src(%arg6 : memref<32768xf32, #tpu.memory_space<vmem>>) dst(%dma_wait3A_438 : memref<32768xf32, #tpu.memory_space<hbm>>)
    %scan3A_439 = arith.constant 0 : i32
    %scan3A_440 = arith.constant 0 : i32
    %scan3A_441 = arith.constant 30 : i32
    %scan3A_442 = arith.addi %scan3A_440, %scan3A_441 : i32
    %scan3A_443 = arith.constant 1 : i32
    scf.for %scan3A_935 = %scan3A_440 to %scan3A_442 step %scan3A_443  : i32 {
      %iota3A = tpu.iota {dimensions = array<i32: 0>} : vector<16xi32>
      %mul3A_936 = arith.constant 16 : i32
      %mul3A_937 = arith.muli %scan3A_935, %mul3A_936 : i32
      %add3A_938 = vector.broadcast %mul3A_937 : i32 to vector<16xi32>
      %add3A_939 = arith.addi %add3A_938, %iota3A : vector<16xi32>
      %min3A = arith.constant 468 : i32
      %min3A_940 = vector.broadcast %min3A : i32 to vector<16xi32>
      %min3A_941 = arith.minsi %add3A_939, %min3A_940 : vector<16xi32>
      %mul3A_942 = arith.constant 70 : i32
      %mul3A_943 = vector.broadcast %mul3A_942 : i32 to vector<16xi32>
      %mul3A_944 = arith.muli %min3A_941, %mul3A_943 : vector<16xi32>
      %mul3A_945 = arith.constant 16 : i32
      %mul3A_946 = arith.muli %scan3A_935, %mul3A_945 : i32
      %get3A_947 = arith.index_cast %mul3A_946 : i32 to index
      %get3A_948 = tpu.vector_load %arg21[%get3A_947] {strides = array<i32>} : memref<480xf32, #tpu.memory_space<vmem>>, vector<16xf32>,
      tpu.vector_store_idx %arg6[%mul3A_944], %get3A_948 : memref<32768xf32, #tpu.memory_space<vmem>>[vector<16xi32>], vector<16xf32>,
    }
    %scan3A_444 = arith.constant 30 : i32
    %get3A_445 = arith.constant 112 : index
    %get3A_446 = tpu.vector_load %arg8[%get3A_445] {strides = array<i32>} : memref<128xf32, #tpu.memory_space<vmem>>, vector<16xf32>,
    %scan3A_447 = arith.constant 0 : i32
    %scan3A_448 = arith.constant 0 : i32
    %scan3A_449 = arith.constant 26 : i32
    %scan3A_450 = arith.addi %scan3A_448, %scan3A_449 : i32
    %scan3A_451 = arith.constant 1 : i32
    scf.for %scan3A_935 = %scan3A_448 to %scan3A_450 step %scan3A_451  : i32 {
      %iota3A = tpu.iota {dimensions = array<i32: 0>} : vector<16xi32>
      %mul3A_936 = arith.constant 16 : i32
      %mul3A_937 = arith.muli %scan3A_935, %mul3A_936 : i32
      %add3A_938 = vector.broadcast %mul3A_937 : i32 to vector<16xi32>
      %add3A_939 = arith.addi %add3A_938, %iota3A : vector<16xi32>
      %min3A = arith.constant 409 : i32
      %min3A_940 = vector.broadcast %min3A : i32 to vector<16xi32>
      %min3A_941 = arith.minsi %add3A_939, %min3A_940 : vector<16xi32>
      %mul3A_942 = arith.constant 80 : i32
      %mul3A_943 = vector.broadcast %mul3A_942 : i32 to vector<16xi32>
      %mul3A_944 = arith.muli %min3A_941, %mul3A_943 : vector<16xi32>
      %gather3A = tpu.vector_load_idx %arg6[%mul3A_944] : memref<32768xf32, #tpu.memory_space<vmem>>[vector<16xi32>], vector<16xf32>,
      %mul3A_945 = arith.constant 16 : i32
      %mul3A_946 = arith.muli %scan3A_935, %mul3A_945 : i32
      %swap3A = arith.index_cast %mul3A_946 : i32 to index
      %swap3A_947 = tpu.vector_load %arg22[%swap3A] {strides = array<i32>} : memref<416xf32, #tpu.memory_space<vmem>>, vector<16xf32>,
      tpu.vector_store %arg22[%swap3A], %gather3A {strides = array<i32>} : memref<416xf32, #tpu.memory_space<vmem>>, vector<16xf32>,
      %add3A_948 = arith.addf %gather3A, %get3A_446 : vector<16xf32>
      %ge3A = arith.constant 4.096000e+03 : f32
      %ge3A_949 = vector.broadcast %ge3A : f32 to vector<16xf32>
      %ge3A_950 = arith.cmpf oge, %add3A_948, %ge3A_949 : vector<16xf32>
      %sub3A = arith.constant 4.096000e+03 : f32
      %sub3A_951 = vector.broadcast %sub3A : f32 to vector<16xf32>
      %sub3A_952 = arith.subf %add3A_948, %sub3A_951 : vector<16xf32>
      %select_n3A = arith.select %ge3A_950, %sub3A_952, %add3A_948 : vector<16xi1>, vector<16xf32>
      tpu.vector_store_idx %arg6[%mul3A_944], %select_n3A : memref<32768xf32, #tpu.memory_space<vmem>>[vector<16xi32>], vector<16xf32>,
    }
    %scan3A_452 = arith.constant 26 : i32
    %add3A_453 = arith.constant 896 : i32
    %add3A_454 = arith.addi %add3A_453, %mul3A_2 : i32
    %add3A_455 = arith.constant 1 : i32
    %add3A_456 = arith.addi %add3A_454, %add3A_455 : i32
    %dma_start3A_457 = arith.constant 0 : i32
    %dma_start3A_458 = tpu.memref_slice %arg4[%add3A_456, %dma_start3A_457] : memref<1024x32768xf32, #tpu.memory_space<hbm>> -> memref<1x32768xf32, #tpu.memory_space<hbm>>
    %dma_start3A_459 = tpu.memref_squeeze %dma_start3A_458 : memref<1x32768xf32, #tpu.memory_space<hbm>> -> memref<32768xf32, #tpu.memory_space<hbm>>
    %dma_start3A_460 = arith.constant 0 : i32
    %dma_start3A_461 = tpu.memref_slice %arg4[%add3A_456, %dma_start3A_460] : memref<1024x32768xf32, #tpu.memory_space<hbm>> -> memref<1x32768xf32, #tpu.memory_space<hbm>>
    %dma_start3A_462 = tpu.memref_squeeze %dma_start3A_461 : memref<1x32768xf32, #tpu.memory_space<hbm>> -> memref<32768xf32, #tpu.memory_space<hbm>>
    tpu.enqueue_dma source(%arg6 : memref<32768xf32, #tpu.memory_space<vmem>>) target(%dma_start3A_462 : memref<32768xf32, #tpu.memory_space<hbm>>) target_semaphore(%arg27 : memref<!tpu.dma_semaphore, #tpu.memory_space<semaphore_mem>>)
    %dma_wait3A_463 = arith.constant 0 : i32
    %dma_wait3A_464 = tpu.memref_slice %arg4[%add3A_426, %dma_wait3A_463] : memref<1024x32768xf32, #tpu.memory_space<hbm>> -> memref<1x32768xf32, #tpu.memory_space<hbm>>
    %dma_wait3A_465 = tpu.memref_squeeze %dma_wait3A_464 : memref<1x32768xf32, #tpu.memory_space<hbm>> -> memref<32768xf32, #tpu.memory_space<hbm>>
    %dma_wait3A_466 = arith.constant 0 : i32
    %dma_wait3A_467 = tpu.memref_slice %arg4[%add3A_426, %dma_wait3A_466] : memref<1024x32768xf32, #tpu.memory_space<hbm>> -> memref<1x32768xf32, #tpu.memory_space<hbm>>
    %dma_wait3A_468 = tpu.memref_squeeze %dma_wait3A_467 : memref<1x32768xf32, #tpu.memory_space<hbm>> -> memref<32768xf32, #tpu.memory_space<hbm>>
    tpu.wait_dma2 semaphore(%arg26 : memref<!tpu.dma_semaphore, #tpu.memory_space<semaphore_mem>>) src(%arg5 : memref<32768xf32, #tpu.memory_space<vmem>>) dst(%dma_wait3A_468 : memref<32768xf32, #tpu.memory_space<hbm>>)
    %add3A_469 = arith.constant 3 : i32
    %add3A_470 = arith.addi %mul3A_2, %add3A_469 : i32
    %dma_start3A_471 = arith.constant 0 : i32
    %dma_start3A_472 = tpu.memref_slice %arg2[%add3A_470, %dma_start3A_471] : memref<128x32768xf32, #tpu.memory_space<hbm>> -> memref<1x32768xf32, #tpu.memory_space<hbm>>
    %dma_start3A_473 = tpu.memref_squeeze %dma_start3A_472 : memref<1x32768xf32, #tpu.memory_space<hbm>> -> memref<32768xf32, #tpu.memory_space<hbm>>
    %dma_start3A_474 = arith.constant 0 : i32
    %dma_start3A_475 = tpu.memref_slice %arg2[%add3A_470, %dma_start3A_474] : memref<128x32768xf32, #tpu.memory_space<hbm>> -> memref<1x32768xf32, #tpu.memory_space<hbm>>
    %dma_start3A_476 = tpu.memref_squeeze %dma_start3A_475 : memref<1x32768xf32, #tpu.memory_space<hbm>> -> memref<32768xf32, #tpu.memory_space<hbm>>
    tpu.enqueue_dma source(%dma_start3A_476 : memref<32768xf32, #tpu.memory_space<hbm>>) target(%arg5 : memref<32768xf32, #tpu.memory_space<vmem>>) target_semaphore(%arg23 : memref<!tpu.dma_semaphore, #tpu.memory_space<semaphore_mem>>)
    %dma_wait3A_477 = arith.constant 0 : i32
    %dma_wait3A_478 = tpu.memref_slice %arg2[%add3A_19, %dma_wait3A_477] : memref<128x32768xf32, #tpu.memory_space<hbm>> -> memref<1x32768xf32, #tpu.memory_space<hbm>>
    %dma_wait3A_479 = tpu.memref_squeeze %dma_wait3A_478 : memref<1x32768xf32, #tpu.memory_space<hbm>> -> memref<32768xf32, #tpu.memory_space<hbm>>
    %dma_wait3A_480 = arith.constant 0 : i32
    %dma_wait3A_481 = tpu.memref_slice %arg2[%add3A_19, %dma_wait3A_480] : memref<128x32768xf32, #tpu.memory_space<hbm>> -> memref<1x32768xf32, #tpu.memory_space<hbm>>
    %dma_wait3A_482 = tpu.memref_squeeze %dma_wait3A_481 : memref<1x32768xf32, #tpu.memory_space<hbm>> -> memref<32768xf32, #tpu.memory_space<hbm>>
    tpu.wait_dma2 semaphore(%arg25 : memref<!tpu.dma_semaphore, #tpu.memory_space<semaphore_mem>>) src(%dma_wait3A_482 : memref<32768xf32, #tpu.memory_space<hbm>>) dst(%arg7 : memref<32768xf32, #tpu.memory_space<vmem>>)
    %add3A_483 = arith.constant 0 : i32
    %add3A_484 = arith.addi %add3A_483, %mul3A_2 : i32
    %add3A_485 = arith.constant 2 : i32
    %add3A_486 = arith.addi %add3A_484, %add3A_485 : i32
    %dma_start3A_487 = arith.constant 0 : i32
    %dma_start3A_488 = tpu.memref_slice %arg4[%add3A_486, %dma_start3A_487] : memref<1024x32768xf32, #tpu.memory_space<hbm>> -> memref<1x32768xf32, #tpu.memory_space<hbm>>
    %dma_start3A_489 = tpu.memref_squeeze %dma_start3A_488 : memref<1x32768xf32, #tpu.memory_space<hbm>> -> memref<32768xf32, #tpu.memory_space<hbm>>
    %dma_start3A_490 = arith.constant 0 : i32
    %dma_start3A_491 = tpu.memref_slice %arg4[%add3A_486, %dma_start3A_490] : memref<1024x32768xf32, #tpu.memory_space<hbm>> -> memref<1x32768xf32, #tpu.memory_space<hbm>>
    %dma_start3A_492 = tpu.memref_squeeze %dma_start3A_491 : memref<1x32768xf32, #tpu.memory_space<hbm>> -> memref<32768xf32, #tpu.memory_space<hbm>>
    tpu.enqueue_dma source(%arg7 : memref<32768xf32, #tpu.memory_space<vmem>>) target(%dma_start3A_492 : memref<32768xf32, #tpu.memory_space<hbm>>) target_semaphore(%arg28 : memref<!tpu.dma_semaphore, #tpu.memory_space<semaphore_mem>>)
    %dma_wait3A_493 = arith.constant 0 : i32
    %dma_wait3A_494 = tpu.memref_slice %arg2[%add3A_470, %dma_wait3A_493] : memref<128x32768xf32, #tpu.memory_space<hbm>> -> memref<1x32768xf32, #tpu.memory_space<hbm>>
    %dma_wait3A_495 = tpu.memref_squeeze %dma_wait3A_494 : memref<1x32768xf32, #tpu.memory_space<hbm>> -> memref<32768xf32, #tpu.memory_space<hbm>>
    %dma_wait3A_496 = arith.constant 0 : i32
    %dma_wait3A_497 = tpu.memref_slice %arg2[%add3A_470, %dma_wait3A_496] : memref<128x32768xf32, #tpu.memory_space<hbm>> -> memref<1x32768xf32, #tpu.memory_space<hbm>>
    %dma_wait3A_498 = tpu.memref_squeeze %dma_wait3A_497 : memref<1x32768xf32, #tpu.memory_space<hbm>> -> memref<32768xf32, #tpu.memory_space<hbm>>
    tpu.wait_dma2 semaphore(%arg23 : memref<!tpu.dma_semaphore, #tpu.memory_space<semaphore_mem>>) src(%dma_wait3A_498 : memref<32768xf32, #tpu.memory_space<hbm>>) dst(%arg5 : memref<32768xf32, #tpu.memory_space<vmem>>)
    %add3A_499 = arith.constant 0 : i32
    %add3A_500 = arith.addi %add3A_499, %mul3A_2 : i32
    %add3A_501 = arith.constant 3 : i32
    %add3A_502 = arith.addi %add3A_500, %add3A_501 : i32
    %dma_start3A_503 = arith.constant 0 : i32
    %dma_start3A_504 = tpu.memref_slice %arg4[%add3A_502, %dma_start3A_503] : memref<1024x32768xf32, #tpu.memory_space<hbm>> -> memref<1x32768xf32, #tpu.memory_space<hbm>>
    %dma_start3A_505 = tpu.memref_squeeze %dma_start3A_504 : memref<1x32768xf32, #tpu.memory_space<hbm>> -> memref<32768xf32, #tpu.memory_space<hbm>>
    %dma_start3A_506 = arith.constant 0 : i32
    %dma_start3A_507 = tpu.memref_slice %arg4[%add3A_502, %dma_start3A_506] : memref<1024x32768xf32, #tpu.memory_space<hbm>> -> memref<1x32768xf32, #tpu.memory_space<hbm>>
    %dma_start3A_508 = tpu.memref_squeeze %dma_start3A_507 : memref<1x32768xf32, #tpu.memory_space<hbm>> -> memref<32768xf32, #tpu.memory_space<hbm>>
    tpu.enqueue_dma source(%arg5 : memref<32768xf32, #tpu.memory_space<vmem>>) target(%dma_start3A_508 : memref<32768xf32, #tpu.memory_space<hbm>>) target_semaphore(%arg26 : memref<!tpu.dma_semaphore, #tpu.memory_space<semaphore_mem>>)
    %dma_wait3A_509 = arith.constant 0 : i32
    %dma_wait3A_510 = tpu.memref_slice %arg4[%add3A_486, %dma_wait3A_509] : memref<1024x32768xf32, #tpu.memory_space<hbm>> -> memref<1x32768xf32, #tpu.memory_space<hbm>>
    %dma_wait3A_511 = tpu.memref_squeeze %dma_wait3A_510 : memref<1x32768xf32, #tpu.memory_space<hbm>> -> memref<32768xf32, #tpu.memory_space<hbm>>
    %dma_wait3A_512 = arith.constant 0 : i32
    %dma_wait3A_513 = tpu.memref_slice %arg4[%add3A_486, %dma_wait3A_512] : memref<1024x32768xf32, #tpu.memory_space<hbm>> -> memref<1x32768xf32, #tpu.memory_space<hbm>>
    %dma_wait3A_514 = tpu.memref_squeeze %dma_wait3A_513 : memref<1x32768xf32, #tpu.memory_space<hbm>> -> memref<32768xf32, #tpu.memory_space<hbm>>
    tpu.wait_dma2 semaphore(%arg28 : memref<!tpu.dma_semaphore, #tpu.memory_space<semaphore_mem>>) src(%arg7 : memref<32768xf32, #tpu.memory_space<vmem>>) dst(%dma_wait3A_514 : memref<32768xf32, #tpu.memory_space<hbm>>)
    %get3A_515 = arith.constant 16 : index
    %get3A_516 = tpu.vector_load %arg8[%get3A_515] {strides = array<i32>} : memref<128xf32, #tpu.memory_space<vmem>>, vector<16xf32>,
    %scan3A_517 = arith.constant 0 : i32
    %scan3A_518 = arith.constant 0 : i32
    %scan3A_519 = arith.constant 103 : i32
    %scan3A_520 = arith.addi %scan3A_518, %scan3A_519 : i32
    %scan3A_521 = arith.constant 1 : i32
    scf.for %scan3A_935 = %scan3A_518 to %scan3A_520 step %scan3A_521  : i32 {
      %iota3A = tpu.iota {dimensions = array<i32: 0>} : vector<16xi32>
      %mul3A_936 = arith.constant 16 : i32
      %mul3A_937 = arith.muli %scan3A_935, %mul3A_936 : i32
      %add3A_938 = vector.broadcast %mul3A_937 : i32 to vector<16xi32>
      %add3A_939 = arith.addi %add3A_938, %iota3A : vector<16xi32>
      %min3A = arith.constant 1638 : i32
      %min3A_940 = vector.broadcast %min3A : i32 to vector<16xi32>
      %min3A_941 = arith.minsi %add3A_939, %min3A_940 : vector<16xi32>
      %mul3A_942 = arith.constant 20 : i32
      %mul3A_943 = vector.broadcast %mul3A_942 : i32 to vector<16xi32>
      %mul3A_944 = arith.muli %min3A_941, %mul3A_943 : vector<16xi32>
      %gather3A = tpu.vector_load_idx %arg7[%mul3A_944] : memref<32768xf32, #tpu.memory_space<vmem>>[vector<16xi32>], vector<16xf32>,
      %mul3A_945 = arith.constant 16 : i32
      %mul3A_946 = arith.muli %scan3A_935, %mul3A_945 : i32
      %swap3A = arith.index_cast %mul3A_946 : i32 to index
      %swap3A_947 = tpu.vector_load %arg9[%swap3A] {strides = array<i32>} : memref<1648xf32, #tpu.memory_space<vmem>>, vector<16xf32>,
      tpu.vector_store %arg9[%swap3A], %gather3A {strides = array<i32>} : memref<1648xf32, #tpu.memory_space<vmem>>, vector<16xf32>,
      %add3A_948 = arith.addf %gather3A, %get3A_516 : vector<16xf32>
      %ge3A = arith.constant 4.096000e+03 : f32
      %ge3A_949 = vector.broadcast %ge3A : f32 to vector<16xf32>
      %ge3A_950 = arith.cmpf oge, %add3A_948, %ge3A_949 : vector<16xf32>
      %sub3A = arith.constant 4.096000e+03 : f32
      %sub3A_951 = vector.broadcast %sub3A : f32 to vector<16xf32>
      %sub3A_952 = arith.subf %add3A_948, %sub3A_951 : vector<16xf32>
      %select_n3A = arith.select %ge3A_950, %sub3A_952, %add3A_948 : vector<16xi1>, vector<16xf32>
      tpu.vector_store_idx %arg7[%mul3A_944], %select_n3A : memref<32768xf32, #tpu.memory_space<vmem>>[vector<16xi32>], vector<16xf32>,
    }
    %scan3A_522 = arith.constant 103 : i32
    %add3A_523 = arith.constant 128 : i32
    %add3A_524 = arith.addi %add3A_523, %mul3A_2 : i32
    %add3A_525 = arith.constant 2 : i32
    %add3A_526 = arith.addi %add3A_524, %add3A_525 : i32
    %dma_start3A_527 = arith.constant 0 : i32
    %dma_start3A_528 = tpu.memref_slice %arg4[%add3A_526, %dma_start3A_527] : memref<1024x32768xf32, #tpu.memory_space<hbm>> -> memref<1x32768xf32, #tpu.memory_space<hbm>>
    %dma_start3A_529 = tpu.memref_squeeze %dma_start3A_528 : memref<1x32768xf32, #tpu.memory_space<hbm>> -> memref<32768xf32, #tpu.memory_space<hbm>>
    %dma_start3A_530 = arith.constant 0 : i32
    %dma_start3A_531 = tpu.memref_slice %arg4[%add3A_526, %dma_start3A_530] : memref<1024x32768xf32, #tpu.memory_space<hbm>> -> memref<1x32768xf32, #tpu.memory_space<hbm>>
    %dma_start3A_532 = tpu.memref_squeeze %dma_start3A_531 : memref<1x32768xf32, #tpu.memory_space<hbm>> -> memref<32768xf32, #tpu.memory_space<hbm>>
    tpu.enqueue_dma source(%arg7 : memref<32768xf32, #tpu.memory_space<vmem>>) target(%dma_start3A_532 : memref<32768xf32, #tpu.memory_space<hbm>>) target_semaphore(%arg28 : memref<!tpu.dma_semaphore, #tpu.memory_space<semaphore_mem>>)
    %dma_wait3A_533 = arith.constant 0 : i32
    %dma_wait3A_534 = tpu.memref_slice %arg4[%add3A_502, %dma_wait3A_533] : memref<1024x32768xf32, #tpu.memory_space<hbm>> -> memref<1x32768xf32, #tpu.memory_space<hbm>>
    %dma_wait3A_535 = tpu.memref_squeeze %dma_wait3A_534 : memref<1x32768xf32, #tpu.memory_space<hbm>> -> memref<32768xf32, #tpu.memory_space<hbm>>
    %dma_wait3A_536 = arith.constant 0 : i32
    %dma_wait3A_537 = tpu.memref_slice %arg4[%add3A_502, %dma_wait3A_536] : memref<1024x32768xf32, #tpu.memory_space<hbm>> -> memref<1x32768xf32, #tpu.memory_space<hbm>>
    %dma_wait3A_538 = tpu.memref_squeeze %dma_wait3A_537 : memref<1x32768xf32, #tpu.memory_space<hbm>> -> memref<32768xf32, #tpu.memory_space<hbm>>
    tpu.wait_dma2 semaphore(%arg26 : memref<!tpu.dma_semaphore, #tpu.memory_space<semaphore_mem>>) src(%arg5 : memref<32768xf32, #tpu.memory_space<vmem>>) dst(%dma_wait3A_538 : memref<32768xf32, #tpu.memory_space<hbm>>)
    %get3A_539 = arith.constant 16 : index
    %get3A_540 = tpu.vector_load %arg8[%get3A_539] {strides = array<i32>} : memref<128xf32, #tpu.memory_space<vmem>>, vector<16xf32>,
    %scan3A_541 = arith.constant 0 : i32
    %scan3A_542 = arith.constant 0 : i32
    %scan3A_543 = arith.constant 103 : i32
    %scan3A_544 = arith.addi %scan3A_542, %scan3A_543 : i32
    %scan3A_545 = arith.constant 1 : i32
    scf.for %scan3A_935 = %scan3A_542 to %scan3A_544 step %scan3A_545  : i32 {
      %iota3A = tpu.iota {dimensions = array<i32: 0>} : vector<16xi32>
      %mul3A_936 = arith.constant 16 : i32
      %mul3A_937 = arith.muli %scan3A_935, %mul3A_936 : i32
      %add3A_938 = vector.broadcast %mul3A_937 : i32 to vector<16xi32>
      %add3A_939 = arith.addi %add3A_938, %iota3A : vector<16xi32>
      %min3A = arith.constant 1638 : i32
      %min3A_940 = vector.broadcast %min3A : i32 to vector<16xi32>
      %min3A_941 = arith.minsi %add3A_939, %min3A_940 : vector<16xi32>
      %mul3A_942 = arith.constant 20 : i32
      %mul3A_943 = vector.broadcast %mul3A_942 : i32 to vector<16xi32>
      %mul3A_944 = arith.muli %min3A_941, %mul3A_943 : vector<16xi32>
      %gather3A = tpu.vector_load_idx %arg5[%mul3A_944] : memref<32768xf32, #tpu.memory_space<vmem>>[vector<16xi32>], vector<16xf32>,
      %mul3A_945 = arith.constant 16 : i32
      %mul3A_946 = arith.muli %scan3A_935, %mul3A_945 : i32
      %swap3A = arith.index_cast %mul3A_946 : i32 to index
      %swap3A_947 = tpu.vector_load %arg16[%swap3A] {strides = array<i32>} : memref<1648xf32, #tpu.memory_space<vmem>>, vector<16xf32>,
      tpu.vector_store %arg16[%swap3A], %gather3A {strides = array<i32>} : memref<1648xf32, #tpu.memory_space<vmem>>, vector<16xf32>,
      %add3A_948 = arith.addf %gather3A, %get3A_540 : vector<16xf32>
      %ge3A = arith.constant 4.096000e+03 : f32
      %ge3A_949 = vector.broadcast %ge3A : f32 to vector<16xf32>
      %ge3A_950 = arith.cmpf oge, %add3A_948, %ge3A_949 : vector<16xf32>
      %sub3A = arith.constant 4.096000e+03 : f32
      %sub3A_951 = vector.broadcast %sub3A : f32 to vector<16xf32>
      %sub3A_952 = arith.subf %add3A_948, %sub3A_951 : vector<16xf32>
      %select_n3A = arith.select %ge3A_950, %sub3A_952, %add3A_948 : vector<16xi1>, vector<16xf32>
      tpu.vector_store_idx %arg5[%mul3A_944], %select_n3A : memref<32768xf32, #tpu.memory_space<vmem>>[vector<16xi32>], vector<16xf32>,
    }
    %scan3A_546 = arith.constant 103 : i32
    %add3A_547 = arith.constant 128 : i32
    %add3A_548 = arith.addi %add3A_547, %mul3A_2 : i32
    %add3A_549 = arith.constant 3 : i32
    %add3A_550 = arith.addi %add3A_548, %add3A_549 : i32
    %dma_start3A_551 = arith.constant 0 : i32
    %dma_start3A_552 = tpu.memref_slice %arg4[%add3A_550, %dma_start3A_551] : memref<1024x32768xf32, #tpu.memory_space<hbm>> -> memref<1x32768xf32, #tpu.memory_space<hbm>>
    %dma_start3A_553 = tpu.memref_squeeze %dma_start3A_552 : memref<1x32768xf32, #tpu.memory_space<hbm>> -> memref<32768xf32, #tpu.memory_space<hbm>>
    %dma_start3A_554 = arith.constant 0 : i32
    %dma_start3A_555 = tpu.memref_slice %arg4[%add3A_550, %dma_start3A_554] : memref<1024x32768xf32, #tpu.memory_space<hbm>> -> memref<1x32768xf32, #tpu.memory_space<hbm>>
    %dma_start3A_556 = tpu.memref_squeeze %dma_start3A_555 : memref<1x32768xf32, #tpu.memory_space<hbm>> -> memref<32768xf32, #tpu.memory_space<hbm>>
    tpu.enqueue_dma source(%arg5 : memref<32768xf32, #tpu.memory_space<vmem>>) target(%dma_start3A_556 : memref<32768xf32, #tpu.memory_space<hbm>>) target_semaphore(%arg26 : memref<!tpu.dma_semaphore, #tpu.memory_space<semaphore_mem>>)
    %dma_wait3A_557 = arith.constant 0 : i32
    %dma_wait3A_558 = tpu.memref_slice %arg4[%add3A_526, %dma_wait3A_557] : memref<1024x32768xf32, #tpu.memory_space<hbm>> -> memref<1x32768xf32, #tpu.memory_space<hbm>>
    %dma_wait3A_559 = tpu.memref_squeeze %dma_wait3A_558 : memref<1x32768xf32, #tpu.memory_space<hbm>> -> memref<32768xf32, #tpu.memory_space<hbm>>
    %dma_wait3A_560 = arith.constant 0 : i32
    %dma_wait3A_561 = tpu.memref_slice %arg4[%add3A_526, %dma_wait3A_560] : memref<1024x32768xf32, #tpu.memory_space<hbm>> -> memref<1x32768xf32, #tpu.memory_space<hbm>>
    %dma_wait3A_562 = tpu.memref_squeeze %dma_wait3A_561 : memref<1x32768xf32, #tpu.memory_space<hbm>> -> memref<32768xf32, #tpu.memory_space<hbm>>
    tpu.wait_dma2 semaphore(%arg28 : memref<!tpu.dma_semaphore, #tpu.memory_space<semaphore_mem>>) src(%arg7 : memref<32768xf32, #tpu.memory_space<vmem>>) dst(%dma_wait3A_562 : memref<32768xf32, #tpu.memory_space<hbm>>)
    %scan3A_563 = arith.constant 0 : i32
    %scan3A_564 = arith.constant 0 : i32
    %scan3A_565 = arith.constant 103 : i32
    %scan3A_566 = arith.addi %scan3A_564, %scan3A_565 : i32
    %scan3A_567 = arith.constant 1 : i32
    scf.for %scan3A_935 = %scan3A_564 to %scan3A_566 step %scan3A_567  : i32 {
      %iota3A = tpu.iota {dimensions = array<i32: 0>} : vector<16xi32>
      %mul3A_936 = arith.constant 16 : i32
      %mul3A_937 = arith.muli %scan3A_935, %mul3A_936 : i32
      %add3A_938 = vector.broadcast %mul3A_937 : i32 to vector<16xi32>
      %add3A_939 = arith.addi %add3A_938, %iota3A : vector<16xi32>
      %min3A = arith.constant 1638 : i32
      %min3A_940 = vector.broadcast %min3A : i32 to vector<16xi32>
      %min3A_941 = arith.minsi %add3A_939, %min3A_940 : vector<16xi32>
      %mul3A_942 = arith.constant 20 : i32
      %mul3A_943 = vector.broadcast %mul3A_942 : i32 to vector<16xi32>
      %mul3A_944 = arith.muli %min3A_941, %mul3A_943 : vector<16xi32>
      %mul3A_945 = arith.constant 16 : i32
      %mul3A_946 = arith.muli %scan3A_935, %mul3A_945 : i32
      %get3A_947 = arith.index_cast %mul3A_946 : i32 to index
      %get3A_948 = tpu.vector_load %arg9[%get3A_947] {strides = array<i32>} : memref<1648xf32, #tpu.memory_space<vmem>>, vector<16xf32>,
      tpu.vector_store_idx %arg7[%mul3A_944], %get3A_948 : memref<32768xf32, #tpu.memory_space<vmem>>[vector<16xi32>], vector<16xf32>,
    }
    %scan3A_568 = arith.constant 103 : i32
    %get3A_569 = arith.constant 32 : index
    %get3A_570 = tpu.vector_load %arg8[%get3A_569] {strides = array<i32>} : memref<128xf32, #tpu.memory_space<vmem>>, vector<16xf32>,
    %scan3A_571 = arith.constant 0 : i32
    %scan3A_572 = arith.constant 0 : i32
    %scan3A_573 = arith.constant 69 : i32
    %scan3A_574 = arith.addi %scan3A_572, %scan3A_573 : i32
    %scan3A_575 = arith.constant 1 : i32
    scf.for %scan3A_935 = %scan3A_572 to %scan3A_574 step %scan3A_575  : i32 {
      %iota3A = tpu.iota {dimensions = array<i32: 0>} : vector<16xi32>
      %mul3A_936 = arith.constant 16 : i32
      %mul3A_937 = arith.muli %scan3A_935, %mul3A_936 : i32
      %add3A_938 = vector.broadcast %mul3A_937 : i32 to vector<16xi32>
      %add3A_939 = arith.addi %add3A_938, %iota3A : vector<16xi32>
      %min3A = arith.constant 1092 : i32
      %min3A_940 = vector.broadcast %min3A : i32 to vector<16xi32>
      %min3A_941 = arith.minsi %add3A_939, %min3A_940 : vector<16xi32>
      %mul3A_942 = arith.constant 30 : i32
      %mul3A_943 = vector.broadcast %mul3A_942 : i32 to vector<16xi32>
      %mul3A_944 = arith.muli %min3A_941, %mul3A_943 : vector<16xi32>
      %gather3A = tpu.vector_load_idx %arg7[%mul3A_944] : memref<32768xf32, #tpu.memory_space<vmem>>[vector<16xi32>], vector<16xf32>,
      %mul3A_945 = arith.constant 16 : i32
      %mul3A_946 = arith.muli %scan3A_935, %mul3A_945 : i32
      %swap3A = arith.index_cast %mul3A_946 : i32 to index
      %swap3A_947 = tpu.vector_load %arg10[%swap3A] {strides = array<i32>} : memref<1104xf32, #tpu.memory_space<vmem>>, vector<16xf32>,
      tpu.vector_store %arg10[%swap3A], %gather3A {strides = array<i32>} : memref<1104xf32, #tpu.memory_space<vmem>>, vector<16xf32>,
      %add3A_948 = arith.addf %gather3A, %get3A_570 : vector<16xf32>
      %ge3A = arith.constant 4.096000e+03 : f32
      %ge3A_949 = vector.broadcast %ge3A : f32 to vector<16xf32>
      %ge3A_950 = arith.cmpf oge, %add3A_948, %ge3A_949 : vector<16xf32>
      %sub3A = arith.constant 4.096000e+03 : f32
      %sub3A_951 = vector.broadcast %sub3A : f32 to vector<16xf32>
      %sub3A_952 = arith.subf %add3A_948, %sub3A_951 : vector<16xf32>
      %select_n3A = arith.select %ge3A_950, %sub3A_952, %add3A_948 : vector<16xi1>, vector<16xf32>
      tpu.vector_store_idx %arg7[%mul3A_944], %select_n3A : memref<32768xf32, #tpu.memory_space<vmem>>[vector<16xi32>], vector<16xf32>,
    }
    %scan3A_576 = arith.constant 69 : i32
    %add3A_577 = arith.constant 256 : i32
    %add3A_578 = arith.addi %add3A_577, %mul3A_2 : i32
    %add3A_579 = arith.constant 2 : i32
    %add3A_580 = arith.addi %add3A_578, %add3A_579 : i32
    %dma_start3A_581 = arith.constant 0 : i32
    %dma_start3A_582 = tpu.memref_slice %arg4[%add3A_580, %dma_start3A_581] : memref<1024x32768xf32, #tpu.memory_space<hbm>> -> memref<1x32768xf32, #tpu.memory_space<hbm>>
    %dma_start3A_583 = tpu.memref_squeeze %dma_start3A_582 : memref<1x32768xf32, #tpu.memory_space<hbm>> -> memref<32768xf32, #tpu.memory_space<hbm>>
    %dma_start3A_584 = arith.constant 0 : i32
    %dma_start3A_585 = tpu.memref_slice %arg4[%add3A_580, %dma_start3A_584] : memref<1024x32768xf32, #tpu.memory_space<hbm>> -> memref<1x32768xf32, #tpu.memory_space<hbm>>
    %dma_start3A_586 = tpu.memref_squeeze %dma_start3A_585 : memref<1x32768xf32, #tpu.memory_space<hbm>> -> memref<32768xf32, #tpu.memory_space<hbm>>
    tpu.enqueue_dma source(%arg7 : memref<32768xf32, #tpu.memory_space<vmem>>) target(%dma_start3A_586 : memref<32768xf32, #tpu.memory_space<hbm>>) target_semaphore(%arg28 : memref<!tpu.dma_semaphore, #tpu.memory_space<semaphore_mem>>)
    %dma_wait3A_587 = arith.constant 0 : i32
    %dma_wait3A_588 = tpu.memref_slice %arg4[%add3A_550, %dma_wait3A_587] : memref<1024x32768xf32, #tpu.memory_space<hbm>> -> memref<1x32768xf32, #tpu.memory_space<hbm>>
    %dma_wait3A_589 = tpu.memref_squeeze %dma_wait3A_588 : memref<1x32768xf32, #tpu.memory_space<hbm>> -> memref<32768xf32, #tpu.memory_space<hbm>>
    %dma_wait3A_590 = arith.constant 0 : i32
    %dma_wait3A_591 = tpu.memref_slice %arg4[%add3A_550, %dma_wait3A_590] : memref<1024x32768xf32, #tpu.memory_space<hbm>> -> memref<1x32768xf32, #tpu.memory_space<hbm>>
    %dma_wait3A_592 = tpu.memref_squeeze %dma_wait3A_591 : memref<1x32768xf32, #tpu.memory_space<hbm>> -> memref<32768xf32, #tpu.memory_space<hbm>>
    tpu.wait_dma2 semaphore(%arg26 : memref<!tpu.dma_semaphore, #tpu.memory_space<semaphore_mem>>) src(%arg5 : memref<32768xf32, #tpu.memory_space<vmem>>) dst(%dma_wait3A_592 : memref<32768xf32, #tpu.memory_space<hbm>>)
    %scan3A_593 = arith.constant 0 : i32
    %scan3A_594 = arith.constant 0 : i32
    %scan3A_595 = arith.constant 103 : i32
    %scan3A_596 = arith.addi %scan3A_594, %scan3A_595 : i32
    %scan3A_597 = arith.constant 1 : i32
    scf.for %scan3A_935 = %scan3A_594 to %scan3A_596 step %scan3A_597  : i32 {
      %iota3A = tpu.iota {dimensions = array<i32: 0>} : vector<16xi32>
      %mul3A_936 = arith.constant 16 : i32
      %mul3A_937 = arith.muli %scan3A_935, %mul3A_936 : i32
      %add3A_938 = vector.broadcast %mul3A_937 : i32 to vector<16xi32>
      %add3A_939 = arith.addi %add3A_938, %iota3A : vector<16xi32>
      %min3A = arith.constant 1638 : i32
      %min3A_940 = vector.broadcast %min3A : i32 to vector<16xi32>
      %min3A_941 = arith.minsi %add3A_939, %min3A_940 : vector<16xi32>
      %mul3A_942 = arith.constant 20 : i32
      %mul3A_943 = vector.broadcast %mul3A_942 : i32 to vector<16xi32>
      %mul3A_944 = arith.muli %min3A_941, %mul3A_943 : vector<16xi32>
      %mul3A_945 = arith.constant 16 : i32
      %mul3A_946 = arith.muli %scan3A_935, %mul3A_945 : i32
      %get3A_947 = arith.index_cast %mul3A_946 : i32 to index
      %get3A_948 = tpu.vector_load %arg16[%get3A_947] {strides = array<i32>} : memref<1648xf32, #tpu.memory_space<vmem>>, vector<16xf32>,
      tpu.vector_store_idx %arg5[%mul3A_944], %get3A_948 : memref<32768xf32, #tpu.memory_space<vmem>>[vector<16xi32>], vector<16xf32>,
    }
    %scan3A_598 = arith.constant 103 : i32
    %get3A_599 = arith.constant 32 : index
    %get3A_600 = tpu.vector_load %arg8[%get3A_599] {strides = array<i32>} : memref<128xf32, #tpu.memory_space<vmem>>, vector<16xf32>,
    %scan3A_601 = arith.constant 0 : i32
    %scan3A_602 = arith.constant 0 : i32
    %scan3A_603 = arith.constant 69 : i32
    %scan3A_604 = arith.addi %scan3A_602, %scan3A_603 : i32
    %scan3A_605 = arith.constant 1 : i32
    scf.for %scan3A_935 = %scan3A_602 to %scan3A_604 step %scan3A_605  : i32 {
      %iota3A = tpu.iota {dimensions = array<i32: 0>} : vector<16xi32>
      %mul3A_936 = arith.constant 16 : i32
      %mul3A_937 = arith.muli %scan3A_935, %mul3A_936 : i32
      %add3A_938 = vector.broadcast %mul3A_937 : i32 to vector<16xi32>
      %add3A_939 = arith.addi %add3A_938, %iota3A : vector<16xi32>
      %min3A = arith.constant 1092 : i32
      %min3A_940 = vector.broadcast %min3A : i32 to vector<16xi32>
      %min3A_941 = arith.minsi %add3A_939, %min3A_940 : vector<16xi32>
      %mul3A_942 = arith.constant 30 : i32
      %mul3A_943 = vector.broadcast %mul3A_942 : i32 to vector<16xi32>
      %mul3A_944 = arith.muli %min3A_941, %mul3A_943 : vector<16xi32>
      %gather3A = tpu.vector_load_idx %arg5[%mul3A_944] : memref<32768xf32, #tpu.memory_space<vmem>>[vector<16xi32>], vector<16xf32>,
      %mul3A_945 = arith.constant 16 : i32
      %mul3A_946 = arith.muli %scan3A_935, %mul3A_945 : i32
      %swap3A = arith.index_cast %mul3A_946 : i32 to index
      %swap3A_947 = tpu.vector_load %arg17[%swap3A] {strides = array<i32>} : memref<1104xf32, #tpu.memory_space<vmem>>, vector<16xf32>,
      tpu.vector_store %arg17[%swap3A], %gather3A {strides = array<i32>} : memref<1104xf32, #tpu.memory_space<vmem>>, vector<16xf32>,
      %add3A_948 = arith.addf %gather3A, %get3A_600 : vector<16xf32>
      %ge3A = arith.constant 4.096000e+03 : f32
      %ge3A_949 = vector.broadcast %ge3A : f32 to vector<16xf32>
      %ge3A_950 = arith.cmpf oge, %add3A_948, %ge3A_949 : vector<16xf32>
      %sub3A = arith.constant 4.096000e+03 : f32
      %sub3A_951 = vector.broadcast %sub3A : f32 to vector<16xf32>
      %sub3A_952 = arith.subf %add3A_948, %sub3A_951 : vector<16xf32>
      %select_n3A = arith.select %ge3A_950, %sub3A_952, %add3A_948 : vector<16xi1>, vector<16xf32>
      tpu.vector_store_idx %arg5[%mul3A_944], %select_n3A : memref<32768xf32, #tpu.memory_space<vmem>>[vector<16xi32>], vector<16xf32>,
    }
    %scan3A_606 = arith.constant 69 : i32
    %add3A_607 = arith.constant 256 : i32
    %add3A_608 = arith.addi %add3A_607, %mul3A_2 : i32
    %add3A_609 = arith.constant 3 : i32
    %add3A_610 = arith.addi %add3A_608, %add3A_609 : i32
    %dma_start3A_611 = arith.constant 0 : i32
    %dma_start3A_612 = tpu.memref_slice %arg4[%add3A_610, %dma_start3A_611] : memref<1024x32768xf32, #tpu.memory_space<hbm>> -> memref<1x32768xf32, #tpu.memory_space<hbm>>
    %dma_start3A_613 = tpu.memref_squeeze %dma_start3A_612 : memref<1x32768xf32, #tpu.memory_space<hbm>> -> memref<32768xf32, #tpu.memory_space<hbm>>
    %dma_start3A_614 = arith.constant 0 : i32
    %dma_start3A_615 = tpu.memref_slice %arg4[%add3A_610, %dma_start3A_614] : memref<1024x32768xf32, #tpu.memory_space<hbm>> -> memref<1x32768xf32, #tpu.memory_space<hbm>>
    %dma_start3A_616 = tpu.memref_squeeze %dma_start3A_615 : memref<1x32768xf32, #tpu.memory_space<hbm>> -> memref<32768xf32, #tpu.memory_space<hbm>>
    tpu.enqueue_dma source(%arg5 : memref<32768xf32, #tpu.memory_space<vmem>>) target(%dma_start3A_616 : memref<32768xf32, #tpu.memory_space<hbm>>) target_semaphore(%arg26 : memref<!tpu.dma_semaphore, #tpu.memory_space<semaphore_mem>>)
    %dma_wait3A_617 = arith.constant 0 : i32
    %dma_wait3A_618 = tpu.memref_slice %arg4[%add3A_580, %dma_wait3A_617] : memref<1024x32768xf32, #tpu.memory_space<hbm>> -> memref<1x32768xf32, #tpu.memory_space<hbm>>
    %dma_wait3A_619 = tpu.memref_squeeze %dma_wait3A_618 : memref<1x32768xf32, #tpu.memory_space<hbm>> -> memref<32768xf32, #tpu.memory_space<hbm>>
    %dma_wait3A_620 = arith.constant 0 : i32
    %dma_wait3A_621 = tpu.memref_slice %arg4[%add3A_580, %dma_wait3A_620] : memref<1024x32768xf32, #tpu.memory_space<hbm>> -> memref<1x32768xf32, #tpu.memory_space<hbm>>
    %dma_wait3A_622 = tpu.memref_squeeze %dma_wait3A_621 : memref<1x32768xf32, #tpu.memory_space<hbm>> -> memref<32768xf32, #tpu.memory_space<hbm>>
    tpu.wait_dma2 semaphore(%arg28 : memref<!tpu.dma_semaphore, #tpu.memory_space<semaphore_mem>>) src(%arg7 : memref<32768xf32, #tpu.memory_space<vmem>>) dst(%dma_wait3A_622 : memref<32768xf32, #tpu.memory_space<hbm>>)
    %scan3A_623 = arith.constant 0 : i32
    %scan3A_624 = arith.constant 0 : i32
    %scan3A_625 = arith.constant 69 : i32
    %scan3A_626 = arith.addi %scan3A_624, %scan3A_625 : i32
    %scan3A_627 = arith.constant 1 : i32
    scf.for %scan3A_935 = %scan3A_624 to %scan3A_626 step %scan3A_627  : i32 {
      %iota3A = tpu.iota {dimensions = array<i32: 0>} : vector<16xi32>
      %mul3A_936 = arith.constant 16 : i32
      %mul3A_937 = arith.muli %scan3A_935, %mul3A_936 : i32
      %add3A_938 = vector.broadcast %mul3A_937 : i32 to vector<16xi32>
      %add3A_939 = arith.addi %add3A_938, %iota3A : vector<16xi32>
      %min3A = arith.constant 1092 : i32
      %min3A_940 = vector.broadcast %min3A : i32 to vector<16xi32>
      %min3A_941 = arith.minsi %add3A_939, %min3A_940 : vector<16xi32>
      %mul3A_942 = arith.constant 30 : i32
      %mul3A_943 = vector.broadcast %mul3A_942 : i32 to vector<16xi32>
      %mul3A_944 = arith.muli %min3A_941, %mul3A_943 : vector<16xi32>
      %mul3A_945 = arith.constant 16 : i32
      %mul3A_946 = arith.muli %scan3A_935, %mul3A_945 : i32
      %get3A_947 = arith.index_cast %mul3A_946 : i32 to index
      %get3A_948 = tpu.vector_load %arg10[%get3A_947] {strides = array<i32>} : memref<1104xf32, #tpu.memory_space<vmem>>, vector<16xf32>,
      tpu.vector_store_idx %arg7[%mul3A_944], %get3A_948 : memref<32768xf32, #tpu.memory_space<vmem>>[vector<16xi32>], vector<16xf32>,
    }
    %scan3A_628 = arith.constant 69 : i32
    %get3A_629 = arith.constant 48 : index
    %get3A_630 = tpu.vector_load %arg8[%get3A_629] {strides = array<i32>} : memref<128xf32, #tpu.memory_space<vmem>>, vector<16xf32>,
    %scan3A_631 = arith.constant 0 : i32
    %scan3A_632 = arith.constant 0 : i32
    %scan3A_633 = arith.constant 52 : i32
    %scan3A_634 = arith.addi %scan3A_632, %scan3A_633 : i32
    %scan3A_635 = arith.constant 1 : i32
    scf.for %scan3A_935 = %scan3A_632 to %scan3A_634 step %scan3A_635  : i32 {
      %iota3A = tpu.iota {dimensions = array<i32: 0>} : vector<16xi32>
      %mul3A_936 = arith.constant 16 : i32
      %mul3A_937 = arith.muli %scan3A_935, %mul3A_936 : i32
      %add3A_938 = vector.broadcast %mul3A_937 : i32 to vector<16xi32>
      %add3A_939 = arith.addi %add3A_938, %iota3A : vector<16xi32>
      %min3A = arith.constant 819 : i32
      %min3A_940 = vector.broadcast %min3A : i32 to vector<16xi32>
      %min3A_941 = arith.minsi %add3A_939, %min3A_940 : vector<16xi32>
      %mul3A_942 = arith.constant 40 : i32
      %mul3A_943 = vector.broadcast %mul3A_942 : i32 to vector<16xi32>
      %mul3A_944 = arith.muli %min3A_941, %mul3A_943 : vector<16xi32>
      %gather3A = tpu.vector_load_idx %arg7[%mul3A_944] : memref<32768xf32, #tpu.memory_space<vmem>>[vector<16xi32>], vector<16xf32>,
      %mul3A_945 = arith.constant 16 : i32
      %mul3A_946 = arith.muli %scan3A_935, %mul3A_945 : i32
      %swap3A = arith.index_cast %mul3A_946 : i32 to index
      %swap3A_947 = tpu.vector_load %arg11[%swap3A] {strides = array<i32>} : memref<832xf32, #tpu.memory_space<vmem>>, vector<16xf32>,
      tpu.vector_store %arg11[%swap3A], %gather3A {strides = array<i32>} : memref<832xf32, #tpu.memory_space<vmem>>, vector<16xf32>,
      %add3A_948 = arith.addf %gather3A, %get3A_630 : vector<16xf32>
      %ge3A = arith.constant 4.096000e+03 : f32
      %ge3A_949 = vector.broadcast %ge3A : f32 to vector<16xf32>
      %ge3A_950 = arith.cmpf oge, %add3A_948, %ge3A_949 : vector<16xf32>
      %sub3A = arith.constant 4.096000e+03 : f32
      %sub3A_951 = vector.broadcast %sub3A : f32 to vector<16xf32>
      %sub3A_952 = arith.subf %add3A_948, %sub3A_951 : vector<16xf32>
      %select_n3A = arith.select %ge3A_950, %sub3A_952, %add3A_948 : vector<16xi1>, vector<16xf32>
      tpu.vector_store_idx %arg7[%mul3A_944], %select_n3A : memref<32768xf32, #tpu.memory_space<vmem>>[vector<16xi32>], vector<16xf32>,
    }
    %scan3A_636 = arith.constant 52 : i32
    %add3A_637 = arith.constant 384 : i32
    %add3A_638 = arith.addi %add3A_637, %mul3A_2 : i32
    %add3A_639 = arith.constant 2 : i32
    %add3A_640 = arith.addi %add3A_638, %add3A_639 : i32
    %dma_start3A_641 = arith.constant 0 : i32
    %dma_start3A_642 = tpu.memref_slice %arg4[%add3A_640, %dma_start3A_641] : memref<1024x32768xf32, #tpu.memory_space<hbm>> -> memref<1x32768xf32, #tpu.memory_space<hbm>>
    %dma_start3A_643 = tpu.memref_squeeze %dma_start3A_642 : memref<1x32768xf32, #tpu.memory_space<hbm>> -> memref<32768xf32, #tpu.memory_space<hbm>>
    %dma_start3A_644 = arith.constant 0 : i32
    %dma_start3A_645 = tpu.memref_slice %arg4[%add3A_640, %dma_start3A_644] : memref<1024x32768xf32, #tpu.memory_space<hbm>> -> memref<1x32768xf32, #tpu.memory_space<hbm>>
    %dma_start3A_646 = tpu.memref_squeeze %dma_start3A_645 : memref<1x32768xf32, #tpu.memory_space<hbm>> -> memref<32768xf32, #tpu.memory_space<hbm>>
    tpu.enqueue_dma source(%arg7 : memref<32768xf32, #tpu.memory_space<vmem>>) target(%dma_start3A_646 : memref<32768xf32, #tpu.memory_space<hbm>>) target_semaphore(%arg28 : memref<!tpu.dma_semaphore, #tpu.memory_space<semaphore_mem>>)
    %dma_wait3A_647 = arith.constant 0 : i32
    %dma_wait3A_648 = tpu.memref_slice %arg4[%add3A_610, %dma_wait3A_647] : memref<1024x32768xf32, #tpu.memory_space<hbm>> -> memref<1x32768xf32, #tpu.memory_space<hbm>>
    %dma_wait3A_649 = tpu.memref_squeeze %dma_wait3A_648 : memref<1x32768xf32, #tpu.memory_space<hbm>> -> memref<32768xf32, #tpu.memory_space<hbm>>
    %dma_wait3A_650 = arith.constant 0 : i32
    %dma_wait3A_651 = tpu.memref_slice %arg4[%add3A_610, %dma_wait3A_650] : memref<1024x32768xf32, #tpu.memory_space<hbm>> -> memref<1x32768xf32, #tpu.memory_space<hbm>>
    %dma_wait3A_652 = tpu.memref_squeeze %dma_wait3A_651 : memref<1x32768xf32, #tpu.memory_space<hbm>> -> memref<32768xf32, #tpu.memory_space<hbm>>
    tpu.wait_dma2 semaphore(%arg26 : memref<!tpu.dma_semaphore, #tpu.memory_space<semaphore_mem>>) src(%arg5 : memref<32768xf32, #tpu.memory_space<vmem>>) dst(%dma_wait3A_652 : memref<32768xf32, #tpu.memory_space<hbm>>)
    %scan3A_653 = arith.constant 0 : i32
    %scan3A_654 = arith.constant 0 : i32
    %scan3A_655 = arith.constant 69 : i32
    %scan3A_656 = arith.addi %scan3A_654, %scan3A_655 : i32
    %scan3A_657 = arith.constant 1 : i32
    scf.for %scan3A_935 = %scan3A_654 to %scan3A_656 step %scan3A_657  : i32 {
      %iota3A = tpu.iota {dimensions = array<i32: 0>} : vector<16xi32>
      %mul3A_936 = arith.constant 16 : i32
      %mul3A_937 = arith.muli %scan3A_935, %mul3A_936 : i32
      %add3A_938 = vector.broadcast %mul3A_937 : i32 to vector<16xi32>
      %add3A_939 = arith.addi %add3A_938, %iota3A : vector<16xi32>
      %min3A = arith.constant 1092 : i32
      %min3A_940 = vector.broadcast %min3A : i32 to vector<16xi32>
      %min3A_941 = arith.minsi %add3A_939, %min3A_940 : vector<16xi32>
      %mul3A_942 = arith.constant 30 : i32
      %mul3A_943 = vector.broadcast %mul3A_942 : i32 to vector<16xi32>
      %mul3A_944 = arith.muli %min3A_941, %mul3A_943 : vector<16xi32>
      %mul3A_945 = arith.constant 16 : i32
      %mul3A_946 = arith.muli %scan3A_935, %mul3A_945 : i32
      %get3A_947 = arith.index_cast %mul3A_946 : i32 to index
      %get3A_948 = tpu.vector_load %arg17[%get3A_947] {strides = array<i32>} : memref<1104xf32, #tpu.memory_space<vmem>>, vector<16xf32>,
      tpu.vector_store_idx %arg5[%mul3A_944], %get3A_948 : memref<32768xf32, #tpu.memory_space<vmem>>[vector<16xi32>], vector<16xf32>,
    }
    %scan3A_658 = arith.constant 69 : i32
    %get3A_659 = arith.constant 48 : index
    %get3A_660 = tpu.vector_load %arg8[%get3A_659] {strides = array<i32>} : memref<128xf32, #tpu.memory_space<vmem>>, vector<16xf32>,
    %scan3A_661 = arith.constant 0 : i32
    %scan3A_662 = arith.constant 0 : i32
    %scan3A_663 = arith.constant 52 : i32
    %scan3A_664 = arith.addi %scan3A_662, %scan3A_663 : i32
    %scan3A_665 = arith.constant 1 : i32
    scf.for %scan3A_935 = %scan3A_662 to %scan3A_664 step %scan3A_665  : i32 {
      %iota3A = tpu.iota {dimensions = array<i32: 0>} : vector<16xi32>
      %mul3A_936 = arith.constant 16 : i32
      %mul3A_937 = arith.muli %scan3A_935, %mul3A_936 : i32
      %add3A_938 = vector.broadcast %mul3A_937 : i32 to vector<16xi32>
      %add3A_939 = arith.addi %add3A_938, %iota3A : vector<16xi32>
      %min3A = arith.constant 819 : i32
      %min3A_940 = vector.broadcast %min3A : i32 to vector<16xi32>
      %min3A_941 = arith.minsi %add3A_939, %min3A_940 : vector<16xi32>
      %mul3A_942 = arith.constant 40 : i32
      %mul3A_943 = vector.broadcast %mul3A_942 : i32 to vector<16xi32>
      %mul3A_944 = arith.muli %min3A_941, %mul3A_943 : vector<16xi32>
      %gather3A = tpu.vector_load_idx %arg5[%mul3A_944] : memref<32768xf32, #tpu.memory_space<vmem>>[vector<16xi32>], vector<16xf32>,
      %mul3A_945 = arith.constant 16 : i32
      %mul3A_946 = arith.muli %scan3A_935, %mul3A_945 : i32
      %swap3A = arith.index_cast %mul3A_946 : i32 to index
      %swap3A_947 = tpu.vector_load %arg18[%swap3A] {strides = array<i32>} : memref<832xf32, #tpu.memory_space<vmem>>, vector<16xf32>,
      tpu.vector_store %arg18[%swap3A], %gather3A {strides = array<i32>} : memref<832xf32, #tpu.memory_space<vmem>>, vector<16xf32>,
      %add3A_948 = arith.addf %gather3A, %get3A_660 : vector<16xf32>
      %ge3A = arith.constant 4.096000e+03 : f32
      %ge3A_949 = vector.broadcast %ge3A : f32 to vector<16xf32>
      %ge3A_950 = arith.cmpf oge, %add3A_948, %ge3A_949 : vector<16xf32>
      %sub3A = arith.constant 4.096000e+03 : f32
      %sub3A_951 = vector.broadcast %sub3A : f32 to vector<16xf32>
      %sub3A_952 = arith.subf %add3A_948, %sub3A_951 : vector<16xf32>
      %select_n3A = arith.select %ge3A_950, %sub3A_952, %add3A_948 : vector<16xi1>, vector<16xf32>
      tpu.vector_store_idx %arg5[%mul3A_944], %select_n3A : memref<32768xf32, #tpu.memory_space<vmem>>[vector<16xi32>], vector<16xf32>,
    }
    %scan3A_666 = arith.constant 52 : i32
    %add3A_667 = arith.constant 384 : i32
    %add3A_668 = arith.addi %add3A_667, %mul3A_2 : i32
    %add3A_669 = arith.constant 3 : i32
    %add3A_670 = arith.addi %add3A_668, %add3A_669 : i32
    %dma_start3A_671 = arith.constant 0 : i32
    %dma_start3A_672 = tpu.memref_slice %arg4[%add3A_670, %dma_start3A_671] : memref<1024x32768xf32, #tpu.memory_space<hbm>> -> memref<1x32768xf32, #tpu.memory_space<hbm>>
    %dma_start3A_673 = tpu.memref_squeeze %dma_start3A_672 : memref<1x32768xf32, #tpu.memory_space<hbm>> -> memref<32768xf32, #tpu.memory_space<hbm>>
    %dma_start3A_674 = arith.constant 0 : i32
    %dma_start3A_675 = tpu.memref_slice %arg4[%add3A_670, %dma_start3A_674] : memref<1024x32768xf32, #tpu.memory_space<hbm>> -> memref<1x32768xf32, #tpu.memory_space<hbm>>
    %dma_start3A_676 = tpu.memref_squeeze %dma_start3A_675 : memref<1x32768xf32, #tpu.memory_space<hbm>> -> memref<32768xf32, #tpu.memory_space<hbm>>
    tpu.enqueue_dma source(%arg5 : memref<32768xf32, #tpu.memory_space<vmem>>) target(%dma_start3A_676 : memref<32768xf32, #tpu.memory_space<hbm>>) target_semaphore(%arg26 : memref<!tpu.dma_semaphore, #tpu.memory_space<semaphore_mem>>)
    %dma_wait3A_677 = arith.constant 0 : i32
    %dma_wait3A_678 = tpu.memref_slice %arg4[%add3A_640, %dma_wait3A_677] : memref<1024x32768xf32, #tpu.memory_space<hbm>> -> memref<1x32768xf32, #tpu.memory_space<hbm>>
    %dma_wait3A_679 = tpu.memref_squeeze %dma_wait3A_678 : memref<1x32768xf32, #tpu.memory_space<hbm>> -> memref<32768xf32, #tpu.memory_space<hbm>>
    %dma_wait3A_680 = arith.constant 0 : i32
    %dma_wait3A_681 = tpu.memref_slice %arg4[%add3A_640, %dma_wait3A_680] : memref<1024x32768xf32, #tpu.memory_space<hbm>> -> memref<1x32768xf32, #tpu.memory_space<hbm>>
    %dma_wait3A_682 = tpu.memref_squeeze %dma_wait3A_681 : memref<1x32768xf32, #tpu.memory_space<hbm>> -> memref<32768xf32, #tpu.memory_space<hbm>>
    tpu.wait_dma2 semaphore(%arg28 : memref<!tpu.dma_semaphore, #tpu.memory_space<semaphore_mem>>) src(%arg7 : memref<32768xf32, #tpu.memory_space<vmem>>) dst(%dma_wait3A_682 : memref<32768xf32, #tpu.memory_space<hbm>>)
    %scan3A_683 = arith.constant 0 : i32
    %scan3A_684 = arith.constant 0 : i32
    %scan3A_685 = arith.constant 52 : i32
    %scan3A_686 = arith.addi %scan3A_684, %scan3A_685 : i32
    %scan3A_687 = arith.constant 1 : i32
    scf.for %scan3A_935 = %scan3A_684 to %scan3A_686 step %scan3A_687  : i32 {
      %iota3A = tpu.iota {dimensions = array<i32: 0>} : vector<16xi32>
      %mul3A_936 = arith.constant 16 : i32
      %mul3A_937 = arith.muli %scan3A_935, %mul3A_936 : i32
      %add3A_938 = vector.broadcast %mul3A_937 : i32 to vector<16xi32>
      %add3A_939 = arith.addi %add3A_938, %iota3A : vector<16xi32>
      %min3A = arith.constant 819 : i32
      %min3A_940 = vector.broadcast %min3A : i32 to vector<16xi32>
      %min3A_941 = arith.minsi %add3A_939, %min3A_940 : vector<16xi32>
      %mul3A_942 = arith.constant 40 : i32
      %mul3A_943 = vector.broadcast %mul3A_942 : i32 to vector<16xi32>
      %mul3A_944 = arith.muli %min3A_941, %mul3A_943 : vector<16xi32>
      %mul3A_945 = arith.constant 16 : i32
      %mul3A_946 = arith.muli %scan3A_935, %mul3A_945 : i32
      %get3A_947 = arith.index_cast %mul3A_946 : i32 to index
      %get3A_948 = tpu.vector_load %arg11[%get3A_947] {strides = array<i32>} : memref<832xf32, #tpu.memory_space<vmem>>, vector<16xf32>,
      tpu.vector_store_idx %arg7[%mul3A_944], %get3A_948 : memref<32768xf32, #tpu.memory_space<vmem>>[vector<16xi32>], vector<16xf32>,
    }
    %scan3A_688 = arith.constant 52 : i32
    %get3A_689 = arith.constant 64 : index
    %get3A_690 = tpu.vector_load %arg8[%get3A_689] {strides = array<i32>} : memref<128xf32, #tpu.memory_space<vmem>>, vector<16xf32>,
    %scan3A_691 = arith.constant 0 : i32
    %scan3A_692 = arith.constant 0 : i32
    %scan3A_693 = arith.constant 41 : i32
    %scan3A_694 = arith.addi %scan3A_692, %scan3A_693 : i32
    %scan3A_695 = arith.constant 1 : i32
    scf.for %scan3A_935 = %scan3A_692 to %scan3A_694 step %scan3A_695  : i32 {
      %iota3A = tpu.iota {dimensions = array<i32: 0>} : vector<16xi32>
      %mul3A_936 = arith.constant 16 : i32
      %mul3A_937 = arith.muli %scan3A_935, %mul3A_936 : i32
      %add3A_938 = vector.broadcast %mul3A_937 : i32 to vector<16xi32>
      %add3A_939 = arith.addi %add3A_938, %iota3A : vector<16xi32>
      %min3A = arith.constant 655 : i32
      %min3A_940 = vector.broadcast %min3A : i32 to vector<16xi32>
      %min3A_941 = arith.minsi %add3A_939, %min3A_940 : vector<16xi32>
      %mul3A_942 = arith.constant 50 : i32
      %mul3A_943 = vector.broadcast %mul3A_942 : i32 to vector<16xi32>
      %mul3A_944 = arith.muli %min3A_941, %mul3A_943 : vector<16xi32>
      %gather3A = tpu.vector_load_idx %arg7[%mul3A_944] : memref<32768xf32, #tpu.memory_space<vmem>>[vector<16xi32>], vector<16xf32>,
      %mul3A_945 = arith.constant 16 : i32
      %mul3A_946 = arith.muli %scan3A_935, %mul3A_945 : i32
      %swap3A = arith.index_cast %mul3A_946 : i32 to index
      %swap3A_947 = tpu.vector_load %arg12[%swap3A] {strides = array<i32>} : memref<656xf32, #tpu.memory_space<vmem>>, vector<16xf32>,
      tpu.vector_store %arg12[%swap3A], %gather3A {strides = array<i32>} : memref<656xf32, #tpu.memory_space<vmem>>, vector<16xf32>,
      %add3A_948 = arith.addf %gather3A, %get3A_690 : vector<16xf32>
      %ge3A = arith.constant 4.096000e+03 : f32
      %ge3A_949 = vector.broadcast %ge3A : f32 to vector<16xf32>
      %ge3A_950 = arith.cmpf oge, %add3A_948, %ge3A_949 : vector<16xf32>
      %sub3A = arith.constant 4.096000e+03 : f32
      %sub3A_951 = vector.broadcast %sub3A : f32 to vector<16xf32>
      %sub3A_952 = arith.subf %add3A_948, %sub3A_951 : vector<16xf32>
      %select_n3A = arith.select %ge3A_950, %sub3A_952, %add3A_948 : vector<16xi1>, vector<16xf32>
      tpu.vector_store_idx %arg7[%mul3A_944], %select_n3A : memref<32768xf32, #tpu.memory_space<vmem>>[vector<16xi32>], vector<16xf32>,
    }
    %scan3A_696 = arith.constant 41 : i32
    %add3A_697 = arith.constant 512 : i32
    %add3A_698 = arith.addi %add3A_697, %mul3A_2 : i32
    %add3A_699 = arith.constant 2 : i32
    %add3A_700 = arith.addi %add3A_698, %add3A_699 : i32
    %dma_start3A_701 = arith.constant 0 : i32
    %dma_start3A_702 = tpu.memref_slice %arg4[%add3A_700, %dma_start3A_701] : memref<1024x32768xf32, #tpu.memory_space<hbm>> -> memref<1x32768xf32, #tpu.memory_space<hbm>>
    %dma_start3A_703 = tpu.memref_squeeze %dma_start3A_702 : memref<1x32768xf32, #tpu.memory_space<hbm>> -> memref<32768xf32, #tpu.memory_space<hbm>>
    %dma_start3A_704 = arith.constant 0 : i32
    %dma_start3A_705 = tpu.memref_slice %arg4[%add3A_700, %dma_start3A_704] : memref<1024x32768xf32, #tpu.memory_space<hbm>> -> memref<1x32768xf32, #tpu.memory_space<hbm>>
    %dma_start3A_706 = tpu.memref_squeeze %dma_start3A_705 : memref<1x32768xf32, #tpu.memory_space<hbm>> -> memref<32768xf32, #tpu.memory_space<hbm>>
    tpu.enqueue_dma source(%arg7 : memref<32768xf32, #tpu.memory_space<vmem>>) target(%dma_start3A_706 : memref<32768xf32, #tpu.memory_space<hbm>>) target_semaphore(%arg28 : memref<!tpu.dma_semaphore, #tpu.memory_space<semaphore_mem>>)
    %dma_wait3A_707 = arith.constant 0 : i32
    %dma_wait3A_708 = tpu.memref_slice %arg4[%add3A_670, %dma_wait3A_707] : memref<1024x32768xf32, #tpu.memory_space<hbm>> -> memref<1x32768xf32, #tpu.memory_space<hbm>>
    %dma_wait3A_709 = tpu.memref_squeeze %dma_wait3A_708 : memref<1x32768xf32, #tpu.memory_space<hbm>> -> memref<32768xf32, #tpu.memory_space<hbm>>
    %dma_wait3A_710 = arith.constant 0 : i32
    %dma_wait3A_711 = tpu.memref_slice %arg4[%add3A_670, %dma_wait3A_710] : memref<1024x32768xf32, #tpu.memory_space<hbm>> -> memref<1x32768xf32, #tpu.memory_space<hbm>>
    %dma_wait3A_712 = tpu.memref_squeeze %dma_wait3A_711 : memref<1x32768xf32, #tpu.memory_space<hbm>> -> memref<32768xf32, #tpu.memory_space<hbm>>
    tpu.wait_dma2 semaphore(%arg26 : memref<!tpu.dma_semaphore, #tpu.memory_space<semaphore_mem>>) src(%arg5 : memref<32768xf32, #tpu.memory_space<vmem>>) dst(%dma_wait3A_712 : memref<32768xf32, #tpu.memory_space<hbm>>)
    %scan3A_713 = arith.constant 0 : i32
    %scan3A_714 = arith.constant 0 : i32
    %scan3A_715 = arith.constant 52 : i32
    %scan3A_716 = arith.addi %scan3A_714, %scan3A_715 : i32
    %scan3A_717 = arith.constant 1 : i32
    scf.for %scan3A_935 = %scan3A_714 to %scan3A_716 step %scan3A_717  : i32 {
      %iota3A = tpu.iota {dimensions = array<i32: 0>} : vector<16xi32>
      %mul3A_936 = arith.constant 16 : i32
      %mul3A_937 = arith.muli %scan3A_935, %mul3A_936 : i32
      %add3A_938 = vector.broadcast %mul3A_937 : i32 to vector<16xi32>
      %add3A_939 = arith.addi %add3A_938, %iota3A : vector<16xi32>
      %min3A = arith.constant 819 : i32
      %min3A_940 = vector.broadcast %min3A : i32 to vector<16xi32>
      %min3A_941 = arith.minsi %add3A_939, %min3A_940 : vector<16xi32>
      %mul3A_942 = arith.constant 40 : i32
      %mul3A_943 = vector.broadcast %mul3A_942 : i32 to vector<16xi32>
      %mul3A_944 = arith.muli %min3A_941, %mul3A_943 : vector<16xi32>
      %mul3A_945 = arith.constant 16 : i32
      %mul3A_946 = arith.muli %scan3A_935, %mul3A_945 : i32
      %get3A_947 = arith.index_cast %mul3A_946 : i32 to index
      %get3A_948 = tpu.vector_load %arg18[%get3A_947] {strides = array<i32>} : memref<832xf32, #tpu.memory_space<vmem>>, vector<16xf32>,
      tpu.vector_store_idx %arg5[%mul3A_944], %get3A_948 : memref<32768xf32, #tpu.memory_space<vmem>>[vector<16xi32>], vector<16xf32>,
    }
    %scan3A_718 = arith.constant 52 : i32
    %get3A_719 = arith.constant 64 : index
    %get3A_720 = tpu.vector_load %arg8[%get3A_719] {strides = array<i32>} : memref<128xf32, #tpu.memory_space<vmem>>, vector<16xf32>,
    %scan3A_721 = arith.constant 0 : i32
    %scan3A_722 = arith.constant 0 : i32
    %scan3A_723 = arith.constant 41 : i32
    %scan3A_724 = arith.addi %scan3A_722, %scan3A_723 : i32
    %scan3A_725 = arith.constant 1 : i32
    scf.for %scan3A_935 = %scan3A_722 to %scan3A_724 step %scan3A_725  : i32 {
      %iota3A = tpu.iota {dimensions = array<i32: 0>} : vector<16xi32>
      %mul3A_936 = arith.constant 16 : i32
      %mul3A_937 = arith.muli %scan3A_935, %mul3A_936 : i32
      %add3A_938 = vector.broadcast %mul3A_937 : i32 to vector<16xi32>
      %add3A_939 = arith.addi %add3A_938, %iota3A : vector<16xi32>
      %min3A = arith.constant 655 : i32
      %min3A_940 = vector.broadcast %min3A : i32 to vector<16xi32>
      %min3A_941 = arith.minsi %add3A_939, %min3A_940 : vector<16xi32>
      %mul3A_942 = arith.constant 50 : i32
      %mul3A_943 = vector.broadcast %mul3A_942 : i32 to vector<16xi32>
      %mul3A_944 = arith.muli %min3A_941, %mul3A_943 : vector<16xi32>
      %gather3A = tpu.vector_load_idx %arg5[%mul3A_944] : memref<32768xf32, #tpu.memory_space<vmem>>[vector<16xi32>], vector<16xf32>,
      %mul3A_945 = arith.constant 16 : i32
      %mul3A_946 = arith.muli %scan3A_935, %mul3A_945 : i32
      %swap3A = arith.index_cast %mul3A_946 : i32 to index
      %swap3A_947 = tpu.vector_load %arg19[%swap3A] {strides = array<i32>} : memref<656xf32, #tpu.memory_space<vmem>>, vector<16xf32>,
      tpu.vector_store %arg19[%swap3A], %gather3A {strides = array<i32>} : memref<656xf32, #tpu.memory_space<vmem>>, vector<16xf32>,
      %add3A_948 = arith.addf %gather3A, %get3A_720 : vector<16xf32>
      %ge3A = arith.constant 4.096000e+03 : f32
      %ge3A_949 = vector.broadcast %ge3A : f32 to vector<16xf32>
      %ge3A_950 = arith.cmpf oge, %add3A_948, %ge3A_949 : vector<16xf32>
      %sub3A = arith.constant 4.096000e+03 : f32
      %sub3A_951 = vector.broadcast %sub3A : f32 to vector<16xf32>
      %sub3A_952 = arith.subf %add3A_948, %sub3A_951 : vector<16xf32>
      %select_n3A = arith.select %ge3A_950, %sub3A_952, %add3A_948 : vector<16xi1>, vector<16xf32>
      tpu.vector_store_idx %arg5[%mul3A_944], %select_n3A : memref<32768xf32, #tpu.memory_space<vmem>>[vector<16xi32>], vector<16xf32>,
    }
    %scan3A_726 = arith.constant 41 : i32
    %add3A_727 = arith.constant 512 : i32
    %add3A_728 = arith.addi %add3A_727, %mul3A_2 : i32
    %add3A_729 = arith.constant 3 : i32
    %add3A_730 = arith.addi %add3A_728, %add3A_729 : i32
    %dma_start3A_731 = arith.constant 0 : i32
    %dma_start3A_732 = tpu.memref_slice %arg4[%add3A_730, %dma_start3A_731] : memref<1024x32768xf32, #tpu.memory_space<hbm>> -> memref<1x32768xf32, #tpu.memory_space<hbm>>
    %dma_start3A_733 = tpu.memref_squeeze %dma_start3A_732 : memref<1x32768xf32, #tpu.memory_space<hbm>> -> memref<32768xf32, #tpu.memory_space<hbm>>
    %dma_start3A_734 = arith.constant 0 : i32
    %dma_start3A_735 = tpu.memref_slice %arg4[%add3A_730, %dma_start3A_734] : memref<1024x32768xf32, #tpu.memory_space<hbm>> -> memref<1x32768xf32, #tpu.memory_space<hbm>>
    %dma_start3A_736 = tpu.memref_squeeze %dma_start3A_735 : memref<1x32768xf32, #tpu.memory_space<hbm>> -> memref<32768xf32, #tpu.memory_space<hbm>>
    tpu.enqueue_dma source(%arg5 : memref<32768xf32, #tpu.memory_space<vmem>>) target(%dma_start3A_736 : memref<32768xf32, #tpu.memory_space<hbm>>) target_semaphore(%arg26 : memref<!tpu.dma_semaphore, #tpu.memory_space<semaphore_mem>>)
    %dma_wait3A_737 = arith.constant 0 : i32
    %dma_wait3A_738 = tpu.memref_slice %arg4[%add3A_700, %dma_wait3A_737] : memref<1024x32768xf32, #tpu.memory_space<hbm>> -> memref<1x32768xf32, #tpu.memory_space<hbm>>
    %dma_wait3A_739 = tpu.memref_squeeze %dma_wait3A_738 : memref<1x32768xf32, #tpu.memory_space<hbm>> -> memref<32768xf32, #tpu.memory_space<hbm>>
    %dma_wait3A_740 = arith.constant 0 : i32
    %dma_wait3A_741 = tpu.memref_slice %arg4[%add3A_700, %dma_wait3A_740] : memref<1024x32768xf32, #tpu.memory_space<hbm>> -> memref<1x32768xf32, #tpu.memory_space<hbm>>
    %dma_wait3A_742 = tpu.memref_squeeze %dma_wait3A_741 : memref<1x32768xf32, #tpu.memory_space<hbm>> -> memref<32768xf32, #tpu.memory_space<hbm>>
    tpu.wait_dma2 semaphore(%arg28 : memref<!tpu.dma_semaphore, #tpu.memory_space<semaphore_mem>>) src(%arg7 : memref<32768xf32, #tpu.memory_space<vmem>>) dst(%dma_wait3A_742 : memref<32768xf32, #tpu.memory_space<hbm>>)
    %scan3A_743 = arith.constant 0 : i32
    %scan3A_744 = arith.constant 0 : i32
    %scan3A_745 = arith.constant 41 : i32
    %scan3A_746 = arith.addi %scan3A_744, %scan3A_745 : i32
    %scan3A_747 = arith.constant 1 : i32
    scf.for %scan3A_935 = %scan3A_744 to %scan3A_746 step %scan3A_747  : i32 {
      %iota3A = tpu.iota {dimensions = array<i32: 0>} : vector<16xi32>
      %mul3A_936 = arith.constant 16 : i32
      %mul3A_937 = arith.muli %scan3A_935, %mul3A_936 : i32
      %add3A_938 = vector.broadcast %mul3A_937 : i32 to vector<16xi32>
      %add3A_939 = arith.addi %add3A_938, %iota3A : vector<16xi32>
      %min3A = arith.constant 655 : i32
      %min3A_940 = vector.broadcast %min3A : i32 to vector<16xi32>
      %min3A_941 = arith.minsi %add3A_939, %min3A_940 : vector<16xi32>
      %mul3A_942 = arith.constant 50 : i32
      %mul3A_943 = vector.broadcast %mul3A_942 : i32 to vector<16xi32>
      %mul3A_944 = arith.muli %min3A_941, %mul3A_943 : vector<16xi32>
      %mul3A_945 = arith.constant 16 : i32
      %mul3A_946 = arith.muli %scan3A_935, %mul3A_945 : i32
      %get3A_947 = arith.index_cast %mul3A_946 : i32 to index
      %get3A_948 = tpu.vector_load %arg12[%get3A_947] {strides = array<i32>} : memref<656xf32, #tpu.memory_space<vmem>>, vector<16xf32>,
      tpu.vector_store_idx %arg7[%mul3A_944], %get3A_948 : memref<32768xf32, #tpu.memory_space<vmem>>[vector<16xi32>], vector<16xf32>,
    }
    %scan3A_748 = arith.constant 41 : i32
    %get3A_749 = arith.constant 80 : index
    %get3A_750 = tpu.vector_load %arg8[%get3A_749] {strides = array<i32>} : memref<128xf32, #tpu.memory_space<vmem>>, vector<16xf32>,
    %scan3A_751 = arith.constant 0 : i32
    %scan3A_752 = arith.constant 0 : i32
    %scan3A_753 = arith.constant 35 : i32
    %scan3A_754 = arith.addi %scan3A_752, %scan3A_753 : i32
    %scan3A_755 = arith.constant 1 : i32
    scf.for %scan3A_935 = %scan3A_752 to %scan3A_754 step %scan3A_755  : i32 {
      %iota3A = tpu.iota {dimensions = array<i32: 0>} : vector<16xi32>
      %mul3A_936 = arith.constant 16 : i32
      %mul3A_937 = arith.muli %scan3A_935, %mul3A_936 : i32
      %add3A_938 = vector.broadcast %mul3A_937 : i32 to vector<16xi32>
      %add3A_939 = arith.addi %add3A_938, %iota3A : vector<16xi32>
      %min3A = arith.constant 546 : i32
      %min3A_940 = vector.broadcast %min3A : i32 to vector<16xi32>
      %min3A_941 = arith.minsi %add3A_939, %min3A_940 : vector<16xi32>
      %mul3A_942 = arith.constant 60 : i32
      %mul3A_943 = vector.broadcast %mul3A_942 : i32 to vector<16xi32>
      %mul3A_944 = arith.muli %min3A_941, %mul3A_943 : vector<16xi32>
      %gather3A = tpu.vector_load_idx %arg7[%mul3A_944] : memref<32768xf32, #tpu.memory_space<vmem>>[vector<16xi32>], vector<16xf32>,
      %mul3A_945 = arith.constant 16 : i32
      %mul3A_946 = arith.muli %scan3A_935, %mul3A_945 : i32
      %swap3A = arith.index_cast %mul3A_946 : i32 to index
      %swap3A_947 = tpu.vector_load %arg13[%swap3A] {strides = array<i32>} : memref<560xf32, #tpu.memory_space<vmem>>, vector<16xf32>,
      tpu.vector_store %arg13[%swap3A], %gather3A {strides = array<i32>} : memref<560xf32, #tpu.memory_space<vmem>>, vector<16xf32>,
      %add3A_948 = arith.addf %gather3A, %get3A_750 : vector<16xf32>
      %ge3A = arith.constant 4.096000e+03 : f32
      %ge3A_949 = vector.broadcast %ge3A : f32 to vector<16xf32>
      %ge3A_950 = arith.cmpf oge, %add3A_948, %ge3A_949 : vector<16xf32>
      %sub3A = arith.constant 4.096000e+03 : f32
      %sub3A_951 = vector.broadcast %sub3A : f32 to vector<16xf32>
      %sub3A_952 = arith.subf %add3A_948, %sub3A_951 : vector<16xf32>
      %select_n3A = arith.select %ge3A_950, %sub3A_952, %add3A_948 : vector<16xi1>, vector<16xf32>
      tpu.vector_store_idx %arg7[%mul3A_944], %select_n3A : memref<32768xf32, #tpu.memory_space<vmem>>[vector<16xi32>], vector<16xf32>,
    }
    %scan3A_756 = arith.constant 35 : i32
    %add3A_757 = arith.constant 640 : i32
    %add3A_758 = arith.addi %add3A_757, %mul3A_2 : i32
    %add3A_759 = arith.constant 2 : i32
    %add3A_760 = arith.addi %add3A_758, %add3A_759 : i32
    %dma_start3A_761 = arith.constant 0 : i32
    %dma_start3A_762 = tpu.memref_slice %arg4[%add3A_760, %dma_start3A_761] : memref<1024x32768xf32, #tpu.memory_space<hbm>> -> memref<1x32768xf32, #tpu.memory_space<hbm>>
    %dma_start3A_763 = tpu.memref_squeeze %dma_start3A_762 : memref<1x32768xf32, #tpu.memory_space<hbm>> -> memref<32768xf32, #tpu.memory_space<hbm>>
    %dma_start3A_764 = arith.constant 0 : i32
    %dma_start3A_765 = tpu.memref_slice %arg4[%add3A_760, %dma_start3A_764] : memref<1024x32768xf32, #tpu.memory_space<hbm>> -> memref<1x32768xf32, #tpu.memory_space<hbm>>
    %dma_start3A_766 = tpu.memref_squeeze %dma_start3A_765 : memref<1x32768xf32, #tpu.memory_space<hbm>> -> memref<32768xf32, #tpu.memory_space<hbm>>
    tpu.enqueue_dma source(%arg7 : memref<32768xf32, #tpu.memory_space<vmem>>) target(%dma_start3A_766 : memref<32768xf32, #tpu.memory_space<hbm>>) target_semaphore(%arg28 : memref<!tpu.dma_semaphore, #tpu.memory_space<semaphore_mem>>)
    %dma_wait3A_767 = arith.constant 0 : i32
    %dma_wait3A_768 = tpu.memref_slice %arg4[%add3A_730, %dma_wait3A_767] : memref<1024x32768xf32, #tpu.memory_space<hbm>> -> memref<1x32768xf32, #tpu.memory_space<hbm>>
    %dma_wait3A_769 = tpu.memref_squeeze %dma_wait3A_768 : memref<1x32768xf32, #tpu.memory_space<hbm>> -> memref<32768xf32, #tpu.memory_space<hbm>>
    %dma_wait3A_770 = arith.constant 0 : i32
    %dma_wait3A_771 = tpu.memref_slice %arg4[%add3A_730, %dma_wait3A_770] : memref<1024x32768xf32, #tpu.memory_space<hbm>> -> memref<1x32768xf32, #tpu.memory_space<hbm>>
    %dma_wait3A_772 = tpu.memref_squeeze %dma_wait3A_771 : memref<1x32768xf32, #tpu.memory_space<hbm>> -> memref<32768xf32, #tpu.memory_space<hbm>>
    tpu.wait_dma2 semaphore(%arg26 : memref<!tpu.dma_semaphore, #tpu.memory_space<semaphore_mem>>) src(%arg5 : memref<32768xf32, #tpu.memory_space<vmem>>) dst(%dma_wait3A_772 : memref<32768xf32, #tpu.memory_space<hbm>>)
    %scan3A_773 = arith.constant 0 : i32
    %scan3A_774 = arith.constant 0 : i32
    %scan3A_775 = arith.constant 41 : i32
    %scan3A_776 = arith.addi %scan3A_774, %scan3A_775 : i32
    %scan3A_777 = arith.constant 1 : i32
    scf.for %scan3A_935 = %scan3A_774 to %scan3A_776 step %scan3A_777  : i32 {
      %iota3A = tpu.iota {dimensions = array<i32: 0>} : vector<16xi32>
      %mul3A_936 = arith.constant 16 : i32
      %mul3A_937 = arith.muli %scan3A_935, %mul3A_936 : i32
      %add3A_938 = vector.broadcast %mul3A_937 : i32 to vector<16xi32>
      %add3A_939 = arith.addi %add3A_938, %iota3A : vector<16xi32>
      %min3A = arith.constant 655 : i32
      %min3A_940 = vector.broadcast %min3A : i32 to vector<16xi32>
      %min3A_941 = arith.minsi %add3A_939, %min3A_940 : vector<16xi32>
      %mul3A_942 = arith.constant 50 : i32
      %mul3A_943 = vector.broadcast %mul3A_942 : i32 to vector<16xi32>
      %mul3A_944 = arith.muli %min3A_941, %mul3A_943 : vector<16xi32>
      %mul3A_945 = arith.constant 16 : i32
      %mul3A_946 = arith.muli %scan3A_935, %mul3A_945 : i32
      %get3A_947 = arith.index_cast %mul3A_946 : i32 to index
      %get3A_948 = tpu.vector_load %arg19[%get3A_947] {strides = array<i32>} : memref<656xf32, #tpu.memory_space<vmem>>, vector<16xf32>,
      tpu.vector_store_idx %arg5[%mul3A_944], %get3A_948 : memref<32768xf32, #tpu.memory_space<vmem>>[vector<16xi32>], vector<16xf32>,
    }
    %scan3A_778 = arith.constant 41 : i32
    %get3A_779 = arith.constant 80 : index
    %get3A_780 = tpu.vector_load %arg8[%get3A_779] {strides = array<i32>} : memref<128xf32, #tpu.memory_space<vmem>>, vector<16xf32>,
    %scan3A_781 = arith.constant 0 : i32
    %scan3A_782 = arith.constant 0 : i32
    %scan3A_783 = arith.constant 35 : i32
    %scan3A_784 = arith.addi %scan3A_782, %scan3A_783 : i32
    %scan3A_785 = arith.constant 1 : i32
    scf.for %scan3A_935 = %scan3A_782 to %scan3A_784 step %scan3A_785  : i32 {
      %iota3A = tpu.iota {dimensions = array<i32: 0>} : vector<16xi32>
      %mul3A_936 = arith.constant 16 : i32
      %mul3A_937 = arith.muli %scan3A_935, %mul3A_936 : i32
      %add3A_938 = vector.broadcast %mul3A_937 : i32 to vector<16xi32>
      %add3A_939 = arith.addi %add3A_938, %iota3A : vector<16xi32>
      %min3A = arith.constant 546 : i32
      %min3A_940 = vector.broadcast %min3A : i32 to vector<16xi32>
      %min3A_941 = arith.minsi %add3A_939, %min3A_940 : vector<16xi32>
      %mul3A_942 = arith.constant 60 : i32
      %mul3A_943 = vector.broadcast %mul3A_942 : i32 to vector<16xi32>
      %mul3A_944 = arith.muli %min3A_941, %mul3A_943 : vector<16xi32>
      %gather3A = tpu.vector_load_idx %arg5[%mul3A_944] : memref<32768xf32, #tpu.memory_space<vmem>>[vector<16xi32>], vector<16xf32>,
      %mul3A_945 = arith.constant 16 : i32
      %mul3A_946 = arith.muli %scan3A_935, %mul3A_945 : i32
      %swap3A = arith.index_cast %mul3A_946 : i32 to index
      %swap3A_947 = tpu.vector_load %arg20[%swap3A] {strides = array<i32>} : memref<560xf32, #tpu.memory_space<vmem>>, vector<16xf32>,
      tpu.vector_store %arg20[%swap3A], %gather3A {strides = array<i32>} : memref<560xf32, #tpu.memory_space<vmem>>, vector<16xf32>,
      %add3A_948 = arith.addf %gather3A, %get3A_780 : vector<16xf32>
      %ge3A = arith.constant 4.096000e+03 : f32
      %ge3A_949 = vector.broadcast %ge3A : f32 to vector<16xf32>
      %ge3A_950 = arith.cmpf oge, %add3A_948, %ge3A_949 : vector<16xf32>
      %sub3A = arith.constant 4.096000e+03 : f32
      %sub3A_951 = vector.broadcast %sub3A : f32 to vector<16xf32>
      %sub3A_952 = arith.subf %add3A_948, %sub3A_951 : vector<16xf32>
      %select_n3A = arith.select %ge3A_950, %sub3A_952, %add3A_948 : vector<16xi1>, vector<16xf32>
      tpu.vector_store_idx %arg5[%mul3A_944], %select_n3A : memref<32768xf32, #tpu.memory_space<vmem>>[vector<16xi32>], vector<16xf32>,
    }
    %scan3A_786 = arith.constant 35 : i32
    %add3A_787 = arith.constant 640 : i32
    %add3A_788 = arith.addi %add3A_787, %mul3A_2 : i32
    %add3A_789 = arith.constant 3 : i32
    %add3A_790 = arith.addi %add3A_788, %add3A_789 : i32
    %dma_start3A_791 = arith.constant 0 : i32
    %dma_start3A_792 = tpu.memref_slice %arg4[%add3A_790, %dma_start3A_791] : memref<1024x32768xf32, #tpu.memory_space<hbm>> -> memref<1x32768xf32, #tpu.memory_space<hbm>>
    %dma_start3A_793 = tpu.memref_squeeze %dma_start3A_792 : memref<1x32768xf32, #tpu.memory_space<hbm>> -> memref<32768xf32, #tpu.memory_space<hbm>>
    %dma_start3A_794 = arith.constant 0 : i32
    %dma_start3A_795 = tpu.memref_slice %arg4[%add3A_790, %dma_start3A_794] : memref<1024x32768xf32, #tpu.memory_space<hbm>> -> memref<1x32768xf32, #tpu.memory_space<hbm>>
    %dma_start3A_796 = tpu.memref_squeeze %dma_start3A_795 : memref<1x32768xf32, #tpu.memory_space<hbm>> -> memref<32768xf32, #tpu.memory_space<hbm>>
    tpu.enqueue_dma source(%arg5 : memref<32768xf32, #tpu.memory_space<vmem>>) target(%dma_start3A_796 : memref<32768xf32, #tpu.memory_space<hbm>>) target_semaphore(%arg26 : memref<!tpu.dma_semaphore, #tpu.memory_space<semaphore_mem>>)
    %dma_wait3A_797 = arith.constant 0 : i32
    %dma_wait3A_798 = tpu.memref_slice %arg4[%add3A_760, %dma_wait3A_797] : memref<1024x32768xf32, #tpu.memory_space<hbm>> -> memref<1x32768xf32, #tpu.memory_space<hbm>>
    %dma_wait3A_799 = tpu.memref_squeeze %dma_wait3A_798 : memref<1x32768xf32, #tpu.memory_space<hbm>> -> memref<32768xf32, #tpu.memory_space<hbm>>
    %dma_wait3A_800 = arith.constant 0 : i32
    %dma_wait3A_801 = tpu.memref_slice %arg4[%add3A_760, %dma_wait3A_800] : memref<1024x32768xf32, #tpu.memory_space<hbm>> -> memref<1x32768xf32, #tpu.memory_space<hbm>>
    %dma_wait3A_802 = tpu.memref_squeeze %dma_wait3A_801 : memref<1x32768xf32, #tpu.memory_space<hbm>> -> memref<32768xf32, #tpu.memory_space<hbm>>
    tpu.wait_dma2 semaphore(%arg28 : memref<!tpu.dma_semaphore, #tpu.memory_space<semaphore_mem>>) src(%arg7 : memref<32768xf32, #tpu.memory_space<vmem>>) dst(%dma_wait3A_802 : memref<32768xf32, #tpu.memory_space<hbm>>)
    %scan3A_803 = arith.constant 0 : i32
    %scan3A_804 = arith.constant 0 : i32
    %scan3A_805 = arith.constant 35 : i32
    %scan3A_806 = arith.addi %scan3A_804, %scan3A_805 : i32
    %scan3A_807 = arith.constant 1 : i32
    scf.for %scan3A_935 = %scan3A_804 to %scan3A_806 step %scan3A_807  : i32 {
      %iota3A = tpu.iota {dimensions = array<i32: 0>} : vector<16xi32>
      %mul3A_936 = arith.constant 16 : i32
      %mul3A_937 = arith.muli %scan3A_935, %mul3A_936 : i32
      %add3A_938 = vector.broadcast %mul3A_937 : i32 to vector<16xi32>
      %add3A_939 = arith.addi %add3A_938, %iota3A : vector<16xi32>
      %min3A = arith.constant 546 : i32
      %min3A_940 = vector.broadcast %min3A : i32 to vector<16xi32>
      %min3A_941 = arith.minsi %add3A_939, %min3A_940 : vector<16xi32>
      %mul3A_942 = arith.constant 60 : i32
      %mul3A_943 = vector.broadcast %mul3A_942 : i32 to vector<16xi32>
      %mul3A_944 = arith.muli %min3A_941, %mul3A_943 : vector<16xi32>
      %mul3A_945 = arith.constant 16 : i32
      %mul3A_946 = arith.muli %scan3A_935, %mul3A_945 : i32
      %get3A_947 = arith.index_cast %mul3A_946 : i32 to index
      %get3A_948 = tpu.vector_load %arg13[%get3A_947] {strides = array<i32>} : memref<560xf32, #tpu.memory_space<vmem>>, vector<16xf32>,
      tpu.vector_store_idx %arg7[%mul3A_944], %get3A_948 : memref<32768xf32, #tpu.memory_space<vmem>>[vector<16xi32>], vector<16xf32>,
    }
    %scan3A_808 = arith.constant 35 : i32
    %get3A_809 = arith.constant 96 : index
    %get3A_810 = tpu.vector_load %arg8[%get3A_809] {strides = array<i32>} : memref<128xf32, #tpu.memory_space<vmem>>, vector<16xf32>,
    %scan3A_811 = arith.constant 0 : i32
    %scan3A_812 = arith.constant 0 : i32
    %scan3A_813 = arith.constant 30 : i32
    %scan3A_814 = arith.addi %scan3A_812, %scan3A_813 : i32
    %scan3A_815 = arith.constant 1 : i32
    scf.for %scan3A_935 = %scan3A_812 to %scan3A_814 step %scan3A_815  : i32 {
      %iota3A = tpu.iota {dimensions = array<i32: 0>} : vector<16xi32>
      %mul3A_936 = arith.constant 16 : i32
      %mul3A_937 = arith.muli %scan3A_935, %mul3A_936 : i32
      %add3A_938 = vector.broadcast %mul3A_937 : i32 to vector<16xi32>
      %add3A_939 = arith.addi %add3A_938, %iota3A : vector<16xi32>
      %min3A = arith.constant 468 : i32
      %min3A_940 = vector.broadcast %min3A : i32 to vector<16xi32>
      %min3A_941 = arith.minsi %add3A_939, %min3A_940 : vector<16xi32>
      %mul3A_942 = arith.constant 70 : i32
      %mul3A_943 = vector.broadcast %mul3A_942 : i32 to vector<16xi32>
      %mul3A_944 = arith.muli %min3A_941, %mul3A_943 : vector<16xi32>
      %gather3A = tpu.vector_load_idx %arg7[%mul3A_944] : memref<32768xf32, #tpu.memory_space<vmem>>[vector<16xi32>], vector<16xf32>,
      %mul3A_945 = arith.constant 16 : i32
      %mul3A_946 = arith.muli %scan3A_935, %mul3A_945 : i32
      %swap3A = arith.index_cast %mul3A_946 : i32 to index
      %swap3A_947 = tpu.vector_load %arg14[%swap3A] {strides = array<i32>} : memref<480xf32, #tpu.memory_space<vmem>>, vector<16xf32>,
      tpu.vector_store %arg14[%swap3A], %gather3A {strides = array<i32>} : memref<480xf32, #tpu.memory_space<vmem>>, vector<16xf32>,
      %add3A_948 = arith.addf %gather3A, %get3A_810 : vector<16xf32>
      %ge3A = arith.constant 4.096000e+03 : f32
      %ge3A_949 = vector.broadcast %ge3A : f32 to vector<16xf32>
      %ge3A_950 = arith.cmpf oge, %add3A_948, %ge3A_949 : vector<16xf32>
      %sub3A = arith.constant 4.096000e+03 : f32
      %sub3A_951 = vector.broadcast %sub3A : f32 to vector<16xf32>
      %sub3A_952 = arith.subf %add3A_948, %sub3A_951 : vector<16xf32>
      %select_n3A = arith.select %ge3A_950, %sub3A_952, %add3A_948 : vector<16xi1>, vector<16xf32>
      tpu.vector_store_idx %arg7[%mul3A_944], %select_n3A : memref<32768xf32, #tpu.memory_space<vmem>>[vector<16xi32>], vector<16xf32>,
    }
    %scan3A_816 = arith.constant 30 : i32
    %add3A_817 = arith.constant 768 : i32
    %add3A_818 = arith.addi %add3A_817, %mul3A_2 : i32
    %add3A_819 = arith.constant 2 : i32
    %add3A_820 = arith.addi %add3A_818, %add3A_819 : i32
    %dma_start3A_821 = arith.constant 0 : i32
    %dma_start3A_822 = tpu.memref_slice %arg4[%add3A_820, %dma_start3A_821] : memref<1024x32768xf32, #tpu.memory_space<hbm>> -> memref<1x32768xf32, #tpu.memory_space<hbm>>
    %dma_start3A_823 = tpu.memref_squeeze %dma_start3A_822 : memref<1x32768xf32, #tpu.memory_space<hbm>> -> memref<32768xf32, #tpu.memory_space<hbm>>
    %dma_start3A_824 = arith.constant 0 : i32
    %dma_start3A_825 = tpu.memref_slice %arg4[%add3A_820, %dma_start3A_824] : memref<1024x32768xf32, #tpu.memory_space<hbm>> -> memref<1x32768xf32, #tpu.memory_space<hbm>>
    %dma_start3A_826 = tpu.memref_squeeze %dma_start3A_825 : memref<1x32768xf32, #tpu.memory_space<hbm>> -> memref<32768xf32, #tpu.memory_space<hbm>>
    tpu.enqueue_dma source(%arg7 : memref<32768xf32, #tpu.memory_space<vmem>>) target(%dma_start3A_826 : memref<32768xf32, #tpu.memory_space<hbm>>) target_semaphore(%arg28 : memref<!tpu.dma_semaphore, #tpu.memory_space<semaphore_mem>>)
    %dma_wait3A_827 = arith.constant 0 : i32
    %dma_wait3A_828 = tpu.memref_slice %arg4[%add3A_790, %dma_wait3A_827] : memref<1024x32768xf32, #tpu.memory_space<hbm>> -> memref<1x32768xf32, #tpu.memory_space<hbm>>
    %dma_wait3A_829 = tpu.memref_squeeze %dma_wait3A_828 : memref<1x32768xf32, #tpu.memory_space<hbm>> -> memref<32768xf32, #tpu.memory_space<hbm>>
    %dma_wait3A_830 = arith.constant 0 : i32
    %dma_wait3A_831 = tpu.memref_slice %arg4[%add3A_790, %dma_wait3A_830] : memref<1024x32768xf32, #tpu.memory_space<hbm>> -> memref<1x32768xf32, #tpu.memory_space<hbm>>
    %dma_wait3A_832 = tpu.memref_squeeze %dma_wait3A_831 : memref<1x32768xf32, #tpu.memory_space<hbm>> -> memref<32768xf32, #tpu.memory_space<hbm>>
    tpu.wait_dma2 semaphore(%arg26 : memref<!tpu.dma_semaphore, #tpu.memory_space<semaphore_mem>>) src(%arg5 : memref<32768xf32, #tpu.memory_space<vmem>>) dst(%dma_wait3A_832 : memref<32768xf32, #tpu.memory_space<hbm>>)
    %scan3A_833 = arith.constant 0 : i32
    %scan3A_834 = arith.constant 0 : i32
    %scan3A_835 = arith.constant 35 : i32
    %scan3A_836 = arith.addi %scan3A_834, %scan3A_835 : i32
    %scan3A_837 = arith.constant 1 : i32
    scf.for %scan3A_935 = %scan3A_834 to %scan3A_836 step %scan3A_837  : i32 {
      %iota3A = tpu.iota {dimensions = array<i32: 0>} : vector<16xi32>
      %mul3A_936 = arith.constant 16 : i32
      %mul3A_937 = arith.muli %scan3A_935, %mul3A_936 : i32
      %add3A_938 = vector.broadcast %mul3A_937 : i32 to vector<16xi32>
      %add3A_939 = arith.addi %add3A_938, %iota3A : vector<16xi32>
      %min3A = arith.constant 546 : i32
      %min3A_940 = vector.broadcast %min3A : i32 to vector<16xi32>
      %min3A_941 = arith.minsi %add3A_939, %min3A_940 : vector<16xi32>
      %mul3A_942 = arith.constant 60 : i32
      %mul3A_943 = vector.broadcast %mul3A_942 : i32 to vector<16xi32>
      %mul3A_944 = arith.muli %min3A_941, %mul3A_943 : vector<16xi32>
      %mul3A_945 = arith.constant 16 : i32
      %mul3A_946 = arith.muli %scan3A_935, %mul3A_945 : i32
      %get3A_947 = arith.index_cast %mul3A_946 : i32 to index
      %get3A_948 = tpu.vector_load %arg20[%get3A_947] {strides = array<i32>} : memref<560xf32, #tpu.memory_space<vmem>>, vector<16xf32>,
      tpu.vector_store_idx %arg5[%mul3A_944], %get3A_948 : memref<32768xf32, #tpu.memory_space<vmem>>[vector<16xi32>], vector<16xf32>,
    }
    %scan3A_838 = arith.constant 35 : i32
    %get3A_839 = arith.constant 96 : index
    %get3A_840 = tpu.vector_load %arg8[%get3A_839] {strides = array<i32>} : memref<128xf32, #tpu.memory_space<vmem>>, vector<16xf32>,
    %scan3A_841 = arith.constant 0 : i32
    %scan3A_842 = arith.constant 0 : i32
    %scan3A_843 = arith.constant 30 : i32
    %scan3A_844 = arith.addi %scan3A_842, %scan3A_843 : i32
    %scan3A_845 = arith.constant 1 : i32
    scf.for %scan3A_935 = %scan3A_842 to %scan3A_844 step %scan3A_845  : i32 {
      %iota3A = tpu.iota {dimensions = array<i32: 0>} : vector<16xi32>
      %mul3A_936 = arith.constant 16 : i32
      %mul3A_937 = arith.muli %scan3A_935, %mul3A_936 : i32
      %add3A_938 = vector.broadcast %mul3A_937 : i32 to vector<16xi32>
      %add3A_939 = arith.addi %add3A_938, %iota3A : vector<16xi32>
      %min3A = arith.constant 468 : i32
      %min3A_940 = vector.broadcast %min3A : i32 to vector<16xi32>
      %min3A_941 = arith.minsi %add3A_939, %min3A_940 : vector<16xi32>
      %mul3A_942 = arith.constant 70 : i32
      %mul3A_943 = vector.broadcast %mul3A_942 : i32 to vector<16xi32>
      %mul3A_944 = arith.muli %min3A_941, %mul3A_943 : vector<16xi32>
      %gather3A = tpu.vector_load_idx %arg5[%mul3A_944] : memref<32768xf32, #tpu.memory_space<vmem>>[vector<16xi32>], vector<16xf32>,
      %mul3A_945 = arith.constant 16 : i32
      %mul3A_946 = arith.muli %scan3A_935, %mul3A_945 : i32
      %swap3A = arith.index_cast %mul3A_946 : i32 to index
      %swap3A_947 = tpu.vector_load %arg21[%swap3A] {strides = array<i32>} : memref<480xf32, #tpu.memory_space<vmem>>, vector<16xf32>,
      tpu.vector_store %arg21[%swap3A], %gather3A {strides = array<i32>} : memref<480xf32, #tpu.memory_space<vmem>>, vector<16xf32>,
      %add3A_948 = arith.addf %gather3A, %get3A_840 : vector<16xf32>
      %ge3A = arith.constant 4.096000e+03 : f32
      %ge3A_949 = vector.broadcast %ge3A : f32 to vector<16xf32>
      %ge3A_950 = arith.cmpf oge, %add3A_948, %ge3A_949 : vector<16xf32>
      %sub3A = arith.constant 4.096000e+03 : f32
      %sub3A_951 = vector.broadcast %sub3A : f32 to vector<16xf32>
      %sub3A_952 = arith.subf %add3A_948, %sub3A_951 : vector<16xf32>
      %select_n3A = arith.select %ge3A_950, %sub3A_952, %add3A_948 : vector<16xi1>, vector<16xf32>
      tpu.vector_store_idx %arg5[%mul3A_944], %select_n3A : memref<32768xf32, #tpu.memory_space<vmem>>[vector<16xi32>], vector<16xf32>,
    }
    %scan3A_846 = arith.constant 30 : i32
    %add3A_847 = arith.constant 768 : i32
    %add3A_848 = arith.addi %add3A_847, %mul3A_2 : i32
    %add3A_849 = arith.constant 3 : i32
    %add3A_850 = arith.addi %add3A_848, %add3A_849 : i32
    %dma_start3A_851 = arith.constant 0 : i32
    %dma_start3A_852 = tpu.memref_slice %arg4[%add3A_850, %dma_start3A_851] : memref<1024x32768xf32, #tpu.memory_space<hbm>> -> memref<1x32768xf32, #tpu.memory_space<hbm>>
    %dma_start3A_853 = tpu.memref_squeeze %dma_start3A_852 : memref<1x32768xf32, #tpu.memory_space<hbm>> -> memref<32768xf32, #tpu.memory_space<hbm>>
    %dma_start3A_854 = arith.constant 0 : i32
    %dma_start3A_855 = tpu.memref_slice %arg4[%add3A_850, %dma_start3A_854] : memref<1024x32768xf32, #tpu.memory_space<hbm>> -> memref<1x32768xf32, #tpu.memory_space<hbm>>
    %dma_start3A_856 = tpu.memref_squeeze %dma_start3A_855 : memref<1x32768xf32, #tpu.memory_space<hbm>> -> memref<32768xf32, #tpu.memory_space<hbm>>
    tpu.enqueue_dma source(%arg5 : memref<32768xf32, #tpu.memory_space<vmem>>) target(%dma_start3A_856 : memref<32768xf32, #tpu.memory_space<hbm>>) target_semaphore(%arg26 : memref<!tpu.dma_semaphore, #tpu.memory_space<semaphore_mem>>)
    %dma_wait3A_857 = arith.constant 0 : i32
    %dma_wait3A_858 = tpu.memref_slice %arg4[%add3A_820, %dma_wait3A_857] : memref<1024x32768xf32, #tpu.memory_space<hbm>> -> memref<1x32768xf32, #tpu.memory_space<hbm>>
    %dma_wait3A_859 = tpu.memref_squeeze %dma_wait3A_858 : memref<1x32768xf32, #tpu.memory_space<hbm>> -> memref<32768xf32, #tpu.memory_space<hbm>>
    %dma_wait3A_860 = arith.constant 0 : i32
    %dma_wait3A_861 = tpu.memref_slice %arg4[%add3A_820, %dma_wait3A_860] : memref<1024x32768xf32, #tpu.memory_space<hbm>> -> memref<1x32768xf32, #tpu.memory_space<hbm>>
    %dma_wait3A_862 = tpu.memref_squeeze %dma_wait3A_861 : memref<1x32768xf32, #tpu.memory_space<hbm>> -> memref<32768xf32, #tpu.memory_space<hbm>>
    tpu.wait_dma2 semaphore(%arg28 : memref<!tpu.dma_semaphore, #tpu.memory_space<semaphore_mem>>) src(%arg7 : memref<32768xf32, #tpu.memory_space<vmem>>) dst(%dma_wait3A_862 : memref<32768xf32, #tpu.memory_space<hbm>>)
    %scan3A_863 = arith.constant 0 : i32
    %scan3A_864 = arith.constant 0 : i32
    %scan3A_865 = arith.constant 30 : i32
    %scan3A_866 = arith.addi %scan3A_864, %scan3A_865 : i32
    %scan3A_867 = arith.constant 1 : i32
    scf.for %scan3A_935 = %scan3A_864 to %scan3A_866 step %scan3A_867  : i32 {
      %iota3A = tpu.iota {dimensions = array<i32: 0>} : vector<16xi32>
      %mul3A_936 = arith.constant 16 : i32
      %mul3A_937 = arith.muli %scan3A_935, %mul3A_936 : i32
      %add3A_938 = vector.broadcast %mul3A_937 : i32 to vector<16xi32>
      %add3A_939 = arith.addi %add3A_938, %iota3A : vector<16xi32>
      %min3A = arith.constant 468 : i32
      %min3A_940 = vector.broadcast %min3A : i32 to vector<16xi32>
      %min3A_941 = arith.minsi %add3A_939, %min3A_940 : vector<16xi32>
      %mul3A_942 = arith.constant 70 : i32
      %mul3A_943 = vector.broadcast %mul3A_942 : i32 to vector<16xi32>
      %mul3A_944 = arith.muli %min3A_941, %mul3A_943 : vector<16xi32>
      %mul3A_945 = arith.constant 16 : i32
      %mul3A_946 = arith.muli %scan3A_935, %mul3A_945 : i32
      %get3A_947 = arith.index_cast %mul3A_946 : i32 to index
      %get3A_948 = tpu.vector_load %arg14[%get3A_947] {strides = array<i32>} : memref<480xf32, #tpu.memory_space<vmem>>, vector<16xf32>,
      tpu.vector_store_idx %arg7[%mul3A_944], %get3A_948 : memref<32768xf32, #tpu.memory_space<vmem>>[vector<16xi32>], vector<16xf32>,
    }
    %scan3A_868 = arith.constant 30 : i32
    %get3A_869 = arith.constant 112 : index
    %get3A_870 = tpu.vector_load %arg8[%get3A_869] {strides = array<i32>} : memref<128xf32, #tpu.memory_space<vmem>>, vector<16xf32>,
    %scan3A_871 = arith.constant 0 : i32
    %scan3A_872 = arith.constant 0 : i32
    %scan3A_873 = arith.constant 26 : i32
    %scan3A_874 = arith.addi %scan3A_872, %scan3A_873 : i32
    %scan3A_875 = arith.constant 1 : i32
    scf.for %scan3A_935 = %scan3A_872 to %scan3A_874 step %scan3A_875  : i32 {
      %iota3A = tpu.iota {dimensions = array<i32: 0>} : vector<16xi32>
      %mul3A_936 = arith.constant 16 : i32
      %mul3A_937 = arith.muli %scan3A_935, %mul3A_936 : i32
      %add3A_938 = vector.broadcast %mul3A_937 : i32 to vector<16xi32>
      %add3A_939 = arith.addi %add3A_938, %iota3A : vector<16xi32>
      %min3A = arith.constant 409 : i32
      %min3A_940 = vector.broadcast %min3A : i32 to vector<16xi32>
      %min3A_941 = arith.minsi %add3A_939, %min3A_940 : vector<16xi32>
      %mul3A_942 = arith.constant 80 : i32
      %mul3A_943 = vector.broadcast %mul3A_942 : i32 to vector<16xi32>
      %mul3A_944 = arith.muli %min3A_941, %mul3A_943 : vector<16xi32>
      %gather3A = tpu.vector_load_idx %arg7[%mul3A_944] : memref<32768xf32, #tpu.memory_space<vmem>>[vector<16xi32>], vector<16xf32>,
      %mul3A_945 = arith.constant 16 : i32
      %mul3A_946 = arith.muli %scan3A_935, %mul3A_945 : i32
      %swap3A = arith.index_cast %mul3A_946 : i32 to index
      %swap3A_947 = tpu.vector_load %arg15[%swap3A] {strides = array<i32>} : memref<416xf32, #tpu.memory_space<vmem>>, vector<16xf32>,
      tpu.vector_store %arg15[%swap3A], %gather3A {strides = array<i32>} : memref<416xf32, #tpu.memory_space<vmem>>, vector<16xf32>,
      %add3A_948 = arith.addf %gather3A, %get3A_870 : vector<16xf32>
      %ge3A = arith.constant 4.096000e+03 : f32
      %ge3A_949 = vector.broadcast %ge3A : f32 to vector<16xf32>
      %ge3A_950 = arith.cmpf oge, %add3A_948, %ge3A_949 : vector<16xf32>
      %sub3A = arith.constant 4.096000e+03 : f32
      %sub3A_951 = vector.broadcast %sub3A : f32 to vector<16xf32>
      %sub3A_952 = arith.subf %add3A_948, %sub3A_951 : vector<16xf32>
      %select_n3A = arith.select %ge3A_950, %sub3A_952, %add3A_948 : vector<16xi1>, vector<16xf32>
      tpu.vector_store_idx %arg7[%mul3A_944], %select_n3A : memref<32768xf32, #tpu.memory_space<vmem>>[vector<16xi32>], vector<16xf32>,
    }
    %scan3A_876 = arith.constant 26 : i32
    %add3A_877 = arith.constant 896 : i32
    %add3A_878 = arith.addi %add3A_877, %mul3A_2 : i32
    %add3A_879 = arith.constant 2 : i32
    %add3A_880 = arith.addi %add3A_878, %add3A_879 : i32
    %dma_start3A_881 = arith.constant 0 : i32
    %dma_start3A_882 = tpu.memref_slice %arg4[%add3A_880, %dma_start3A_881] : memref<1024x32768xf32, #tpu.memory_space<hbm>> -> memref<1x32768xf32, #tpu.memory_space<hbm>>
    %dma_start3A_883 = tpu.memref_squeeze %dma_start3A_882 : memref<1x32768xf32, #tpu.memory_space<hbm>> -> memref<32768xf32, #tpu.memory_space<hbm>>
    %dma_start3A_884 = arith.constant 0 : i32
    %dma_start3A_885 = tpu.memref_slice %arg4[%add3A_880, %dma_start3A_884] : memref<1024x32768xf32, #tpu.memory_space<hbm>> -> memref<1x32768xf32, #tpu.memory_space<hbm>>
    %dma_start3A_886 = tpu.memref_squeeze %dma_start3A_885 : memref<1x32768xf32, #tpu.memory_space<hbm>> -> memref<32768xf32, #tpu.memory_space<hbm>>
    tpu.enqueue_dma source(%arg7 : memref<32768xf32, #tpu.memory_space<vmem>>) target(%dma_start3A_886 : memref<32768xf32, #tpu.memory_space<hbm>>) target_semaphore(%arg28 : memref<!tpu.dma_semaphore, #tpu.memory_space<semaphore_mem>>)
    %dma_wait3A_887 = arith.constant 0 : i32
    %dma_wait3A_888 = tpu.memref_slice %arg4[%add3A_850, %dma_wait3A_887] : memref<1024x32768xf32, #tpu.memory_space<hbm>> -> memref<1x32768xf32, #tpu.memory_space<hbm>>
    %dma_wait3A_889 = tpu.memref_squeeze %dma_wait3A_888 : memref<1x32768xf32, #tpu.memory_space<hbm>> -> memref<32768xf32, #tpu.memory_space<hbm>>
    %dma_wait3A_890 = arith.constant 0 : i32
    %dma_wait3A_891 = tpu.memref_slice %arg4[%add3A_850, %dma_wait3A_890] : memref<1024x32768xf32, #tpu.memory_space<hbm>> -> memref<1x32768xf32, #tpu.memory_space<hbm>>
    %dma_wait3A_892 = tpu.memref_squeeze %dma_wait3A_891 : memref<1x32768xf32, #tpu.memory_space<hbm>> -> memref<32768xf32, #tpu.memory_space<hbm>>
    tpu.wait_dma2 semaphore(%arg26 : memref<!tpu.dma_semaphore, #tpu.memory_space<semaphore_mem>>) src(%arg5 : memref<32768xf32, #tpu.memory_space<vmem>>) dst(%dma_wait3A_892 : memref<32768xf32, #tpu.memory_space<hbm>>)
    %scan3A_893 = arith.constant 0 : i32
    %scan3A_894 = arith.constant 0 : i32
    %scan3A_895 = arith.constant 30 : i32
    %scan3A_896 = arith.addi %scan3A_894, %scan3A_895 : i32
    %scan3A_897 = arith.constant 1 : i32
    scf.for %scan3A_935 = %scan3A_894 to %scan3A_896 step %scan3A_897  : i32 {
      %iota3A = tpu.iota {dimensions = array<i32: 0>} : vector<16xi32>
      %mul3A_936 = arith.constant 16 : i32
      %mul3A_937 = arith.muli %scan3A_935, %mul3A_936 : i32
      %add3A_938 = vector.broadcast %mul3A_937 : i32 to vector<16xi32>
      %add3A_939 = arith.addi %add3A_938, %iota3A : vector<16xi32>
      %min3A = arith.constant 468 : i32
      %min3A_940 = vector.broadcast %min3A : i32 to vector<16xi32>
      %min3A_941 = arith.minsi %add3A_939, %min3A_940 : vector<16xi32>
      %mul3A_942 = arith.constant 70 : i32
      %mul3A_943 = vector.broadcast %mul3A_942 : i32 to vector<16xi32>
      %mul3A_944 = arith.muli %min3A_941, %mul3A_943 : vector<16xi32>
      %mul3A_945 = arith.constant 16 : i32
      %mul3A_946 = arith.muli %scan3A_935, %mul3A_945 : i32
      %get3A_947 = arith.index_cast %mul3A_946 : i32 to index
      %get3A_948 = tpu.vector_load %arg21[%get3A_947] {strides = array<i32>} : memref<480xf32, #tpu.memory_space<vmem>>, vector<16xf32>,
      tpu.vector_store_idx %arg5[%mul3A_944], %get3A_948 : memref<32768xf32, #tpu.memory_space<vmem>>[vector<16xi32>], vector<16xf32>,
    }
    %scan3A_898 = arith.constant 30 : i32
    %get3A_899 = arith.constant 112 : index
    %get3A_900 = tpu.vector_load %arg8[%get3A_899] {strides = array<i32>} : memref<128xf32, #tpu.memory_space<vmem>>, vector<16xf32>,
    %scan3A_901 = arith.constant 0 : i32
    %scan3A_902 = arith.constant 0 : i32
    %scan3A_903 = arith.constant 26 : i32
    %scan3A_904 = arith.addi %scan3A_902, %scan3A_903 : i32
    %scan3A_905 = arith.constant 1 : i32
    scf.for %scan3A_935 = %scan3A_902 to %scan3A_904 step %scan3A_905  : i32 {
      %iota3A = tpu.iota {dimensions = array<i32: 0>} : vector<16xi32>
      %mul3A_936 = arith.constant 16 : i32
      %mul3A_937 = arith.muli %scan3A_935, %mul3A_936 : i32
      %add3A_938 = vector.broadcast %mul3A_937 : i32 to vector<16xi32>
      %add3A_939 = arith.addi %add3A_938, %iota3A : vector<16xi32>
      %min3A = arith.constant 409 : i32
      %min3A_940 = vector.broadcast %min3A : i32 to vector<16xi32>
      %min3A_941 = arith.minsi %add3A_939, %min3A_940 : vector<16xi32>
      %mul3A_942 = arith.constant 80 : i32
      %mul3A_943 = vector.broadcast %mul3A_942 : i32 to vector<16xi32>
      %mul3A_944 = arith.muli %min3A_941, %mul3A_943 : vector<16xi32>
      %gather3A = tpu.vector_load_idx %arg5[%mul3A_944] : memref<32768xf32, #tpu.memory_space<vmem>>[vector<16xi32>], vector<16xf32>,
      %mul3A_945 = arith.constant 16 : i32
      %mul3A_946 = arith.muli %scan3A_935, %mul3A_945 : i32
      %swap3A = arith.index_cast %mul3A_946 : i32 to index
      %swap3A_947 = tpu.vector_load %arg22[%swap3A] {strides = array<i32>} : memref<416xf32, #tpu.memory_space<vmem>>, vector<16xf32>,
      tpu.vector_store %arg22[%swap3A], %gather3A {strides = array<i32>} : memref<416xf32, #tpu.memory_space<vmem>>, vector<16xf32>,
      %add3A_948 = arith.addf %gather3A, %get3A_900 : vector<16xf32>
      %ge3A = arith.constant 4.096000e+03 : f32
      %ge3A_949 = vector.broadcast %ge3A : f32 to vector<16xf32>
      %ge3A_950 = arith.cmpf oge, %add3A_948, %ge3A_949 : vector<16xf32>
      %sub3A = arith.constant 4.096000e+03 : f32
      %sub3A_951 = vector.broadcast %sub3A : f32 to vector<16xf32>
      %sub3A_952 = arith.subf %add3A_948, %sub3A_951 : vector<16xf32>
      %select_n3A = arith.select %ge3A_950, %sub3A_952, %add3A_948 : vector<16xi1>, vector<16xf32>
      tpu.vector_store_idx %arg5[%mul3A_944], %select_n3A : memref<32768xf32, #tpu.memory_space<vmem>>[vector<16xi32>], vector<16xf32>,
    }
    %scan3A_906 = arith.constant 26 : i32
    %add3A_907 = arith.constant 896 : i32
    %add3A_908 = arith.addi %add3A_907, %mul3A_2 : i32
    %add3A_909 = arith.constant 3 : i32
    %add3A_910 = arith.addi %add3A_908, %add3A_909 : i32
    %dma_start3A_911 = arith.constant 0 : i32
    %dma_start3A_912 = tpu.memref_slice %arg4[%add3A_910, %dma_start3A_911] : memref<1024x32768xf32, #tpu.memory_space<hbm>> -> memref<1x32768xf32, #tpu.memory_space<hbm>>
    %dma_start3A_913 = tpu.memref_squeeze %dma_start3A_912 : memref<1x32768xf32, #tpu.memory_space<hbm>> -> memref<32768xf32, #tpu.memory_space<hbm>>
    %dma_start3A_914 = arith.constant 0 : i32
    %dma_start3A_915 = tpu.memref_slice %arg4[%add3A_910, %dma_start3A_914] : memref<1024x32768xf32, #tpu.memory_space<hbm>> -> memref<1x32768xf32, #tpu.memory_space<hbm>>
    %dma_start3A_916 = tpu.memref_squeeze %dma_start3A_915 : memref<1x32768xf32, #tpu.memory_space<hbm>> -> memref<32768xf32, #tpu.memory_space<hbm>>
    tpu.enqueue_dma source(%arg5 : memref<32768xf32, #tpu.memory_space<vmem>>) target(%dma_start3A_916 : memref<32768xf32, #tpu.memory_space<hbm>>) target_semaphore(%arg26 : memref<!tpu.dma_semaphore, #tpu.memory_space<semaphore_mem>>)
    %dma_wait3A_917 = arith.constant 0 : i32
    %dma_wait3A_918 = tpu.memref_slice %arg4[%add3A_456, %dma_wait3A_917] : memref<1024x32768xf32, #tpu.memory_space<hbm>> -> memref<1x32768xf32, #tpu.memory_space<hbm>>
    %dma_wait3A_919 = tpu.memref_squeeze %dma_wait3A_918 : memref<1x32768xf32, #tpu.memory_space<hbm>> -> memref<32768xf32, #tpu.memory_space<hbm>>
    %dma_wait3A_920 = arith.constant 0 : i32
    %dma_wait3A_921 = tpu.memref_slice %arg4[%add3A_456, %dma_wait3A_920] : memref<1024x32768xf32, #tpu.memory_space<hbm>> -> memref<1x32768xf32, #tpu.memory_space<hbm>>
    %dma_wait3A_922 = tpu.memref_squeeze %dma_wait3A_921 : memref<1x32768xf32, #tpu.memory_space<hbm>> -> memref<32768xf32, #tpu.memory_space<hbm>>
    tpu.wait_dma2 semaphore(%arg27 : memref<!tpu.dma_semaphore, #tpu.memory_space<semaphore_mem>>) src(%arg6 : memref<32768xf32, #tpu.memory_space<vmem>>) dst(%dma_wait3A_922 : memref<32768xf32, #tpu.memory_space<hbm>>)
    %dma_wait3A_923 = arith.constant 0 : i32
    %dma_wait3A_924 = tpu.memref_slice %arg4[%add3A_880, %dma_wait3A_923] : memref<1024x32768xf32, #tpu.memory_space<hbm>> -> memref<1x32768xf32, #tpu.memory_space<hbm>>
    %dma_wait3A_925 = tpu.memref_squeeze %dma_wait3A_924 : memref<1x32768xf32, #tpu.memory_space<hbm>> -> memref<32768xf32, #tpu.memory_space<hbm>>
    %dma_wait3A_926 = arith.constant 0 : i32
    %dma_wait3A_927 = tpu.memref_slice %arg4[%add3A_880, %dma_wait3A_926] : memref<1024x32768xf32, #tpu.memory_space<hbm>> -> memref<1x32768xf32, #tpu.memory_space<hbm>>
    %dma_wait3A_928 = tpu.memref_squeeze %dma_wait3A_927 : memref<1x32768xf32, #tpu.memory_space<hbm>> -> memref<32768xf32, #tpu.memory_space<hbm>>
    tpu.wait_dma2 semaphore(%arg28 : memref<!tpu.dma_semaphore, #tpu.memory_space<semaphore_mem>>) src(%arg7 : memref<32768xf32, #tpu.memory_space<vmem>>) dst(%dma_wait3A_928 : memref<32768xf32, #tpu.memory_space<hbm>>)
    %dma_wait3A_929 = arith.constant 0 : i32
    %dma_wait3A_930 = tpu.memref_slice %arg4[%add3A_910, %dma_wait3A_929] : memref<1024x32768xf32, #tpu.memory_space<hbm>> -> memref<1x32768xf32, #tpu.memory_space<hbm>>
    %dma_wait3A_931 = tpu.memref_squeeze %dma_wait3A_930 : memref<1x32768xf32, #tpu.memory_space<hbm>> -> memref<32768xf32, #tpu.memory_space<hbm>>
    %dma_wait3A_932 = arith.constant 0 : i32
    %dma_wait3A_933 = tpu.memref_slice %arg4[%add3A_910, %dma_wait3A_932] : memref<1024x32768xf32, #tpu.memory_space<hbm>> -> memref<1x32768xf32, #tpu.memory_space<hbm>>
    %dma_wait3A_934 = tpu.memref_squeeze %dma_wait3A_933 : memref<1x32768xf32, #tpu.memory_space<hbm>> -> memref<32768xf32, #tpu.memory_space<hbm>>
    tpu.wait_dma2 semaphore(%arg26 : memref<!tpu.dma_semaphore, #tpu.memory_space<semaphore_mem>>) src(%arg5 : memref<32768xf32, #tpu.memory_space<vmem>>) dst(%dma_wait3A_934 : memref<32768xf32, #tpu.memory_space<hbm>>)
    return
  }
}

</mosaic_0001>

<sc_bundles>
// kernel: kernel.3.cloned.1.call-start
scs
__scs_entry_jumppad:
0x0: {  	(pc) =	sbr.rel $0x88, $3  }
0x1: {  	(tag) =	ssettag $0x0;
	lr =	simm.s32 $0x1  }
0x2: {  	[smem:$0x3F9F] =	sst lr;
	_ =	strace $0xD0000000  }
0x3: {  	_ = 	snop  }
0x4: {  	_ = 	snop  }
0x5: {  	_ = 	snop  }
0x6: {  	_ = 	snop  }
0x7: {  	_ = 	snop  }
__scs_overlays_trampoline_lowered:
0x8: {  	[smem:$0x3FAE] =	sst s0  }
0x9: {  	[smem:$0x3FAF] =	sst s1  }
0xa: {  	[smem:$0x3FB0] =	sst s2  }
0xb: {  	[smem:$0x3FB1] =	sst s3  }
0xc: {  	[smem:$0x3FB2] =	sst s4  }
0xd: {  	[smem:$0x3FB3] =	sst s5  }
0xe: {  	[smem:$0x3FB4] =	sst s6  }
0xf: {  	[smem:$0x3FB5] =	sst s7  }
0x10: {  	[smem:$0x3FB6] =	sst s8  }
0x11: {  	[smem:$0x3FB7] =	sst s9;
	s0 =	simm.s32 @!p0 $0x0  }
0x12: {  	s1 =	sld [smem:$0x3F9D];
	s0 =	simm.s32 @p0 $0x1  }
0x13: {  	[smem:$0x3FB8] =	sst s0;
	s0 =	simm.s32 @!p1 $0x0  }
0x14: {  	s2 =	sld [smem:$0x3F9C];
	s0 =	simm.s32 @p1 $0x1  }
0x15: {  	[smem:$0x3FB9] =	sst s0;
	s0 =	simm.s32 @!p2 $0x0  }
0x16: {  	s3 =	sld [smem:$0x3FDB];
	s0 =	simm.s32 @p2 $0x1  }
0x17: {  	s4 =	simm.s32 $0x1BF5;
	[smem:$0x3FBB] =	sst s0  }
0x18: {  	s0 =	sld [smem:$0x3F9E];
	_ =	swait.ge [sflag:s4], $0x0  }
0x19: {  	s7 =	sld [smem:$0x3F9F]  }
0x1a: {  	s8 =	sadd.s32 $0xFFFFE003, lr  }
0x1b: {  	s9 =	sadd.s32 $0xFFFFFEF7, lr;
	s5 =	simm.s32 $0xFFFFFFFF;
	p2 =	slt.u32 s8, $0xFFFFF086  }
0x1c: {  	p1 =	slt.u32 s9, $0xF7A;
	s5 =	simm.s32 @!p2 $0x0  }
0x1d: {  	s5 =	simm.s32 @p1 $0x1;
	p0 =	seq.s32 s7, s2  }
0x1e: {  	s7 =	smul.u32 @!p0 $0xF7A, s2;
	p2 =	seq.s32 @!p0 s5, $0x0  }
0x1f: {  	s9 =	smul.u32 $0xF7A, s1;
	s8 =	simm.s32 @!p0 $0x1BF5;
	p2 =	por !p2, p0  }
0x20: {  	[sflag:s8] =	ssyncset.s32 @!p0 $0xFFFFF086;
	s6 =	sadd.s32 @!p0 s3, s7;
	s7 =	simm.s32 @!p0 $0x108  }
0x21: {  	s3 =	sadd.s32 s3, s9;
	s6 =	sadd.s32 @!p0 $0x88, s6;
	s7 =	simm.s32 @p2 $0x1082  }
0x22: {  	[simem:s7], [sflag:s8] =	dma.local @!p0 [hbm:s6], $0xF7A  }
0x23: {  	s9 =	sor.u32 $0xD0000000, s2;
	s6 =	simm.s32 $0x108;
	_ =	swait.ge @!p0 [sflag:s8], $0x0  }
0x24: {  	s3 =	sadd.s32 $0x88, s3;
	s6 =	simm.s32 @!p1 $0x1082;
	[sflag:s4] =	ssyncset.s32 $0xFFFFF086  }
0x25: {  	[simem:s6], [sflag:s4] =	dma.local [hbm:s3], $0xF7A  }
0x26: {  	[smem:$0x3F9F] =	sst s1;
	(tag) =	ssettag s2;
	_ =	strace s9  }
0x27: {  	s1 =	sld [smem:$0x3FAF]  }
0x28: {  	s2 =	sld [smem:$0x3FB0]  }
0x29: {  	s4 =	sld [smem:$0x3FB2]  }
0x2a: {  	p0 =	seq.s32 s5, $0x0;
	s5 =	sld [smem:$0x3FB3]  }
0x2b: {  	s6 =	sld [smem:$0x3FB4]  }
0x2c: {  	s7 =	sld [smem:$0x3FB5]  }
0x2d: {  	s3 =	simm.s32 $0x108;
	s8 =	sld [smem:$0x3FB6]  }
0x2e: {  	s3 =	simm.s32 @!p0 $0x1082;
	s9 =	sld [smem:$0x3FB7]  }
0x2f: {  	lr =	sadd.s32 s0, s3;
	s0 =	sld [smem:$0x3FAE]  }
0x30: {  	s3 =	sld [smem:$0x3FB1]  }
0x31: {  	[smem:$0x3FBA] =	sst s10  }
0x32: {  	s10 =	sld [smem:$0x3FB8];
	_ =	sdelay $0x3  }
0x33: {  	p0 =	seq.s32 s10, $0x1;
	s10 =	sld [smem:$0x3FBA];
	_ =	sdelay $0x3  }
0x34: {  	[smem:$0x3FBA] =	sst s10  }
0x35: {  	s10 =	sld [smem:$0x3FB9];
	_ =	sdelay $0x3  }
0x36: {  	p1 =	seq.s32 s10, $0x1;
	s10 =	sld [smem:$0x3FBA];
	_ =	sdelay $0x3  }
0x37: {  	[smem:$0x3FBA] =	sst s10  }
0x38: {  	s10 =	sld [smem:$0x3FBB]  }
0x39: {  	_ = 	snop;
	(pc) =	sbr.ind lr, $3  }
0x3a: {  	_ = 	snop  }
0x3b: {  	_ = 	snop  }
0x3c: {  	p2 =	seq.s32 s10, $0x1;
	s10 =	sld [smem:$0x3FBA]  }
0x3d: {  	_ =	shalt  }
0x3e: {  	_ =	shalt  }
0x3f: {  	_ =	shalt  }
0x40: {  	_ =	shalt  }
0x41: {  	_ =	shalt  }
0x42: {  	_ =	shalt  }
0x43: {  	_ =	shalt  }
0x44: {  	_ =	shalt  }
0x45: {  	_ =	shalt  }
0x46: {  	_ =	shalt  }
0x47: {  	_ =	shalt  }
0x48: {  	_ =	shalt  }
0x49: {  	_ =	shalt  }
0x4a: {  	_ =	shalt  }
0x4b: {  	_ =	shalt  }
0x4c: {  	_ =	shalt  }
0x4d: {  	_ =	shalt  }
0x4e: {  	_ =	shalt  }
0x4f: {  	_ =	shalt  }
0x50: {  	_ =	shalt  }
0x51: {  	_ =	shalt  }
0x52: {  	_ =	shalt  }
0x53: {  	_ =	shalt  }
0x54: {  	_ =	shalt  }
0x55: {  	_ =	shalt  }
0x56: {  	_ =	shalt  }
0x57: {  	_ =	shalt  }
0x58: {  	_ =	shalt  }
0x59: {  	_ =	shalt  }
0x5a: {  	_ =	shalt  }
0x5b: {  	_ =	shalt  }
0x5c: {  	_ =	shalt  }
0x5d: {  	_ =	shalt  }
0x5e: {  	_ =	shalt  }
0x5f: {  	_ =	shalt  }
0x60: {  	_ =	shalt  }
0x61: {  	_ =	shalt  }
0x62: {  	_ =	shalt  }
0x63: {  	_ =	shalt  }
0x64: {  	_ =	shalt  }
0x65: {  	_ =	shalt  }
0x66: {  	_ =	shalt  }
0x67: {  	_ =	shalt  }
0x68: {  	_ =	shalt  }
0x69: {  	_ =	shalt  }
0x6a: {  	_ =	shalt  }
0x6b: {  	_ =	shalt  }
0x6c: {  	_ =	shalt  }
0x6d: {  	_ =	shalt  }
0x6e: {  	_ =	shalt  }
0x6f: {  	_ =	shalt  }
0x70: {  	_ =	shalt  }
0x71: {  	_ =	shalt  }
0x72: {  	_ =	shalt  }
0x73: {  	_ =	shalt  }
0x74: {  	_ =	shalt  }
0x75: {  	_ =	shalt  }
0x76: {  	_ =	shalt  }
0x77: {  	_ =	shalt  }
0x78: {  	_ =	shalt  }
0x79: {  	_ =	shalt  }
0x7a: {  	_ =	shalt  }
0x7b: {  	_ =	shalt  }
0x7c: {  	_ =	shalt  }
0x7d: {  	_ =	shalt  }
0x7e: {  	_ =	shalt  }
0x7f: {  	_ =	shalt  }
0x80: {  	_ =	shalt  }
0x81: {  	_ =	shalt  }
0x82: {  	_ =	shalt  }
0x83: {  	_ =	shalt  }
0x84: {  	_ =	shalt  }
0x85: {  	_ =	shalt  }
0x86: {  	_ =	shalt  }
0x87: {  	_ =	shalt  }
.Lfunc_end0:
.L_simem_size_0:
called_computation_lowered:
.L_overlay_start_0:
0x88: {  	s2 =	sld [smem:$0x3FD9]  }
0x89: {  	s3 =	sld [smem:$0x3FFE];
	_ =	sdelay $0x1  }
0x8a: {  	s1 =	srdreg.scid  }
0x8b: {  	s0 =	sand.u32 $0x1, s1  }
0x8c: {  	s17 =	sshll.u32 s0, $0xA;
	s2 =	sadd.s32 s3, s2  }
0x8d: {  	s2 =	sadd.s32 s2, s17  }
0x8e: {  	[smem:$0x3FC6] =	sst s2  }
0x8f: {  	_ = 	snop  }
0x90: {  	s2 =	sld [smem:$0x3FD0];
	(tm) =	ssettm $0x1  }
0x91: {  	s18 =	sld [smem:$0x3FFB];
	_ =	sdelay $0x3  }
0x92: {  	_ =	strace s18  }
0x93: {  	s3 =	sld [smem:$0x3FFC];
	_ =	sdelay $0x3  }
0x94: {  	_ =	strace s3  }
0x95: {  	s3 =	sld [smem:$0x3FFD];
	_ =	sdelay $0x3  }
0x96: {  	_ =	strace s3  }
0x97: {  	_ =	strace $0x8FFFFFFF  }
0x98: {  	s19 =	sld [smem:$0x3FDB];
	_ =	sdelay $0x1  }
0x99: {  	s4 =	simm.s32 $_scs_section_size  }
0x9a: {  	s5 =	simm.s32 $_size__tile_overlayer_lowered;
	s6 =	simm.s32 $_tile_overlayer_lowered  }
0x9b: {  	s22 =	simm.s32 $0x1BFF;
	s21 =	sshll.u32 s6, $0x1;
	s3 =	sadd.s32 s4, s19  }
0x9c: {  	s7 =	simm.s32 $0x0;
	s20 =	sshll.u32 s5, $0x1;
	s5 =	sadd.s32 s21, s3  }
0x9d: {  	[timem:s7], [sflag:s22] =	dma.local [hbm:s5], s20  }
0x9e: {  	_ =	swait.ge [sflag:s22], s20  }
0x9f: {  	s4 =	ssub.s32 $0x0, s20;
	[sflag:s22] =	ssyncset.done $0x0  }
0xa0: {  	[sflag:s22] =	ssyncadd.s32 s4;
	_ =	sdelay $0x1  }
0xa1: {  	s23 =	simm.s32 $0x1B8B  }
0xa2: {  	_ =	swait.ge [sflag:s23], $0x1  }
0xa3: {  	[sflag:s23] =	ssyncset.done $0x0  }
0xa4: {  	s25 =	simm.s32 $0x1B8E;
	s24 =	sld [smem:$0x3FFE];
	[sflag:s23] =	ssyncadd.s32 $0xFFFFFFFF  }
0xa5: {  	s26 =	simm.s32 $execute0_lowered;
	[smem:$0x3FD2] =	sst s25  }
0xa6: {  	s5 =	sshll.u32 s26, $0x1;
	_ =	strace $0x80000046;
	[dreg:$0x1] =	wrdreg $0xFFFFFFFF  }
0xa7: {  	s28 =	simm.s32 $_size_execute0_lowered;
	s3 =	sadd.s32 s3, s5;
	[dreg:$0x0] =	wrdreg $0x0  }
0xa8: {  	s5 =	sshll.u32 s28, $0x1;
	[dreg:$0x2] =	wrdreg s3  }
0xa9: {  	[dreg:$0x3] =	wrdreg s5  }
0xaa: {  	[dreg:$0x4] =	wrdreg $0xC0  }
0xab: {  	_ =	task [dreg:s7], $0x5FFFF  }
0xac: {  	[dreg:$0x1] =	wrdreg $0xFFFFFFFF  }
0xad: {  	[dreg:$0x0] =	wrdreg $0x60  }
0xae: {  	[dreg:$0x2] =	wrdreg s2  }
0xaf: {  	[dreg:$0x3] =	wrdreg s24  }
0xb0: {  	[dreg:$0x4] =	wrdreg $0x9  }
0xb1: {  	_ =	task.clear_ibuf [dreg:s7], $0x5FFFF;
	_ =	strace $0x90000046  }
0xb2: {  	s29 =	simm.s32 $0x9;
	_ =	strace $0x80000048  }
0xb3: {  	_ =	swait.ge [sflag:s29], $0x1  }
0xb4: {  	[sflag:s29] =	ssyncadd.s32 $0xFFFFFFFF  }
0xb5: {  	_ =	strace $0x90000048  }
0xb6: {  	_ =	sfence  }
0xb7: {  	s30 =	sld [smem:$0x0];
	_ =	sdelay $0x2  }
0xb8: {  	s31 =	sshll.u32 s1, $0xD;
	s1 =	sshrl.u32 s1, $0x2  }
0xb9: {  	s3 =	sand.u32 $0x4000, s31;
	s1 =	sadd.s32 s1, s30  }
0xba: {  	s0 =	sor.u32 s3, s0;
	s1 =	sshll.u32 s1, $0x11  }
0xbb: {  	s0 =	sor.u32 s1, s0  }
0xbc: {  	s0 =	sadd.s32 $0x8F2B, s0  }
0xbd: {  	[sflag:s0] =	ssyncadd.remote.s32 $0x1  }
0xbe: {  	_ =	sfence.sel $0xFFFF  }
0xbf: {  	[dreg:$0x0] =	wrdreg $0xFFFFFFFF;
	(pc) =	sbr.abs _section_cstart, $3  }
0xc0: {  	[dreg:$0x1] =	wrdreg $0xFFFFFFFF  }
0xc1: {  	_ =	task.clear_ibuf [dreg:s7], $0x2FFFF;
	_ =	strace $0x9FFFFFFF  }
0xc2: {  	(tm) =	ssettm $0x7FFFFFFF  }
0xc3: {  	_ =	shalt  }
tec
execute0_lowered:
.L_overlay_start_1:
0x0: {  	(tag) =	ssettag $0x1  }
0x1: {  	s0 =	rddreg [dreg:$0x0]  }
0x2: {  	s2 =	rddreg [dreg:$0x1]  }
0x3: {  	s1 =	simm.s32 $0x0;
	s3 =	srdreg.scid;
	s6 =	stileid.u32  }
0x4: {  	[smem:$0x7FF] =	sst s1;
	s3 =	sand.u32 $0x1, s3;
	s4 =	sadd.s32 $0x400, s2  }
0x5: {  	s6 =	sshll.u32 s6, $0xE;
	s9 =	ssub.s32 $0x2, s3;
	s3 =	sshll.u32 s3, $0x12  }
0x6: {  	s2 =	sadd.s32 $0x600, s2;
	_ =	strace $0x80000047;
	s3 =	sor.u32 s6, s3  }
0x7: {  	[dreg:$0x3] =	wrdreg s4;
	s10 =	sadd.s32 s0, s3;
	s11 =	sor.u32 $0x1000, s3  }
0x8: {  	s6 =	sor.u32 $0x2000, s3;
	[dreg:$0x4] =	wrdreg s10;
	s7 =	sadd.s32 s0, s11  }
0x9: {  	s5 =	sshrl.u32 s9, $0x1;
	s12 =	sadd.s32 s0, s6;
	[dreg:$0x5] =	wrdreg s7  }
0xa: {  	s4 =	ssub.s32 s9, s5;
	s5 =	sadd.s32 s2, s11;
	[dreg:$0x6] =	wrdreg s12  }
0xb: {  	s25 =	sadd.s32 s2, s6;
	s7 =	sadd.s32 s2, s3;
	[dreg:$0x7] =	wrdreg s5  }
0xc: {  	s3 =	sor.u32 $0x3000, s3;
	[dreg:$0x15] =	wrdreg s25;
	s13 =	sadd.s32 $0x80000, s7  }
0xd: {  	s25 =	smax.u32 s4, $0x1;
	s14 =	sadd.s32 $0x81000, s7;
	[dreg:$0x8] =	wrdreg s13  }
0xe: {  	s12 =	simm.s32 $0x7;
	s15 =	sadd.s32 $0x100000, s7;
	[dreg:$0x9] =	wrdreg s14  }
0xf: {  	s16 =	sadd.s32 $0x101000, s7;
	s17 =	sadd.s32 $0x180000, s7;
	[dreg:$0xa] =	wrdreg s15  }
0x10: {  	s18 =	sadd.s32 $0x181000, s7;
	s19 =	sadd.s32 $0x200000, s7;
	[dreg:$0xb] =	wrdreg s16  }
0x11: {  	s20 =	sadd.s32 $0x201000, s7;
	s21 =	sadd.s32 $0x280000, s7;
	[dreg:$0xc] =	wrdreg s17  }
0x12: {  	s22 =	sadd.s32 $0x281000, s7;
	s23 =	sadd.s32 $0x300000, s7;
	[dreg:$0xd] =	wrdreg s18  }
0x13: {  	s24 =	sadd.s32 $0x301000, s7;
	s0 =	sadd.s32 s0, s3;
	[dreg:$0xe] =	wrdreg s19  }
0x14: {  	s26 =	sadd.s32 s2, s3;
	s28 =	sadd.s32 $0x82000, s7;
	[dreg:$0xf] =	wrdreg s20  }
0x15: {  	s29 =	sadd.s32 $0x83000, s7;
	s30 =	sadd.s32 $0x102000, s7;
	[dreg:$0x10] =	wrdreg s21  }
0x16: {  	s31 =	sadd.s32 $0x103000, s7;
	s2 =	sadd.s32 $0x183000, s7;
	[dreg:$0x11] =	wrdreg s22  }
0x17: {  	s3 =	sadd.s32 $0x202000, s7;
	s4 =	sadd.s32 $0x203000, s7;
	[dreg:$0x12] =	wrdreg s23  }
0x18: {  	s5 =	sadd.s32 $0x282000, s7;
	s6 =	sadd.s32 $0x283000, s7;
	[dreg:$0x13] =	wrdreg s24  }
0x19: {  	s8 =	sadd.s32 $0x302000, s7;
	s9 =	sadd.s32 $0x303000, s7;
	[dreg:$0x14] =	wrdreg s0  }
0x1a: {  	s10 =	sadd.s32 $0x382000, s7;
	s11 =	sadd.s32 $0x383000, s7;
	[dreg:$0x16] =	wrdreg s26  }
0x1b: {  	s24 =	sadd.s32 $0x380000, s7;
	s26 =	sadd.s32 $0x381000, s7;
	s0 =	sadd.s32 $0x182000, s7  }
0x1c: {  	s13 =	simm.s32 $0x8000;
	s14 =	simm.s32 $0x10000;
	s15 =	simm.s32 $0x1  }
0x1d: {  	s16 =	simm.s32 $0x2;
	s17 =	simm.s32 $0x4;
	s18 =	simm.s32 $0x5  }
0x1e: {  	v0 =	vlaneseq.u32;
	s19 =	simm.s32 $0x3;
	s20 =	simm.s32 $0x6;
	s21 =	simm.s32 $0x0  }
.LBB2_1:
0x1f: {  	s22 =	rddreg [dreg:$0x3];
	s23 =	simm.s32 $0x18000  }
0x20: {  	[tilespmem:s23], [sflag:$0x7] =	stream.linear.gather [hbm4b:s22+s1], $0x80, $0x38;
	[tilespmem:$0x1AD00] =	vst v63  }
0x21: {  	_ =	swait.ge [sflag:s12], $0x80  }
0x22: {  	[sflag:s12] =	ssyncset.done $0x0  }
0x23: {  	s23 =	rddreg [dreg:$0x4];
	[sflag:s12] =	ssyncadd.s32 $0xFFFFFF80  }
0x24: {  	[tilespmem:s1], [sflag:$0x1] =	stream.linear.gather [hbm4b:s23+s1], $0x8000, $0x38;
	[tilespmem:$0x1AD00] =	vst v63  }
0x25: {  	s23 =	rddreg [dreg:$0x5]  }
0x26: {  	[tilespmem:s13], [sflag:$0x2] =	stream.linear.gather [hbm4b:s23+s1], $0x8000, $0x38;
	[tilespmem:$0x1AD00] =	vst v63  }
0x27: {  	s23 =	rddreg [dreg:$0x6]  }
0x28: {  	[tilespmem:s14], [sflag:$0x3] =	stream.linear.gather [hbm4b:s23+s1], $0x8000, $0x38;
	[tilespmem:$0x1AD00] =	vst v63  }
0x29: {  	_ =	swait.ge [sflag:s15], $0x8000  }
0x2a: {  	[sflag:s15] =	ssyncset.done $0x0  }
0x2b: {  	[sflag:s15] =	ssyncadd.s32 $0xFFFF8000  }
0x2c: {  	v1 =	vor.u32 s1, v0;
	[hbm4b:s7+s1] =	stream.linear.scatter [tilespmem:s1], [sflag:$0x4], $0x8000, $0x38;
	[tilespmem:$0x1AD00] =	vst v63  }
0x2d: {  	vm0 =	vlt.s32 v1, $0x666;
	_ =	swait.ge [sflag:s16], $0x8000  }
0x2e: {  	v1 =	vnsel vm0, $0x666, v1;
	[sflag:s16] =	ssyncset.done $0x0  }
0x2f: {  	v3 =	vmul.u32 $0x14, v1;
	s23 =	rddreg [dreg:$0x7];
	[sflag:s16] =	ssyncadd.s32 $0xFFFF8000  }
0x30: {  	[hbm4b:s23+s1] =	stream.linear.scatter [tilespmem:s13], [sflag:$0x5], $0x8000, $0x38;
	[tilespmem:$0x1AD00] =	vst v63  }
0x31: {  	_ =	swait.ge [sflag:s17], $0x8000  }
0x32: {  	[sflag:s17] =	ssyncset.done $0x0  }
0x33: {  	[sflag:s17] =	ssyncadd.s32 $0xFFFF8000  }
0x34: {  	v1 =	vld [tilespmem:$0x18010]  }
0x35: {  	v4 =	vld.idx.msk [tilespmem:v3+s1+$0x0], $0xffff  }
0x36: {  	s23 =	simm.s32 $0x10  }
0x37: {  	v2 =	vor.u32 s23, v0  }
0x38: {  	vm14 =	vlt.s32 v2, $0x666  }
0x39: {  	v2 =	vnsel vm14, $0x666, v2  }
0x3a: {  	v2 =	vmul.u32 $0x14, v2;
	v5 =	vadd.f32 v4, v1;
	_ =	sdelay $0x1  }
0x3b: {  	v6 =	vadd.f32 $-4.096000000e+03, v5  }
0x3c: {  	s22 =	simm.s32 $0x18080;
	vm15 =	vge.f32 v5, $4.096000000e+03  }
0x3d: {  	[tilespmem:s22+$0x0] =	vst v4;
	v4 =	vsel vm15, v6, v5  }
0x3e: {  	[tilespmem:v3+s1+$0x0] =	vst.idx.msk $0xffff, v4  }
0x3f: {  	v3 =	vld.idx.msk [tilespmem:v2+s1+$0x0], $0xffff  }
0x40: {  	s23 =	simm.s32 $0x20  }
0x41: {  	v4 =	vor.u32 s23, v0;
	s23 =	simm.s32 $0x30  }
.LBB2_2:
0x42: {  	p0 =	sne.s32 s23, $0x660;
	vm0 =	vlt.s32 v4, $0x666  }
0x43: {  	v4 =	vnsel vm0, $0x666, v4  }
0x44: {  	v5 =	vadd.f32 v3, v1;
	v4 =	vmul.u32 $0x14, v4;
	_ =	sdelay $0x1  }
0x45: {  	v6 =	vadd.f32 $-4.096000000e+03, v5  }
0x46: {  	s22 =	sadd.s32 $0x10, s22;
	vm0 =	vge.f32 v5, $4.096000000e+03  }
0x47: {  	[tilespmem:s22+$0x0] =	vst v3;
	v3 =	vsel vm0, v6, v5  }
.Ltmp0:
0x48: {  	[tilespmem:v2+s1+$0x0] =	vst.idx.msk $0xffff, v3;
	v2 =	vmov v4;
	(pc) =	sbr.rel @p0 .LBB2_2-.Ltmp0, $2  }
0x49: {  	v3 =	vld.idx.msk [tilespmem:v4+s1+$0x0], $0xffff;
	_ =	sdelay $0x2  }
0x4a: {  	v4 =	vor.u32 s23, v0;
	s23 =	sadd.s32 $0x10, s23  }
0x4b: {  	vm0 =	vlt.s32 v4, $0x666  }
0x4c: {  	v4 =	vnsel vm0, $0x666, v4  }
0x4d: {  	v5 =	vadd.f32 v3, v1;
	v4 =	vmul.u32 $0x14, v4;
	_ =	sdelay $0x1  }
0x4e: {  	v6 =	vadd.f32 $-4.096000000e+03, v5  }
0x4f: {  	s22 =	sadd.s32 $0x10, s22;
	vm12 =	vge.f32 v5, $4.096000000e+03  }
0x50: {  	[tilespmem:s22+$0x0] =	vst v3;
	v3 =	vsel vm12, v6, v5  }
0x51: {  	[tilespmem:v2+s1+$0x0] =	vst.idx.msk $0xffff, v3  }
0x52: {  	v2 =	vld.idx.msk [tilespmem:v4+s1+$0x0], $0xffff;
	_ =	sdelay $0x4  }
0x53: {  	v1 =	vadd.f32 v2, v1  }
0x54: {  	s23 =	simm.s32 $0x0  }
0x55: {  	v5 =	vor.u32 s23, v0;
	v3 =	vadd.f32 $-4.096000000e+03, v1  }
0x56: {  	s22 =	sadd.s32 $0x10, s22;
	vm1 =	vlt.s32 v5, $0x666;
	vm13 =	vge.f32 v1, $4.096000000e+03  }
0x57: {  	[tilespmem:s22+$0x0] =	vst v2;
	v2 =	vnsel vm1, $0x666, v5;
	v1 =	vsel vm13, v3, v1  }
0x58: {  	s22 =	rddreg [dreg:$0x8];
	v3 =	vmul.u32 $0x14, v2;
	[tilespmem:v4+s1+$0x0] =	vst.idx.msk $0xffff, v1  }
0x59: {  	[hbm4b:s22+s23] =	stream.linear.scatter [tilespmem:s23], [sflag:$0x4], $0x8000, $0x38;
	[tilespmem:$0x1AD00] =	vst v63  }
0x5a: {  	_ =	swait.ge [sflag:s18], $0x8000  }
0x5b: {  	[sflag:s18] =	ssyncset.done $0x0  }
0x5c: {  	[sflag:s18] =	ssyncadd.s32 $0xFFFF8000  }
0x5d: {  	v1 =	vld [tilespmem:$0x18010]  }
0x5e: {  	v4 =	vld.idx.msk [tilespmem:v3+s13+$0x0], $0xffff  }
0x5f: {  	s23 =	simm.s32 $0x10  }
0x60: {  	v2 =	vor.u32 s23, v0  }
0x61: {  	vm14 =	vlt.s32 v2, $0x666  }
0x62: {  	v2 =	vnsel vm14, $0x666, v2  }
0x63: {  	v2 =	vmul.u32 $0x14, v2;
	v5 =	vadd.f32 v4, v1;
	_ =	sdelay $0x1  }
0x64: {  	v6 =	vadd.f32 $-4.096000000e+03, v5  }
0x65: {  	s22 =	simm.s32 $0x196C0;
	vm15 =	vge.f32 v5, $4.096000000e+03  }
0x66: {  	[tilespmem:s22+$0x0] =	vst v4;
	v4 =	vsel vm15, v6, v5  }
0x67: {  	[tilespmem:v3+s13+$0x0] =	vst.idx.msk $0xffff, v4  }
0x68: {  	v3 =	vld.idx.msk [tilespmem:v2+s13+$0x0], $0xffff  }
0x69: {  	s23 =	simm.s32 $0x20  }
0x6a: {  	v4 =	vor.u32 s23, v0;
	s23 =	simm.s32 $0x30  }
.LBB2_4:
0x6b: {  	p0 =	sne.s32 s23, $0x660;
	vm0 =	vlt.s32 v4, $0x666  }
0x6c: {  	v4 =	vnsel vm0, $0x666, v4  }
0x6d: {  	v5 =	vadd.f32 v3, v1;
	v4 =	vmul.u32 $0x14, v4;
	_ =	sdelay $0x1  }
0x6e: {  	v6 =	vadd.f32 $-4.096000000e+03, v5  }
0x6f: {  	s22 =	sadd.s32 $0x10, s22;
	vm0 =	vge.f32 v5, $4.096000000e+03  }
0x70: {  	[tilespmem:s22+$0x0] =	vst v3;
	v3 =	vsel vm0, v6, v5  }
.Ltmp1:
0x71: {  	[tilespmem:v2+s13+$0x0] =	vst.idx.msk $0xffff, v3;
	v2 =	vmov v4;
	(pc) =	sbr.rel @p0 .LBB2_4-.Ltmp1, $2  }
0x72: {  	v3 =	vld.idx.msk [tilespmem:v4+s13+$0x0], $0xffff;
	_ =	sdelay $0x2  }
0x73: {  	v4 =	vor.u32 s23, v0;
	s23 =	sadd.s32 $0x10, s23  }
0x74: {  	vm0 =	vlt.s32 v4, $0x666  }
0x75: {  	v4 =	vnsel vm0, $0x666, v4  }
0x76: {  	v5 =	vadd.f32 v3, v1;
	v4 =	vmul.u32 $0x14, v4;
	_ =	sdelay $0x1  }
0x77: {  	v6 =	vadd.f32 $-4.096000000e+03, v5  }
0x78: {  	s22 =	sadd.s32 $0x10, s22;
	vm13 =	vge.f32 v5, $4.096000000e+03  }
0x79: {  	[tilespmem:s22+$0x0] =	vst v3;
	v3 =	vsel vm13, v6, v5  }
0x7a: {  	[tilespmem:v2+s13+$0x0] =	vst.idx.msk $0xffff, v3  }
0x7b: {  	v2 =	vld.idx.msk [tilespmem:v4+s13+$0x0], $0xffff;
	_ =	sdelay $0x4  }
0x7c: {  	v1 =	vadd.f32 v2, v1;
	_ =	sdelay $0x1  }
0x7d: {  	v3 =	vadd.f32 $-4.096000000e+03, v1  }
0x7e: {  	s22 =	sadd.s32 $0x10, s22;
	vm14 =	vge.f32 v1, $4.096000000e+03  }
0x7f: {  	[tilespmem:s22+$0x0] =	vst v2;
	v1 =	vsel vm14, v3, v1  }
0x80: {  	s23 =	rddreg [dreg:$0x9];
	s22 =	simm.s32 $0x0;
	[tilespmem:v4+s13+$0x0] =	vst.idx.msk $0xffff, v1  }
0x81: {  	v1 =	vor.u32 s22, v0;
	[hbm4b:s23+s22] =	stream.linear.scatter [tilespmem:s13], [sflag:$0x5], $0x8000, $0x38;
	[tilespmem:$0x1AD00] =	vst v63  }
0x82: {  	vm15 =	vlt.s32 v1, $0x666;
	_ =	swait.ge [sflag:s17], $0x8000  }
0x83: {  	v1 =	vnsel vm15, $0x666, v1;
	[sflag:s17] =	ssyncset.done $0x0  }
0x84: {  	s22 =	simm.s32 $0x18080;
	v1 =	vmul.u32 $0x14, v1;
	[sflag:s17] =	ssyncadd.s32 $0xFFFF8000  }
0x85: {  	s23 =	simm.s32 $0x10;
	v2 =	vld [tilespmem:s22+$0x0]  }
.LBB2_6:
0x86: {  	p0 =	sne.s32 s23, $0x660  }
.Ltmp2:
0x87: {  	v3 =	vor.u32 s23, v0;
	s23 =	sadd.s32 $0x10, s23;
	(pc) =	sbr.rel @p0 .LBB2_6-.Ltmp2, $4  }
0x88: {  	vm0 =	vlt.s32 v3, $0x666  }
0x89: {  	v3 =	vnsel vm0, $0x666, v3  }
0x8a: {  	s22 =	sadd.s32 $0x10, s22;
	[tilespmem:v1+s1+$0x0] =	vst.idx.msk $0xffff, v2;
	v1 =	vmul.u32 $0x14, v3  }
0x8b: {  	v2 =	vld [tilespmem:s22+$0x0]  }
0x8c: {  	s22 =	simm.s32 $0x0  }
0x8d: {  	v3 =	vor.u32 s22, v0  }
0x8e: {  	vm0 =	vlt.s32 v3, $0x444  }
0x8f: {  	v3 =	vnsel vm0, $0x444, v3  }
0x90: {  	v3 =	vmul.u32 $0x1E, v3;
	_ =	sdelay $0x3  }
0x91: {  	[tilespmem:v1+s1+$0x0] =	vst.idx.msk $0xffff, v2  }
0x92: {  	v1 =	vld [tilespmem:$0x18020]  }
0x93: {  	v4 =	vld.idx.msk [tilespmem:v3+s1+$0x0], $0xffff  }
0x94: {  	s23 =	simm.s32 $0x10  }
0x95: {  	v2 =	vor.u32 s23, v0  }
0x96: {  	vm14 =	vlt.s32 v2, $0x444  }
0x97: {  	v2 =	vnsel vm14, $0x444, v2  }
0x98: {  	v2 =	vmul.u32 $0x1E, v2;
	v5 =	vadd.f32 v4, v1;
	_ =	sdelay $0x1  }
0x99: {  	v6 =	vadd.f32 $-4.096000000e+03, v5  }
0x9a: {  	s22 =	simm.s32 $0x186F0;
	vm15 =	vge.f32 v5, $4.096000000e+03  }
0x9b: {  	[tilespmem:s22+$0x0] =	vst v4;
	v4 =	vsel vm15, v6, v5  }
0x9c: {  	[tilespmem:v3+s1+$0x0] =	vst.idx.msk $0xffff, v4  }
0x9d: {  	v3 =	vld.idx.msk [tilespmem:v2+s1+$0x0], $0xffff  }
0x9e: {  	s23 =	simm.s32 $0x20  }
0x9f: {  	v4 =	vor.u32 s23, v0;
	s23 =	simm.s32 $0x30  }
.LBB2_8:
0xa0: {  	p0 =	sne.s32 s23, $0x440;
	vm0 =	vlt.s32 v4, $0x444  }
0xa1: {  	v4 =	vnsel vm0, $0x444, v4  }
0xa2: {  	v5 =	vadd.f32 v3, v1;
	v4 =	vmul.u32 $0x1E, v4;
	_ =	sdelay $0x1  }
0xa3: {  	v6 =	vadd.f32 $-4.096000000e+03, v5  }
0xa4: {  	s22 =	sadd.s32 $0x10, s22;
	vm0 =	vge.f32 v5, $4.096000000e+03  }
0xa5: {  	[tilespmem:s22+$0x0] =	vst v3;
	v3 =	vsel vm0, v6, v5  }
.Ltmp3:
0xa6: {  	[tilespmem:v2+s1+$0x0] =	vst.idx.msk $0xffff, v3;
	v2 =	vmov v4;
	(pc) =	sbr.rel @p0 .LBB2_8-.Ltmp3, $2  }
0xa7: {  	v3 =	vld.idx.msk [tilespmem:v4+s1+$0x0], $0xffff;
	_ =	sdelay $0x2  }
0xa8: {  	v4 =	vor.u32 s23, v0;
	s23 =	sadd.s32 $0x10, s23  }
0xa9: {  	vm0 =	vlt.s32 v4, $0x444  }
0xaa: {  	v4 =	vnsel vm0, $0x444, v4  }
0xab: {  	v5 =	vadd.f32 v3, v1;
	v4 =	vmul.u32 $0x1E, v4;
	_ =	sdelay $0x1  }
0xac: {  	v6 =	vadd.f32 $-4.096000000e+03, v5  }
0xad: {  	s22 =	sadd.s32 $0x10, s22;
	vm13 =	vge.f32 v5, $4.096000000e+03  }
0xae: {  	[tilespmem:s22+$0x0] =	vst v3;
	v3 =	vsel vm13, v6, v5  }
0xaf: {  	[tilespmem:v2+s1+$0x0] =	vst.idx.msk $0xffff, v3  }
0xb0: {  	v2 =	vld.idx.msk [tilespmem:v4+s1+$0x0], $0xffff;
	_ =	sdelay $0x4  }
0xb1: {  	v1 =	vadd.f32 v2, v1;
	_ =	sdelay $0x1  }
0xb2: {  	v3 =	vadd.f32 $-4.096000000e+03, v1  }
0xb3: {  	s22 =	sadd.s32 $0x10, s22;
	vm14 =	vge.f32 v1, $4.096000000e+03  }
0xb4: {  	[tilespmem:s22+$0x0] =	vst v2;
	v1 =	vsel vm14, v3, v1  }
0xb5: {  	s23 =	rddreg [dreg:$0xa];
	s22 =	simm.s32 $0x0;
	[tilespmem:v4+s1+$0x0] =	vst.idx.msk $0xffff, v1  }
0xb6: {  	v1 =	vor.u32 s22, v0;
	[hbm4b:s23+s22] =	stream.linear.scatter [tilespmem:s22], [sflag:$0x4], $0x8000, $0x38;
	[tilespmem:$0x1AD00] =	vst v63  }
0xb7: {  	vm15 =	vlt.s32 v1, $0x666;
	_ =	swait.ge [sflag:s18], $0x8000  }
0xb8: {  	v1 =	vnsel vm15, $0x666, v1;
	[sflag:s18] =	ssyncset.done $0x0  }
0xb9: {  	s22 =	simm.s32 $0x196C0;
	v1 =	vmul.u32 $0x14, v1;
	[sflag:s18] =	ssyncadd.s32 $0xFFFF8000  }
0xba: {  	s23 =	simm.s32 $0x10;
	v2 =	vld [tilespmem:s22+$0x0]  }
.LBB2_10:
0xbb: {  	p0 =	sne.s32 s23, $0x660  }
.Ltmp4:
0xbc: {  	v3 =	vor.u32 s23, v0;
	s23 =	sadd.s32 $0x10, s23;
	(pc) =	sbr.rel @p0 .LBB2_10-.Ltmp4, $4  }
0xbd: {  	vm0 =	vlt.s32 v3, $0x666  }
0xbe: {  	v3 =	vnsel vm0, $0x666, v3  }
0xbf: {  	s22 =	sadd.s32 $0x10, s22;
	[tilespmem:v1+s13+$0x0] =	vst.idx.msk $0xffff, v2;
	v1 =	vmul.u32 $0x14, v3  }
0xc0: {  	v2 =	vld [tilespmem:s22+$0x0]  }
0xc1: {  	s22 =	simm.s32 $0x0  }
0xc2: {  	v3 =	vor.u32 s22, v0  }
0xc3: {  	vm0 =	vlt.s32 v3, $0x444  }
0xc4: {  	v3 =	vnsel vm0, $0x444, v3  }
0xc5: {  	v3 =	vmul.u32 $0x1E, v3;
	_ =	sdelay $0x3  }
0xc6: {  	[tilespmem:v1+s13+$0x0] =	vst.idx.msk $0xffff, v2  }
0xc7: {  	v1 =	vld [tilespmem:$0x18020]  }
0xc8: {  	v4 =	vld.idx.msk [tilespmem:v3+s13+$0x0], $0xffff  }
0xc9: {  	s23 =	simm.s32 $0x10  }
0xca: {  	v2 =	vor.u32 s23, v0  }
0xcb: {  	vm14 =	vlt.s32 v2, $0x444  }
0xcc: {  	v2 =	vnsel vm14, $0x444, v2  }
0xcd: {  	v2 =	vmul.u32 $0x1E, v2;
	v5 =	vadd.f32 v4, v1;
	_ =	sdelay $0x1  }
0xce: {  	v6 =	vadd.f32 $-4.096000000e+03, v5  }
0xcf: {  	s22 =	simm.s32 $0x19D30;
	vm15 =	vge.f32 v5, $4.096000000e+03  }
0xd0: {  	[tilespmem:s22+$0x0] =	vst v4;
	v4 =	vsel vm15, v6, v5  }
0xd1: {  	[tilespmem:v3+s13+$0x0] =	vst.idx.msk $0xffff, v4  }
0xd2: {  	v3 =	vld.idx.msk [tilespmem:v2+s13+$0x0], $0xffff  }
0xd3: {  	s23 =	simm.s32 $0x20  }
0xd4: {  	v4 =	vor.u32 s23, v0;
	s23 =	simm.s32 $0x30  }
.LBB2_12:
0xd5: {  	p0 =	sne.s32 s23, $0x440;
	vm0 =	vlt.s32 v4, $0x444  }
0xd6: {  	v4 =	vnsel vm0, $0x444, v4  }
0xd7: {  	v5 =	vadd.f32 v3, v1;
	v4 =	vmul.u32 $0x1E, v4;
	_ =	sdelay $0x1  }
0xd8: {  	v6 =	vadd.f32 $-4.096000000e+03, v5  }
0xd9: {  	s22 =	sadd.s32 $0x10, s22;
	vm0 =	vge.f32 v5, $4.096000000e+03  }
0xda: {  	[tilespmem:s22+$0x0] =	vst v3;
	v3 =	vsel vm0, v6, v5  }
.Ltmp5:
0xdb: {  	[tilespmem:v2+s13+$0x0] =	vst.idx.msk $0xffff, v3;
	v2 =	vmov v4;
	(pc) =	sbr.rel @p0 .LBB2_12-.Ltmp5, $2  }
0xdc: {  	v3 =	vld.idx.msk [tilespmem:v4+s13+$0x0], $0xffff;
	_ =	sdelay $0x2  }
0xdd: {  	v4 =	vor.u32 s23, v0;
	s23 =	sadd.s32 $0x10, s23  }
0xde: {  	vm0 =	vlt.s32 v4, $0x444  }
0xdf: {  	v4 =	vnsel vm0, $0x444, v4  }
0xe0: {  	v5 =	vadd.f32 v3, v1;
	v4 =	vmul.u32 $0x1E, v4;
	_ =	sdelay $0x1  }
0xe1: {  	v6 =	vadd.f32 $-4.096000000e+03, v5  }
0xe2: {  	s22 =	sadd.s32 $0x10, s22;
	vm13 =	vge.f32 v5, $4.096000000e+03  }
0xe3: {  	[tilespmem:s22+$0x0] =	vst v3;
	v3 =	vsel vm13, v6, v5  }
0xe4: {  	[tilespmem:v2+s13+$0x0] =	vst.idx.msk $0xffff, v3  }
0xe5: {  	v2 =	vld.idx.msk [tilespmem:v4+s13+$0x0], $0xffff;
	_ =	sdelay $0x4  }
0xe6: {  	v1 =	vadd.f32 v2, v1;
	_ =	sdelay $0x1  }
0xe7: {  	v3 =	vadd.f32 $-4.096000000e+03, v1  }
0xe8: {  	s22 =	sadd.s32 $0x10, s22;
	vm14 =	vge.f32 v1, $4.096000000e+03  }
0xe9: {  	[tilespmem:s22+$0x0] =	vst v2;
	v1 =	vsel vm14, v3, v1  }
0xea: {  	s23 =	rddreg [dreg:$0xb];
	s22 =	simm.s32 $0x0;
	[tilespmem:v4+s13+$0x0] =	vst.idx.msk $0xffff, v1  }
0xeb: {  	v1 =	vor.u32 s22, v0;
	[hbm4b:s23+s22] =	stream.linear.scatter [tilespmem:s13], [sflag:$0x5], $0x8000, $0x38;
	[tilespmem:$0x1AD00] =	vst v63  }
0xec: {  	vm15 =	vlt.s32 v1, $0x444;
	_ =	swait.ge [sflag:s17], $0x8000  }
0xed: {  	v1 =	vnsel vm15, $0x444, v1;
	[sflag:s17] =	ssyncset.done $0x0  }
0xee: {  	s22 =	simm.s32 $0x186F0;
	v1 =	vmul.u32 $0x1E, v1;
	[sflag:s17] =	ssyncadd.s32 $0xFFFF8000  }
0xef: {  	s23 =	simm.s32 $0x10;
	v2 =	vld [tilespmem:s22+$0x0]  }
.LBB2_14:
0xf0: {  	p0 =	sne.s32 s23, $0x440  }
.Ltmp6:
0xf1: {  	v3 =	vor.u32 s23, v0;
	s23 =	sadd.s32 $0x10, s23;
	(pc) =	sbr.rel @p0 .LBB2_14-.Ltmp6, $4  }
0xf2: {  	vm0 =	vlt.s32 v3, $0x444  }
0xf3: {  	v3 =	vnsel vm0, $0x444, v3  }
0xf4: {  	s22 =	sadd.s32 $0x10, s22;
	[tilespmem:v1+s1+$0x0] =	vst.idx.msk $0xffff, v2;
	v1 =	vmul.u32 $0x1E, v3  }
0xf5: {  	v2 =	vld [tilespmem:s22+$0x0]  }
0xf6: {  	s22 =	simm.s32 $0x0  }
0xf7: {  	v3 =	vor.u32 s22, v0  }
0xf8: {  	vm0 =	vlt.s32 v3, $0x333  }
0xf9: {  	v3 =	vnsel vm0, $0x333, v3  }
0xfa: {  	v3 =	vmul.u32 $0x28, v3;
	_ =	sdelay $0x3  }
0xfb: {  	[tilespmem:v1+s1+$0x0] =	vst.idx.msk $0xffff, v2  }
0xfc: {  	v1 =	vld [tilespmem:$0x18030]  }
0xfd: {  	v4 =	vld.idx.msk [tilespmem:v3+s1+$0x0], $0xffff  }
0xfe: {  	s23 =	simm.s32 $0x10  }
0xff: {  	v2 =	vor.u32 s23, v0  }
0x100: {  	vm14 =	vlt.s32 v2, $0x333  }
0x101: {  	v2 =	vnsel vm14, $0x333, v2  }
0x102: {  	v2 =	vmul.u32 $0x28, v2;
	v5 =	vadd.f32 v4, v1;
	_ =	sdelay $0x1  }
0x103: {  	v6 =	vadd.f32 $-4.096000000e+03, v5  }
0x104: {  	s22 =	simm.s32 $0x18B40;
	vm15 =	vge.f32 v5, $4.096000000e+03  }
0x105: {  	[tilespmem:s22+$0x0] =	vst v4;
	v4 =	vsel vm15, v6, v5  }
0x106: {  	[tilespmem:v3+s1+$0x0] =	vst.idx.msk $0xffff, v4  }
0x107: {  	v3 =	vld.idx.msk [tilespmem:v2+s1+$0x0], $0xffff  }
0x108: {  	s23 =	simm.s32 $0x20  }
0x109: {  	v4 =	vor.u32 s23, v0;
	s23 =	simm.s32 $0x30  }
.LBB2_16:
0x10a: {  	p0 =	sne.s32 s23, $0x330;
	vm0 =	vlt.s32 v4, $0x333  }
0x10b: {  	v4 =	vnsel vm0, $0x333, v4  }
0x10c: {  	v5 =	vadd.f32 v3, v1;
	v4 =	vmul.u32 $0x28, v4;
	_ =	sdelay $0x1  }
0x10d: {  	v6 =	vadd.f32 $-4.096000000e+03, v5  }
0x10e: {  	s22 =	sadd.s32 $0x10, s22;
	vm0 =	vge.f32 v5, $4.096000000e+03  }
0x10f: {  	[tilespmem:s22+$0x0] =	vst v3;
	v3 =	vsel vm0, v6, v5  }
.Ltmp7:
0x110: {  	[tilespmem:v2+s1+$0x0] =	vst.idx.msk $0xffff, v3;
	v2 =	vmov v4;
	(pc) =	sbr.rel @p0 .LBB2_16-.Ltmp7, $2  }
0x111: {  	v3 =	vld.idx.msk [tilespmem:v4+s1+$0x0], $0xffff;
	_ =	sdelay $0x2  }
0x112: {  	v4 =	vor.u32 s23, v0;
	s23 =	sadd.s32 $0x10, s23  }
0x113: {  	vm0 =	vlt.s32 v4, $0x333  }
0x114: {  	v4 =	vnsel vm0, $0x333, v4  }
0x115: {  	v5 =	vadd.f32 v3, v1;
	v4 =	vmul.u32 $0x28, v4;
	_ =	sdelay $0x1  }
0x116: {  	v6 =	vadd.f32 $-4.096000000e+03, v5  }
0x117: {  	s22 =	sadd.s32 $0x10, s22;
	vm13 =	vge.f32 v5, $4.096000000e+03  }
0x118: {  	[tilespmem:s22+$0x0] =	vst v3;
	v3 =	vsel vm13, v6, v5  }
0x119: {  	[tilespmem:v2+s1+$0x0] =	vst.idx.msk $0xffff, v3  }
0x11a: {  	v2 =	vld.idx.msk [tilespmem:v4+s1+$0x0], $0xffff;
	_ =	sdelay $0x4  }
0x11b: {  	v1 =	vadd.f32 v2, v1;
	_ =	sdelay $0x1  }
0x11c: {  	v3 =	vadd.f32 $-4.096000000e+03, v1  }
0x11d: {  	s22 =	sadd.s32 $0x10, s22;
	vm14 =	vge.f32 v1, $4.096000000e+03  }
0x11e: {  	[tilespmem:s22+$0x0] =	vst v2;
	v1 =	vsel vm14, v3, v1  }
0x11f: {  	s23 =	rddreg [dreg:$0xc];
	s22 =	simm.s32 $0x0;
	[tilespmem:v4+s1+$0x0] =	vst.idx.msk $0xffff, v1  }
0x120: {  	v1 =	vor.u32 s22, v0;
	[hbm4b:s23+s22] =	stream.linear.scatter [tilespmem:s22], [sflag:$0x4], $0x8000, $0x38;
	[tilespmem:$0x1AD00] =	vst v63  }
0x121: {  	vm15 =	vlt.s32 v1, $0x444;
	_ =	swait.ge [sflag:s18], $0x8000  }
0x122: {  	v1 =	vnsel vm15, $0x444, v1;
	[sflag:s18] =	ssyncset.done $0x0  }
0x123: {  	s22 =	simm.s32 $0x19D30;
	v1 =	vmul.u32 $0x1E, v1;
	[sflag:s18] =	ssyncadd.s32 $0xFFFF8000  }
0x124: {  	s23 =	simm.s32 $0x10;
	v2 =	vld [tilespmem:s22+$0x0]  }
.LBB2_18:
0x125: {  	p0 =	sne.s32 s23, $0x440  }
.Ltmp8:
0x126: {  	v3 =	vor.u32 s23, v0;
	s23 =	sadd.s32 $0x10, s23;
	(pc) =	sbr.rel @p0 .LBB2_18-.Ltmp8, $4  }
0x127: {  	vm0 =	vlt.s32 v3, $0x444  }
0x128: {  	v3 =	vnsel vm0, $0x444, v3  }
0x129: {  	s22 =	sadd.s32 $0x10, s22;
	[tilespmem:v1+s13+$0x0] =	vst.idx.msk $0xffff, v2;
	v1 =	vmul.u32 $0x1E, v3  }
0x12a: {  	v2 =	vld [tilespmem:s22+$0x0]  }
0x12b: {  	s22 =	simm.s32 $0x0  }
0x12c: {  	v3 =	vor.u32 s22, v0  }
0x12d: {  	vm0 =	vlt.s32 v3, $0x333  }
0x12e: {  	v3 =	vnsel vm0, $0x333, v3  }
0x12f: {  	v3 =	vmul.u32 $0x28, v3;
	_ =	sdelay $0x3  }
0x130: {  	[tilespmem:v1+s13+$0x0] =	vst.idx.msk $0xffff, v2  }
0x131: {  	v1 =	vld [tilespmem:$0x18030]  }
0x132: {  	v4 =	vld.idx.msk [tilespmem:v3+s13+$0x0], $0xffff  }
0x133: {  	s23 =	simm.s32 $0x10  }
0x134: {  	v2 =	vor.u32 s23, v0  }
0x135: {  	vm14 =	vlt.s32 v2, $0x333  }
0x136: {  	v2 =	vnsel vm14, $0x333, v2  }
0x137: {  	v2 =	vmul.u32 $0x28, v2;
	v5 =	vadd.f32 v4, v1;
	_ =	sdelay $0x1  }
0x138: {  	v6 =	vadd.f32 $-4.096000000e+03, v5  }
0x139: {  	s22 =	simm.s32 $0x1A180;
	vm15 =	vge.f32 v5, $4.096000000e+03  }
0x13a: {  	[tilespmem:s22+$0x0] =	vst v4;
	v4 =	vsel vm15, v6, v5  }
0x13b: {  	[tilespmem:v3+s13+$0x0] =	vst.idx.msk $0xffff, v4  }
0x13c: {  	v3 =	vld.idx.msk [tilespmem:v2+s13+$0x0], $0xffff  }
0x13d: {  	s23 =	simm.s32 $0x20  }
0x13e: {  	v4 =	vor.u32 s23, v0;
	s23 =	simm.s32 $0x30  }
.LBB2_20:
0x13f: {  	p0 =	sne.s32 s23, $0x330;
	vm0 =	vlt.s32 v4, $0x333  }
0x140: {  	v4 =	vnsel vm0, $0x333, v4  }
0x141: {  	v5 =	vadd.f32 v3, v1;
	v4 =	vmul.u32 $0x28, v4;
	_ =	sdelay $0x1  }
0x142: {  	v6 =	vadd.f32 $-4.096000000e+03, v5  }
0x143: {  	s22 =	sadd.s32 $0x10, s22;
	vm0 =	vge.f32 v5, $4.096000000e+03  }
0x144: {  	[tilespmem:s22+$0x0] =	vst v3;
	v3 =	vsel vm0, v6, v5  }
.Ltmp9:
0x145: {  	[tilespmem:v2+s13+$0x0] =	vst.idx.msk $0xffff, v3;
	v2 =	vmov v4;
	(pc) =	sbr.rel @p0 .LBB2_20-.Ltmp9, $2  }
0x146: {  	v3 =	vld.idx.msk [tilespmem:v4+s13+$0x0], $0xffff;
	_ =	sdelay $0x2  }
0x147: {  	v4 =	vor.u32 s23, v0;
	s23 =	sadd.s32 $0x10, s23  }
0x148: {  	vm0 =	vlt.s32 v4, $0x333  }
0x149: {  	v4 =	vnsel vm0, $0x333, v4  }
0x14a: {  	v5 =	vadd.f32 v3, v1;
	v4 =	vmul.u32 $0x28, v4;
	_ =	sdelay $0x1  }
0x14b: {  	v6 =	vadd.f32 $-4.096000000e+03, v5  }
0x14c: {  	s22 =	sadd.s32 $0x10, s22;
	vm13 =	vge.f32 v5, $4.096000000e+03  }
0x14d: {  	[tilespmem:s22+$0x0] =	vst v3;
	v3 =	vsel vm13, v6, v5  }
0x14e: {  	[tilespmem:v2+s13+$0x0] =	vst.idx.msk $0xffff, v3  }
0x14f: {  	v2 =	vld.idx.msk [tilespmem:v4+s13+$0x0], $0xffff;
	_ =	sdelay $0x4  }
0x150: {  	v1 =	vadd.f32 v2, v1;
	_ =	sdelay $0x1  }
0x151: {  	v3 =	vadd.f32 $-4.096000000e+03, v1  }
0x152: {  	s22 =	sadd.s32 $0x10, s22;
	vm14 =	vge.f32 v1, $4.096000000e+03  }
0x153: {  	[tilespmem:s22+$0x0] =	vst v2;
	v1 =	vsel vm14, v3, v1  }
0x154: {  	s23 =	rddreg [dreg:$0xd];
	s22 =	simm.s32 $0x0;
	[tilespmem:v4+s13+$0x0] =	vst.idx.msk $0xffff, v1  }
0x155: {  	v1 =	vor.u32 s22, v0;
	[hbm4b:s23+s22] =	stream.linear.scatter [tilespmem:s13], [sflag:$0x5], $0x8000, $0x38;
	[tilespmem:$0x1AD00] =	vst v63  }
0x156: {  	vm15 =	vlt.s32 v1, $0x333;
	_ =	swait.ge [sflag:s17], $0x8000  }
0x157: {  	v1 =	vnsel vm15, $0x333, v1;
	[sflag:s17] =	ssyncset.done $0x0  }
0x158: {  	s22 =	simm.s32 $0x18B40;
	v1 =	vmul.u32 $0x28, v1;
	[sflag:s17] =	ssyncadd.s32 $0xFFFF8000  }
0x159: {  	s23 =	simm.s32 $0x10;
	v2 =	vld [tilespmem:s22+$0x0]  }
.LBB2_22:
0x15a: {  	p0 =	sne.s32 s23, $0x330  }
.Ltmp10:
0x15b: {  	v3 =	vor.u32 s23, v0;
	s23 =	sadd.s32 $0x10, s23;
	(pc) =	sbr.rel @p0 .LBB2_22-.Ltmp10, $4  }
0x15c: {  	vm0 =	vlt.s32 v3, $0x333  }
0x15d: {  	v3 =	vnsel vm0, $0x333, v3  }
0x15e: {  	s22 =	sadd.s32 $0x10, s22;
	[tilespmem:v1+s1+$0x0] =	vst.idx.msk $0xffff, v2;
	v1 =	vmul.u32 $0x28, v3  }
0x15f: {  	v2 =	vld [tilespmem:s22+$0x0]  }
0x160: {  	s22 =	simm.s32 $0x0  }
0x161: {  	v3 =	vor.u32 s22, v0  }
0x162: {  	vm0 =	vlt.s32 v3, $0x28F  }
0x163: {  	v3 =	vnsel vm0, $0x28F, v3  }
0x164: {  	v3 =	vmul.u32 $0x32, v3;
	_ =	sdelay $0x3  }
0x165: {  	[tilespmem:v1+s1+$0x0] =	vst.idx.msk $0xffff, v2  }
0x166: {  	v1 =	vld [tilespmem:$0x18040]  }
0x167: {  	v4 =	vld.idx.msk [tilespmem:v3+s1+$0x0], $0xffff  }
0x168: {  	s23 =	simm.s32 $0x10  }
0x169: {  	v2 =	vor.u32 s23, v0  }
0x16a: {  	vm14 =	vlt.s32 v2, $0x28F  }
0x16b: {  	v2 =	vnsel vm14, $0x28F, v2  }
0x16c: {  	v2 =	vmul.u32 $0x32, v2;
	v5 =	vadd.f32 v4, v1;
	_ =	sdelay $0x1  }
0x16d: {  	v6 =	vadd.f32 $-4.096000000e+03, v5  }
0x16e: {  	s22 =	simm.s32 $0x18E80;
	vm15 =	vge.f32 v5, $4.096000000e+03  }
0x16f: {  	[tilespmem:s22+$0x0] =	vst v4;
	v4 =	vsel vm15, v6, v5  }
0x170: {  	[tilespmem:v3+s1+$0x0] =	vst.idx.msk $0xffff, v4  }
0x171: {  	v3 =	vld.idx.msk [tilespmem:v2+s1+$0x0], $0xffff  }
0x172: {  	s23 =	simm.s32 $0x20  }
0x173: {  	v4 =	vor.u32 s23, v0;
	s23 =	simm.s32 $0x30  }
.LBB2_24:
0x174: {  	p0 =	sne.s32 s23, $0x280;
	vm0 =	vlt.s32 v4, $0x28F  }
0x175: {  	v4 =	vnsel vm0, $0x28F, v4  }
0x176: {  	v5 =	vadd.f32 v3, v1;
	v4 =	vmul.u32 $0x32, v4;
	_ =	sdelay $0x1  }
0x177: {  	v6 =	vadd.f32 $-4.096000000e+03, v5  }
0x178: {  	s22 =	sadd.s32 $0x10, s22;
	vm0 =	vge.f32 v5, $4.096000000e+03  }
0x179: {  	[tilespmem:s22+$0x0] =	vst v3;
	v3 =	vsel vm0, v6, v5  }
.Ltmp11:
0x17a: {  	[tilespmem:v2+s1+$0x0] =	vst.idx.msk $0xffff, v3;
	v2 =	vmov v4;
	(pc) =	sbr.rel @p0 .LBB2_24-.Ltmp11, $2  }
0x17b: {  	v3 =	vld.idx.msk [tilespmem:v4+s1+$0x0], $0xffff;
	_ =	sdelay $0x2  }
0x17c: {  	v4 =	vor.u32 s23, v0;
	s23 =	sadd.s32 $0x10, s23  }
0x17d: {  	vm0 =	vlt.s32 v4, $0x28F  }
0x17e: {  	v4 =	vnsel vm0, $0x28F, v4  }
0x17f: {  	v5 =	vadd.f32 v3, v1;
	v4 =	vmul.u32 $0x32, v4;
	_ =	sdelay $0x1  }
0x180: {  	v6 =	vadd.f32 $-4.096000000e+03, v5  }
0x181: {  	s22 =	sadd.s32 $0x10, s22;
	vm13 =	vge.f32 v5, $4.096000000e+03  }
0x182: {  	[tilespmem:s22+$0x0] =	vst v3;
	v3 =	vsel vm13, v6, v5  }
0x183: {  	[tilespmem:v2+s1+$0x0] =	vst.idx.msk $0xffff, v3  }
0x184: {  	v2 =	vld.idx.msk [tilespmem:v4+s1+$0x0], $0xffff;
	_ =	sdelay $0x4  }
0x185: {  	v1 =	vadd.f32 v2, v1;
	_ =	sdelay $0x1  }
0x186: {  	v3 =	vadd.f32 $-4.096000000e+03, v1  }
0x187: {  	s22 =	sadd.s32 $0x10, s22;
	vm14 =	vge.f32 v1, $4.096000000e+03  }
0x188: {  	[tilespmem:s22+$0x0] =	vst v2;
	v1 =	vsel vm14, v3, v1  }
0x189: {  	s23 =	rddreg [dreg:$0xe];
	s22 =	simm.s32 $0x0;
	[tilespmem:v4+s1+$0x0] =	vst.idx.msk $0xffff, v1  }
0x18a: {  	v1 =	vor.u32 s22, v0;
	[hbm4b:s23+s22] =	stream.linear.scatter [tilespmem:s22], [sflag:$0x4], $0x8000, $0x38;
	[tilespmem:$0x1AD00] =	vst v63  }
0x18b: {  	vm15 =	vlt.s32 v1, $0x333;
	_ =	swait.ge [sflag:s18], $0x8000  }
0x18c: {  	v1 =	vnsel vm15, $0x333, v1;
	[sflag:s18] =	ssyncset.done $0x0  }
0x18d: {  	s22 =	simm.s32 $0x1A180;
	v1 =	vmul.u32 $0x28, v1;
	[sflag:s18] =	ssyncadd.s32 $0xFFFF8000  }
0x18e: {  	s23 =	simm.s32 $0x10;
	v2 =	vld [tilespmem:s22+$0x0]  }
.LBB2_26:
0x18f: {  	p0 =	sne.s32 s23, $0x330  }
.Ltmp12:
0x190: {  	v3 =	vor.u32 s23, v0;
	s23 =	sadd.s32 $0x10, s23;
	(pc) =	sbr.rel @p0 .LBB2_26-.Ltmp12, $4  }
0x191: {  	vm0 =	vlt.s32 v3, $0x333  }
0x192: {  	v3 =	vnsel vm0, $0x333, v3  }
0x193: {  	s22 =	sadd.s32 $0x10, s22;
	[tilespmem:v1+s13+$0x0] =	vst.idx.msk $0xffff, v2;
	v1 =	vmul.u32 $0x28, v3  }
0x194: {  	v2 =	vld [tilespmem:s22+$0x0]  }
0x195: {  	s22 =	simm.s32 $0x0  }
0x196: {  	v3 =	vor.u32 s22, v0  }
0x197: {  	vm0 =	vlt.s32 v3, $0x28F  }
0x198: {  	v3 =	vnsel vm0, $0x28F, v3  }
0x199: {  	v3 =	vmul.u32 $0x32, v3;
	_ =	sdelay $0x3  }
0x19a: {  	[tilespmem:v1+s13+$0x0] =	vst.idx.msk $0xffff, v2  }
0x19b: {  	v1 =	vld [tilespmem:$0x18040]  }
0x19c: {  	v4 =	vld.idx.msk [tilespmem:v3+s13+$0x0], $0xffff  }
0x19d: {  	s23 =	simm.s32 $0x10  }
0x19e: {  	v2 =	vor.u32 s23, v0  }
0x19f: {  	vm14 =	vlt.s32 v2, $0x28F  }
0x1a0: {  	v2 =	vnsel vm14, $0x28F, v2  }
0x1a1: {  	v2 =	vmul.u32 $0x32, v2;
	v5 =	vadd.f32 v4, v1;
	_ =	sdelay $0x1  }
0x1a2: {  	v6 =	vadd.f32 $-4.096000000e+03, v5  }
0x1a3: {  	s22 =	simm.s32 $0x1A4C0;
	vm15 =	vge.f32 v5, $4.096000000e+03  }
0x1a4: {  	[tilespmem:s22+$0x0] =	vst v4;
	v4 =	vsel vm15, v6, v5  }
0x1a5: {  	[tilespmem:v3+s13+$0x0] =	vst.idx.msk $0xffff, v4  }
0x1a6: {  	v3 =	vld.idx.msk [tilespmem:v2+s13+$0x0], $0xffff  }
0x1a7: {  	s23 =	simm.s32 $0x20  }
0x1a8: {  	v4 =	vor.u32 s23, v0;
	s23 =	simm.s32 $0x30  }
.LBB2_28:
0x1a9: {  	p0 =	sne.s32 s23, $0x280;
	vm0 =	vlt.s32 v4, $0x28F  }
0x1aa: {  	v4 =	vnsel vm0, $0x28F, v4  }
0x1ab: {  	v5 =	vadd.f32 v3, v1;
	v4 =	vmul.u32 $0x32, v4;
	_ =	sdelay $0x1  }
0x1ac: {  	v6 =	vadd.f32 $-4.096000000e+03, v5  }
0x1ad: {  	s22 =	sadd.s32 $0x10, s22;
	vm0 =	vge.f32 v5, $4.096000000e+03  }
0x1ae: {  	[tilespmem:s22+$0x0] =	vst v3;
	v3 =	vsel vm0, v6, v5  }
.Ltmp13:
0x1af: {  	[tilespmem:v2+s13+$0x0] =	vst.idx.msk $0xffff, v3;
	v2 =	vmov v4;
	(pc) =	sbr.rel @p0 .LBB2_28-.Ltmp13, $2  }
0x1b0: {  	v3 =	vld.idx.msk [tilespmem:v4+s13+$0x0], $0xffff;
	_ =	sdelay $0x2  }
0x1b1: {  	v4 =	vor.u32 s23, v0;
	s23 =	sadd.s32 $0x10, s23  }
0x1b2: {  	vm0 =	vlt.s32 v4, $0x28F  }
0x1b3: {  	v4 =	vnsel vm0, $0x28F, v4  }
0x1b4: {  	v5 =	vadd.f32 v3, v1;
	v4 =	vmul.u32 $0x32, v4;
	_ =	sdelay $0x1  }
0x1b5: {  	v6 =	vadd.f32 $-4.096000000e+03, v5  }
0x1b6: {  	s22 =	sadd.s32 $0x10, s22;
	vm13 =	vge.f32 v5, $4.096000000e+03  }
0x1b7: {  	[tilespmem:s22+$0x0] =	vst v3;
	v3 =	vsel vm13, v6, v5  }
0x1b8: {  	[tilespmem:v2+s13+$0x0] =	vst.idx.msk $0xffff, v3  }
0x1b9: {  	v2 =	vld.idx.msk [tilespmem:v4+s13+$0x0], $0xffff;
	_ =	sdelay $0x4  }
0x1ba: {  	v1 =	vadd.f32 v2, v1;
	_ =	sdelay $0x1  }
0x1bb: {  	v3 =	vadd.f32 $-4.096000000e+03, v1  }
0x1bc: {  	s22 =	sadd.s32 $0x10, s22;
	vm14 =	vge.f32 v1, $4.096000000e+03  }
0x1bd: {  	[tilespmem:s22+$0x0] =	vst v2;
	v1 =	vsel vm14, v3, v1  }
0x1be: {  	s23 =	rddreg [dreg:$0xf];
	s22 =	simm.s32 $0x0;
	[tilespmem:v4+s13+$0x0] =	vst.idx.msk $0xffff, v1  }
0x1bf: {  	v1 =	vor.u32 s22, v0;
	[hbm4b:s23+s22] =	stream.linear.scatter [tilespmem:s13], [sflag:$0x5], $0x8000, $0x38;
	[tilespmem:$0x1AD00] =	vst v63  }
0x1c0: {  	vm15 =	vlt.s32 v1, $0x28F;
	_ =	swait.ge [sflag:s17], $0x8000  }
0x1c1: {  	v1 =	vnsel vm15, $0x28F, v1;
	[sflag:s17] =	ssyncset.done $0x0  }
0x1c2: {  	s22 =	simm.s32 $0x18E80;
	v1 =	vmul.u32 $0x32, v1;
	[sflag:s17] =	ssyncadd.s32 $0xFFFF8000  }
0x1c3: {  	s23 =	simm.s32 $0x10;
	v2 =	vld [tilespmem:s22+$0x0]  }
.LBB2_30:
0x1c4: {  	p0 =	sne.s32 s23, $0x280  }
.Ltmp14:
0x1c5: {  	v3 =	vor.u32 s23, v0;
	s23 =	sadd.s32 $0x10, s23;
	(pc) =	sbr.rel @p0 .LBB2_30-.Ltmp14, $4  }
0x1c6: {  	vm0 =	vlt.s32 v3, $0x28F  }
0x1c7: {  	v3 =	vnsel vm0, $0x28F, v3  }
0x1c8: {  	s22 =	sadd.s32 $0x10, s22;
	[tilespmem:v1+s1+$0x0] =	vst.idx.msk $0xffff, v2;
	v1 =	vmul.u32 $0x32, v3  }
0x1c9: {  	v2 =	vld [tilespmem:s22+$0x0]  }
0x1ca: {  	s22 =	simm.s32 $0x0  }
0x1cb: {  	v3 =	vor.u32 s22, v0  }
0x1cc: {  	vm0 =	vlt.s32 v3, $0x222  }
0x1cd: {  	v3 =	vnsel vm0, $0x222, v3  }
0x1ce: {  	v3 =	vmul.u32 $0x3C, v3;
	_ =	sdelay $0x3  }
0x1cf: {  	[tilespmem:v1+s1+$0x0] =	vst.idx.msk $0xffff, v2  }
0x1d0: {  	v1 =	vld [tilespmem:$0x18050]  }
0x1d1: {  	v4 =	vld.idx.msk [tilespmem:v3+s1+$0x0], $0xffff  }
0x1d2: {  	s23 =	simm.s32 $0x10  }
0x1d3: {  	v2 =	vor.u32 s23, v0  }
0x1d4: {  	vm14 =	vlt.s32 v2, $0x222  }
0x1d5: {  	v2 =	vnsel vm14, $0x222, v2  }
0x1d6: {  	v2 =	vmul.u32 $0x3C, v2;
	v5 =	vadd.f32 v4, v1;
	_ =	sdelay $0x1  }
0x1d7: {  	v6 =	vadd.f32 $-4.096000000e+03, v5  }
0x1d8: {  	s22 =	simm.s32 $0x19110;
	vm15 =	vge.f32 v5, $4.096000000e+03  }
0x1d9: {  	[tilespmem:s22+$0x0] =	vst v4;
	v4 =	vsel vm15, v6, v5  }
0x1da: {  	[tilespmem:v3+s1+$0x0] =	vst.idx.msk $0xffff, v4  }
0x1db: {  	v3 =	vld.idx.msk [tilespmem:v2+s1+$0x0], $0xffff  }
0x1dc: {  	s23 =	simm.s32 $0x20  }
0x1dd: {  	v4 =	vor.u32 s23, v0;
	s23 =	simm.s32 $0x30  }
.LBB2_32:
0x1de: {  	p0 =	sne.s32 s23, $0x220;
	vm0 =	vlt.s32 v4, $0x222  }
0x1df: {  	v4 =	vnsel vm0, $0x222, v4  }
0x1e0: {  	v5 =	vadd.f32 v3, v1;
	v4 =	vmul.u32 $0x3C, v4;
	_ =	sdelay $0x1  }
0x1e1: {  	v6 =	vadd.f32 $-4.096000000e+03, v5  }
0x1e2: {  	s22 =	sadd.s32 $0x10, s22;
	vm0 =	vge.f32 v5, $4.096000000e+03  }
0x1e3: {  	[tilespmem:s22+$0x0] =	vst v3;
	v3 =	vsel vm0, v6, v5  }
.Ltmp15:
0x1e4: {  	[tilespmem:v2+s1+$0x0] =	vst.idx.msk $0xffff, v3;
	v2 =	vmov v4;
	(pc) =	sbr.rel @p0 .LBB2_32-.Ltmp15, $2  }
0x1e5: {  	v3 =	vld.idx.msk [tilespmem:v4+s1+$0x0], $0xffff;
	_ =	sdelay $0x2  }
0x1e6: {  	v4 =	vor.u32 s23, v0;
	s23 =	sadd.s32 $0x10, s23  }
0x1e7: {  	vm0 =	vlt.s32 v4, $0x222  }
0x1e8: {  	v4 =	vnsel vm0, $0x222, v4  }
0x1e9: {  	v5 =	vadd.f32 v3, v1;
	v4 =	vmul.u32 $0x3C, v4;
	_ =	sdelay $0x1  }
0x1ea: {  	v6 =	vadd.f32 $-4.096000000e+03, v5  }
0x1eb: {  	s22 =	sadd.s32 $0x10, s22;
	vm13 =	vge.f32 v5, $4.096000000e+03  }
0x1ec: {  	[tilespmem:s22+$0x0] =	vst v3;
	v3 =	vsel vm13, v6, v5  }
0x1ed: {  	[tilespmem:v2+s1+$0x0] =	vst.idx.msk $0xffff, v3  }
0x1ee: {  	v2 =	vld.idx.msk [tilespmem:v4+s1+$0x0], $0xffff;
	_ =	sdelay $0x4  }
0x1ef: {  	v1 =	vadd.f32 v2, v1;
	_ =	sdelay $0x1  }
0x1f0: {  	v3 =	vadd.f32 $-4.096000000e+03, v1  }
0x1f1: {  	s22 =	sadd.s32 $0x10, s22;
	vm14 =	vge.f32 v1, $4.096000000e+03  }
0x1f2: {  	[tilespmem:s22+$0x0] =	vst v2;
	v1 =	vsel vm14, v3, v1  }
0x1f3: {  	s23 =	rddreg [dreg:$0x10];
	s22 =	simm.s32 $0x0;
	[tilespmem:v4+s1+$0x0] =	vst.idx.msk $0xffff, v1  }
0x1f4: {  	v1 =	vor.u32 s22, v0;
	[hbm4b:s23+s22] =	stream.linear.scatter [tilespmem:s22], [sflag:$0x4], $0x8000, $0x38;
	[tilespmem:$0x1AD00] =	vst v63  }
0x1f5: {  	vm15 =	vlt.s32 v1, $0x28F;
	_ =	swait.ge [sflag:s18], $0x8000  }
0x1f6: {  	v1 =	vnsel vm15, $0x28F, v1;
	[sflag:s18] =	ssyncset.done $0x0  }
0x1f7: {  	s22 =	simm.s32 $0x1A4C0;
	v1 =	vmul.u32 $0x32, v1;
	[sflag:s18] =	ssyncadd.s32 $0xFFFF8000  }
0x1f8: {  	s23 =	simm.s32 $0x10;
	v2 =	vld [tilespmem:s22+$0x0]  }
.LBB2_34:
0x1f9: {  	p0 =	sne.s32 s23, $0x280  }
.Ltmp16:
0x1fa: {  	v3 =	vor.u32 s23, v0;
	s23 =	sadd.s32 $0x10, s23;
	(pc) =	sbr.rel @p0 .LBB2_34-.Ltmp16, $4  }
0x1fb: {  	vm0 =	vlt.s32 v3, $0x28F  }
0x1fc: {  	v3 =	vnsel vm0, $0x28F, v3  }
0x1fd: {  	s22 =	sadd.s32 $0x10, s22;
	[tilespmem:v1+s13+$0x0] =	vst.idx.msk $0xffff, v2;
	v1 =	vmul.u32 $0x32, v3  }
0x1fe: {  	v2 =	vld [tilespmem:s22+$0x0]  }
0x1ff: {  	s22 =	simm.s32 $0x0  }
0x200: {  	v3 =	vor.u32 s22, v0  }
0x201: {  	vm0 =	vlt.s32 v3, $0x222  }
0x202: {  	v3 =	vnsel vm0, $0x222, v3  }
0x203: {  	v3 =	vmul.u32 $0x3C, v3;
	_ =	sdelay $0x3  }
0x204: {  	[tilespmem:v1+s13+$0x0] =	vst.idx.msk $0xffff, v2  }
0x205: {  	v1 =	vld [tilespmem:$0x18050]  }
0x206: {  	v4 =	vld.idx.msk [tilespmem:v3+s13+$0x0], $0xffff  }
0x207: {  	s23 =	simm.s32 $0x10  }
0x208: {  	v2 =	vor.u32 s23, v0  }
0x209: {  	vm14 =	vlt.s32 v2, $0x222  }
0x20a: {  	v2 =	vnsel vm14, $0x222, v2  }
0x20b: {  	v2 =	vmul.u32 $0x3C, v2;
	v5 =	vadd.f32 v4, v1;
	_ =	sdelay $0x1  }
0x20c: {  	v6 =	vadd.f32 $-4.096000000e+03, v5  }
0x20d: {  	s22 =	simm.s32 $0x1A750;
	vm15 =	vge.f32 v5, $4.096000000e+03  }
0x20e: {  	[tilespmem:s22+$0x0] =	vst v4;
	v4 =	vsel vm15, v6, v5  }
0x20f: {  	[tilespmem:v3+s13+$0x0] =	vst.idx.msk $0xffff, v4  }
0x210: {  	v3 =	vld.idx.msk [tilespmem:v2+s13+$0x0], $0xffff  }
0x211: {  	s23 =	simm.s32 $0x20  }
0x212: {  	v4 =	vor.u32 s23, v0;
	s23 =	simm.s32 $0x30  }
.LBB2_36:
0x213: {  	p0 =	sne.s32 s23, $0x220;
	vm0 =	vlt.s32 v4, $0x222  }
0x214: {  	v4 =	vnsel vm0, $0x222, v4  }
0x215: {  	v5 =	vadd.f32 v3, v1;
	v4 =	vmul.u32 $0x3C, v4;
	_ =	sdelay $0x1  }
0x216: {  	v6 =	vadd.f32 $-4.096000000e+03, v5  }
0x217: {  	s22 =	sadd.s32 $0x10, s22;
	vm0 =	vge.f32 v5, $4.096000000e+03  }
0x218: {  	[tilespmem:s22+$0x0] =	vst v3;
	v3 =	vsel vm0, v6, v5  }
.Ltmp17:
0x219: {  	[tilespmem:v2+s13+$0x0] =	vst.idx.msk $0xffff, v3;
	v2 =	vmov v4;
	(pc) =	sbr.rel @p0 .LBB2_36-.Ltmp17, $2  }
0x21a: {  	v3 =	vld.idx.msk [tilespmem:v4+s13+$0x0], $0xffff;
	_ =	sdelay $0x2  }
0x21b: {  	v4 =	vor.u32 s23, v0;
	s23 =	sadd.s32 $0x10, s23  }
0x21c: {  	vm0 =	vlt.s32 v4, $0x222  }
0x21d: {  	v4 =	vnsel vm0, $0x222, v4  }
0x21e: {  	v5 =	vadd.f32 v3, v1;
	v4 =	vmul.u32 $0x3C, v4;
	_ =	sdelay $0x1  }
0x21f: {  	v6 =	vadd.f32 $-4.096000000e+03, v5  }
0x220: {  	s22 =	sadd.s32 $0x10, s22;
	vm13 =	vge.f32 v5, $4.096000000e+03  }
0x221: {  	[tilespmem:s22+$0x0] =	vst v3;
	v3 =	vsel vm13, v6, v5  }
0x222: {  	[tilespmem:v2+s13+$0x0] =	vst.idx.msk $0xffff, v3  }
0x223: {  	v2 =	vld.idx.msk [tilespmem:v4+s13+$0x0], $0xffff;
	_ =	sdelay $0x4  }
0x224: {  	v1 =	vadd.f32 v2, v1;
	_ =	sdelay $0x1  }
0x225: {  	v3 =	vadd.f32 $-4.096000000e+03, v1  }
0x226: {  	s22 =	sadd.s32 $0x10, s22;
	vm14 =	vge.f32 v1, $4.096000000e+03  }
0x227: {  	[tilespmem:s22+$0x0] =	vst v2;
	v1 =	vsel vm14, v3, v1  }
0x228: {  	s23 =	rddreg [dreg:$0x11];
	s22 =	simm.s32 $0x0;
	[tilespmem:v4+s13+$0x0] =	vst.idx.msk $0xffff, v1  }
0x229: {  	v1 =	vor.u32 s22, v0;
	[hbm4b:s23+s22] =	stream.linear.scatter [tilespmem:s13], [sflag:$0x5], $0x8000, $0x38;
	[tilespmem:$0x1AD00] =	vst v63  }
0x22a: {  	vm15 =	vlt.s32 v1, $0x222;
	_ =	swait.ge [sflag:s17], $0x8000  }
0x22b: {  	v1 =	vnsel vm15, $0x222, v1;
	[sflag:s17] =	ssyncset.done $0x0  }
0x22c: {  	s22 =	simm.s32 $0x19110;
	v1 =	vmul.u32 $0x3C, v1;
	[sflag:s17] =	ssyncadd.s32 $0xFFFF8000  }
0x22d: {  	s23 =	simm.s32 $0x10;
	v2 =	vld [tilespmem:s22+$0x0]  }
.LBB2_38:
0x22e: {  	p0 =	sne.s32 s23, $0x220  }
.Ltmp18:
0x22f: {  	v3 =	vor.u32 s23, v0;
	s23 =	sadd.s32 $0x10, s23;
	(pc) =	sbr.rel @p0 .LBB2_38-.Ltmp18, $4  }
0x230: {  	vm0 =	vlt.s32 v3, $0x222  }
0x231: {  	v3 =	vnsel vm0, $0x222, v3  }
0x232: {  	s22 =	sadd.s32 $0x10, s22;
	[tilespmem:v1+s1+$0x0] =	vst.idx.msk $0xffff, v2;
	v1 =	vmul.u32 $0x3C, v3  }
0x233: {  	v2 =	vld [tilespmem:s22+$0x0]  }
0x234: {  	s22 =	simm.s32 $0x0  }
0x235: {  	v3 =	vor.u32 s22, v0  }
0x236: {  	vm0 =	vlt.s32 v3, $0x1D4  }
0x237: {  	v3 =	vnsel vm0, $0x1D4, v3  }
0x238: {  	v3 =	vmul.u32 $0x46, v3;
	_ =	sdelay $0x3  }
0x239: {  	[tilespmem:v1+s1+$0x0] =	vst.idx.msk $0xffff, v2  }
0x23a: {  	v1 =	vld [tilespmem:$0x18060]  }
0x23b: {  	v4 =	vld.idx.msk [tilespmem:v3+s1+$0x0], $0xffff  }
0x23c: {  	s23 =	simm.s32 $0x10  }
0x23d: {  	v2 =	vor.u32 s23, v0  }
0x23e: {  	vm14 =	vlt.s32 v2, $0x1D4  }
0x23f: {  	v2 =	vnsel vm14, $0x1D4, v2  }
0x240: {  	v2 =	vmul.u32 $0x46, v2;
	v5 =	vadd.f32 v4, v1;
	_ =	sdelay $0x1  }
0x241: {  	v6 =	vadd.f32 $-4.096000000e+03, v5  }
0x242: {  	s22 =	simm.s32 $0x19340;
	vm15 =	vge.f32 v5, $4.096000000e+03  }
0x243: {  	[tilespmem:s22+$0x0] =	vst v4;
	v4 =	vsel vm15, v6, v5  }
0x244: {  	[tilespmem:v3+s1+$0x0] =	vst.idx.msk $0xffff, v4  }
0x245: {  	v3 =	vld.idx.msk [tilespmem:v2+s1+$0x0], $0xffff  }
0x246: {  	s23 =	simm.s32 $0x20  }
0x247: {  	v4 =	vor.u32 s23, v0;
	s23 =	simm.s32 $0x30  }
.LBB2_40:
0x248: {  	p0 =	sne.s32 s23, $0x1D0;
	vm0 =	vlt.s32 v4, $0x1D4  }
0x249: {  	v4 =	vnsel vm0, $0x1D4, v4  }
0x24a: {  	v5 =	vadd.f32 v3, v1;
	v4 =	vmul.u32 $0x46, v4;
	_ =	sdelay $0x1  }
0x24b: {  	v6 =	vadd.f32 $-4.096000000e+03, v5  }
0x24c: {  	s22 =	sadd.s32 $0x10, s22;
	vm0 =	vge.f32 v5, $4.096000000e+03  }
0x24d: {  	[tilespmem:s22+$0x0] =	vst v3;
	v3 =	vsel vm0, v6, v5  }
.Ltmp19:
0x24e: {  	[tilespmem:v2+s1+$0x0] =	vst.idx.msk $0xffff, v3;
	v2 =	vmov v4;
	(pc) =	sbr.rel @p0 .LBB2_40-.Ltmp19, $2  }
0x24f: {  	v3 =	vld.idx.msk [tilespmem:v4+s1+$0x0], $0xffff;
	_ =	sdelay $0x2  }
0x250: {  	v4 =	vor.u32 s23, v0;
	s23 =	sadd.s32 $0x10, s23  }
0x251: {  	vm0 =	vlt.s32 v4, $0x1D4  }
0x252: {  	v4 =	vnsel vm0, $0x1D4, v4  }
0x253: {  	v5 =	vadd.f32 v3, v1;
	v4 =	vmul.u32 $0x46, v4;
	_ =	sdelay $0x1  }
0x254: {  	v6 =	vadd.f32 $-4.096000000e+03, v5  }
0x255: {  	s22 =	sadd.s32 $0x10, s22;
	vm13 =	vge.f32 v5, $4.096000000e+03  }
0x256: {  	[tilespmem:s22+$0x0] =	vst v3;
	v3 =	vsel vm13, v6, v5  }
0x257: {  	[tilespmem:v2+s1+$0x0] =	vst.idx.msk $0xffff, v3  }
0x258: {  	v2 =	vld.idx.msk [tilespmem:v4+s1+$0x0], $0xffff;
	_ =	sdelay $0x4  }
0x259: {  	v1 =	vadd.f32 v2, v1;
	_ =	sdelay $0x1  }
0x25a: {  	v3 =	vadd.f32 $-4.096000000e+03, v1  }
0x25b: {  	s22 =	sadd.s32 $0x10, s22;
	vm14 =	vge.f32 v1, $4.096000000e+03  }
0x25c: {  	[tilespmem:s22+$0x0] =	vst v2;
	v1 =	vsel vm14, v3, v1  }
0x25d: {  	s23 =	rddreg [dreg:$0x12];
	s22 =	simm.s32 $0x0;
	[tilespmem:v4+s1+$0x0] =	vst.idx.msk $0xffff, v1  }
0x25e: {  	v1 =	vor.u32 s22, v0;
	[hbm4b:s23+s22] =	stream.linear.scatter [tilespmem:s22], [sflag:$0x4], $0x8000, $0x38;
	[tilespmem:$0x1AD00] =	vst v63  }
0x25f: {  	vm15 =	vlt.s32 v1, $0x222;
	_ =	swait.ge [sflag:s18], $0x8000  }
0x260: {  	v1 =	vnsel vm15, $0x222, v1;
	[sflag:s18] =	ssyncset.done $0x0  }
0x261: {  	s22 =	simm.s32 $0x1A750;
	v1 =	vmul.u32 $0x3C, v1;
	[sflag:s18] =	ssyncadd.s32 $0xFFFF8000  }
0x262: {  	s23 =	simm.s32 $0x10;
	v2 =	vld [tilespmem:s22+$0x0]  }
.LBB2_42:
0x263: {  	p0 =	sne.s32 s23, $0x220  }
.Ltmp20:
0x264: {  	v3 =	vor.u32 s23, v0;
	s23 =	sadd.s32 $0x10, s23;
	(pc) =	sbr.rel @p0 .LBB2_42-.Ltmp20, $4  }
0x265: {  	vm0 =	vlt.s32 v3, $0x222  }
0x266: {  	v3 =	vnsel vm0, $0x222, v3  }
0x267: {  	s22 =	sadd.s32 $0x10, s22;
	[tilespmem:v1+s13+$0x0] =	vst.idx.msk $0xffff, v2;
	v1 =	vmul.u32 $0x3C, v3  }
0x268: {  	v2 =	vld [tilespmem:s22+$0x0]  }
0x269: {  	s22 =	simm.s32 $0x0  }
0x26a: {  	v3 =	vor.u32 s22, v0  }
0x26b: {  	vm0 =	vlt.s32 v3, $0x1D4  }
0x26c: {  	v3 =	vnsel vm0, $0x1D4, v3  }
0x26d: {  	v3 =	vmul.u32 $0x46, v3;
	_ =	sdelay $0x3  }
0x26e: {  	[tilespmem:v1+s13+$0x0] =	vst.idx.msk $0xffff, v2  }
0x26f: {  	v1 =	vld [tilespmem:$0x18060]  }
0x270: {  	v4 =	vld.idx.msk [tilespmem:v3+s13+$0x0], $0xffff  }
0x271: {  	s23 =	simm.s32 $0x10  }
0x272: {  	v2 =	vor.u32 s23, v0  }
0x273: {  	vm14 =	vlt.s32 v2, $0x1D4  }
0x274: {  	v2 =	vnsel vm14, $0x1D4, v2  }
0x275: {  	v2 =	vmul.u32 $0x46, v2;
	v5 =	vadd.f32 v4, v1;
	_ =	sdelay $0x1  }
0x276: {  	v6 =	vadd.f32 $-4.096000000e+03, v5  }
0x277: {  	s22 =	simm.s32 $0x1A980;
	vm15 =	vge.f32 v5, $4.096000000e+03  }
0x278: {  	[tilespmem:s22+$0x0] =	vst v4;
	v4 =	vsel vm15, v6, v5  }
0x279: {  	[tilespmem:v3+s13+$0x0] =	vst.idx.msk $0xffff, v4  }
0x27a: {  	v3 =	vld.idx.msk [tilespmem:v2+s13+$0x0], $0xffff  }
0x27b: {  	s23 =	simm.s32 $0x20  }
0x27c: {  	v4 =	vor.u32 s23, v0;
	s23 =	simm.s32 $0x30  }
.LBB2_44:
0x27d: {  	p0 =	sne.s32 s23, $0x1D0;
	vm0 =	vlt.s32 v4, $0x1D4  }
0x27e: {  	v4 =	vnsel vm0, $0x1D4, v4  }
0x27f: {  	v5 =	vadd.f32 v3, v1;
	v4 =	vmul.u32 $0x46, v4;
	_ =	sdelay $0x1  }
0x280: {  	v6 =	vadd.f32 $-4.096000000e+03, v5  }
0x281: {  	s22 =	sadd.s32 $0x10, s22;
	vm0 =	vge.f32 v5, $4.096000000e+03  }
0x282: {  	[tilespmem:s22+$0x0] =	vst v3;
	v3 =	vsel vm0, v6, v5  }
.Ltmp21:
0x283: {  	[tilespmem:v2+s13+$0x0] =	vst.idx.msk $0xffff, v3;
	v2 =	vmov v4;
	(pc) =	sbr.rel @p0 .LBB2_44-.Ltmp21, $2  }
0x284: {  	v3 =	vld.idx.msk [tilespmem:v4+s13+$0x0], $0xffff;
	_ =	sdelay $0x2  }
0x285: {  	v4 =	vor.u32 s23, v0;
	s23 =	sadd.s32 $0x10, s23  }
0x286: {  	vm0 =	vlt.s32 v4, $0x1D4  }
0x287: {  	v4 =	vnsel vm0, $0x1D4, v4  }
0x288: {  	v5 =	vadd.f32 v3, v1;
	v4 =	vmul.u32 $0x46, v4;
	_ =	sdelay $0x1  }
0x289: {  	v6 =	vadd.f32 $-4.096000000e+03, v5  }
0x28a: {  	s22 =	sadd.s32 $0x10, s22;
	vm13 =	vge.f32 v5, $4.096000000e+03  }
0x28b: {  	[tilespmem:s22+$0x0] =	vst v3;
	v3 =	vsel vm13, v6, v5  }
0x28c: {  	[tilespmem:v2+s13+$0x0] =	vst.idx.msk $0xffff, v3  }
0x28d: {  	v2 =	vld.idx.msk [tilespmem:v4+s13+$0x0], $0xffff;
	_ =	sdelay $0x4  }
0x28e: {  	v1 =	vadd.f32 v2, v1;
	_ =	sdelay $0x1  }
0x28f: {  	v3 =	vadd.f32 $-4.096000000e+03, v1  }
0x290: {  	s22 =	sadd.s32 $0x10, s22;
	vm14 =	vge.f32 v1, $4.096000000e+03  }
0x291: {  	[tilespmem:s22+$0x0] =	vst v2;
	v1 =	vsel vm14, v3, v1  }
0x292: {  	s23 =	rddreg [dreg:$0x13];
	s22 =	simm.s32 $0x0;
	[tilespmem:v4+s13+$0x0] =	vst.idx.msk $0xffff, v1  }
0x293: {  	v1 =	vor.u32 s22, v0;
	[hbm4b:s23+s22] =	stream.linear.scatter [tilespmem:s13], [sflag:$0x5], $0x8000, $0x38;
	[tilespmem:$0x1AD00] =	vst v63  }
0x294: {  	vm15 =	vlt.s32 v1, $0x1D4;
	_ =	swait.ge [sflag:s17], $0x8000  }
0x295: {  	v1 =	vnsel vm15, $0x1D4, v1;
	[sflag:s17] =	ssyncset.done $0x0  }
0x296: {  	s22 =	simm.s32 $0x19340;
	v1 =	vmul.u32 $0x46, v1;
	[sflag:s17] =	ssyncadd.s32 $0xFFFF8000  }
0x297: {  	s23 =	simm.s32 $0x10;
	v2 =	vld [tilespmem:s22+$0x0]  }
.LBB2_46:
0x298: {  	p0 =	sne.s32 s23, $0x1D0  }
.Ltmp22:
0x299: {  	v3 =	vor.u32 s23, v0;
	s23 =	sadd.s32 $0x10, s23;
	(pc) =	sbr.rel @p0 .LBB2_46-.Ltmp22, $4  }
0x29a: {  	vm0 =	vlt.s32 v3, $0x1D4  }
0x29b: {  	v3 =	vnsel vm0, $0x1D4, v3  }
0x29c: {  	s22 =	sadd.s32 $0x10, s22;
	[tilespmem:v1+s1+$0x0] =	vst.idx.msk $0xffff, v2;
	v1 =	vmul.u32 $0x46, v3  }
0x29d: {  	v2 =	vld [tilespmem:s22+$0x0]  }
0x29e: {  	s22 =	simm.s32 $0x0  }
0x29f: {  	v3 =	vor.u32 s22, v0  }
0x2a0: {  	vm0 =	vlt.s32 v3, $0x199  }
0x2a1: {  	v3 =	vnsel vm0, $0x199, v3  }
0x2a2: {  	v3 =	vmul.u32 $0x50, v3;
	_ =	sdelay $0x3  }
0x2a3: {  	[tilespmem:v1+s1+$0x0] =	vst.idx.msk $0xffff, v2  }
0x2a4: {  	v1 =	vld [tilespmem:$0x18070]  }
0x2a5: {  	v4 =	vld.idx.msk [tilespmem:v3+s1+$0x0], $0xffff  }
0x2a6: {  	s23 =	simm.s32 $0x10  }
0x2a7: {  	v2 =	vor.u32 s23, v0  }
0x2a8: {  	vm14 =	vlt.s32 v2, $0x199  }
0x2a9: {  	v2 =	vnsel vm14, $0x199, v2  }
0x2aa: {  	v2 =	vmul.u32 $0x50, v2;
	v5 =	vadd.f32 v4, v1;
	_ =	sdelay $0x1  }
0x2ab: {  	v6 =	vadd.f32 $-4.096000000e+03, v5  }
0x2ac: {  	s22 =	simm.s32 $0x19520;
	vm15 =	vge.f32 v5, $4.096000000e+03  }
0x2ad: {  	[tilespmem:s22+$0x0] =	vst v4;
	v4 =	vsel vm15, v6, v5  }
0x2ae: {  	[tilespmem:v3+s1+$0x0] =	vst.idx.msk $0xffff, v4  }
0x2af: {  	v3 =	vld.idx.msk [tilespmem:v2+s1+$0x0], $0xffff  }
0x2b0: {  	s23 =	simm.s32 $0x20  }
0x2b1: {  	v4 =	vor.u32 s23, v0;
	s23 =	simm.s32 $0x30  }
.LBB2_48:
0x2b2: {  	p0 =	sne.s32 s23, $0x190;
	vm0 =	vlt.s32 v4, $0x199  }
0x2b3: {  	v4 =	vnsel vm0, $0x199, v4  }
0x2b4: {  	v5 =	vadd.f32 v3, v1;
	v4 =	vmul.u32 $0x50, v4;
	_ =	sdelay $0x1  }
0x2b5: {  	v6 =	vadd.f32 $-4.096000000e+03, v5  }
0x2b6: {  	s22 =	sadd.s32 $0x10, s22;
	vm0 =	vge.f32 v5, $4.096000000e+03  }
0x2b7: {  	[tilespmem:s22+$0x0] =	vst v3;
	v3 =	vsel vm0, v6, v5  }
.Ltmp23:
0x2b8: {  	[tilespmem:v2+s1+$0x0] =	vst.idx.msk $0xffff, v3;
	v2 =	vmov v4;
	(pc) =	sbr.rel @p0 .LBB2_48-.Ltmp23, $2  }
0x2b9: {  	v3 =	vld.idx.msk [tilespmem:v4+s1+$0x0], $0xffff;
	_ =	sdelay $0x2  }
0x2ba: {  	v4 =	vor.u32 s23, v0;
	s23 =	sadd.s32 $0x10, s23  }
0x2bb: {  	vm0 =	vlt.s32 v4, $0x199  }
0x2bc: {  	v4 =	vnsel vm0, $0x199, v4  }
0x2bd: {  	v5 =	vadd.f32 v3, v1;
	v4 =	vmul.u32 $0x50, v4;
	_ =	sdelay $0x1  }
0x2be: {  	v6 =	vadd.f32 $-4.096000000e+03, v5  }
0x2bf: {  	s22 =	sadd.s32 $0x10, s22;
	vm13 =	vge.f32 v5, $4.096000000e+03  }
0x2c0: {  	[tilespmem:s22+$0x0] =	vst v3;
	v3 =	vsel vm13, v6, v5  }
0x2c1: {  	[tilespmem:v2+s1+$0x0] =	vst.idx.msk $0xffff, v3  }
0x2c2: {  	v2 =	vld.idx.msk [tilespmem:v4+s1+$0x0], $0xffff;
	_ =	sdelay $0x4  }
0x2c3: {  	v1 =	vadd.f32 v2, v1;
	_ =	sdelay $0x1  }
0x2c4: {  	v3 =	vadd.f32 $-4.096000000e+03, v1  }
0x2c5: {  	s22 =	sadd.s32 $0x10, s22;
	vm14 =	vge.f32 v1, $4.096000000e+03  }
0x2c6: {  	[tilespmem:s22+$0x0] =	vst v2;
	v1 =	vsel vm14, v3, v1  }
0x2c7: {  	s23 =	simm.s32 $0x0;
	[tilespmem:v4+s1+$0x0] =	vst.idx.msk $0xffff, v1  }
0x2c8: {  	v1 =	vor.u32 s23, v0;
	[hbm4b:s24+s23] =	stream.linear.scatter [tilespmem:s23], [sflag:$0x4], $0x8000, $0x38;
	[tilespmem:$0x1AD00] =	vst v63  }
0x2c9: {  	vm15 =	vlt.s32 v1, $0x1D4;
	_ =	swait.ge [sflag:s18], $0x8000  }
0x2ca: {  	v1 =	vnsel vm15, $0x1D4, v1;
	[sflag:s18] =	ssyncset.done $0x0  }
0x2cb: {  	s22 =	simm.s32 $0x1A980;
	v1 =	vmul.u32 $0x46, v1;
	[sflag:s18] =	ssyncadd.s32 $0xFFFF8000  }
0x2cc: {  	s23 =	simm.s32 $0x10;
	v2 =	vld [tilespmem:s22+$0x0]  }
.LBB2_50:
0x2cd: {  	p0 =	sne.s32 s23, $0x1D0  }
.Ltmp24:
0x2ce: {  	v3 =	vor.u32 s23, v0;
	s23 =	sadd.s32 $0x10, s23;
	(pc) =	sbr.rel @p0 .LBB2_50-.Ltmp24, $4  }
0x2cf: {  	vm0 =	vlt.s32 v3, $0x1D4  }
0x2d0: {  	v3 =	vnsel vm0, $0x1D4, v3  }
0x2d1: {  	s22 =	sadd.s32 $0x10, s22;
	[tilespmem:v1+s13+$0x0] =	vst.idx.msk $0xffff, v2;
	v1 =	vmul.u32 $0x46, v3  }
0x2d2: {  	v2 =	vld [tilespmem:s22+$0x0]  }
0x2d3: {  	s22 =	simm.s32 $0x0  }
0x2d4: {  	v3 =	vor.u32 s22, v0  }
0x2d5: {  	vm0 =	vlt.s32 v3, $0x199  }
0x2d6: {  	v3 =	vnsel vm0, $0x199, v3  }
0x2d7: {  	v3 =	vmul.u32 $0x50, v3;
	_ =	sdelay $0x3  }
0x2d8: {  	[tilespmem:v1+s13+$0x0] =	vst.idx.msk $0xffff, v2  }
0x2d9: {  	v1 =	vld [tilespmem:$0x18070]  }
0x2da: {  	v4 =	vld.idx.msk [tilespmem:v3+s13+$0x0], $0xffff  }
0x2db: {  	s23 =	simm.s32 $0x10  }
0x2dc: {  	v2 =	vor.u32 s23, v0  }
0x2dd: {  	vm14 =	vlt.s32 v2, $0x199  }
0x2de: {  	v2 =	vnsel vm14, $0x199, v2  }
0x2df: {  	v2 =	vmul.u32 $0x50, v2;
	v5 =	vadd.f32 v4, v1;
	_ =	sdelay $0x1  }
0x2e0: {  	v6 =	vadd.f32 $-4.096000000e+03, v5  }
0x2e1: {  	s22 =	simm.s32 $0x1AB60;
	vm15 =	vge.f32 v5, $4.096000000e+03  }
0x2e2: {  	[tilespmem:s22+$0x0] =	vst v4;
	v4 =	vsel vm15, v6, v5  }
0x2e3: {  	[tilespmem:v3+s13+$0x0] =	vst.idx.msk $0xffff, v4  }
0x2e4: {  	v3 =	vld.idx.msk [tilespmem:v2+s13+$0x0], $0xffff  }
0x2e5: {  	s23 =	simm.s32 $0x20  }
0x2e6: {  	v4 =	vor.u32 s23, v0;
	s23 =	simm.s32 $0x30  }
.LBB2_52:
0x2e7: {  	p0 =	sne.s32 s23, $0x190;
	vm0 =	vlt.s32 v4, $0x199  }
0x2e8: {  	v4 =	vnsel vm0, $0x199, v4  }
0x2e9: {  	v5 =	vadd.f32 v3, v1;
	v4 =	vmul.u32 $0x50, v4;
	_ =	sdelay $0x1  }
0x2ea: {  	v6 =	vadd.f32 $-4.096000000e+03, v5  }
0x2eb: {  	s22 =	sadd.s32 $0x10, s22;
	vm0 =	vge.f32 v5, $4.096000000e+03  }
0x2ec: {  	[tilespmem:s22+$0x0] =	vst v3;
	v3 =	vsel vm0, v6, v5  }
.Ltmp25:
0x2ed: {  	[tilespmem:v2+s13+$0x0] =	vst.idx.msk $0xffff, v3;
	v2 =	vmov v4;
	(pc) =	sbr.rel @p0 .LBB2_52-.Ltmp25, $2  }
0x2ee: {  	v3 =	vld.idx.msk [tilespmem:v4+s13+$0x0], $0xffff;
	_ =	sdelay $0x2  }
0x2ef: {  	v4 =	vor.u32 s23, v0;
	s23 =	sadd.s32 $0x10, s23  }
0x2f0: {  	vm0 =	vlt.s32 v4, $0x199  }
0x2f1: {  	v4 =	vnsel vm0, $0x199, v4  }
0x2f2: {  	v5 =	vadd.f32 v3, v1;
	v4 =	vmul.u32 $0x50, v4;
	_ =	sdelay $0x1  }
0x2f3: {  	v6 =	vadd.f32 $-4.096000000e+03, v5  }
0x2f4: {  	s22 =	sadd.s32 $0x10, s22;
	vm11 =	vge.f32 v5, $4.096000000e+03  }
0x2f5: {  	[tilespmem:s22+$0x0] =	vst v3;
	v3 =	vsel vm11, v6, v5  }
0x2f6: {  	[tilespmem:v2+s13+$0x0] =	vst.idx.msk $0xffff, v3  }
0x2f7: {  	v2 =	vld.idx.msk [tilespmem:v4+s13+$0x0], $0xffff;
	_ =	sdelay $0x4  }
0x2f8: {  	v1 =	vadd.f32 v2, v1;
	_ =	sdelay $0x1  }
0x2f9: {  	v3 =	vadd.f32 $-4.096000000e+03, v1  }
0x2fa: {  	s22 =	sadd.s32 $0x10, s22;
	vm12 =	vge.f32 v1, $4.096000000e+03  }
0x2fb: {  	[tilespmem:s22+$0x0] =	vst v2;
	v1 =	vsel vm12, v3, v1  }
0x2fc: {  	s22 =	simm.s32 $0x0;
	[tilespmem:v4+s13+$0x0] =	vst.idx.msk $0xffff, v1  }
0x2fd: {  	[hbm4b:s26+s22] =	stream.linear.scatter [tilespmem:s13], [sflag:$0x5], $0x8000, $0x38;
	[tilespmem:$0x1AD00] =	vst v63  }
0x2fe: {  	_ =	swait.ge [sflag:s17], $0x8000  }
0x2ff: {  	[sflag:s17] =	ssyncset.done $0x0  }
0x300: {  	s23 =	rddreg [dreg:$0x14];
	[sflag:s17] =	ssyncadd.s32 $0xFFFF8000  }
0x301: {  	[tilespmem:s22], [sflag:$0x1] =	stream.linear.gather [hbm4b:s23+s22], $0x8000, $0x38;
	[tilespmem:$0x1AD00] =	vst v63  }
0x302: {  	_ =	swait.ge [sflag:s19], $0x8000  }
0x303: {  	[sflag:s19] =	ssyncset.done $0x0  }
0x304: {  	s23 =	rddreg [dreg:$0x15];
	[sflag:s19] =	ssyncadd.s32 $0xFFFF8000  }
0x305: {  	v1 =	vor.u32 s22, v0;
	[hbm4b:s23+s22] =	stream.linear.scatter [tilespmem:s14], [sflag:$0x6], $0x8000, $0x38;
	[tilespmem:$0x1AD00] =	vst v63  }
0x306: {  	vm13 =	vlt.s32 v1, $0x666;
	_ =	swait.ge [sflag:s15], $0x8000  }
0x307: {  	v1 =	vnsel vm13, $0x666, v1;
	[sflag:s15] =	ssyncset.done $0x0  }
0x308: {  	v3 =	vmul.u32 $0x14, v1;
	s23 =	rddreg [dreg:$0x16];
	[sflag:s15] =	ssyncadd.s32 $0xFFFF8000  }
0x309: {  	[hbm4b:s23+s22] =	stream.linear.scatter [tilespmem:s22], [sflag:$0x4], $0x8000, $0x38;
	[tilespmem:$0x1AD00] =	vst v63  }
0x30a: {  	_ =	swait.ge [sflag:s20], $0x8000  }
0x30b: {  	[sflag:s20] =	ssyncset.done $0x0  }
0x30c: {  	[sflag:s20] =	ssyncadd.s32 $0xFFFF8000  }
0x30d: {  	v1 =	vld [tilespmem:$0x18010]  }
0x30e: {  	v4 =	vld.idx.msk [tilespmem:v3+s14+$0x0], $0xffff  }
0x30f: {  	s23 =	simm.s32 $0x10  }
0x310: {  	v2 =	vor.u32 s23, v0  }
0x311: {  	vm14 =	vlt.s32 v2, $0x666  }
0x312: {  	v2 =	vnsel vm14, $0x666, v2  }
0x313: {  	v2 =	vmul.u32 $0x14, v2;
	v5 =	vadd.f32 v4, v1;
	_ =	sdelay $0x1  }
0x314: {  	v6 =	vadd.f32 $-4.096000000e+03, v5  }
0x315: {  	s22 =	simm.s32 $0x18080;
	vm15 =	vge.f32 v5, $4.096000000e+03  }
0x316: {  	[tilespmem:s22+$0x0] =	vst v4;
	v4 =	vsel vm15, v6, v5  }
0x317: {  	[tilespmem:v3+s14+$0x0] =	vst.idx.msk $0xffff, v4  }
0x318: {  	v3 =	vld.idx.msk [tilespmem:v2+s14+$0x0], $0xffff  }
0x319: {  	s23 =	simm.s32 $0x20  }
0x31a: {  	v4 =	vor.u32 s23, v0;
	s23 =	simm.s32 $0x30  }
.LBB2_54:
0x31b: {  	p0 =	sne.s32 s23, $0x660;
	vm0 =	vlt.s32 v4, $0x666  }
0x31c: {  	v4 =	vnsel vm0, $0x666, v4  }
0x31d: {  	v5 =	vadd.f32 v3, v1;
	v4 =	vmul.u32 $0x14, v4;
	_ =	sdelay $0x1  }
0x31e: {  	v6 =	vadd.f32 $-4.096000000e+03, v5  }
0x31f: {  	s22 =	sadd.s32 $0x10, s22;
	vm0 =	vge.f32 v5, $4.096000000e+03  }
0x320: {  	[tilespmem:s22+$0x0] =	vst v3;
	v3 =	vsel vm0, v6, v5  }
.Ltmp26:
0x321: {  	[tilespmem:v2+s14+$0x0] =	vst.idx.msk $0xffff, v3;
	v2 =	vmov v4;
	(pc) =	sbr.rel @p0 .LBB2_54-.Ltmp26, $2  }
0x322: {  	v3 =	vld.idx.msk [tilespmem:v4+s14+$0x0], $0xffff;
	_ =	sdelay $0x2  }
0x323: {  	v4 =	vor.u32 s23, v0;
	s23 =	sadd.s32 $0x10, s23  }
0x324: {  	vm0 =	vlt.s32 v4, $0x666  }
0x325: {  	v4 =	vnsel vm0, $0x666, v4  }
0x326: {  	v5 =	vadd.f32 v3, v1;
	v4 =	vmul.u32 $0x14, v4;
	_ =	sdelay $0x1  }
0x327: {  	v6 =	vadd.f32 $-4.096000000e+03, v5  }
0x328: {  	s22 =	sadd.s32 $0x10, s22;
	vm12 =	vge.f32 v5, $4.096000000e+03  }
0x329: {  	[tilespmem:s22+$0x0] =	vst v3;
	v3 =	vsel vm12, v6, v5  }
0x32a: {  	[tilespmem:v2+s14+$0x0] =	vst.idx.msk $0xffff, v3  }
0x32b: {  	v2 =	vld.idx.msk [tilespmem:v4+s14+$0x0], $0xffff;
	_ =	sdelay $0x4  }
0x32c: {  	v1 =	vadd.f32 v2, v1  }
0x32d: {  	s23 =	simm.s32 $0x0  }
0x32e: {  	v5 =	vor.u32 s23, v0;
	v3 =	vadd.f32 $-4.096000000e+03, v1  }
0x32f: {  	s22 =	sadd.s32 $0x10, s22;
	vm1 =	vlt.s32 v5, $0x666;
	vm13 =	vge.f32 v1, $4.096000000e+03  }
0x330: {  	[tilespmem:s22+$0x0] =	vst v2;
	v2 =	vnsel vm1, $0x666, v5;
	v1 =	vsel vm13, v3, v1  }
0x331: {  	v3 =	vmul.u32 $0x14, v2;
	[tilespmem:v4+s14+$0x0] =	vst.idx.msk $0xffff, v1  }
0x332: {  	[hbm4b:s28+s23] =	stream.linear.scatter [tilespmem:s14], [sflag:$0x6], $0x8000, $0x38;
	[tilespmem:$0x1AD00] =	vst v63  }
0x333: {  	_ =	swait.ge [sflag:s17], $0x8000  }
0x334: {  	[sflag:s17] =	ssyncset.done $0x0  }
0x335: {  	[sflag:s17] =	ssyncadd.s32 $0xFFFF8000  }
0x336: {  	v1 =	vld [tilespmem:$0x18010]  }
0x337: {  	v4 =	vld.idx.msk [tilespmem:v3+s1+$0x0], $0xffff  }
0x338: {  	s23 =	simm.s32 $0x10  }
0x339: {  	v2 =	vor.u32 s23, v0  }
0x33a: {  	vm14 =	vlt.s32 v2, $0x666  }
0x33b: {  	v2 =	vnsel vm14, $0x666, v2  }
0x33c: {  	v2 =	vmul.u32 $0x14, v2;
	v5 =	vadd.f32 v4, v1;
	_ =	sdelay $0x1  }
0x33d: {  	v6 =	vadd.f32 $-4.096000000e+03, v5  }
0x33e: {  	s22 =	simm.s32 $0x196C0;
	vm15 =	vge.f32 v5, $4.096000000e+03  }
0x33f: {  	[tilespmem:s22+$0x0] =	vst v4;
	v4 =	vsel vm15, v6, v5  }
0x340: {  	[tilespmem:v3+s1+$0x0] =	vst.idx.msk $0xffff, v4  }
0x341: {  	v3 =	vld.idx.msk [tilespmem:v2+s1+$0x0], $0xffff  }
0x342: {  	s23 =	simm.s32 $0x20  }
0x343: {  	v4 =	vor.u32 s23, v0;
	s23 =	simm.s32 $0x30  }
.LBB2_56:
0x344: {  	p0 =	sne.s32 s23, $0x660;
	vm0 =	vlt.s32 v4, $0x666  }
0x345: {  	v4 =	vnsel vm0, $0x666, v4  }
0x346: {  	v5 =	vadd.f32 v3, v1;
	v4 =	vmul.u32 $0x14, v4;
	_ =	sdelay $0x1  }
0x347: {  	v6 =	vadd.f32 $-4.096000000e+03, v5  }
0x348: {  	s22 =	sadd.s32 $0x10, s22;
	vm0 =	vge.f32 v5, $4.096000000e+03  }
0x349: {  	[tilespmem:s22+$0x0] =	vst v3;
	v3 =	vsel vm0, v6, v5  }
.Ltmp27:
0x34a: {  	[tilespmem:v2+s1+$0x0] =	vst.idx.msk $0xffff, v3;
	v2 =	vmov v4;
	(pc) =	sbr.rel @p0 .LBB2_56-.Ltmp27, $2  }
0x34b: {  	v3 =	vld.idx.msk [tilespmem:v4+s1+$0x0], $0xffff;
	_ =	sdelay $0x2  }
0x34c: {  	v4 =	vor.u32 s23, v0;
	s23 =	sadd.s32 $0x10, s23  }
0x34d: {  	vm0 =	vlt.s32 v4, $0x666  }
0x34e: {  	v4 =	vnsel vm0, $0x666, v4  }
0x34f: {  	v5 =	vadd.f32 v3, v1;
	v4 =	vmul.u32 $0x14, v4;
	_ =	sdelay $0x1  }
0x350: {  	v6 =	vadd.f32 $-4.096000000e+03, v5  }
0x351: {  	s22 =	sadd.s32 $0x10, s22;
	vm13 =	vge.f32 v5, $4.096000000e+03  }
0x352: {  	[tilespmem:s22+$0x0] =	vst v3;
	v3 =	vsel vm13, v6, v5  }
0x353: {  	[tilespmem:v2+s1+$0x0] =	vst.idx.msk $0xffff, v3  }
0x354: {  	v2 =	vld.idx.msk [tilespmem:v4+s1+$0x0], $0xffff;
	_ =	sdelay $0x4  }
0x355: {  	v1 =	vadd.f32 v2, v1;
	_ =	sdelay $0x1  }
0x356: {  	v3 =	vadd.f32 $-4.096000000e+03, v1  }
0x357: {  	s22 =	sadd.s32 $0x10, s22;
	vm14 =	vge.f32 v1, $4.096000000e+03  }
0x358: {  	[tilespmem:s22+$0x0] =	vst v2;
	v1 =	vsel vm14, v3, v1  }
0x359: {  	s23 =	simm.s32 $0x0;
	[tilespmem:v4+s1+$0x0] =	vst.idx.msk $0xffff, v1  }
0x35a: {  	v1 =	vor.u32 s23, v0;
	[hbm4b:s29+s23] =	stream.linear.scatter [tilespmem:s23], [sflag:$0x4], $0x8000, $0x38;
	[tilespmem:$0x1AD00] =	vst v63  }
0x35b: {  	vm15 =	vlt.s32 v1, $0x666;
	_ =	swait.ge [sflag:s20], $0x8000  }
0x35c: {  	v1 =	vnsel vm15, $0x666, v1;
	[sflag:s20] =	ssyncset.done $0x0  }
0x35d: {  	s22 =	simm.s32 $0x18080;
	v1 =	vmul.u32 $0x14, v1;
	[sflag:s20] =	ssyncadd.s32 $0xFFFF8000  }
0x35e: {  	s23 =	simm.s32 $0x10;
	v2 =	vld [tilespmem:s22+$0x0]  }
.LBB2_58:
0x35f: {  	p0 =	sne.s32 s23, $0x660  }
.Ltmp28:
0x360: {  	v3 =	vor.u32 s23, v0;
	s23 =	sadd.s32 $0x10, s23;
	(pc) =	sbr.rel @p0 .LBB2_58-.Ltmp28, $4  }
0x361: {  	vm0 =	vlt.s32 v3, $0x666  }
0x362: {  	v3 =	vnsel vm0, $0x666, v3  }
0x363: {  	s22 =	sadd.s32 $0x10, s22;
	[tilespmem:v1+s14+$0x0] =	vst.idx.msk $0xffff, v2;
	v1 =	vmul.u32 $0x14, v3  }
0x364: {  	v2 =	vld [tilespmem:s22+$0x0]  }
0x365: {  	s22 =	simm.s32 $0x0  }
0x366: {  	v3 =	vor.u32 s22, v0  }
0x367: {  	vm0 =	vlt.s32 v3, $0x444  }
0x368: {  	v3 =	vnsel vm0, $0x444, v3  }
0x369: {  	v3 =	vmul.u32 $0x1E, v3;
	_ =	sdelay $0x3  }
0x36a: {  	[tilespmem:v1+s14+$0x0] =	vst.idx.msk $0xffff, v2  }
0x36b: {  	v1 =	vld [tilespmem:$0x18020]  }
0x36c: {  	v4 =	vld.idx.msk [tilespmem:v3+s14+$0x0], $0xffff  }
0x36d: {  	s23 =	simm.s32 $0x10  }
0x36e: {  	v2 =	vor.u32 s23, v0  }
0x36f: {  	vm14 =	vlt.s32 v2, $0x444  }
0x370: {  	v2 =	vnsel vm14, $0x444, v2  }
0x371: {  	v2 =	vmul.u32 $0x1E, v2;
	v5 =	vadd.f32 v4, v1;
	_ =	sdelay $0x1  }
0x372: {  	v6 =	vadd.f32 $-4.096000000e+03, v5  }
0x373: {  	s22 =	simm.s32 $0x186F0;
	vm15 =	vge.f32 v5, $4.096000000e+03  }
0x374: {  	[tilespmem:s22+$0x0] =	vst v4;
	v4 =	vsel vm15, v6, v5  }
0x375: {  	[tilespmem:v3+s14+$0x0] =	vst.idx.msk $0xffff, v4  }
0x376: {  	v3 =	vld.idx.msk [tilespmem:v2+s14+$0x0], $0xffff  }
0x377: {  	s23 =	simm.s32 $0x20  }
0x378: {  	v4 =	vor.u32 s23, v0;
	s23 =	simm.s32 $0x30  }
.LBB2_60:
0x379: {  	p0 =	sne.s32 s23, $0x440;
	vm0 =	vlt.s32 v4, $0x444  }
0x37a: {  	v4 =	vnsel vm0, $0x444, v4  }
0x37b: {  	v5 =	vadd.f32 v3, v1;
	v4 =	vmul.u32 $0x1E, v4;
	_ =	sdelay $0x1  }
0x37c: {  	v6 =	vadd.f32 $-4.096000000e+03, v5  }
0x37d: {  	s22 =	sadd.s32 $0x10, s22;
	vm0 =	vge.f32 v5, $4.096000000e+03  }
0x37e: {  	[tilespmem:s22+$0x0] =	vst v3;
	v3 =	vsel vm0, v6, v5  }
.Ltmp29:
0x37f: {  	[tilespmem:v2+s14+$0x0] =	vst.idx.msk $0xffff, v3;
	v2 =	vmov v4;
	(pc) =	sbr.rel @p0 .LBB2_60-.Ltmp29, $2  }
0x380: {  	v3 =	vld.idx.msk [tilespmem:v4+s14+$0x0], $0xffff;
	_ =	sdelay $0x2  }
0x381: {  	v4 =	vor.u32 s23, v0;
	s23 =	sadd.s32 $0x10, s23  }
0x382: {  	vm0 =	vlt.s32 v4, $0x444  }
0x383: {  	v4 =	vnsel vm0, $0x444, v4  }
0x384: {  	v5 =	vadd.f32 v3, v1;
	v4 =	vmul.u32 $0x1E, v4;
	_ =	sdelay $0x1  }
0x385: {  	v6 =	vadd.f32 $-4.096000000e+03, v5  }
0x386: {  	s22 =	sadd.s32 $0x10, s22;
	vm13 =	vge.f32 v5, $4.096000000e+03  }
0x387: {  	[tilespmem:s22+$0x0] =	vst v3;
	v3 =	vsel vm13, v6, v5  }
0x388: {  	[tilespmem:v2+s14+$0x0] =	vst.idx.msk $0xffff, v3  }
0x389: {  	v2 =	vld.idx.msk [tilespmem:v4+s14+$0x0], $0xffff;
	_ =	sdelay $0x4  }
0x38a: {  	v1 =	vadd.f32 v2, v1;
	_ =	sdelay $0x1  }
0x38b: {  	v3 =	vadd.f32 $-4.096000000e+03, v1  }
0x38c: {  	s22 =	sadd.s32 $0x10, s22;
	vm14 =	vge.f32 v1, $4.096000000e+03  }
0x38d: {  	[tilespmem:s22+$0x0] =	vst v2;
	v1 =	vsel vm14, v3, v1  }
0x38e: {  	s23 =	simm.s32 $0x0;
	[tilespmem:v4+s14+$0x0] =	vst.idx.msk $0xffff, v1  }
0x38f: {  	v1 =	vor.u32 s23, v0;
	[hbm4b:s30+s23] =	stream.linear.scatter [tilespmem:s14], [sflag:$0x6], $0x8000, $0x38;
	[tilespmem:$0x1AD00] =	vst v63  }
0x390: {  	vm15 =	vlt.s32 v1, $0x666;
	_ =	swait.ge [sflag:s17], $0x8000  }
0x391: {  	v1 =	vnsel vm15, $0x666, v1;
	[sflag:s17] =	ssyncset.done $0x0  }
0x392: {  	s22 =	simm.s32 $0x196C0;
	v1 =	vmul.u32 $0x14, v1;
	[sflag:s17] =	ssyncadd.s32 $0xFFFF8000  }
0x393: {  	s23 =	simm.s32 $0x10;
	v2 =	vld [tilespmem:s22+$0x0]  }
.LBB2_62:
0x394: {  	p0 =	sne.s32 s23, $0x660  }
.Ltmp30:
0x395: {  	v3 =	vor.u32 s23, v0;
	s23 =	sadd.s32 $0x10, s23;
	(pc) =	sbr.rel @p0 .LBB2_62-.Ltmp30, $4  }
0x396: {  	vm0 =	vlt.s32 v3, $0x666  }
0x397: {  	v3 =	vnsel vm0, $0x666, v3  }
0x398: {  	s22 =	sadd.s32 $0x10, s22;
	[tilespmem:v1+s1+$0x0] =	vst.idx.msk $0xffff, v2;
	v1 =	vmul.u32 $0x14, v3  }
0x399: {  	v2 =	vld [tilespmem:s22+$0x0]  }
0x39a: {  	s22 =	simm.s32 $0x0  }
0x39b: {  	v3 =	vor.u32 s22, v0  }
0x39c: {  	vm0 =	vlt.s32 v3, $0x444  }
0x39d: {  	v3 =	vnsel vm0, $0x444, v3  }
0x39e: {  	v3 =	vmul.u32 $0x1E, v3;
	_ =	sdelay $0x3  }
0x39f: {  	[tilespmem:v1+s1+$0x0] =	vst.idx.msk $0xffff, v2  }
0x3a0: {  	v1 =	vld [tilespmem:$0x18020]  }
0x3a1: {  	v4 =	vld.idx.msk [tilespmem:v3+s1+$0x0], $0xffff  }
0x3a2: {  	s23 =	simm.s32 $0x10  }
0x3a3: {  	v2 =	vor.u32 s23, v0  }
0x3a4: {  	vm14 =	vlt.s32 v2, $0x444  }
0x3a5: {  	v2 =	vnsel vm14, $0x444, v2  }
0x3a6: {  	v2 =	vmul.u32 $0x1E, v2;
	v5 =	vadd.f32 v4, v1;
	_ =	sdelay $0x1  }
0x3a7: {  	v6 =	vadd.f32 $-4.096000000e+03, v5  }
0x3a8: {  	s22 =	simm.s32 $0x19D30;
	vm15 =	vge.f32 v5, $4.096000000e+03  }
0x3a9: {  	[tilespmem:s22+$0x0] =	vst v4;
	v4 =	vsel vm15, v6, v5  }
0x3aa: {  	[tilespmem:v3+s1+$0x0] =	vst.idx.msk $0xffff, v4  }
0x3ab: {  	v3 =	vld.idx.msk [tilespmem:v2+s1+$0x0], $0xffff  }
0x3ac: {  	s23 =	simm.s32 $0x20  }
0x3ad: {  	v4 =	vor.u32 s23, v0;
	s23 =	simm.s32 $0x30  }
.LBB2_64:
0x3ae: {  	p0 =	sne.s32 s23, $0x440;
	vm0 =	vlt.s32 v4, $0x444  }
0x3af: {  	v4 =	vnsel vm0, $0x444, v4  }
0x3b0: {  	v5 =	vadd.f32 v3, v1;
	v4 =	vmul.u32 $0x1E, v4;
	_ =	sdelay $0x1  }
0x3b1: {  	v6 =	vadd.f32 $-4.096000000e+03, v5  }
0x3b2: {  	s22 =	sadd.s32 $0x10, s22;
	vm0 =	vge.f32 v5, $4.096000000e+03  }
0x3b3: {  	[tilespmem:s22+$0x0] =	vst v3;
	v3 =	vsel vm0, v6, v5  }
.Ltmp31:
0x3b4: {  	[tilespmem:v2+s1+$0x0] =	vst.idx.msk $0xffff, v3;
	v2 =	vmov v4;
	(pc) =	sbr.rel @p0 .LBB2_64-.Ltmp31, $2  }
0x3b5: {  	v3 =	vld.idx.msk [tilespmem:v4+s1+$0x0], $0xffff;
	_ =	sdelay $0x2  }
0x3b6: {  	v4 =	vor.u32 s23, v0;
	s23 =	sadd.s32 $0x10, s23  }
0x3b7: {  	vm0 =	vlt.s32 v4, $0x444  }
0x3b8: {  	v4 =	vnsel vm0, $0x444, v4  }
0x3b9: {  	v5 =	vadd.f32 v3, v1;
	v4 =	vmul.u32 $0x1E, v4;
	_ =	sdelay $0x1  }
0x3ba: {  	v6 =	vadd.f32 $-4.096000000e+03, v5  }
0x3bb: {  	s22 =	sadd.s32 $0x10, s22;
	vm13 =	vge.f32 v5, $4.096000000e+03  }
0x3bc: {  	[tilespmem:s22+$0x0] =	vst v3;
	v3 =	vsel vm13, v6, v5  }
0x3bd: {  	[tilespmem:v2+s1+$0x0] =	vst.idx.msk $0xffff, v3  }
0x3be: {  	v2 =	vld.idx.msk [tilespmem:v4+s1+$0x0], $0xffff;
	_ =	sdelay $0x4  }
0x3bf: {  	v1 =	vadd.f32 v2, v1;
	_ =	sdelay $0x1  }
0x3c0: {  	v3 =	vadd.f32 $-4.096000000e+03, v1  }
0x3c1: {  	s22 =	sadd.s32 $0x10, s22;
	vm14 =	vge.f32 v1, $4.096000000e+03  }
0x3c2: {  	[tilespmem:s22+$0x0] =	vst v2;
	v1 =	vsel vm14, v3, v1  }
0x3c3: {  	s23 =	simm.s32 $0x0;
	[tilespmem:v4+s1+$0x0] =	vst.idx.msk $0xffff, v1  }
0x3c4: {  	v1 =	vor.u32 s23, v0;
	[hbm4b:s31+s23] =	stream.linear.scatter [tilespmem:s23], [sflag:$0x4], $0x8000, $0x38;
	[tilespmem:$0x1AD00] =	vst v63  }
0x3c5: {  	vm15 =	vlt.s32 v1, $0x444;
	_ =	swait.ge [sflag:s20], $0x8000  }
0x3c6: {  	v1 =	vnsel vm15, $0x444, v1;
	[sflag:s20] =	ssyncset.done $0x0  }
0x3c7: {  	s22 =	simm.s32 $0x186F0;
	v1 =	vmul.u32 $0x1E, v1;
	[sflag:s20] =	ssyncadd.s32 $0xFFFF8000  }
0x3c8: {  	s23 =	simm.s32 $0x10;
	v2 =	vld [tilespmem:s22+$0x0]  }
.LBB2_66:
0x3c9: {  	p0 =	sne.s32 s23, $0x440  }
.Ltmp32:
0x3ca: {  	v3 =	vor.u32 s23, v0;
	s23 =	sadd.s32 $0x10, s23;
	(pc) =	sbr.rel @p0 .LBB2_66-.Ltmp32, $4  }
0x3cb: {  	vm0 =	vlt.s32 v3, $0x444  }
0x3cc: {  	v3 =	vnsel vm0, $0x444, v3  }
0x3cd: {  	s22 =	sadd.s32 $0x10, s22;
	[tilespmem:v1+s14+$0x0] =	vst.idx.msk $0xffff, v2;
	v1 =	vmul.u32 $0x1E, v3  }
0x3ce: {  	v2 =	vld [tilespmem:s22+$0x0]  }
0x3cf: {  	s22 =	simm.s32 $0x0  }
0x3d0: {  	v3 =	vor.u32 s22, v0  }
0x3d1: {  	vm0 =	vlt.s32 v3, $0x333  }
0x3d2: {  	v3 =	vnsel vm0, $0x333, v3  }
0x3d3: {  	v3 =	vmul.u32 $0x28, v3;
	_ =	sdelay $0x3  }
0x3d4: {  	[tilespmem:v1+s14+$0x0] =	vst.idx.msk $0xffff, v2  }
0x3d5: {  	v1 =	vld [tilespmem:$0x18030]  }
0x3d6: {  	v4 =	vld.idx.msk [tilespmem:v3+s14+$0x0], $0xffff  }
0x3d7: {  	s23 =	simm.s32 $0x10  }
0x3d8: {  	v2 =	vor.u32 s23, v0  }
0x3d9: {  	vm14 =	vlt.s32 v2, $0x333  }
0x3da: {  	v2 =	vnsel vm14, $0x333, v2  }
0x3db: {  	v2 =	vmul.u32 $0x28, v2;
	v5 =	vadd.f32 v4, v1;
	_ =	sdelay $0x1  }
0x3dc: {  	v6 =	vadd.f32 $-4.096000000e+03, v5  }
0x3dd: {  	s22 =	simm.s32 $0x18B40;
	vm15 =	vge.f32 v5, $4.096000000e+03  }
0x3de: {  	[tilespmem:s22+$0x0] =	vst v4;
	v4 =	vsel vm15, v6, v5  }
0x3df: {  	[tilespmem:v3+s14+$0x0] =	vst.idx.msk $0xffff, v4  }
0x3e0: {  	v3 =	vld.idx.msk [tilespmem:v2+s14+$0x0], $0xffff  }
0x3e1: {  	s23 =	simm.s32 $0x20  }
0x3e2: {  	v4 =	vor.u32 s23, v0;
	s23 =	simm.s32 $0x30  }
.LBB2_68:
0x3e3: {  	p0 =	sne.s32 s23, $0x330;
	vm0 =	vlt.s32 v4, $0x333  }
0x3e4: {  	v4 =	vnsel vm0, $0x333, v4  }
0x3e5: {  	v5 =	vadd.f32 v3, v1;
	v4 =	vmul.u32 $0x28, v4;
	_ =	sdelay $0x1  }
0x3e6: {  	v6 =	vadd.f32 $-4.096000000e+03, v5  }
0x3e7: {  	s22 =	sadd.s32 $0x10, s22;
	vm0 =	vge.f32 v5, $4.096000000e+03  }
0x3e8: {  	[tilespmem:s22+$0x0] =	vst v3;
	v3 =	vsel vm0, v6, v5  }
.Ltmp33:
0x3e9: {  	[tilespmem:v2+s14+$0x0] =	vst.idx.msk $0xffff, v3;
	v2 =	vmov v4;
	(pc) =	sbr.rel @p0 .LBB2_68-.Ltmp33, $2  }
0x3ea: {  	v3 =	vld.idx.msk [tilespmem:v4+s14+$0x0], $0xffff;
	_ =	sdelay $0x2  }
0x3eb: {  	v4 =	vor.u32 s23, v0;
	s23 =	sadd.s32 $0x10, s23  }
0x3ec: {  	vm0 =	vlt.s32 v4, $0x333  }
0x3ed: {  	v4 =	vnsel vm0, $0x333, v4  }
0x3ee: {  	v5 =	vadd.f32 v3, v1;
	v4 =	vmul.u32 $0x28, v4;
	_ =	sdelay $0x1  }
0x3ef: {  	v6 =	vadd.f32 $-4.096000000e+03, v5  }
0x3f0: {  	s22 =	sadd.s32 $0x10, s22;
	vm13 =	vge.f32 v5, $4.096000000e+03  }
0x3f1: {  	[tilespmem:s22+$0x0] =	vst v3;
	v3 =	vsel vm13, v6, v5  }
0x3f2: {  	[tilespmem:v2+s14+$0x0] =	vst.idx.msk $0xffff, v3  }
0x3f3: {  	v2 =	vld.idx.msk [tilespmem:v4+s14+$0x0], $0xffff;
	_ =	sdelay $0x4  }
0x3f4: {  	v1 =	vadd.f32 v2, v1;
	_ =	sdelay $0x1  }
0x3f5: {  	v3 =	vadd.f32 $-4.096000000e+03, v1  }
0x3f6: {  	s22 =	sadd.s32 $0x10, s22;
	vm14 =	vge.f32 v1, $4.096000000e+03  }
0x3f7: {  	[tilespmem:s22+$0x0] =	vst v2;
	v1 =	vsel vm14, v3, v1  }
0x3f8: {  	s23 =	simm.s32 $0x0;
	[tilespmem:v4+s14+$0x0] =	vst.idx.msk $0xffff, v1  }
0x3f9: {  	v1 =	vor.u32 s23, v0;
	[hbm4b:s0+s23] =	stream.linear.scatter [tilespmem:s14], [sflag:$0x6], $0x8000, $0x38;
	[tilespmem:$0x1AD00] =	vst v63  }
0x3fa: {  	vm15 =	vlt.s32 v1, $0x444;
	_ =	swait.ge [sflag:s17], $0x8000  }
0x3fb: {  	v1 =	vnsel vm15, $0x444, v1;
	[sflag:s17] =	ssyncset.done $0x0  }
0x3fc: {  	s22 =	simm.s32 $0x19D30;
	v1 =	vmul.u32 $0x1E, v1;
	[sflag:s17] =	ssyncadd.s32 $0xFFFF8000  }
0x3fd: {  	s23 =	simm.s32 $0x10;
	v2 =	vld [tilespmem:s22+$0x0]  }
.LBB2_70:
0x3fe: {  	p0 =	sne.s32 s23, $0x440  }
.Ltmp34:
0x3ff: {  	v3 =	vor.u32 s23, v0;
	s23 =	sadd.s32 $0x10, s23;
	(pc) =	sbr.rel @p0 .LBB2_70-.Ltmp34, $4  }
0x400: {  	vm0 =	vlt.s32 v3, $0x444  }
0x401: {  	v3 =	vnsel vm0, $0x444, v3  }
0x402: {  	s22 =	sadd.s32 $0x10, s22;
	[tilespmem:v1+s1+$0x0] =	vst.idx.msk $0xffff, v2;
	v1 =	vmul.u32 $0x1E, v3  }
0x403: {  	v2 =	vld [tilespmem:s22+$0x0]  }
0x404: {  	s22 =	simm.s32 $0x0  }
0x405: {  	v3 =	vor.u32 s22, v0  }
0x406: {  	vm0 =	vlt.s32 v3, $0x333  }
0x407: {  	v3 =	vnsel vm0, $0x333, v3  }
0x408: {  	v3 =	vmul.u32 $0x28, v3;
	_ =	sdelay $0x3  }
0x409: {  	[tilespmem:v1+s1+$0x0] =	vst.idx.msk $0xffff, v2  }
0x40a: {  	v1 =	vld [tilespmem:$0x18030]  }
0x40b: {  	v4 =	vld.idx.msk [tilespmem:v3+s1+$0x0], $0xffff  }
0x40c: {  	s23 =	simm.s32 $0x10  }
0x40d: {  	v2 =	vor.u32 s23, v0  }
0x40e: {  	vm14 =	vlt.s32 v2, $0x333  }
0x40f: {  	v2 =	vnsel vm14, $0x333, v2  }
0x410: {  	v2 =	vmul.u32 $0x28, v2;
	v5 =	vadd.f32 v4, v1;
	_ =	sdelay $0x1  }
0x411: {  	v6 =	vadd.f32 $-4.096000000e+03, v5  }
0x412: {  	s22 =	simm.s32 $0x1A180;
	vm15 =	vge.f32 v5, $4.096000000e+03  }
0x413: {  	[tilespmem:s22+$0x0] =	vst v4;
	v4 =	vsel vm15, v6, v5  }
0x414: {  	[tilespmem:v3+s1+$0x0] =	vst.idx.msk $0xffff, v4  }
0x415: {  	v3 =	vld.idx.msk [tilespmem:v2+s1+$0x0], $0xffff  }
0x416: {  	s23 =	simm.s32 $0x20  }
0x417: {  	v4 =	vor.u32 s23, v0;
	s23 =	simm.s32 $0x30  }
.LBB2_72:
0x418: {  	p0 =	sne.s32 s23, $0x330;
	vm0 =	vlt.s32 v4, $0x333  }
0x419: {  	v4 =	vnsel vm0, $0x333, v4  }
0x41a: {  	v5 =	vadd.f32 v3, v1;
	v4 =	vmul.u32 $0x28, v4;
	_ =	sdelay $0x1  }
0x41b: {  	v6 =	vadd.f32 $-4.096000000e+03, v5  }
0x41c: {  	s22 =	sadd.s32 $0x10, s22;
	vm0 =	vge.f32 v5, $4.096000000e+03  }
0x41d: {  	[tilespmem:s22+$0x0] =	vst v3;
	v3 =	vsel vm0, v6, v5  }
.Ltmp35:
0x41e: {  	[tilespmem:v2+s1+$0x0] =	vst.idx.msk $0xffff, v3;
	v2 =	vmov v4;
	(pc) =	sbr.rel @p0 .LBB2_72-.Ltmp35, $2  }
0x41f: {  	v3 =	vld.idx.msk [tilespmem:v4+s1+$0x0], $0xffff;
	_ =	sdelay $0x2  }
0x420: {  	v4 =	vor.u32 s23, v0;
	s23 =	sadd.s32 $0x10, s23  }
0x421: {  	vm0 =	vlt.s32 v4, $0x333  }
0x422: {  	v4 =	vnsel vm0, $0x333, v4  }
0x423: {  	v5 =	vadd.f32 v3, v1;
	v4 =	vmul.u32 $0x28, v4;
	_ =	sdelay $0x1  }
0x424: {  	v6 =	vadd.f32 $-4.096000000e+03, v5  }
0x425: {  	s22 =	sadd.s32 $0x10, s22;
	vm13 =	vge.f32 v5, $4.096000000e+03  }
0x426: {  	[tilespmem:s22+$0x0] =	vst v3;
	v3 =	vsel vm13, v6, v5  }
0x427: {  	[tilespmem:v2+s1+$0x0] =	vst.idx.msk $0xffff, v3  }
0x428: {  	v2 =	vld.idx.msk [tilespmem:v4+s1+$0x0], $0xffff;
	_ =	sdelay $0x4  }
0x429: {  	v1 =	vadd.f32 v2, v1;
	_ =	sdelay $0x1  }
0x42a: {  	v3 =	vadd.f32 $-4.096000000e+03, v1  }
0x42b: {  	s22 =	sadd.s32 $0x10, s22;
	vm14 =	vge.f32 v1, $4.096000000e+03  }
0x42c: {  	[tilespmem:s22+$0x0] =	vst v2;
	v1 =	vsel vm14, v3, v1  }
0x42d: {  	s23 =	simm.s32 $0x0;
	[tilespmem:v4+s1+$0x0] =	vst.idx.msk $0xffff, v1  }
0x42e: {  	v1 =	vor.u32 s23, v0;
	[hbm4b:s2+s23] =	stream.linear.scatter [tilespmem:s23], [sflag:$0x4], $0x8000, $0x38;
	[tilespmem:$0x1AD00] =	vst v63  }
0x42f: {  	vm15 =	vlt.s32 v1, $0x333;
	_ =	swait.ge [sflag:s20], $0x8000  }
0x430: {  	v1 =	vnsel vm15, $0x333, v1;
	[sflag:s20] =	ssyncset.done $0x0  }
0x431: {  	s22 =	simm.s32 $0x18B40;
	v1 =	vmul.u32 $0x28, v1;
	[sflag:s20] =	ssyncadd.s32 $0xFFFF8000  }
0x432: {  	s23 =	simm.s32 $0x10;
	v2 =	vld [tilespmem:s22+$0x0]  }
.LBB2_74:
0x433: {  	p0 =	sne.s32 s23, $0x330  }
.Ltmp36:
0x434: {  	v3 =	vor.u32 s23, v0;
	s23 =	sadd.s32 $0x10, s23;
	(pc) =	sbr.rel @p0 .LBB2_74-.Ltmp36, $4  }
0x435: {  	vm0 =	vlt.s32 v3, $0x333  }
0x436: {  	v3 =	vnsel vm0, $0x333, v3  }
0x437: {  	s22 =	sadd.s32 $0x10, s22;
	[tilespmem:v1+s14+$0x0] =	vst.idx.msk $0xffff, v2;
	v1 =	vmul.u32 $0x28, v3  }
0x438: {  	v2 =	vld [tilespmem:s22+$0x0]  }
0x439: {  	s22 =	simm.s32 $0x0  }
0x43a: {  	v3 =	vor.u32 s22, v0  }
0x43b: {  	vm0 =	vlt.s32 v3, $0x28F  }
0x43c: {  	v3 =	vnsel vm0, $0x28F, v3  }
0x43d: {  	v3 =	vmul.u32 $0x32, v3;
	_ =	sdelay $0x3  }
0x43e: {  	[tilespmem:v1+s14+$0x0] =	vst.idx.msk $0xffff, v2  }
0x43f: {  	v1 =	vld [tilespmem:$0x18040]  }
0x440: {  	v4 =	vld.idx.msk [tilespmem:v3+s14+$0x0], $0xffff  }
0x441: {  	s23 =	simm.s32 $0x10  }
0x442: {  	v2 =	vor.u32 s23, v0  }
0x443: {  	vm14 =	vlt.s32 v2, $0x28F  }
0x444: {  	v2 =	vnsel vm14, $0x28F, v2  }
0x445: {  	v2 =	vmul.u32 $0x32, v2;
	v5 =	vadd.f32 v4, v1;
	_ =	sdelay $0x1  }
0x446: {  	v6 =	vadd.f32 $-4.096000000e+03, v5  }
0x447: {  	s22 =	simm.s32 $0x18E80;
	vm15 =	vge.f32 v5, $4.096000000e+03  }
0x448: {  	[tilespmem:s22+$0x0] =	vst v4;
	v4 =	vsel vm15, v6, v5  }
0x449: {  	[tilespmem:v3+s14+$0x0] =	vst.idx.msk $0xffff, v4  }
0x44a: {  	v3 =	vld.idx.msk [tilespmem:v2+s14+$0x0], $0xffff  }
0x44b: {  	s23 =	simm.s32 $0x20  }
0x44c: {  	v4 =	vor.u32 s23, v0;
	s23 =	simm.s32 $0x30  }
.LBB2_76:
0x44d: {  	p0 =	sne.s32 s23, $0x280;
	vm0 =	vlt.s32 v4, $0x28F  }
0x44e: {  	v4 =	vnsel vm0, $0x28F, v4  }
0x44f: {  	v5 =	vadd.f32 v3, v1;
	v4 =	vmul.u32 $0x32, v4;
	_ =	sdelay $0x1  }
0x450: {  	v6 =	vadd.f32 $-4.096000000e+03, v5  }
0x451: {  	s22 =	sadd.s32 $0x10, s22;
	vm0 =	vge.f32 v5, $4.096000000e+03  }
0x452: {  	[tilespmem:s22+$0x0] =	vst v3;
	v3 =	vsel vm0, v6, v5  }
.Ltmp37:
0x453: {  	[tilespmem:v2+s14+$0x0] =	vst.idx.msk $0xffff, v3;
	v2 =	vmov v4;
	(pc) =	sbr.rel @p0 .LBB2_76-.Ltmp37, $2  }
0x454: {  	v3 =	vld.idx.msk [tilespmem:v4+s14+$0x0], $0xffff;
	_ =	sdelay $0x2  }
0x455: {  	v4 =	vor.u32 s23, v0;
	s23 =	sadd.s32 $0x10, s23  }
0x456: {  	vm0 =	vlt.s32 v4, $0x28F  }
0x457: {  	v4 =	vnsel vm0, $0x28F, v4  }
0x458: {  	v5 =	vadd.f32 v3, v1;
	v4 =	vmul.u32 $0x32, v4;
	_ =	sdelay $0x1  }
0x459: {  	v6 =	vadd.f32 $-4.096000000e+03, v5  }
0x45a: {  	s22 =	sadd.s32 $0x10, s22;
	vm13 =	vge.f32 v5, $4.096000000e+03  }
0x45b: {  	[tilespmem:s22+$0x0] =	vst v3;
	v3 =	vsel vm13, v6, v5  }
0x45c: {  	[tilespmem:v2+s14+$0x0] =	vst.idx.msk $0xffff, v3  }
0x45d: {  	v2 =	vld.idx.msk [tilespmem:v4+s14+$0x0], $0xffff;
	_ =	sdelay $0x4  }
0x45e: {  	v1 =	vadd.f32 v2, v1;
	_ =	sdelay $0x1  }
0x45f: {  	v3 =	vadd.f32 $-4.096000000e+03, v1  }
0x460: {  	s22 =	sadd.s32 $0x10, s22;
	vm14 =	vge.f32 v1, $4.096000000e+03  }
0x461: {  	[tilespmem:s22+$0x0] =	vst v2;
	v1 =	vsel vm14, v3, v1  }
0x462: {  	s23 =	simm.s32 $0x0;
	[tilespmem:v4+s14+$0x0] =	vst.idx.msk $0xffff, v1  }
0x463: {  	v1 =	vor.u32 s23, v0;
	[hbm4b:s3+s23] =	stream.linear.scatter [tilespmem:s14], [sflag:$0x6], $0x8000, $0x38;
	[tilespmem:$0x1AD00] =	vst v63  }
0x464: {  	vm15 =	vlt.s32 v1, $0x333;
	_ =	swait.ge [sflag:s17], $0x8000  }
0x465: {  	v1 =	vnsel vm15, $0x333, v1;
	[sflag:s17] =	ssyncset.done $0x0  }
0x466: {  	s22 =	simm.s32 $0x1A180;
	v1 =	vmul.u32 $0x28, v1;
	[sflag:s17] =	ssyncadd.s32 $0xFFFF8000  }
0x467: {  	s23 =	simm.s32 $0x10;
	v2 =	vld [tilespmem:s22+$0x0]  }
.LBB2_78:
0x468: {  	p0 =	sne.s32 s23, $0x330  }
.Ltmp38:
0x469: {  	v3 =	vor.u32 s23, v0;
	s23 =	sadd.s32 $0x10, s23;
	(pc) =	sbr.rel @p0 .LBB2_78-.Ltmp38, $4  }
0x46a: {  	vm0 =	vlt.s32 v3, $0x333  }
0x46b: {  	v3 =	vnsel vm0, $0x333, v3  }
0x46c: {  	s22 =	sadd.s32 $0x10, s22;
	[tilespmem:v1+s1+$0x0] =	vst.idx.msk $0xffff, v2;
	v1 =	vmul.u32 $0x28, v3  }
0x46d: {  	v2 =	vld [tilespmem:s22+$0x0]  }
0x46e: {  	s22 =	simm.s32 $0x0  }
0x46f: {  	v3 =	vor.u32 s22, v0  }
0x470: {  	vm0 =	vlt.s32 v3, $0x28F  }
0x471: {  	v3 =	vnsel vm0, $0x28F, v3  }
0x472: {  	v3 =	vmul.u32 $0x32, v3;
	_ =	sdelay $0x3  }
0x473: {  	[tilespmem:v1+s1+$0x0] =	vst.idx.msk $0xffff, v2  }
0x474: {  	v1 =	vld [tilespmem:$0x18040]  }
0x475: {  	v4 =	vld.idx.msk [tilespmem:v3+s1+$0x0], $0xffff  }
0x476: {  	s23 =	simm.s32 $0x10  }
0x477: {  	v2 =	vor.u32 s23, v0  }
0x478: {  	vm14 =	vlt.s32 v2, $0x28F  }
0x479: {  	v2 =	vnsel vm14, $0x28F, v2  }
0x47a: {  	v2 =	vmul.u32 $0x32, v2;
	v5 =	vadd.f32 v4, v1;
	_ =	sdelay $0x1  }
0x47b: {  	v6 =	vadd.f32 $-4.096000000e+03, v5  }
0x47c: {  	s22 =	simm.s32 $0x1A4C0;
	vm15 =	vge.f32 v5, $4.096000000e+03  }
0x47d: {  	[tilespmem:s22+$0x0] =	vst v4;
	v4 =	vsel vm15, v6, v5  }
0x47e: {  	[tilespmem:v3+s1+$0x0] =	vst.idx.msk $0xffff, v4  }
0x47f: {  	v3 =	vld.idx.msk [tilespmem:v2+s1+$0x0], $0xffff  }
0x480: {  	s23 =	simm.s32 $0x20  }
0x481: {  	v4 =	vor.u32 s23, v0;
	s23 =	simm.s32 $0x30  }
.LBB2_80:
0x482: {  	p0 =	sne.s32 s23, $0x280;
	vm0 =	vlt.s32 v4, $0x28F  }
0x483: {  	v4 =	vnsel vm0, $0x28F, v4  }
0x484: {  	v5 =	vadd.f32 v3, v1;
	v4 =	vmul.u32 $0x32, v4;
	_ =	sdelay $0x1  }
0x485: {  	v6 =	vadd.f32 $-4.096000000e+03, v5  }
0x486: {  	s22 =	sadd.s32 $0x10, s22;
	vm0 =	vge.f32 v5, $4.096000000e+03  }
0x487: {  	[tilespmem:s22+$0x0] =	vst v3;
	v3 =	vsel vm0, v6, v5  }
.Ltmp39:
0x488: {  	[tilespmem:v2+s1+$0x0] =	vst.idx.msk $0xffff, v3;
	v2 =	vmov v4;
	(pc) =	sbr.rel @p0 .LBB2_80-.Ltmp39, $2  }
0x489: {  	v3 =	vld.idx.msk [tilespmem:v4+s1+$0x0], $0xffff;
	_ =	sdelay $0x2  }
0x48a: {  	v4 =	vor.u32 s23, v0;
	s23 =	sadd.s32 $0x10, s23  }
0x48b: {  	vm0 =	vlt.s32 v4, $0x28F  }
0x48c: {  	v4 =	vnsel vm0, $0x28F, v4  }
0x48d: {  	v5 =	vadd.f32 v3, v1;
	v4 =	vmul.u32 $0x32, v4;
	_ =	sdelay $0x1  }
0x48e: {  	v6 =	vadd.f32 $-4.096000000e+03, v5  }
0x48f: {  	s22 =	sadd.s32 $0x10, s22;
	vm13 =	vge.f32 v5, $4.096000000e+03  }
0x490: {  	[tilespmem:s22+$0x0] =	vst v3;
	v3 =	vsel vm13, v6, v5  }
0x491: {  	[tilespmem:v2+s1+$0x0] =	vst.idx.msk $0xffff, v3  }
0x492: {  	v2 =	vld.idx.msk [tilespmem:v4+s1+$0x0], $0xffff;
	_ =	sdelay $0x4  }
0x493: {  	v1 =	vadd.f32 v2, v1;
	_ =	sdelay $0x1  }
0x494: {  	v3 =	vadd.f32 $-4.096000000e+03, v1  }
0x495: {  	s22 =	sadd.s32 $0x10, s22;
	vm14 =	vge.f32 v1, $4.096000000e+03  }
0x496: {  	[tilespmem:s22+$0x0] =	vst v2;
	v1 =	vsel vm14, v3, v1  }
0x497: {  	s23 =	simm.s32 $0x0;
	[tilespmem:v4+s1+$0x0] =	vst.idx.msk $0xffff, v1  }
0x498: {  	v1 =	vor.u32 s23, v0;
	[hbm4b:s4+s23] =	stream.linear.scatter [tilespmem:s23], [sflag:$0x4], $0x8000, $0x38;
	[tilespmem:$0x1AD00] =	vst v63  }
0x499: {  	vm15 =	vlt.s32 v1, $0x28F;
	_ =	swait.ge [sflag:s20], $0x8000  }
0x49a: {  	v1 =	vnsel vm15, $0x28F, v1;
	[sflag:s20] =	ssyncset.done $0x0  }
0x49b: {  	s22 =	simm.s32 $0x18E80;
	v1 =	vmul.u32 $0x32, v1;
	[sflag:s20] =	ssyncadd.s32 $0xFFFF8000  }
0x49c: {  	s23 =	simm.s32 $0x10;
	v2 =	vld [tilespmem:s22+$0x0]  }
.LBB2_82:
0x49d: {  	p0 =	sne.s32 s23, $0x280  }
.Ltmp40:
0x49e: {  	v3 =	vor.u32 s23, v0;
	s23 =	sadd.s32 $0x10, s23;
	(pc) =	sbr.rel @p0 .LBB2_82-.Ltmp40, $4  }
0x49f: {  	vm0 =	vlt.s32 v3, $0x28F  }
0x4a0: {  	v3 =	vnsel vm0, $0x28F, v3  }
0x4a1: {  	s22 =	sadd.s32 $0x10, s22;
	[tilespmem:v1+s14+$0x0] =	vst.idx.msk $0xffff, v2;
	v1 =	vmul.u32 $0x32, v3  }
0x4a2: {  	v2 =	vld [tilespmem:s22+$0x0]  }
0x4a3: {  	s22 =	simm.s32 $0x0  }
0x4a4: {  	v3 =	vor.u32 s22, v0  }
0x4a5: {  	vm0 =	vlt.s32 v3, $0x222  }
0x4a6: {  	v3 =	vnsel vm0, $0x222, v3  }
0x4a7: {  	v3 =	vmul.u32 $0x3C, v3;
	_ =	sdelay $0x3  }
0x4a8: {  	[tilespmem:v1+s14+$0x0] =	vst.idx.msk $0xffff, v2  }
0x4a9: {  	v1 =	vld [tilespmem:$0x18050]  }
0x4aa: {  	v4 =	vld.idx.msk [tilespmem:v3+s14+$0x0], $0xffff  }
0x4ab: {  	s23 =	simm.s32 $0x10  }
0x4ac: {  	v2 =	vor.u32 s23, v0  }
0x4ad: {  	vm14 =	vlt.s32 v2, $0x222  }
0x4ae: {  	v2 =	vnsel vm14, $0x222, v2  }
0x4af: {  	v2 =	vmul.u32 $0x3C, v2;
	v5 =	vadd.f32 v4, v1;
	_ =	sdelay $0x1  }
0x4b0: {  	v6 =	vadd.f32 $-4.096000000e+03, v5  }
0x4b1: {  	s22 =	simm.s32 $0x19110;
	vm15 =	vge.f32 v5, $4.096000000e+03  }
0x4b2: {  	[tilespmem:s22+$0x0] =	vst v4;
	v4 =	vsel vm15, v6, v5  }
0x4b3: {  	[tilespmem:v3+s14+$0x0] =	vst.idx.msk $0xffff, v4  }
0x4b4: {  	v3 =	vld.idx.msk [tilespmem:v2+s14+$0x0], $0xffff  }
0x4b5: {  	s23 =	simm.s32 $0x20  }
0x4b6: {  	v4 =	vor.u32 s23, v0;
	s23 =	simm.s32 $0x30  }
.LBB2_84:
0x4b7: {  	p0 =	sne.s32 s23, $0x220;
	vm0 =	vlt.s32 v4, $0x222  }
0x4b8: {  	v4 =	vnsel vm0, $0x222, v4  }
0x4b9: {  	v5 =	vadd.f32 v3, v1;
	v4 =	vmul.u32 $0x3C, v4;
	_ =	sdelay $0x1  }
0x4ba: {  	v6 =	vadd.f32 $-4.096000000e+03, v5  }
0x4bb: {  	s22 =	sadd.s32 $0x10, s22;
	vm0 =	vge.f32 v5, $4.096000000e+03  }
0x4bc: {  	[tilespmem:s22+$0x0] =	vst v3;
	v3 =	vsel vm0, v6, v5  }
.Ltmp41:
0x4bd: {  	[tilespmem:v2+s14+$0x0] =	vst.idx.msk $0xffff, v3;
	v2 =	vmov v4;
	(pc) =	sbr.rel @p0 .LBB2_84-.Ltmp41, $2  }
0x4be: {  	v3 =	vld.idx.msk [tilespmem:v4+s14+$0x0], $0xffff;
	_ =	sdelay $0x2  }
0x4bf: {  	v4 =	vor.u32 s23, v0;
	s23 =	sadd.s32 $0x10, s23  }
0x4c0: {  	vm0 =	vlt.s32 v4, $0x222  }
0x4c1: {  	v4 =	vnsel vm0, $0x222, v4  }
0x4c2: {  	v5 =	vadd.f32 v3, v1;
	v4 =	vmul.u32 $0x3C, v4;
	_ =	sdelay $0x1  }
0x4c3: {  	v6 =	vadd.f32 $-4.096000000e+03, v5  }
0x4c4: {  	s22 =	sadd.s32 $0x10, s22;
	vm13 =	vge.f32 v5, $4.096000000e+03  }
0x4c5: {  	[tilespmem:s22+$0x0] =	vst v3;
	v3 =	vsel vm13, v6, v5  }
0x4c6: {  	[tilespmem:v2+s14+$0x0] =	vst.idx.msk $0xffff, v3  }
0x4c7: {  	v2 =	vld.idx.msk [tilespmem:v4+s14+$0x0], $0xffff;
	_ =	sdelay $0x4  }
0x4c8: {  	v1 =	vadd.f32 v2, v1;
	_ =	sdelay $0x1  }
0x4c9: {  	v3 =	vadd.f32 $-4.096000000e+03, v1  }
0x4ca: {  	s22 =	sadd.s32 $0x10, s22;
	vm14 =	vge.f32 v1, $4.096000000e+03  }
0x4cb: {  	[tilespmem:s22+$0x0] =	vst v2;
	v1 =	vsel vm14, v3, v1  }
0x4cc: {  	s23 =	simm.s32 $0x0;
	[tilespmem:v4+s14+$0x0] =	vst.idx.msk $0xffff, v1  }
0x4cd: {  	v1 =	vor.u32 s23, v0;
	[hbm4b:s5+s23] =	stream.linear.scatter [tilespmem:s14], [sflag:$0x6], $0x8000, $0x38;
	[tilespmem:$0x1AD00] =	vst v63  }
0x4ce: {  	vm15 =	vlt.s32 v1, $0x28F;
	_ =	swait.ge [sflag:s17], $0x8000  }
0x4cf: {  	v1 =	vnsel vm15, $0x28F, v1;
	[sflag:s17] =	ssyncset.done $0x0  }
0x4d0: {  	s22 =	simm.s32 $0x1A4C0;
	v1 =	vmul.u32 $0x32, v1;
	[sflag:s17] =	ssyncadd.s32 $0xFFFF8000  }
0x4d1: {  	s23 =	simm.s32 $0x10;
	v2 =	vld [tilespmem:s22+$0x0]  }
.LBB2_86:
0x4d2: {  	p0 =	sne.s32 s23, $0x280  }
.Ltmp42:
0x4d3: {  	v3 =	vor.u32 s23, v0;
	s23 =	sadd.s32 $0x10, s23;
	(pc) =	sbr.rel @p0 .LBB2_86-.Ltmp42, $4  }
0x4d4: {  	vm0 =	vlt.s32 v3, $0x28F  }
0x4d5: {  	v3 =	vnsel vm0, $0x28F, v3  }
0x4d6: {  	s22 =	sadd.s32 $0x10, s22;
	[tilespmem:v1+s1+$0x0] =	vst.idx.msk $0xffff, v2;
	v1 =	vmul.u32 $0x32, v3  }
0x4d7: {  	v2 =	vld [tilespmem:s22+$0x0]  }
0x4d8: {  	s22 =	simm.s32 $0x0  }
0x4d9: {  	v3 =	vor.u32 s22, v0  }
0x4da: {  	vm0 =	vlt.s32 v3, $0x222  }
0x4db: {  	v3 =	vnsel vm0, $0x222, v3  }
0x4dc: {  	v3 =	vmul.u32 $0x3C, v3;
	_ =	sdelay $0x3  }
0x4dd: {  	[tilespmem:v1+s1+$0x0] =	vst.idx.msk $0xffff, v2  }
0x4de: {  	v1 =	vld [tilespmem:$0x18050]  }
0x4df: {  	v4 =	vld.idx.msk [tilespmem:v3+s1+$0x0], $0xffff  }
0x4e0: {  	s23 =	simm.s32 $0x10  }
0x4e1: {  	v2 =	vor.u32 s23, v0  }
0x4e2: {  	vm14 =	vlt.s32 v2, $0x222  }
0x4e3: {  	v2 =	vnsel vm14, $0x222, v2  }
0x4e4: {  	v2 =	vmul.u32 $0x3C, v2;
	v5 =	vadd.f32 v4, v1;
	_ =	sdelay $0x1  }
0x4e5: {  	v6 =	vadd.f32 $-4.096000000e+03, v5  }
0x4e6: {  	s22 =	simm.s32 $0x1A750;
	vm15 =	vge.f32 v5, $4.096000000e+03  }
0x4e7: {  	[tilespmem:s22+$0x0] =	vst v4;
	v4 =	vsel vm15, v6, v5  }
0x4e8: {  	[tilespmem:v3+s1+$0x0] =	vst.idx.msk $0xffff, v4  }
0x4e9: {  	v3 =	vld.idx.msk [tilespmem:v2+s1+$0x0], $0xffff  }
0x4ea: {  	s23 =	simm.s32 $0x20  }
0x4eb: {  	v4 =	vor.u32 s23, v0;
	s23 =	simm.s32 $0x30  }
.LBB2_88:
0x4ec: {  	p0 =	sne.s32 s23, $0x220;
	vm0 =	vlt.s32 v4, $0x222  }
0x4ed: {  	v4 =	vnsel vm0, $0x222, v4  }
0x4ee: {  	v5 =	vadd.f32 v3, v1;
	v4 =	vmul.u32 $0x3C, v4;
	_ =	sdelay $0x1  }
0x4ef: {  	v6 =	vadd.f32 $-4.096000000e+03, v5  }
0x4f0: {  	s22 =	sadd.s32 $0x10, s22;
	vm0 =	vge.f32 v5, $4.096000000e+03  }
0x4f1: {  	[tilespmem:s22+$0x0] =	vst v3;
	v3 =	vsel vm0, v6, v5  }
.Ltmp43:
0x4f2: {  	[tilespmem:v2+s1+$0x0] =	vst.idx.msk $0xffff, v3;
	v2 =	vmov v4;
	(pc) =	sbr.rel @p0 .LBB2_88-.Ltmp43, $2  }
0x4f3: {  	v3 =	vld.idx.msk [tilespmem:v4+s1+$0x0], $0xffff;
	_ =	sdelay $0x2  }
0x4f4: {  	v4 =	vor.u32 s23, v0;
	s23 =	sadd.s32 $0x10, s23  }
0x4f5: {  	vm0 =	vlt.s32 v4, $0x222  }
0x4f6: {  	v4 =	vnsel vm0, $0x222, v4  }
0x4f7: {  	v5 =	vadd.f32 v3, v1;
	v4 =	vmul.u32 $0x3C, v4;
	_ =	sdelay $0x1  }
0x4f8: {  	v6 =	vadd.f32 $-4.096000000e+03, v5  }
0x4f9: {  	s22 =	sadd.s32 $0x10, s22;
	vm13 =	vge.f32 v5, $4.096000000e+03  }
0x4fa: {  	[tilespmem:s22+$0x0] =	vst v3;
	v3 =	vsel vm13, v6, v5  }
0x4fb: {  	[tilespmem:v2+s1+$0x0] =	vst.idx.msk $0xffff, v3  }
0x4fc: {  	v2 =	vld.idx.msk [tilespmem:v4+s1+$0x0], $0xffff;
	_ =	sdelay $0x4  }
0x4fd: {  	v1 =	vadd.f32 v2, v1;
	_ =	sdelay $0x1  }
0x4fe: {  	v3 =	vadd.f32 $-4.096000000e+03, v1  }
0x4ff: {  	s22 =	sadd.s32 $0x10, s22;
	vm14 =	vge.f32 v1, $4.096000000e+03  }
0x500: {  	[tilespmem:s22+$0x0] =	vst v2;
	v1 =	vsel vm14, v3, v1  }
0x501: {  	s23 =	simm.s32 $0x0;
	[tilespmem:v4+s1+$0x0] =	vst.idx.msk $0xffff, v1  }
0x502: {  	v1 =	vor.u32 s23, v0;
	[hbm4b:s6+s23] =	stream.linear.scatter [tilespmem:s23], [sflag:$0x4], $0x8000, $0x38;
	[tilespmem:$0x1AD00] =	vst v63  }
0x503: {  	vm15 =	vlt.s32 v1, $0x222;
	_ =	swait.ge [sflag:s20], $0x8000  }
0x504: {  	v1 =	vnsel vm15, $0x222, v1;
	[sflag:s20] =	ssyncset.done $0x0  }
0x505: {  	s22 =	simm.s32 $0x19110;
	v1 =	vmul.u32 $0x3C, v1;
	[sflag:s20] =	ssyncadd.s32 $0xFFFF8000  }
0x506: {  	s23 =	simm.s32 $0x10;
	v2 =	vld [tilespmem:s22+$0x0]  }
.LBB2_90:
0x507: {  	p0 =	sne.s32 s23, $0x220  }
.Ltmp44:
0x508: {  	v3 =	vor.u32 s23, v0;
	s23 =	sadd.s32 $0x10, s23;
	(pc) =	sbr.rel @p0 .LBB2_90-.Ltmp44, $4  }
0x509: {  	vm0 =	vlt.s32 v3, $0x222  }
0x50a: {  	v3 =	vnsel vm0, $0x222, v3  }
0x50b: {  	s22 =	sadd.s32 $0x10, s22;
	[tilespmem:v1+s14+$0x0] =	vst.idx.msk $0xffff, v2;
	v1 =	vmul.u32 $0x3C, v3  }
0x50c: {  	v2 =	vld [tilespmem:s22+$0x0]  }
0x50d: {  	s22 =	simm.s32 $0x0  }
0x50e: {  	v3 =	vor.u32 s22, v0  }
0x50f: {  	vm0 =	vlt.s32 v3, $0x1D4  }
0x510: {  	v3 =	vnsel vm0, $0x1D4, v3  }
0x511: {  	v3 =	vmul.u32 $0x46, v3;
	_ =	sdelay $0x3  }
0x512: {  	[tilespmem:v1+s14+$0x0] =	vst.idx.msk $0xffff, v2  }
0x513: {  	v1 =	vld [tilespmem:$0x18060]  }
0x514: {  	v4 =	vld.idx.msk [tilespmem:v3+s14+$0x0], $0xffff  }
0x515: {  	s23 =	simm.s32 $0x10  }
0x516: {  	v2 =	vor.u32 s23, v0  }
0x517: {  	vm14 =	vlt.s32 v2, $0x1D4  }
0x518: {  	v2 =	vnsel vm14, $0x1D4, v2  }
0x519: {  	v2 =	vmul.u32 $0x46, v2;
	v5 =	vadd.f32 v4, v1;
	_ =	sdelay $0x1  }
0x51a: {  	v6 =	vadd.f32 $-4.096000000e+03, v5  }
0x51b: {  	s22 =	simm.s32 $0x19340;
	vm15 =	vge.f32 v5, $4.096000000e+03  }
0x51c: {  	[tilespmem:s22+$0x0] =	vst v4;
	v4 =	vsel vm15, v6, v5  }
0x51d: {  	[tilespmem:v3+s14+$0x0] =	vst.idx.msk $0xffff, v4  }
0x51e: {  	v3 =	vld.idx.msk [tilespmem:v2+s14+$0x0], $0xffff  }
0x51f: {  	s23 =	simm.s32 $0x20  }
0x520: {  	v4 =	vor.u32 s23, v0;
	s23 =	simm.s32 $0x30  }
.LBB2_92:
0x521: {  	p0 =	sne.s32 s23, $0x1D0;
	vm0 =	vlt.s32 v4, $0x1D4  }
0x522: {  	v4 =	vnsel vm0, $0x1D4, v4  }
0x523: {  	v5 =	vadd.f32 v3, v1;
	v4 =	vmul.u32 $0x46, v4;
	_ =	sdelay $0x1  }
0x524: {  	v6 =	vadd.f32 $-4.096000000e+03, v5  }
0x525: {  	s22 =	sadd.s32 $0x10, s22;
	vm0 =	vge.f32 v5, $4.096000000e+03  }
0x526: {  	[tilespmem:s22+$0x0] =	vst v3;
	v3 =	vsel vm0, v6, v5  }
.Ltmp45:
0x527: {  	[tilespmem:v2+s14+$0x0] =	vst.idx.msk $0xffff, v3;
	v2 =	vmov v4;
	(pc) =	sbr.rel @p0 .LBB2_92-.Ltmp45, $2  }
0x528: {  	v3 =	vld.idx.msk [tilespmem:v4+s14+$0x0], $0xffff;
	_ =	sdelay $0x2  }
0x529: {  	v4 =	vor.u32 s23, v0;
	s23 =	sadd.s32 $0x10, s23  }
0x52a: {  	vm0 =	vlt.s32 v4, $0x1D4  }
0x52b: {  	v4 =	vnsel vm0, $0x1D4, v4  }
0x52c: {  	v5 =	vadd.f32 v3, v1;
	v4 =	vmul.u32 $0x46, v4;
	_ =	sdelay $0x1  }
0x52d: {  	v6 =	vadd.f32 $-4.096000000e+03, v5  }
0x52e: {  	s22 =	sadd.s32 $0x10, s22;
	vm13 =	vge.f32 v5, $4.096000000e+03  }
0x52f: {  	[tilespmem:s22+$0x0] =	vst v3;
	v3 =	vsel vm13, v6, v5  }
0x530: {  	[tilespmem:v2+s14+$0x0] =	vst.idx.msk $0xffff, v3  }
0x531: {  	v2 =	vld.idx.msk [tilespmem:v4+s14+$0x0], $0xffff;
	_ =	sdelay $0x4  }
0x532: {  	v1 =	vadd.f32 v2, v1;
	_ =	sdelay $0x1  }
0x533: {  	v3 =	vadd.f32 $-4.096000000e+03, v1  }
0x534: {  	s22 =	sadd.s32 $0x10, s22;
	vm14 =	vge.f32 v1, $4.096000000e+03  }
0x535: {  	[tilespmem:s22+$0x0] =	vst v2;
	v1 =	vsel vm14, v3, v1  }
0x536: {  	s23 =	simm.s32 $0x0;
	[tilespmem:v4+s14+$0x0] =	vst.idx.msk $0xffff, v1  }
0x537: {  	v1 =	vor.u32 s23, v0;
	[hbm4b:s8+s23] =	stream.linear.scatter [tilespmem:s14], [sflag:$0x6], $0x8000, $0x38;
	[tilespmem:$0x1AD00] =	vst v63  }
0x538: {  	vm15 =	vlt.s32 v1, $0x222;
	_ =	swait.ge [sflag:s17], $0x8000  }
0x539: {  	v1 =	vnsel vm15, $0x222, v1;
	[sflag:s17] =	ssyncset.done $0x0  }
0x53a: {  	s22 =	simm.s32 $0x1A750;
	v1 =	vmul.u32 $0x3C, v1;
	[sflag:s17] =	ssyncadd.s32 $0xFFFF8000  }
0x53b: {  	s23 =	simm.s32 $0x10;
	v2 =	vld [tilespmem:s22+$0x0]  }
.LBB2_94:
0x53c: {  	p0 =	sne.s32 s23, $0x220  }
.Ltmp46:
0x53d: {  	v3 =	vor.u32 s23, v0;
	s23 =	sadd.s32 $0x10, s23;
	(pc) =	sbr.rel @p0 .LBB2_94-.Ltmp46, $4  }
0x53e: {  	vm0 =	vlt.s32 v3, $0x222  }
0x53f: {  	v3 =	vnsel vm0, $0x222, v3  }
0x540: {  	s22 =	sadd.s32 $0x10, s22;
	[tilespmem:v1+s1+$0x0] =	vst.idx.msk $0xffff, v2;
	v1 =	vmul.u32 $0x3C, v3  }
0x541: {  	v2 =	vld [tilespmem:s22+$0x0]  }
0x542: {  	s22 =	simm.s32 $0x0  }
0x543: {  	v3 =	vor.u32 s22, v0  }
0x544: {  	vm0 =	vlt.s32 v3, $0x1D4  }
0x545: {  	v3 =	vnsel vm0, $0x1D4, v3  }
0x546: {  	v3 =	vmul.u32 $0x46, v3;
	_ =	sdelay $0x3  }
0x547: {  	[tilespmem:v1+s1+$0x0] =	vst.idx.msk $0xffff, v2  }
0x548: {  	v1 =	vld [tilespmem:$0x18060]  }
0x549: {  	v4 =	vld.idx.msk [tilespmem:v3+s1+$0x0], $0xffff  }
0x54a: {  	s23 =	simm.s32 $0x10  }
0x54b: {  	v2 =	vor.u32 s23, v0  }
0x54c: {  	vm14 =	vlt.s32 v2, $0x1D4  }
0x54d: {  	v2 =	vnsel vm14, $0x1D4, v2  }
0x54e: {  	v2 =	vmul.u32 $0x46, v2;
	v5 =	vadd.f32 v4, v1;
	_ =	sdelay $0x1  }
0x54f: {  	v6 =	vadd.f32 $-4.096000000e+03, v5  }
0x550: {  	s22 =	simm.s32 $0x1A980;
	vm15 =	vge.f32 v5, $4.096000000e+03  }
0x551: {  	[tilespmem:s22+$0x0] =	vst v4;
	v4 =	vsel vm15, v6, v5  }
0x552: {  	[tilespmem:v3+s1+$0x0] =	vst.idx.msk $0xffff, v4  }
0x553: {  	v3 =	vld.idx.msk [tilespmem:v2+s1+$0x0], $0xffff  }
0x554: {  	s23 =	simm.s32 $0x20  }
0x555: {  	v4 =	vor.u32 s23, v0;
	s23 =	simm.s32 $0x30  }
.LBB2_96:
0x556: {  	p0 =	sne.s32 s23, $0x1D0;
	vm0 =	vlt.s32 v4, $0x1D4  }
0x557: {  	v4 =	vnsel vm0, $0x1D4, v4  }
0x558: {  	v5 =	vadd.f32 v3, v1;
	v4 =	vmul.u32 $0x46, v4;
	_ =	sdelay $0x1  }
0x559: {  	v6 =	vadd.f32 $-4.096000000e+03, v5  }
0x55a: {  	s22 =	sadd.s32 $0x10, s22;
	vm0 =	vge.f32 v5, $4.096000000e+03  }
0x55b: {  	[tilespmem:s22+$0x0] =	vst v3;
	v3 =	vsel vm0, v6, v5  }
.Ltmp47:
0x55c: {  	[tilespmem:v2+s1+$0x0] =	vst.idx.msk $0xffff, v3;
	v2 =	vmov v4;
	(pc) =	sbr.rel @p0 .LBB2_96-.Ltmp47, $2  }
0x55d: {  	v3 =	vld.idx.msk [tilespmem:v4+s1+$0x0], $0xffff;
	_ =	sdelay $0x2  }
0x55e: {  	v4 =	vor.u32 s23, v0;
	s23 =	sadd.s32 $0x10, s23  }
0x55f: {  	vm0 =	vlt.s32 v4, $0x1D4  }
0x560: {  	v4 =	vnsel vm0, $0x1D4, v4  }
0x561: {  	v5 =	vadd.f32 v3, v1;
	v4 =	vmul.u32 $0x46, v4;
	_ =	sdelay $0x1  }
0x562: {  	v6 =	vadd.f32 $-4.096000000e+03, v5  }
0x563: {  	s22 =	sadd.s32 $0x10, s22;
	vm13 =	vge.f32 v5, $4.096000000e+03  }
0x564: {  	[tilespmem:s22+$0x0] =	vst v3;
	v3 =	vsel vm13, v6, v5  }
0x565: {  	[tilespmem:v2+s1+$0x0] =	vst.idx.msk $0xffff, v3  }
0x566: {  	v2 =	vld.idx.msk [tilespmem:v4+s1+$0x0], $0xffff;
	_ =	sdelay $0x4  }
0x567: {  	v1 =	vadd.f32 v2, v1;
	_ =	sdelay $0x1  }
0x568: {  	v3 =	vadd.f32 $-4.096000000e+03, v1  }
0x569: {  	s22 =	sadd.s32 $0x10, s22;
	vm14 =	vge.f32 v1, $4.096000000e+03  }
0x56a: {  	[tilespmem:s22+$0x0] =	vst v2;
	v1 =	vsel vm14, v3, v1  }
0x56b: {  	s23 =	simm.s32 $0x0;
	[tilespmem:v4+s1+$0x0] =	vst.idx.msk $0xffff, v1  }
0x56c: {  	v1 =	vor.u32 s23, v0;
	[hbm4b:s9+s23] =	stream.linear.scatter [tilespmem:s23], [sflag:$0x4], $0x8000, $0x38;
	[tilespmem:$0x1AD00] =	vst v63  }
0x56d: {  	vm15 =	vlt.s32 v1, $0x1D4;
	_ =	swait.ge [sflag:s20], $0x8000  }
0x56e: {  	v1 =	vnsel vm15, $0x1D4, v1;
	[sflag:s20] =	ssyncset.done $0x0  }
0x56f: {  	s22 =	simm.s32 $0x19340;
	v1 =	vmul.u32 $0x46, v1;
	[sflag:s20] =	ssyncadd.s32 $0xFFFF8000  }
0x570: {  	s23 =	simm.s32 $0x10;
	v2 =	vld [tilespmem:s22+$0x0]  }
.LBB2_98:
0x571: {  	p0 =	sne.s32 s23, $0x1D0  }
.Ltmp48:
0x572: {  	v3 =	vor.u32 s23, v0;
	s23 =	sadd.s32 $0x10, s23;
	(pc) =	sbr.rel @p0 .LBB2_98-.Ltmp48, $4  }
0x573: {  	vm0 =	vlt.s32 v3, $0x1D4  }
0x574: {  	v3 =	vnsel vm0, $0x1D4, v3  }
0x575: {  	s22 =	sadd.s32 $0x10, s22;
	[tilespmem:v1+s14+$0x0] =	vst.idx.msk $0xffff, v2;
	v1 =	vmul.u32 $0x46, v3  }
0x576: {  	v2 =	vld [tilespmem:s22+$0x0]  }
0x577: {  	s22 =	simm.s32 $0x0  }
0x578: {  	v3 =	vor.u32 s22, v0  }
0x579: {  	vm0 =	vlt.s32 v3, $0x199  }
0x57a: {  	v3 =	vnsel vm0, $0x199, v3  }
0x57b: {  	v3 =	vmul.u32 $0x50, v3;
	_ =	sdelay $0x3  }
0x57c: {  	[tilespmem:v1+s14+$0x0] =	vst.idx.msk $0xffff, v2  }
0x57d: {  	v1 =	vld [tilespmem:$0x18070]  }
0x57e: {  	v4 =	vld.idx.msk [tilespmem:v3+s14+$0x0], $0xffff  }
0x57f: {  	s23 =	simm.s32 $0x10  }
0x580: {  	v2 =	vor.u32 s23, v0  }
0x581: {  	vm14 =	vlt.s32 v2, $0x199  }
0x582: {  	v2 =	vnsel vm14, $0x199, v2  }
0x583: {  	v2 =	vmul.u32 $0x50, v2;
	v5 =	vadd.f32 v4, v1;
	_ =	sdelay $0x1  }
0x584: {  	v6 =	vadd.f32 $-4.096000000e+03, v5  }
0x585: {  	s22 =	simm.s32 $0x19520;
	vm15 =	vge.f32 v5, $4.096000000e+03  }
0x586: {  	[tilespmem:s22+$0x0] =	vst v4;
	v4 =	vsel vm15, v6, v5  }
0x587: {  	[tilespmem:v3+s14+$0x0] =	vst.idx.msk $0xffff, v4  }
0x588: {  	v3 =	vld.idx.msk [tilespmem:v2+s14+$0x0], $0xffff  }
0x589: {  	s23 =	simm.s32 $0x20  }
0x58a: {  	v4 =	vor.u32 s23, v0;
	s23 =	simm.s32 $0x30  }
.LBB2_100:
0x58b: {  	p0 =	sne.s32 s23, $0x190;
	vm0 =	vlt.s32 v4, $0x199  }
0x58c: {  	v4 =	vnsel vm0, $0x199, v4  }
0x58d: {  	v5 =	vadd.f32 v3, v1;
	v4 =	vmul.u32 $0x50, v4;
	_ =	sdelay $0x1  }
0x58e: {  	v6 =	vadd.f32 $-4.096000000e+03, v5  }
0x58f: {  	s22 =	sadd.s32 $0x10, s22;
	vm0 =	vge.f32 v5, $4.096000000e+03  }
0x590: {  	[tilespmem:s22+$0x0] =	vst v3;
	v3 =	vsel vm0, v6, v5  }
.Ltmp49:
0x591: {  	[tilespmem:v2+s14+$0x0] =	vst.idx.msk $0xffff, v3;
	v2 =	vmov v4;
	(pc) =	sbr.rel @p0 .LBB2_100-.Ltmp49, $2  }
0x592: {  	v3 =	vld.idx.msk [tilespmem:v4+s14+$0x0], $0xffff;
	_ =	sdelay $0x2  }
0x593: {  	v4 =	vor.u32 s23, v0;
	s23 =	sadd.s32 $0x10, s23  }
0x594: {  	vm0 =	vlt.s32 v4, $0x199  }
0x595: {  	v4 =	vnsel vm0, $0x199, v4  }
0x596: {  	v5 =	vadd.f32 v3, v1;
	v4 =	vmul.u32 $0x50, v4;
	_ =	sdelay $0x1  }
0x597: {  	v6 =	vadd.f32 $-4.096000000e+03, v5  }
0x598: {  	s22 =	sadd.s32 $0x10, s22;
	vm13 =	vge.f32 v5, $4.096000000e+03  }
0x599: {  	[tilespmem:s22+$0x0] =	vst v3;
	v3 =	vsel vm13, v6, v5  }
0x59a: {  	[tilespmem:v2+s14+$0x0] =	vst.idx.msk $0xffff, v3  }
0x59b: {  	v2 =	vld.idx.msk [tilespmem:v4+s14+$0x0], $0xffff;
	_ =	sdelay $0x4  }
0x59c: {  	v1 =	vadd.f32 v2, v1;
	_ =	sdelay $0x1  }
0x59d: {  	v3 =	vadd.f32 $-4.096000000e+03, v1  }
0x59e: {  	s22 =	sadd.s32 $0x10, s22;
	vm14 =	vge.f32 v1, $4.096000000e+03  }
0x59f: {  	[tilespmem:s22+$0x0] =	vst v2;
	v1 =	vsel vm14, v3, v1  }
0x5a0: {  	s23 =	simm.s32 $0x0;
	[tilespmem:v4+s14+$0x0] =	vst.idx.msk $0xffff, v1  }
0x5a1: {  	v1 =	vor.u32 s23, v0;
	[hbm4b:s10+s23] =	stream.linear.scatter [tilespmem:s14], [sflag:$0x6], $0x8000, $0x38;
	[tilespmem:$0x1AD00] =	vst v63  }
0x5a2: {  	vm15 =	vlt.s32 v1, $0x1D4;
	_ =	swait.ge [sflag:s17], $0x8000  }
0x5a3: {  	v1 =	vnsel vm15, $0x1D4, v1;
	[sflag:s17] =	ssyncset.done $0x0  }
0x5a4: {  	s22 =	simm.s32 $0x1A980;
	v1 =	vmul.u32 $0x46, v1;
	[sflag:s17] =	ssyncadd.s32 $0xFFFF8000  }
0x5a5: {  	s23 =	simm.s32 $0x10;
	v2 =	vld [tilespmem:s22+$0x0]  }
.LBB2_102:
0x5a6: {  	p0 =	sne.s32 s23, $0x1D0  }
.Ltmp50:
0x5a7: {  	v3 =	vor.u32 s23, v0;
	s23 =	sadd.s32 $0x10, s23;
	(pc) =	sbr.rel @p0 .LBB2_102-.Ltmp50, $4  }
0x5a8: {  	vm0 =	vlt.s32 v3, $0x1D4  }
0x5a9: {  	v3 =	vnsel vm0, $0x1D4, v3  }
0x5aa: {  	s22 =	sadd.s32 $0x10, s22;
	[tilespmem:v1+s1+$0x0] =	vst.idx.msk $0xffff, v2;
	v1 =	vmul.u32 $0x46, v3  }
0x5ab: {  	v2 =	vld [tilespmem:s22+$0x0]  }
0x5ac: {  	s22 =	simm.s32 $0x0  }
0x5ad: {  	v3 =	vor.u32 s22, v0  }
0x5ae: {  	vm0 =	vlt.s32 v3, $0x199  }
0x5af: {  	v3 =	vnsel vm0, $0x199, v3  }
0x5b0: {  	v3 =	vmul.u32 $0x50, v3;
	_ =	sdelay $0x3  }
0x5b1: {  	[tilespmem:v1+s1+$0x0] =	vst.idx.msk $0xffff, v2  }
0x5b2: {  	v1 =	vld [tilespmem:$0x18070]  }
0x5b3: {  	v4 =	vld.idx.msk [tilespmem:v3+s1+$0x0], $0xffff  }
0x5b4: {  	s23 =	simm.s32 $0x10  }
0x5b5: {  	v2 =	vor.u32 s23, v0  }
0x5b6: {  	vm14 =	vlt.s32 v2, $0x199  }
0x5b7: {  	v2 =	vnsel vm14, $0x199, v2  }
0x5b8: {  	v2 =	vmul.u32 $0x50, v2;
	v5 =	vadd.f32 v4, v1;
	_ =	sdelay $0x1  }
0x5b9: {  	v6 =	vadd.f32 $-4.096000000e+03, v5  }
0x5ba: {  	s22 =	simm.s32 $0x1AB60;
	vm15 =	vge.f32 v5, $4.096000000e+03  }
0x5bb: {  	[tilespmem:s22+$0x0] =	vst v4;
	v4 =	vsel vm15, v6, v5  }
0x5bc: {  	[tilespmem:v3+s1+$0x0] =	vst.idx.msk $0xffff, v4  }
0x5bd: {  	v3 =	vld.idx.msk [tilespmem:v2+s1+$0x0], $0xffff  }
0x5be: {  	s23 =	simm.s32 $0x20  }
0x5bf: {  	v4 =	vor.u32 s23, v0;
	s23 =	simm.s32 $0x30  }
.LBB2_104:
0x5c0: {  	p0 =	sne.s32 s23, $0x190;
	vm0 =	vlt.s32 v4, $0x199  }
0x5c1: {  	v4 =	vnsel vm0, $0x199, v4  }
0x5c2: {  	v5 =	vadd.f32 v3, v1;
	v4 =	vmul.u32 $0x50, v4;
	_ =	sdelay $0x1  }
0x5c3: {  	v6 =	vadd.f32 $-4.096000000e+03, v5  }
0x5c4: {  	s22 =	sadd.s32 $0x10, s22;
	vm0 =	vge.f32 v5, $4.096000000e+03  }
0x5c5: {  	[tilespmem:s22+$0x0] =	vst v3;
	v3 =	vsel vm0, v6, v5  }
.Ltmp51:
0x5c6: {  	[tilespmem:v2+s1+$0x0] =	vst.idx.msk $0xffff, v3;
	v2 =	vmov v4;
	(pc) =	sbr.rel @p0 .LBB2_104-.Ltmp51, $2  }
0x5c7: {  	v3 =	vld.idx.msk [tilespmem:v4+s1+$0x0], $0xffff;
	_ =	sdelay $0x2  }
0x5c8: {  	v4 =	vor.u32 s23, v0;
	s23 =	sadd.s32 $0x10, s23  }
0x5c9: {  	vm0 =	vlt.s32 v4, $0x199  }
0x5ca: {  	v4 =	vnsel vm0, $0x199, v4  }
0x5cb: {  	v5 =	vadd.f32 v3, v1;
	v4 =	vmul.u32 $0x50, v4;
	_ =	sdelay $0x1  }
0x5cc: {  	v6 =	vadd.f32 $-4.096000000e+03, v5  }
0x5cd: {  	s22 =	sadd.s32 $0x10, s22;
	vm14 =	vge.f32 v5, $4.096000000e+03  }
0x5ce: {  	[tilespmem:s22+$0x0] =	vst v3;
	v3 =	vsel vm14, v6, v5  }
0x5cf: {  	[tilespmem:v2+s1+$0x0] =	vst.idx.msk $0xffff, v3  }
0x5d0: {  	v2 =	vld.idx.msk [tilespmem:v4+s1+$0x0], $0xffff;
	_ =	sdelay $0x4  }
0x5d1: {  	v1 =	vadd.f32 v2, v1;
	_ =	sdelay $0x1  }
0x5d2: {  	v3 =	vadd.f32 $-4.096000000e+03, v1  }
0x5d3: {  	s22 =	sadd.s32 $0x10, s22;
	vm15 =	vge.f32 v1, $4.096000000e+03  }
0x5d4: {  	[tilespmem:s22+$0x0] =	vst v2;
	v1 =	vsel vm15, v3, v1  }
0x5d5: {  	[tilespmem:v4+s1+$0x0] =	vst.idx.msk $0xffff, v1  }
0x5d6: {  	[hbm4b:s11+s1] =	stream.linear.scatter [tilespmem:s1], [sflag:$0x4], $0x8000, $0x38;
	[tilespmem:$0x1AD00] =	vst v63  }
0x5d7: {  	_ =	swait.ge [sflag:s18], $0x8000  }
0x5d8: {  	[sflag:s18] =	ssyncset.done $0x0  }
0x5d9: {  	s21 =	sadd.s32 $0x1, s21;
	[sflag:s18] =	ssyncadd.s32 $0xFFFF8000  }
0x5da: {  	p0 =	sne.s32 s21, s25;
	_ =	swait.ge [sflag:s20], $0x8000  }
.Ltmp52:
0x5db: {  	[sflag:s20] =	ssyncset.done $0x0;
	(pc) =	sbr.rel @p0 .LBB2_1-.Ltmp52, $4  }
0x5dc: {  	[sflag:s20] =	ssyncadd.s32 $0xFFFF8000  }
0x5dd: {  	_ =	swait.ge [sflag:s17], $0x8000  }
0x5de: {  	[sflag:s17] =	ssyncset.done $0x0  }
0x5df: {  	[sflag:s17] =	ssyncadd.s32 $0xFFFF8000  }
0x5e0: {  	_ =	sfence.sel $0x180000  }
0x5e1: {  	[bflag:$0x0] =	sbarrier.arrive $0xFFFF  }
0x5e2: {  	_ =	strace $0x90000047  }
0x5e3: {  	s0 =	stileid.u32;
	[bflag:$0x2] =	sbarrier.arrive $0xFFFF  }
0x5e4: {  	p0 =	sne.s32 s0, $0x0;
	s0 =	rddreg [dreg:$0x2]  }
0x5e5: {  	s0 =	sadd.s32 @!p0 $0x100000, s0  }
0x5e6: {  	[sflag:s0] =	ssyncadd.tile.s32 @!p0 $0x1;
	_ =	shalt  }
.Lfunc_end2:
_tile_overlayer_lowered:
.L_overlay_start_2:
0x5e7: {  	(tag) =	ssettag $0x2  }
0x5e8: {  	s0 =	rddreg [dreg:$0x0];
	s2 =	stileid.u32  }
0x5e9: {  	s1 =	rddreg [dreg:$0x1];
	p0 =	sne.s32 s2, $0x0  }
0x5ea: {  	s3 =	rddreg [dreg:$0x2];
	[bflag:$0x3] =	sbarrier.arrive $0xFFFF;
	s2 =	simm.s32 @!p0 $0x1C07  }
0x5eb: {  	[timem:s3], [sflag:s2] =	dma.local @!p0 [hbm:s0], s1  }
0x5ec: {  	s0 =	simm.s32 @!p0 $0x7  }
0x5ed: {  	_ =	swait.ge @!p0 [sflag:s0], s1  }
0x5ee: {  	s1 =	ssub.s32 @!p0 $0x0, s1;
	[sflag:s0] =	ssyncset.done @!p0 $0x0  }
0x5ef: {  	[sflag:s0] =	ssyncadd.s32 @!p0 s1  }
0x5f0: {  	[bflag:$0x3] =	sbarrier.arrive $0xFFFF  }
0x5f1: {  	_ =	shalt  }

</sc_bundles>
